<compile_context>
chip_gen: v7x
topology: tpu7x:2x2x1
jax: 0.10.2.dev20260603
libtpu: 0.0.44.dev20260713+nightly
codegen_flags: <defaults>
</compile_context>

<pallas_src>
import functools

import jax
import jax.numpy as jnp
import numpy as np
from jax import lax
from jax.experimental import pallas as pl
from jax.experimental.pallas import tpu as pltpu
from jax.experimental.pallas import tpu_sc as plsc

VOCAB = 100000
EMBED_DIM = 128
BATCH = 1024
SEQ = 200

_info = plsc.get_sparse_core_info()
NC, NS, L = _info.num_cores, _info.num_subcores, _info.num_lanes
NW = NC * NS
ROWS = BATCH * SEQ
ROWS_PER_W = ROWS // NW
CHUNK = 160
NBUF = 4
NCH = ROWS_PER_W // CHUNK
NGRP = NCH // NBUF


def _positional_encoding_np(position, d_model):
    angle_rates = 1 / np.power(
        10000, 2 * (np.arange(d_model)[np.newaxis, :] // 2) / np.float32(d_model)
    )
    angle_rads = np.arange(position)[:, np.newaxis] * angle_rates
    angle_rads[:, 0::2] = np.sin(angle_rads[:, 0::2])
    angle_rads[:, 1::2] = np.cos(angle_rads[:, 1::2])
    return angle_rads.astype(np.float32)


_POS = _positional_encoding_np(SEQ, EMBED_DIM)


def _body(idx_hbm, table_hbm, pos_hbm, out_hbm, pos_v, idx_v, *bufs):
    rows = bufs[0:NBUF]
    gsem = bufs[NBUF : 2 * NBUF]
    wsem = bufs[2 * NBUF : 3 * NBUF]
    wid = lax.axis_index("s") * NC + lax.axis_index("c")
    wbase = wid * ROWS_PER_W
    pltpu.sync_copy(pos_hbm, pos_v)
    pltpu.sync_copy(idx_hbm.at[pl.ds(wbase, ROWS_PER_W)], idx_v)

    def g_desc(c, b):
        return pltpu.make_async_copy(
            table_hbm.at[idx_v.at[pl.ds(c * CHUNK, CHUNK)]], rows[b], gsem[b]
        )

    def w_desc(c, b):
        return pltpu.make_async_copy(
            rows[b], out_hbm.at[pl.ds(wbase + c * CHUNK, CHUNK)], wsem[b]
        )

    def add_chunk(c, b):
        buf = rows[b]
        off = lax.rem(c * CHUNK, SEQ)

        @plsc.parallel_loop(0, CHUNK, step=1, unroll=4)
        def _(r):
            pr = r + off
            pr = jnp.where(pr >= SEQ, pr - SEQ, pr)
            for cc in range(EMBED_DIM // L):
                sl = pl.ds(cc * L, L)
                buf[r, sl] = buf[r, sl] + pos_v[pr, sl]

    def chunk_step(c, b, pref_wait, pref):
        if pref:
            b2 = (b + 2) % NBUF
            if pref_wait:
                w_desc(c - 2, b2).wait()
            g_desc(c + 2, b2).start()
        g_desc(c, b).wait()
        add_chunk(c, b)
        w_desc(c, b).start()

    g_desc(0, 0).start()
    g_desc(1, 1).start()
    for b in range(NBUF):
        chunk_step(b, b, pref_wait=(b >= 2), pref=True)

    def outer(t, _):
        c0 = t * NBUF
        for b in range(NBUF):
            chunk_step(c0 + b, b, pref_wait=True, pref=True)
        return 0

    lax.fori_loop(1, NGRP - 1, outer, 0)

    cL = (NGRP - 1) * NBUF
    for b in range(NBUF):
        chunk_step(cL + b, b, pref_wait=True, pref=(cL + b + 2 < NCH))
    for b in range(NBUF):
        w_desc(cL + b, b).wait()


@functools.partial(jax.jit, static_argnames=())
def kernel(x, table):
    idx_flat = x.reshape(-1)
    pos = jnp.asarray(_POS)
    mesh = plsc.VectorSubcoreMesh(core_axis_name="c", subcore_axis_name="s")
    k = functools.partial(
        pl.kernel,
        mesh=mesh,
        out_type=jax.ShapeDtypeStruct((ROWS, EMBED_DIM), jnp.float32),
        scratch_types=(
            [
                pltpu.VMEM((SEQ, EMBED_DIM), jnp.float32),
                pltpu.VMEM((ROWS_PER_W,), jnp.int32),
            ]
            + [pltpu.VMEM((CHUNK, EMBED_DIM), jnp.float32) for _ in range(NBUF)]
            + [pltpu.SemaphoreType.DMA for _ in range(2 * NBUF)]
        ),
    )(_body)
    out_flat = k(idx_flat, table, pos)
    return out_flat.reshape(BATCH, SEQ, EMBED_DIM)

# --- scband reference (transcript-rebuilt; emitter-appended) ---
"""Pipeline reference for scband-token-and-position-embedding-59562606461320 (READ-ONLY COPY).

The authoritative reference and input builder live on the scoring server;
editing this copy changes nothing except your own understanding.
"""

import jax, jax.numpy as jnp
import numpy as np

VOCAB = 100000
EMBED_DIM = 128
BATCH = 1024
SEQ = 200
POS_TABLE = 10000


def _positional_encoding(position, d_model):
    angle_rates = 1 / np.power(10000, 2 * (np.arange(d_model)[np.newaxis, :] // 2) / np.float32(d_model))
    angle_rads = np.arange(position)[:, np.newaxis] * angle_rates
    angle_rads[:, 0::2] = np.sin(angle_rads[:, 0::2])
    angle_rads[:, 1::2] = np.cos(angle_rads[:, 1::2])
    pos_encoding = angle_rads[np.newaxis, ...]
    return jnp.asarray(pos_encoding, dtype=jnp.float32)


def setup_inputs(seed: int = 0) -> dict:
    key = jax.random.key(seed)
    k1, k2 = jax.random.split(key)
    x = jax.random.randint(k1, (BATCH, SEQ), 0, VOCAB, dtype=jnp.int32)
    # learned embedding table (keras Embedding default uniform init ~ small values)
    table = jax.random.normal(k2, (VOCAB, EMBED_DIM), dtype=jnp.float32) * 0.05
    return {"x": x, "table": table}


def reference(x, table):
    # faithful translation of TokenAndPositionEmbedding.call:
    # pos_encoding built for 10000 positions, sliced to seq_len
    maxlen = x.shape[-1]
    pos_encoding = _positional_encoding(POS_TABLE, EMBED_DIM)
    emb = jnp.take(table, x, axis=0)  # token embedding gather
    return emb + pos_encoding[:, :maxlen, :]

if __name__ == "__main__":
    import jax
    _d = setup_inputs()
    print(jax.jit(kernel)(*tuple(_d.values())))

</pallas_src>

<mosaic_0001>
#map = affine_map<(d0, d1) -> (0)>
#map1 = affine_map<(d0, d1) -> (0, 0)>
module attributes {stable_mosaic.version = 14 : i64} {
  func.func @_body(%arg0: i32, %arg1: i32, %arg2: memref<204800xi32, #tpu.memory_space<hbm>>, %arg3: memref<100000x128xf32, #tpu.memory_space<hbm>>, %arg4: memref<200x128xf32, #tpu.memory_space<hbm>>, %arg5: memref<204800x128xf32, #tpu.memory_space<hbm>>, %arg6: memref<200x128xf32, #tpu.memory_space<vmem>>, %arg7: memref<6400xi32, #tpu.memory_space<vmem>>, %arg8: memref<160x128xf32, #tpu.memory_space<vmem>>, %arg9: memref<160x128xf32, #tpu.memory_space<vmem>>, %arg10: memref<160x128xf32, #tpu.memory_space<vmem>>, %arg11: memref<160x128xf32, #tpu.memory_space<vmem>>, %arg12: memref<!tpu.dma_semaphore, #tpu.memory_space<semaphore_mem>>, %arg13: memref<!tpu.dma_semaphore, #tpu.memory_space<semaphore_mem>>, %arg14: memref<!tpu.dma_semaphore, #tpu.memory_space<semaphore_mem>>, %arg15: memref<!tpu.dma_semaphore, #tpu.memory_space<semaphore_mem>>, %arg16: memref<!tpu.dma_semaphore, #tpu.memory_space<semaphore_mem>>, %arg17: memref<!tpu.dma_semaphore, #tpu.memory_space<semaphore_mem>>, %arg18: memref<!tpu.dma_semaphore, #tpu.memory_space<semaphore_mem>>, %arg19: memref<!tpu.dma_semaphore, #tpu.memory_space<semaphore_mem>>) attributes {dimension_semantics = [#tpu.dimension_semantics<core_parallel>, #tpu.dimension_semantics<subcore_parallel>], iteration_bounds = array<i64: 2, 16>, scalar_prefetch = 0 : i64, scratch_operands = 14 : i64, tpu.core_type = #tpu.core_type<sc_vector_subcore>, window_params = [{transform_indices = #map}, {transform_indices = #map1}, {transform_indices = #map1}, {transform_indices = #map1}]} {
    %mul3A = arith.constant 2 : i32
    %mul3A_0 = arith.muli %arg1, %mul3A : i32
    %add3A = arith.addi %mul3A_0, %arg0 : i32
    %mul3A_1 = arith.constant 6400 : i32
    %mul3A_2 = arith.muli %add3A, %mul3A_1 : i32
    "tpu.region"() ({
      %run_scoped3A = tpu.sem_alloc : memref<!tpu.dma_semaphore, #tpu.memory_space<semaphore_mem>>
      tpu.enqueue_dma source(%arg4 : memref<200x128xf32, #tpu.memory_space<hbm>>) target(%arg6 : memref<200x128xf32, #tpu.memory_space<vmem>>) target_semaphore(%run_scoped3A : memref<!tpu.dma_semaphore, #tpu.memory_space<semaphore_mem>>)
      tpu.wait_dma2 semaphore(%run_scoped3A : memref<!tpu.dma_semaphore, #tpu.memory_space<semaphore_mem>>) src(%arg4 : memref<200x128xf32, #tpu.memory_space<hbm>>) dst(%arg6 : memref<200x128xf32, #tpu.memory_space<vmem>>)
      tpu.yield
    }) : () -> ()
    "tpu.region"() ({
      %run_scoped3A = tpu.sem_alloc : memref<!tpu.dma_semaphore, #tpu.memory_space<semaphore_mem>>
      %dma_start3A_229 = tpu.memref_slice %arg2[%mul3A_2] : memref<204800xi32, #tpu.memory_space<hbm>> -> memref<6400xi32, #tpu.memory_space<hbm>>
      %dma_start3A_230 = tpu.memref_slice %arg2[%mul3A_2] : memref<204800xi32, #tpu.memory_space<hbm>> -> memref<6400xi32, #tpu.memory_space<hbm>>
      tpu.enqueue_dma source(%dma_start3A_230 : memref<6400xi32, #tpu.memory_space<hbm>>) target(%arg7 : memref<6400xi32, #tpu.memory_space<vmem>>) target_semaphore(%run_scoped3A : memref<!tpu.dma_semaphore, #tpu.memory_space<semaphore_mem>>)
      %dma_wait3A_231 = tpu.memref_slice %arg2[%mul3A_2] : memref<204800xi32, #tpu.memory_space<hbm>> -> memref<6400xi32, #tpu.memory_space<hbm>>
      %dma_wait3A_232 = tpu.memref_slice %arg2[%mul3A_2] : memref<204800xi32, #tpu.memory_space<hbm>> -> memref<6400xi32, #tpu.memory_space<hbm>>
      tpu.wait_dma2 semaphore(%run_scoped3A : memref<!tpu.dma_semaphore, #tpu.memory_space<semaphore_mem>>) src(%dma_wait3A_232 : memref<6400xi32, #tpu.memory_space<hbm>>) dst(%arg7 : memref<6400xi32, #tpu.memory_space<vmem>>)
      tpu.yield
    }) : () -> ()
    %dma_start3A = arith.constant 0 : i32
    %dma_start3A_3 = tpu.memref_slice %arg7[%dma_start3A] : memref<6400xi32, #tpu.memory_space<vmem>> -> memref<160xi32, #tpu.memory_space<vmem>>
    %dma_start3A_4 = arith.constant 0 : i32
    %dma_start3A_5 = arith.constant 0 : i32
    %dma_start3A_6 = tpu.memref_slice %arg3[%dma_start3A_4, %dma_start3A_5] : memref<100000x128xf32, #tpu.memory_space<hbm>> -> memref<100000x128xf32, #tpu.memory_space<hbm>>
    tpu.enqueue_indirect_dma source(%dma_start3A_6 : memref<100000x128xf32, #tpu.memory_space<hbm>>) target(%arg8 : memref<160x128xf32, #tpu.memory_space<vmem>>) offsets(%dma_start3A_3 : memref<160xi32, #tpu.memory_space<vmem>>) semaphore(%arg12 : memref<!tpu.dma_semaphore, #tpu.memory_space<semaphore_mem>>)
    %dma_start3A_7 = arith.constant 160 : i32
    %dma_start3A_8 = tpu.memref_slice %arg7[%dma_start3A_7] : memref<6400xi32, #tpu.memory_space<vmem>> -> memref<160xi32, #tpu.memory_space<vmem>>
    %dma_start3A_9 = arith.constant 0 : i32
    %dma_start3A_10 = arith.constant 0 : i32
    %dma_start3A_11 = tpu.memref_slice %arg3[%dma_start3A_9, %dma_start3A_10] : memref<100000x128xf32, #tpu.memory_space<hbm>> -> memref<100000x128xf32, #tpu.memory_space<hbm>>
    tpu.enqueue_indirect_dma source(%dma_start3A_11 : memref<100000x128xf32, #tpu.memory_space<hbm>>) target(%arg9 : memref<160x128xf32, #tpu.memory_space<vmem>>) offsets(%dma_start3A_8 : memref<160xi32, #tpu.memory_space<vmem>>) semaphore(%arg13 : memref<!tpu.dma_semaphore, #tpu.memory_space<semaphore_mem>>)
    %dma_start3A_12 = arith.constant 320 : i32
    %dma_start3A_13 = tpu.memref_slice %arg7[%dma_start3A_12] : memref<6400xi32, #tpu.memory_space<vmem>> -> memref<160xi32, #tpu.memory_space<vmem>>
    %dma_start3A_14 = arith.constant 0 : i32
    %dma_start3A_15 = arith.constant 0 : i32
    %dma_start3A_16 = tpu.memref_slice %arg3[%dma_start3A_14, %dma_start3A_15] : memref<100000x128xf32, #tpu.memory_space<hbm>> -> memref<100000x128xf32, #tpu.memory_space<hbm>>
    tpu.enqueue_indirect_dma source(%dma_start3A_16 : memref<100000x128xf32, #tpu.memory_space<hbm>>) target(%arg10 : memref<160x128xf32, #tpu.memory_space<vmem>>) offsets(%dma_start3A_13 : memref<160xi32, #tpu.memory_space<vmem>>) semaphore(%arg14 : memref<!tpu.dma_semaphore, #tpu.memory_space<semaphore_mem>>)
    %dma_wait3A = arith.constant 0 : i32
    %dma_wait3A_17 = tpu.memref_slice %arg7[%dma_wait3A] : memref<6400xi32, #tpu.memory_space<vmem>> -> memref<160xi32, #tpu.memory_space<vmem>>
    %dma_wait3A_18 = arith.constant 0 : i32
    %dma_wait3A_19 = arith.constant 0 : i32
    %dma_wait3A_20 = tpu.memref_slice %arg3[%dma_wait3A_18, %dma_wait3A_19] : memref<100000x128xf32, #tpu.memory_space<hbm>> -> memref<100000x128xf32, #tpu.memory_space<hbm>>
    tpu.wait_indirect_dma semaphore(%arg12 : memref<!tpu.dma_semaphore, #tpu.memory_space<semaphore_mem>>) src(%dma_wait3A_20 : memref<100000x128xf32, #tpu.memory_space<hbm>>) dst(%arg8 : memref<160x128xf32, #tpu.memory_space<vmem>>)
    %rem3A = arith.constant 0 : i32
    %rem3A_21 = arith.constant 200 : i32
    %rem3A_22 = arith.remsi %rem3A, %rem3A_21 : i32
    %parallel_loop3A = arith.constant 0 : i32
    %parallel_loop3A_23 = arith.constant 160 : i32
    %parallel_loop3A_24 = arith.constant 1 : i32
    scf.for %parallel_loop3A_229 = %parallel_loop3A to %parallel_loop3A_23 step %parallel_loop3A_24  : i32 {
      %parallel_loop3A_230 = arith.addi %parallel_loop3A_229, %rem3A_22 : i32
      %parallel_loop3A_231 = arith.constant 200 : i32
      %parallel_loop3A_232 = arith.cmpi sge, %parallel_loop3A_230, %parallel_loop3A_231 : i32
      %parallel_loop3A_233 = arith.constant 200 : i32
      %parallel_loop3A_234 = arith.subi %parallel_loop3A_230, %parallel_loop3A_233 : i32
      %parallel_loop3A_235 = arith.select %parallel_loop3A_232, %parallel_loop3A_234, %parallel_loop3A_230 : i32
      %parallel_loop3A_236 = arith.index_cast %parallel_loop3A_229 : i32 to index
      %parallel_loop3A_237 = arith.constant 0 : index
      %parallel_loop3A_238 = tpu.vector_load %arg8[%parallel_loop3A_236, %parallel_loop3A_237] {strides = array<i32>} : memref<160x128xf32, #tpu.memory_space<vmem>>, vector<1x16xf32>,
      %parallel_loop3A_239 = vector.shape_cast %parallel_loop3A_238 : vector<1x16xf32> to vector<16xf32>
      %parallel_loop3A_240 = arith.index_cast %parallel_loop3A_235 : i32 to index
      %parallel_loop3A_241 = arith.constant 0 : index
      %parallel_loop3A_242 = tpu.vector_load %arg6[%parallel_loop3A_240, %parallel_loop3A_241] {strides = array<i32>} : memref<200x128xf32, #tpu.memory_space<vmem>>, vector<1x16xf32>,
      %parallel_loop3A_243 = vector.shape_cast %parallel_loop3A_242 : vector<1x16xf32> to vector<16xf32>
      %parallel_loop3A_244 = arith.addf %parallel_loop3A_239, %parallel_loop3A_243 : vector<16xf32>
      %parallel_loop3A_245 = arith.index_cast %parallel_loop3A_229 : i32 to index
      %parallel_loop3A_246 = arith.constant 0 : index
      %parallel_loop3A_247 = tpu.vector_load %arg8[%parallel_loop3A_245, %parallel_loop3A_246] {strides = array<i32>} : memref<160x128xf32, #tpu.memory_space<vmem>>, vector<1x16xf32>,
      %parallel_loop3A_248 = vector.shape_cast %parallel_loop3A_247 : vector<1x16xf32> to vector<16xf32>
      %parallel_loop3A_249 = vector.shape_cast %parallel_loop3A_244 : vector<16xf32> to vector<1x16xf32>
      tpu.vector_store %arg8[%parallel_loop3A_245, %parallel_loop3A_246], %parallel_loop3A_249 {strides = array<i32>} : memref<160x128xf32, #tpu.memory_space<vmem>>, vector<1x16xf32>,
      %parallel_loop3A_250 = arith.index_cast %parallel_loop3A_229 : i32 to index
      %parallel_loop3A_251 = arith.constant 16 : index
      %parallel_loop3A_252 = tpu.vector_load %arg8[%parallel_loop3A_250, %parallel_loop3A_251] {strides = array<i32>} : memref<160x128xf32, #tpu.memory_space<vmem>>, vector<1x16xf32>,
      %parallel_loop3A_253 = vector.shape_cast %parallel_loop3A_252 : vector<1x16xf32> to vector<16xf32>
      %parallel_loop3A_254 = arith.index_cast %parallel_loop3A_235 : i32 to index
      %parallel_loop3A_255 = arith.constant 16 : index
      %parallel_loop3A_256 = tpu.vector_load %arg6[%parallel_loop3A_254, %parallel_loop3A_255] {strides = array<i32>} : memref<200x128xf32, #tpu.memory_space<vmem>>, vector<1x16xf32>,
      %parallel_loop3A_257 = vector.shape_cast %parallel_loop3A_256 : vector<1x16xf32> to vector<16xf32>
      %parallel_loop3A_258 = arith.addf %parallel_loop3A_253, %parallel_loop3A_257 : vector<16xf32>
      %parallel_loop3A_259 = arith.index_cast %parallel_loop3A_229 : i32 to index
      %parallel_loop3A_260 = arith.constant 16 : index
      %parallel_loop3A_261 = tpu.vector_load %arg8[%parallel_loop3A_259, %parallel_loop3A_260] {strides = array<i32>} : memref<160x128xf32, #tpu.memory_space<vmem>>, vector<1x16xf32>,
      %parallel_loop3A_262 = vector.shape_cast %parallel_loop3A_261 : vector<1x16xf32> to vector<16xf32>
      %parallel_loop3A_263 = vector.shape_cast %parallel_loop3A_258 : vector<16xf32> to vector<1x16xf32>
      tpu.vector_store %arg8[%parallel_loop3A_259, %parallel_loop3A_260], %parallel_loop3A_263 {strides = array<i32>} : memref<160x128xf32, #tpu.memory_space<vmem>>, vector<1x16xf32>,
      %parallel_loop3A_264 = arith.index_cast %parallel_loop3A_229 : i32 to index
      %parallel_loop3A_265 = arith.constant 32 : index
      %parallel_loop3A_266 = tpu.vector_load %arg8[%parallel_loop3A_264, %parallel_loop3A_265] {strides = array<i32>} : memref<160x128xf32, #tpu.memory_space<vmem>>, vector<1x16xf32>,
      %parallel_loop3A_267 = vector.shape_cast %parallel_loop3A_266 : vector<1x16xf32> to vector<16xf32>
      %parallel_loop3A_268 = arith.index_cast %parallel_loop3A_235 : i32 to index
      %parallel_loop3A_269 = arith.constant 32 : index
      %parallel_loop3A_270 = tpu.vector_load %arg6[%parallel_loop3A_268, %parallel_loop3A_269] {strides = array<i32>} : memref<200x128xf32, #tpu.memory_space<vmem>>, vector<1x16xf32>,
      %parallel_loop3A_271 = vector.shape_cast %parallel_loop3A_270 : vector<1x16xf32> to vector<16xf32>
      %parallel_loop3A_272 = arith.addf %parallel_loop3A_267, %parallel_loop3A_271 : vector<16xf32>
      %parallel_loop3A_273 = arith.index_cast %parallel_loop3A_229 : i32 to index
      %parallel_loop3A_274 = arith.constant 32 : index
      %parallel_loop3A_275 = tpu.vector_load %arg8[%parallel_loop3A_273, %parallel_loop3A_274] {strides = array<i32>} : memref<160x128xf32, #tpu.memory_space<vmem>>, vector<1x16xf32>,
      %parallel_loop3A_276 = vector.shape_cast %parallel_loop3A_275 : vector<1x16xf32> to vector<16xf32>
      %parallel_loop3A_277 = vector.shape_cast %parallel_loop3A_272 : vector<16xf32> to vector<1x16xf32>
      tpu.vector_store %arg8[%parallel_loop3A_273, %parallel_loop3A_274], %parallel_loop3A_277 {strides = array<i32>} : memref<160x128xf32, #tpu.memory_space<vmem>>, vector<1x16xf32>,
      %parallel_loop3A_278 = arith.index_cast %parallel_loop3A_229 : i32 to index
      %parallel_loop3A_279 = arith.constant 48 : index
      %parallel_loop3A_280 = tpu.vector_load %arg8[%parallel_loop3A_278, %parallel_loop3A_279] {strides = array<i32>} : memref<160x128xf32, #tpu.memory_space<vmem>>, vector<1x16xf32>,
      %parallel_loop3A_281 = vector.shape_cast %parallel_loop3A_280 : vector<1x16xf32> to vector<16xf32>
      %parallel_loop3A_282 = arith.index_cast %parallel_loop3A_235 : i32 to index
      %parallel_loop3A_283 = arith.constant 48 : index
      %parallel_loop3A_284 = tpu.vector_load %arg6[%parallel_loop3A_282, %parallel_loop3A_283] {strides = array<i32>} : memref<200x128xf32, #tpu.memory_space<vmem>>, vector<1x16xf32>,
      %parallel_loop3A_285 = vector.shape_cast %parallel_loop3A_284 : vector<1x16xf32> to vector<16xf32>
      %parallel_loop3A_286 = arith.addf %parallel_loop3A_281, %parallel_loop3A_285 : vector<16xf32>
      %parallel_loop3A_287 = arith.index_cast %parallel_loop3A_229 : i32 to index
      %parallel_loop3A_288 = arith.constant 48 : index
      %parallel_loop3A_289 = tpu.vector_load %arg8[%parallel_loop3A_287, %parallel_loop3A_288] {strides = array<i32>} : memref<160x128xf32, #tpu.memory_space<vmem>>, vector<1x16xf32>,
      %parallel_loop3A_290 = vector.shape_cast %parallel_loop3A_289 : vector<1x16xf32> to vector<16xf32>
      %parallel_loop3A_291 = vector.shape_cast %parallel_loop3A_286 : vector<16xf32> to vector<1x16xf32>
      tpu.vector_store %arg8[%parallel_loop3A_287, %parallel_loop3A_288], %parallel_loop3A_291 {strides = array<i32>} : memref<160x128xf32, #tpu.memory_space<vmem>>, vector<1x16xf32>,
      %parallel_loop3A_292 = arith.index_cast %parallel_loop3A_229 : i32 to index
      %parallel_loop3A_293 = arith.constant 64 : index
      %parallel_loop3A_294 = tpu.vector_load %arg8[%parallel_loop3A_292, %parallel_loop3A_293] {strides = array<i32>} : memref<160x128xf32, #tpu.memory_space<vmem>>, vector<1x16xf32>,
      %parallel_loop3A_295 = vector.shape_cast %parallel_loop3A_294 : vector<1x16xf32> to vector<16xf32>
      %parallel_loop3A_296 = arith.index_cast %parallel_loop3A_235 : i32 to index
      %parallel_loop3A_297 = arith.constant 64 : index
      %parallel_loop3A_298 = tpu.vector_load %arg6[%parallel_loop3A_296, %parallel_loop3A_297] {strides = array<i32>} : memref<200x128xf32, #tpu.memory_space<vmem>>, vector<1x16xf32>,
      %parallel_loop3A_299 = vector.shape_cast %parallel_loop3A_298 : vector<1x16xf32> to vector<16xf32>
      %parallel_loop3A_300 = arith.addf %parallel_loop3A_295, %parallel_loop3A_299 : vector<16xf32>
      %parallel_loop3A_301 = arith.index_cast %parallel_loop3A_229 : i32 to index
      %parallel_loop3A_302 = arith.constant 64 : index
      %parallel_loop3A_303 = tpu.vector_load %arg8[%parallel_loop3A_301, %parallel_loop3A_302] {strides = array<i32>} : memref<160x128xf32, #tpu.memory_space<vmem>>, vector<1x16xf32>,
      %parallel_loop3A_304 = vector.shape_cast %parallel_loop3A_303 : vector<1x16xf32> to vector<16xf32>
      %parallel_loop3A_305 = vector.shape_cast %parallel_loop3A_300 : vector<16xf32> to vector<1x16xf32>
      tpu.vector_store %arg8[%parallel_loop3A_301, %parallel_loop3A_302], %parallel_loop3A_305 {strides = array<i32>} : memref<160x128xf32, #tpu.memory_space<vmem>>, vector<1x16xf32>,
      %parallel_loop3A_306 = arith.index_cast %parallel_loop3A_229 : i32 to index
      %parallel_loop3A_307 = arith.constant 80 : index
      %parallel_loop3A_308 = tpu.vector_load %arg8[%parallel_loop3A_306, %parallel_loop3A_307] {strides = array<i32>} : memref<160x128xf32, #tpu.memory_space<vmem>>, vector<1x16xf32>,
      %parallel_loop3A_309 = vector.shape_cast %parallel_loop3A_308 : vector<1x16xf32> to vector<16xf32>
      %parallel_loop3A_310 = arith.index_cast %parallel_loop3A_235 : i32 to index
      %parallel_loop3A_311 = arith.constant 80 : index
      %parallel_loop3A_312 = tpu.vector_load %arg6[%parallel_loop3A_310, %parallel_loop3A_311] {strides = array<i32>} : memref<200x128xf32, #tpu.memory_space<vmem>>, vector<1x16xf32>,
      %parallel_loop3A_313 = vector.shape_cast %parallel_loop3A_312 : vector<1x16xf32> to vector<16xf32>
      %parallel_loop3A_314 = arith.addf %parallel_loop3A_309, %parallel_loop3A_313 : vector<16xf32>
      %parallel_loop3A_315 = arith.index_cast %parallel_loop3A_229 : i32 to index
      %parallel_loop3A_316 = arith.constant 80 : index
      %parallel_loop3A_317 = tpu.vector_load %arg8[%parallel_loop3A_315, %parallel_loop3A_316] {strides = array<i32>} : memref<160x128xf32, #tpu.memory_space<vmem>>, vector<1x16xf32>,
      %parallel_loop3A_318 = vector.shape_cast %parallel_loop3A_317 : vector<1x16xf32> to vector<16xf32>
      %parallel_loop3A_319 = vector.shape_cast %parallel_loop3A_314 : vector<16xf32> to vector<1x16xf32>
      tpu.vector_store %arg8[%parallel_loop3A_315, %parallel_loop3A_316], %parallel_loop3A_319 {strides = array<i32>} : memref<160x128xf32, #tpu.memory_space<vmem>>, vector<1x16xf32>,
      %parallel_loop3A_320 = arith.index_cast %parallel_loop3A_229 : i32 to index
      %parallel_loop3A_321 = arith.constant 96 : index
      %parallel_loop3A_322 = tpu.vector_load %arg8[%parallel_loop3A_320, %parallel_loop3A_321] {strides = array<i32>} : memref<160x128xf32, #tpu.memory_space<vmem>>, vector<1x16xf32>,
      %parallel_loop3A_323 = vector.shape_cast %parallel_loop3A_322 : vector<1x16xf32> to vector<16xf32>
      %parallel_loop3A_324 = arith.index_cast %parallel_loop3A_235 : i32 to index
      %parallel_loop3A_325 = arith.constant 96 : index
      %parallel_loop3A_326 = tpu.vector_load %arg6[%parallel_loop3A_324, %parallel_loop3A_325] {strides = array<i32>} : memref<200x128xf32, #tpu.memory_space<vmem>>, vector<1x16xf32>,
      %parallel_loop3A_327 = vector.shape_cast %parallel_loop3A_326 : vector<1x16xf32> to vector<16xf32>
      %parallel_loop3A_328 = arith.addf %parallel_loop3A_323, %parallel_loop3A_327 : vector<16xf32>
      %parallel_loop3A_329 = arith.index_cast %parallel_loop3A_229 : i32 to index
      %parallel_loop3A_330 = arith.constant 96 : index
      %parallel_loop3A_331 = tpu.vector_load %arg8[%parallel_loop3A_329, %parallel_loop3A_330] {strides = array<i32>} : memref<160x128xf32, #tpu.memory_space<vmem>>, vector<1x16xf32>,
      %parallel_loop3A_332 = vector.shape_cast %parallel_loop3A_331 : vector<1x16xf32> to vector<16xf32>
      %parallel_loop3A_333 = vector.shape_cast %parallel_loop3A_328 : vector<16xf32> to vector<1x16xf32>
      tpu.vector_store %arg8[%parallel_loop3A_329, %parallel_loop3A_330], %parallel_loop3A_333 {strides = array<i32>} : memref<160x128xf32, #tpu.memory_space<vmem>>, vector<1x16xf32>,
      %parallel_loop3A_334 = arith.index_cast %parallel_loop3A_229 : i32 to index
      %parallel_loop3A_335 = arith.constant 112 : index
      %parallel_loop3A_336 = tpu.vector_load %arg8[%parallel_loop3A_334, %parallel_loop3A_335] {strides = array<i32>} : memref<160x128xf32, #tpu.memory_space<vmem>>, vector<1x16xf32>,
      %parallel_loop3A_337 = vector.shape_cast %parallel_loop3A_336 : vector<1x16xf32> to vector<16xf32>
      %parallel_loop3A_338 = arith.index_cast %parallel_loop3A_235 : i32 to index
      %parallel_loop3A_339 = arith.constant 112 : index
      %parallel_loop3A_340 = tpu.vector_load %arg6[%parallel_loop3A_338, %parallel_loop3A_339] {strides = array<i32>} : memref<200x128xf32, #tpu.memory_space<vmem>>, vector<1x16xf32>,
      %parallel_loop3A_341 = vector.shape_cast %parallel_loop3A_340 : vector<1x16xf32> to vector<16xf32>
      %parallel_loop3A_342 = arith.addf %parallel_loop3A_337, %parallel_loop3A_341 : vector<16xf32>
      %parallel_loop3A_343 = arith.index_cast %parallel_loop3A_229 : i32 to index
      %parallel_loop3A_344 = arith.constant 112 : index
      %parallel_loop3A_345 = tpu.vector_load %arg8[%parallel_loop3A_343, %parallel_loop3A_344] {strides = array<i32>} : memref<160x128xf32, #tpu.memory_space<vmem>>, vector<1x16xf32>,
      %parallel_loop3A_346 = vector.shape_cast %parallel_loop3A_345 : vector<1x16xf32> to vector<16xf32>
      %parallel_loop3A_347 = vector.shape_cast %parallel_loop3A_342 : vector<16xf32> to vector<1x16xf32>
      tpu.vector_store %arg8[%parallel_loop3A_343, %parallel_loop3A_344], %parallel_loop3A_347 {strides = array<i32>} : memref<160x128xf32, #tpu.memory_space<vmem>>, vector<1x16xf32>,
    } {sc.loop_unroll_factor = 4 : i64, sc.parallel_access}
    %add3A_25 = arith.constant 0 : i32
    %add3A_26 = arith.addi %mul3A_2, %add3A_25 : i32
    %dma_start3A_27 = arith.constant 0 : i32
    %dma_start3A_28 = tpu.memref_slice %arg5[%add3A_26, %dma_start3A_27] : memref<204800x128xf32, #tpu.memory_space<hbm>> -> memref<160x128xf32, #tpu.memory_space<hbm>>
    %dma_start3A_29 = arith.constant 0 : i32
    %dma_start3A_30 = tpu.memref_slice %arg5[%add3A_26, %dma_start3A_29] : memref<204800x128xf32, #tpu.memory_space<hbm>> -> memref<160x128xf32, #tpu.memory_space<hbm>>
    tpu.enqueue_dma source(%arg8 : memref<160x128xf32, #tpu.memory_space<vmem>>) target(%dma_start3A_30 : memref<160x128xf32, #tpu.memory_space<hbm>>) target_semaphore(%arg16 : memref<!tpu.dma_semaphore, #tpu.memory_space<semaphore_mem>>)
    %dma_start3A_31 = arith.constant 480 : i32
    %dma_start3A_32 = tpu.memref_slice %arg7[%dma_start3A_31] : memref<6400xi32, #tpu.memory_space<vmem>> -> memref<160xi32, #tpu.memory_space<vmem>>
    %dma_start3A_33 = arith.constant 0 : i32
    %dma_start3A_34 = arith.constant 0 : i32
    %dma_start3A_35 = tpu.memref_slice %arg3[%dma_start3A_33, %dma_start3A_34] : memref<100000x128xf32, #tpu.memory_space<hbm>> -> memref<100000x128xf32, #tpu.memory_space<hbm>>
    tpu.enqueue_indirect_dma source(%dma_start3A_35 : memref<100000x128xf32, #tpu.memory_space<hbm>>) target(%arg11 : memref<160x128xf32, #tpu.memory_space<vmem>>) offsets(%dma_start3A_32 : memref<160xi32, #tpu.memory_space<vmem>>) semaphore(%arg15 : memref<!tpu.dma_semaphore, #tpu.memory_space<semaphore_mem>>)
    %dma_wait3A_36 = arith.constant 160 : i32
    %dma_wait3A_37 = tpu.memref_slice %arg7[%dma_wait3A_36] : memref<6400xi32, #tpu.memory_space<vmem>> -> memref<160xi32, #tpu.memory_space<vmem>>
    %dma_wait3A_38 = arith.constant 0 : i32
    %dma_wait3A_39 = arith.constant 0 : i32
    %dma_wait3A_40 = tpu.memref_slice %arg3[%dma_wait3A_38, %dma_wait3A_39] : memref<100000x128xf32, #tpu.memory_space<hbm>> -> memref<100000x128xf32, #tpu.memory_space<hbm>>
    tpu.wait_indirect_dma semaphore(%arg13 : memref<!tpu.dma_semaphore, #tpu.memory_space<semaphore_mem>>) src(%dma_wait3A_40 : memref<100000x128xf32, #tpu.memory_space<hbm>>) dst(%arg9 : memref<160x128xf32, #tpu.memory_space<vmem>>)
    %rem3A_41 = arith.constant 160 : i32
    %rem3A_42 = arith.constant 200 : i32
    %rem3A_43 = arith.remsi %rem3A_41, %rem3A_42 : i32
    %parallel_loop3A_44 = arith.constant 0 : i32
    %parallel_loop3A_45 = arith.constant 160 : i32
    %parallel_loop3A_46 = arith.constant 1 : i32
    scf.for %parallel_loop3A_229 = %parallel_loop3A_44 to %parallel_loop3A_45 step %parallel_loop3A_46  : i32 {
      %parallel_loop3A_230 = arith.addi %parallel_loop3A_229, %rem3A_43 : i32
      %parallel_loop3A_231 = arith.constant 200 : i32
      %parallel_loop3A_232 = arith.cmpi sge, %parallel_loop3A_230, %parallel_loop3A_231 : i32
      %parallel_loop3A_233 = arith.constant 200 : i32
      %parallel_loop3A_234 = arith.subi %parallel_loop3A_230, %parallel_loop3A_233 : i32
      %parallel_loop3A_235 = arith.select %parallel_loop3A_232, %parallel_loop3A_234, %parallel_loop3A_230 : i32
      %parallel_loop3A_236 = arith.index_cast %parallel_loop3A_229 : i32 to index
      %parallel_loop3A_237 = arith.constant 0 : index
      %parallel_loop3A_238 = tpu.vector_load %arg9[%parallel_loop3A_236, %parallel_loop3A_237] {strides = array<i32>} : memref<160x128xf32, #tpu.memory_space<vmem>>, vector<1x16xf32>,
      %parallel_loop3A_239 = vector.shape_cast %parallel_loop3A_238 : vector<1x16xf32> to vector<16xf32>
      %parallel_loop3A_240 = arith.index_cast %parallel_loop3A_235 : i32 to index
      %parallel_loop3A_241 = arith.constant 0 : index
      %parallel_loop3A_242 = tpu.vector_load %arg6[%parallel_loop3A_240, %parallel_loop3A_241] {strides = array<i32>} : memref<200x128xf32, #tpu.memory_space<vmem>>, vector<1x16xf32>,
      %parallel_loop3A_243 = vector.shape_cast %parallel_loop3A_242 : vector<1x16xf32> to vector<16xf32>
      %parallel_loop3A_244 = arith.addf %parallel_loop3A_239, %parallel_loop3A_243 : vector<16xf32>
      %parallel_loop3A_245 = arith.index_cast %parallel_loop3A_229 : i32 to index
      %parallel_loop3A_246 = arith.constant 0 : index
      %parallel_loop3A_247 = tpu.vector_load %arg9[%parallel_loop3A_245, %parallel_loop3A_246] {strides = array<i32>} : memref<160x128xf32, #tpu.memory_space<vmem>>, vector<1x16xf32>,
      %parallel_loop3A_248 = vector.shape_cast %parallel_loop3A_247 : vector<1x16xf32> to vector<16xf32>
      %parallel_loop3A_249 = vector.shape_cast %parallel_loop3A_244 : vector<16xf32> to vector<1x16xf32>
      tpu.vector_store %arg9[%parallel_loop3A_245, %parallel_loop3A_246], %parallel_loop3A_249 {strides = array<i32>} : memref<160x128xf32, #tpu.memory_space<vmem>>, vector<1x16xf32>,
      %parallel_loop3A_250 = arith.index_cast %parallel_loop3A_229 : i32 to index
      %parallel_loop3A_251 = arith.constant 16 : index
      %parallel_loop3A_252 = tpu.vector_load %arg9[%parallel_loop3A_250, %parallel_loop3A_251] {strides = array<i32>} : memref<160x128xf32, #tpu.memory_space<vmem>>, vector<1x16xf32>,
      %parallel_loop3A_253 = vector.shape_cast %parallel_loop3A_252 : vector<1x16xf32> to vector<16xf32>
      %parallel_loop3A_254 = arith.index_cast %parallel_loop3A_235 : i32 to index
      %parallel_loop3A_255 = arith.constant 16 : index
      %parallel_loop3A_256 = tpu.vector_load %arg6[%parallel_loop3A_254, %parallel_loop3A_255] {strides = array<i32>} : memref<200x128xf32, #tpu.memory_space<vmem>>, vector<1x16xf32>,
      %parallel_loop3A_257 = vector.shape_cast %parallel_loop3A_256 : vector<1x16xf32> to vector<16xf32>
      %parallel_loop3A_258 = arith.addf %parallel_loop3A_253, %parallel_loop3A_257 : vector<16xf32>
      %parallel_loop3A_259 = arith.index_cast %parallel_loop3A_229 : i32 to index
      %parallel_loop3A_260 = arith.constant 16 : index
      %parallel_loop3A_261 = tpu.vector_load %arg9[%parallel_loop3A_259, %parallel_loop3A_260] {strides = array<i32>} : memref<160x128xf32, #tpu.memory_space<vmem>>, vector<1x16xf32>,
      %parallel_loop3A_262 = vector.shape_cast %parallel_loop3A_261 : vector<1x16xf32> to vector<16xf32>
      %parallel_loop3A_263 = vector.shape_cast %parallel_loop3A_258 : vector<16xf32> to vector<1x16xf32>
      tpu.vector_store %arg9[%parallel_loop3A_259, %parallel_loop3A_260], %parallel_loop3A_263 {strides = array<i32>} : memref<160x128xf32, #tpu.memory_space<vmem>>, vector<1x16xf32>,
      %parallel_loop3A_264 = arith.index_cast %parallel_loop3A_229 : i32 to index
      %parallel_loop3A_265 = arith.constant 32 : index
      %parallel_loop3A_266 = tpu.vector_load %arg9[%parallel_loop3A_264, %parallel_loop3A_265] {strides = array<i32>} : memref<160x128xf32, #tpu.memory_space<vmem>>, vector<1x16xf32>,
      %parallel_loop3A_267 = vector.shape_cast %parallel_loop3A_266 : vector<1x16xf32> to vector<16xf32>
      %parallel_loop3A_268 = arith.index_cast %parallel_loop3A_235 : i32 to index
      %parallel_loop3A_269 = arith.constant 32 : index
      %parallel_loop3A_270 = tpu.vector_load %arg6[%parallel_loop3A_268, %parallel_loop3A_269] {strides = array<i32>} : memref<200x128xf32, #tpu.memory_space<vmem>>, vector<1x16xf32>,
      %parallel_loop3A_271 = vector.shape_cast %parallel_loop3A_270 : vector<1x16xf32> to vector<16xf32>
      %parallel_loop3A_272 = arith.addf %parallel_loop3A_267, %parallel_loop3A_271 : vector<16xf32>
      %parallel_loop3A_273 = arith.index_cast %parallel_loop3A_229 : i32 to index
      %parallel_loop3A_274 = arith.constant 32 : index
      %parallel_loop3A_275 = tpu.vector_load %arg9[%parallel_loop3A_273, %parallel_loop3A_274] {strides = array<i32>} : memref<160x128xf32, #tpu.memory_space<vmem>>, vector<1x16xf32>,
      %parallel_loop3A_276 = vector.shape_cast %parallel_loop3A_275 : vector<1x16xf32> to vector<16xf32>
      %parallel_loop3A_277 = vector.shape_cast %parallel_loop3A_272 : vector<16xf32> to vector<1x16xf32>
      tpu.vector_store %arg9[%parallel_loop3A_273, %parallel_loop3A_274], %parallel_loop3A_277 {strides = array<i32>} : memref<160x128xf32, #tpu.memory_space<vmem>>, vector<1x16xf32>,
      %parallel_loop3A_278 = arith.index_cast %parallel_loop3A_229 : i32 to index
      %parallel_loop3A_279 = arith.constant 48 : index
      %parallel_loop3A_280 = tpu.vector_load %arg9[%parallel_loop3A_278, %parallel_loop3A_279] {strides = array<i32>} : memref<160x128xf32, #tpu.memory_space<vmem>>, vector<1x16xf32>,
      %parallel_loop3A_281 = vector.shape_cast %parallel_loop3A_280 : vector<1x16xf32> to vector<16xf32>
      %parallel_loop3A_282 = arith.index_cast %parallel_loop3A_235 : i32 to index
      %parallel_loop3A_283 = arith.constant 48 : index
      %parallel_loop3A_284 = tpu.vector_load %arg6[%parallel_loop3A_282, %parallel_loop3A_283] {strides = array<i32>} : memref<200x128xf32, #tpu.memory_space<vmem>>, vector<1x16xf32>,
      %parallel_loop3A_285 = vector.shape_cast %parallel_loop3A_284 : vector<1x16xf32> to vector<16xf32>
      %parallel_loop3A_286 = arith.addf %parallel_loop3A_281, %parallel_loop3A_285 : vector<16xf32>
      %parallel_loop3A_287 = arith.index_cast %parallel_loop3A_229 : i32 to index
      %parallel_loop3A_288 = arith.constant 48 : index
      %parallel_loop3A_289 = tpu.vector_load %arg9[%parallel_loop3A_287, %parallel_loop3A_288] {strides = array<i32>} : memref<160x128xf32, #tpu.memory_space<vmem>>, vector<1x16xf32>,
      %parallel_loop3A_290 = vector.shape_cast %parallel_loop3A_289 : vector<1x16xf32> to vector<16xf32>
      %parallel_loop3A_291 = vector.shape_cast %parallel_loop3A_286 : vector<16xf32> to vector<1x16xf32>
      tpu.vector_store %arg9[%parallel_loop3A_287, %parallel_loop3A_288], %parallel_loop3A_291 {strides = array<i32>} : memref<160x128xf32, #tpu.memory_space<vmem>>, vector<1x16xf32>,
      %parallel_loop3A_292 = arith.index_cast %parallel_loop3A_229 : i32 to index
      %parallel_loop3A_293 = arith.constant 64 : index
      %parallel_loop3A_294 = tpu.vector_load %arg9[%parallel_loop3A_292, %parallel_loop3A_293] {strides = array<i32>} : memref<160x128xf32, #tpu.memory_space<vmem>>, vector<1x16xf32>,
      %parallel_loop3A_295 = vector.shape_cast %parallel_loop3A_294 : vector<1x16xf32> to vector<16xf32>
      %parallel_loop3A_296 = arith.index_cast %parallel_loop3A_235 : i32 to index
      %parallel_loop3A_297 = arith.constant 64 : index
      %parallel_loop3A_298 = tpu.vector_load %arg6[%parallel_loop3A_296, %parallel_loop3A_297] {strides = array<i32>} : memref<200x128xf32, #tpu.memory_space<vmem>>, vector<1x16xf32>,
      %parallel_loop3A_299 = vector.shape_cast %parallel_loop3A_298 : vector<1x16xf32> to vector<16xf32>
      %parallel_loop3A_300 = arith.addf %parallel_loop3A_295, %parallel_loop3A_299 : vector<16xf32>
      %parallel_loop3A_301 = arith.index_cast %parallel_loop3A_229 : i32 to index
      %parallel_loop3A_302 = arith.constant 64 : index
      %parallel_loop3A_303 = tpu.vector_load %arg9[%parallel_loop3A_301, %parallel_loop3A_302] {strides = array<i32>} : memref<160x128xf32, #tpu.memory_space<vmem>>, vector<1x16xf32>,
      %parallel_loop3A_304 = vector.shape_cast %parallel_loop3A_303 : vector<1x16xf32> to vector<16xf32>
      %parallel_loop3A_305 = vector.shape_cast %parallel_loop3A_300 : vector<16xf32> to vector<1x16xf32>
      tpu.vector_store %arg9[%parallel_loop3A_301, %parallel_loop3A_302], %parallel_loop3A_305 {strides = array<i32>} : memref<160x128xf32, #tpu.memory_space<vmem>>, vector<1x16xf32>,
      %parallel_loop3A_306 = arith.index_cast %parallel_loop3A_229 : i32 to index
      %parallel_loop3A_307 = arith.constant 80 : index
      %parallel_loop3A_308 = tpu.vector_load %arg9[%parallel_loop3A_306, %parallel_loop3A_307] {strides = array<i32>} : memref<160x128xf32, #tpu.memory_space<vmem>>, vector<1x16xf32>,
      %parallel_loop3A_309 = vector.shape_cast %parallel_loop3A_308 : vector<1x16xf32> to vector<16xf32>
      %parallel_loop3A_310 = arith.index_cast %parallel_loop3A_235 : i32 to index
      %parallel_loop3A_311 = arith.constant 80 : index
      %parallel_loop3A_312 = tpu.vector_load %arg6[%parallel_loop3A_310, %parallel_loop3A_311] {strides = array<i32>} : memref<200x128xf32, #tpu.memory_space<vmem>>, vector<1x16xf32>,
      %parallel_loop3A_313 = vector.shape_cast %parallel_loop3A_312 : vector<1x16xf32> to vector<16xf32>
      %parallel_loop3A_314 = arith.addf %parallel_loop3A_309, %parallel_loop3A_313 : vector<16xf32>
      %parallel_loop3A_315 = arith.index_cast %parallel_loop3A_229 : i32 to index
      %parallel_loop3A_316 = arith.constant 80 : index
      %parallel_loop3A_317 = tpu.vector_load %arg9[%parallel_loop3A_315, %parallel_loop3A_316] {strides = array<i32>} : memref<160x128xf32, #tpu.memory_space<vmem>>, vector<1x16xf32>,
      %parallel_loop3A_318 = vector.shape_cast %parallel_loop3A_317 : vector<1x16xf32> to vector<16xf32>
      %parallel_loop3A_319 = vector.shape_cast %parallel_loop3A_314 : vector<16xf32> to vector<1x16xf32>
      tpu.vector_store %arg9[%parallel_loop3A_315, %parallel_loop3A_316], %parallel_loop3A_319 {strides = array<i32>} : memref<160x128xf32, #tpu.memory_space<vmem>>, vector<1x16xf32>,
      %parallel_loop3A_320 = arith.index_cast %parallel_loop3A_229 : i32 to index
      %parallel_loop3A_321 = arith.constant 96 : index
      %parallel_loop3A_322 = tpu.vector_load %arg9[%parallel_loop3A_320, %parallel_loop3A_321] {strides = array<i32>} : memref<160x128xf32, #tpu.memory_space<vmem>>, vector<1x16xf32>,
      %parallel_loop3A_323 = vector.shape_cast %parallel_loop3A_322 : vector<1x16xf32> to vector<16xf32>
      %parallel_loop3A_324 = arith.index_cast %parallel_loop3A_235 : i32 to index
      %parallel_loop3A_325 = arith.constant 96 : index
      %parallel_loop3A_326 = tpu.vector_load %arg6[%parallel_loop3A_324, %parallel_loop3A_325] {strides = array<i32>} : memref<200x128xf32, #tpu.memory_space<vmem>>, vector<1x16xf32>,
      %parallel_loop3A_327 = vector.shape_cast %parallel_loop3A_326 : vector<1x16xf32> to vector<16xf32>
      %parallel_loop3A_328 = arith.addf %parallel_loop3A_323, %parallel_loop3A_327 : vector<16xf32>
      %parallel_loop3A_329 = arith.index_cast %parallel_loop3A_229 : i32 to index
      %parallel_loop3A_330 = arith.constant 96 : index
      %parallel_loop3A_331 = tpu.vector_load %arg9[%parallel_loop3A_329, %parallel_loop3A_330] {strides = array<i32>} : memref<160x128xf32, #tpu.memory_space<vmem>>, vector<1x16xf32>,
      %parallel_loop3A_332 = vector.shape_cast %parallel_loop3A_331 : vector<1x16xf32> to vector<16xf32>
      %parallel_loop3A_333 = vector.shape_cast %parallel_loop3A_328 : vector<16xf32> to vector<1x16xf32>
      tpu.vector_store %arg9[%parallel_loop3A_329, %parallel_loop3A_330], %parallel_loop3A_333 {strides = array<i32>} : memref<160x128xf32, #tpu.memory_space<vmem>>, vector<1x16xf32>,
      %parallel_loop3A_334 = arith.index_cast %parallel_loop3A_229 : i32 to index
      %parallel_loop3A_335 = arith.constant 112 : index
      %parallel_loop3A_336 = tpu.vector_load %arg9[%parallel_loop3A_334, %parallel_loop3A_335] {strides = array<i32>} : memref<160x128xf32, #tpu.memory_space<vmem>>, vector<1x16xf32>,
      %parallel_loop3A_337 = vector.shape_cast %parallel_loop3A_336 : vector<1x16xf32> to vector<16xf32>
      %parallel_loop3A_338 = arith.index_cast %parallel_loop3A_235 : i32 to index
      %parallel_loop3A_339 = arith.constant 112 : index
      %parallel_loop3A_340 = tpu.vector_load %arg6[%parallel_loop3A_338, %parallel_loop3A_339] {strides = array<i32>} : memref<200x128xf32, #tpu.memory_space<vmem>>, vector<1x16xf32>,
      %parallel_loop3A_341 = vector.shape_cast %parallel_loop3A_340 : vector<1x16xf32> to vector<16xf32>
      %parallel_loop3A_342 = arith.addf %parallel_loop3A_337, %parallel_loop3A_341 : vector<16xf32>
      %parallel_loop3A_343 = arith.index_cast %parallel_loop3A_229 : i32 to index
      %parallel_loop3A_344 = arith.constant 112 : index
      %parallel_loop3A_345 = tpu.vector_load %arg9[%parallel_loop3A_343, %parallel_loop3A_344] {strides = array<i32>} : memref<160x128xf32, #tpu.memory_space<vmem>>, vector<1x16xf32>,
      %parallel_loop3A_346 = vector.shape_cast %parallel_loop3A_345 : vector<1x16xf32> to vector<16xf32>
      %parallel_loop3A_347 = vector.shape_cast %parallel_loop3A_342 : vector<16xf32> to vector<1x16xf32>
      tpu.vector_store %arg9[%parallel_loop3A_343, %parallel_loop3A_344], %parallel_loop3A_347 {strides = array<i32>} : memref<160x128xf32, #tpu.memory_space<vmem>>, vector<1x16xf32>,
    } {sc.loop_unroll_factor = 4 : i64, sc.parallel_access}
    %add3A_47 = arith.constant 160 : i32
    %add3A_48 = arith.addi %mul3A_2, %add3A_47 : i32
    %dma_start3A_49 = arith.constant 0 : i32
    %dma_start3A_50 = tpu.memref_slice %arg5[%add3A_48, %dma_start3A_49] : memref<204800x128xf32, #tpu.memory_space<hbm>> -> memref<160x128xf32, #tpu.memory_space<hbm>>
    %dma_start3A_51 = arith.constant 0 : i32
    %dma_start3A_52 = tpu.memref_slice %arg5[%add3A_48, %dma_start3A_51] : memref<204800x128xf32, #tpu.memory_space<hbm>> -> memref<160x128xf32, #tpu.memory_space<hbm>>
    tpu.enqueue_dma source(%arg9 : memref<160x128xf32, #tpu.memory_space<vmem>>) target(%dma_start3A_52 : memref<160x128xf32, #tpu.memory_space<hbm>>) target_semaphore(%arg17 : memref<!tpu.dma_semaphore, #tpu.memory_space<semaphore_mem>>)
    %add3A_53 = arith.constant 0 : i32
    %add3A_54 = arith.addi %mul3A_2, %add3A_53 : i32
    %dma_wait3A_55 = arith.constant 0 : i32
    %dma_wait3A_56 = tpu.memref_slice %arg5[%add3A_54, %dma_wait3A_55] : memref<204800x128xf32, #tpu.memory_space<hbm>> -> memref<160x128xf32, #tpu.memory_space<hbm>>
    %dma_wait3A_57 = arith.constant 0 : i32
    %dma_wait3A_58 = tpu.memref_slice %arg5[%add3A_54, %dma_wait3A_57] : memref<204800x128xf32, #tpu.memory_space<hbm>> -> memref<160x128xf32, #tpu.memory_space<hbm>>
    tpu.wait_dma2 semaphore(%arg16 : memref<!tpu.dma_semaphore, #tpu.memory_space<semaphore_mem>>) src(%arg8 : memref<160x128xf32, #tpu.memory_space<vmem>>) dst(%dma_wait3A_58 : memref<160x128xf32, #tpu.memory_space<hbm>>)
    %dma_start3A_59 = arith.constant 640 : i32
    %dma_start3A_60 = tpu.memref_slice %arg7[%dma_start3A_59] : memref<6400xi32, #tpu.memory_space<vmem>> -> memref<160xi32, #tpu.memory_space<vmem>>
    %dma_start3A_61 = arith.constant 0 : i32
    %dma_start3A_62 = arith.constant 0 : i32
    %dma_start3A_63 = tpu.memref_slice %arg3[%dma_start3A_61, %dma_start3A_62] : memref<100000x128xf32, #tpu.memory_space<hbm>> -> memref<100000x128xf32, #tpu.memory_space<hbm>>
    tpu.enqueue_indirect_dma source(%dma_start3A_63 : memref<100000x128xf32, #tpu.memory_space<hbm>>) target(%arg8 : memref<160x128xf32, #tpu.memory_space<vmem>>) offsets(%dma_start3A_60 : memref<160xi32, #tpu.memory_space<vmem>>) semaphore(%arg12 : memref<!tpu.dma_semaphore, #tpu.memory_space<semaphore_mem>>)
    %dma_wait3A_64 = arith.constant 320 : i32
    %dma_wait3A_65 = tpu.memref_slice %arg7[%dma_wait3A_64] : memref<6400xi32, #tpu.memory_space<vmem>> -> memref<160xi32, #tpu.memory_space<vmem>>
    %dma_wait3A_66 = arith.constant 0 : i32
    %dma_wait3A_67 = arith.constant 0 : i32
    %dma_wait3A_68 = tpu.memref_slice %arg3[%dma_wait3A_66, %dma_wait3A_67] : memref<100000x128xf32, #tpu.memory_space<hbm>> -> memref<100000x128xf32, #tpu.memory_space<hbm>>
    tpu.wait_indirect_dma semaphore(%arg14 : memref<!tpu.dma_semaphore, #tpu.memory_space<semaphore_mem>>) src(%dma_wait3A_68 : memref<100000x128xf32, #tpu.memory_space<hbm>>) dst(%arg10 : memref<160x128xf32, #tpu.memory_space<vmem>>)
    %rem3A_69 = arith.constant 320 : i32
    %rem3A_70 = arith.constant 200 : i32
    %rem3A_71 = arith.remsi %rem3A_69, %rem3A_70 : i32
    %parallel_loop3A_72 = arith.constant 0 : i32
    %parallel_loop3A_73 = arith.constant 160 : i32
    %parallel_loop3A_74 = arith.constant 1 : i32
    scf.for %parallel_loop3A_229 = %parallel_loop3A_72 to %parallel_loop3A_73 step %parallel_loop3A_74  : i32 {
      %parallel_loop3A_230 = arith.addi %parallel_loop3A_229, %rem3A_71 : i32
      %parallel_loop3A_231 = arith.constant 200 : i32
      %parallel_loop3A_232 = arith.cmpi sge, %parallel_loop3A_230, %parallel_loop3A_231 : i32
      %parallel_loop3A_233 = arith.constant 200 : i32
      %parallel_loop3A_234 = arith.subi %parallel_loop3A_230, %parallel_loop3A_233 : i32
      %parallel_loop3A_235 = arith.select %parallel_loop3A_232, %parallel_loop3A_234, %parallel_loop3A_230 : i32
      %parallel_loop3A_236 = arith.index_cast %parallel_loop3A_229 : i32 to index
      %parallel_loop3A_237 = arith.constant 0 : index
      %parallel_loop3A_238 = tpu.vector_load %arg10[%parallel_loop3A_236, %parallel_loop3A_237] {strides = array<i32>} : memref<160x128xf32, #tpu.memory_space<vmem>>, vector<1x16xf32>,
      %parallel_loop3A_239 = vector.shape_cast %parallel_loop3A_238 : vector<1x16xf32> to vector<16xf32>
      %parallel_loop3A_240 = arith.index_cast %parallel_loop3A_235 : i32 to index
      %parallel_loop3A_241 = arith.constant 0 : index
      %parallel_loop3A_242 = tpu.vector_load %arg6[%parallel_loop3A_240, %parallel_loop3A_241] {strides = array<i32>} : memref<200x128xf32, #tpu.memory_space<vmem>>, vector<1x16xf32>,
      %parallel_loop3A_243 = vector.shape_cast %parallel_loop3A_242 : vector<1x16xf32> to vector<16xf32>
      %parallel_loop3A_244 = arith.addf %parallel_loop3A_239, %parallel_loop3A_243 : vector<16xf32>
      %parallel_loop3A_245 = arith.index_cast %parallel_loop3A_229 : i32 to index
      %parallel_loop3A_246 = arith.constant 0 : index
      %parallel_loop3A_247 = tpu.vector_load %arg10[%parallel_loop3A_245, %parallel_loop3A_246] {strides = array<i32>} : memref<160x128xf32, #tpu.memory_space<vmem>>, vector<1x16xf32>,
      %parallel_loop3A_248 = vector.shape_cast %parallel_loop3A_247 : vector<1x16xf32> to vector<16xf32>
      %parallel_loop3A_249 = vector.shape_cast %parallel_loop3A_244 : vector<16xf32> to vector<1x16xf32>
      tpu.vector_store %arg10[%parallel_loop3A_245, %parallel_loop3A_246], %parallel_loop3A_249 {strides = array<i32>} : memref<160x128xf32, #tpu.memory_space<vmem>>, vector<1x16xf32>,
      %parallel_loop3A_250 = arith.index_cast %parallel_loop3A_229 : i32 to index
      %parallel_loop3A_251 = arith.constant 16 : index
      %parallel_loop3A_252 = tpu.vector_load %arg10[%parallel_loop3A_250, %parallel_loop3A_251] {strides = array<i32>} : memref<160x128xf32, #tpu.memory_space<vmem>>, vector<1x16xf32>,
      %parallel_loop3A_253 = vector.shape_cast %parallel_loop3A_252 : vector<1x16xf32> to vector<16xf32>
      %parallel_loop3A_254 = arith.index_cast %parallel_loop3A_235 : i32 to index
      %parallel_loop3A_255 = arith.constant 16 : index
      %parallel_loop3A_256 = tpu.vector_load %arg6[%parallel_loop3A_254, %parallel_loop3A_255] {strides = array<i32>} : memref<200x128xf32, #tpu.memory_space<vmem>>, vector<1x16xf32>,
      %parallel_loop3A_257 = vector.shape_cast %parallel_loop3A_256 : vector<1x16xf32> to vector<16xf32>
      %parallel_loop3A_258 = arith.addf %parallel_loop3A_253, %parallel_loop3A_257 : vector<16xf32>
      %parallel_loop3A_259 = arith.index_cast %parallel_loop3A_229 : i32 to index
      %parallel_loop3A_260 = arith.constant 16 : index
      %parallel_loop3A_261 = tpu.vector_load %arg10[%parallel_loop3A_259, %parallel_loop3A_260] {strides = array<i32>} : memref<160x128xf32, #tpu.memory_space<vmem>>, vector<1x16xf32>,
      %parallel_loop3A_262 = vector.shape_cast %parallel_loop3A_261 : vector<1x16xf32> to vector<16xf32>
      %parallel_loop3A_263 = vector.shape_cast %parallel_loop3A_258 : vector<16xf32> to vector<1x16xf32>
      tpu.vector_store %arg10[%parallel_loop3A_259, %parallel_loop3A_260], %parallel_loop3A_263 {strides = array<i32>} : memref<160x128xf32, #tpu.memory_space<vmem>>, vector<1x16xf32>,
      %parallel_loop3A_264 = arith.index_cast %parallel_loop3A_229 : i32 to index
      %parallel_loop3A_265 = arith.constant 32 : index
      %parallel_loop3A_266 = tpu.vector_load %arg10[%parallel_loop3A_264, %parallel_loop3A_265] {strides = array<i32>} : memref<160x128xf32, #tpu.memory_space<vmem>>, vector<1x16xf32>,
      %parallel_loop3A_267 = vector.shape_cast %parallel_loop3A_266 : vector<1x16xf32> to vector<16xf32>
      %parallel_loop3A_268 = arith.index_cast %parallel_loop3A_235 : i32 to index
      %parallel_loop3A_269 = arith.constant 32 : index
      %parallel_loop3A_270 = tpu.vector_load %arg6[%parallel_loop3A_268, %parallel_loop3A_269] {strides = array<i32>} : memref<200x128xf32, #tpu.memory_space<vmem>>, vector<1x16xf32>,
      %parallel_loop3A_271 = vector.shape_cast %parallel_loop3A_270 : vector<1x16xf32> to vector<16xf32>
      %parallel_loop3A_272 = arith.addf %parallel_loop3A_267, %parallel_loop3A_271 : vector<16xf32>
      %parallel_loop3A_273 = arith.index_cast %parallel_loop3A_229 : i32 to index
      %parallel_loop3A_274 = arith.constant 32 : index
      %parallel_loop3A_275 = tpu.vector_load %arg10[%parallel_loop3A_273, %parallel_loop3A_274] {strides = array<i32>} : memref<160x128xf32, #tpu.memory_space<vmem>>, vector<1x16xf32>,
      %parallel_loop3A_276 = vector.shape_cast %parallel_loop3A_275 : vector<1x16xf32> to vector<16xf32>
      %parallel_loop3A_277 = vector.shape_cast %parallel_loop3A_272 : vector<16xf32> to vector<1x16xf32>
      tpu.vector_store %arg10[%parallel_loop3A_273, %parallel_loop3A_274], %parallel_loop3A_277 {strides = array<i32>} : memref<160x128xf32, #tpu.memory_space<vmem>>, vector<1x16xf32>,
      %parallel_loop3A_278 = arith.index_cast %parallel_loop3A_229 : i32 to index
      %parallel_loop3A_279 = arith.constant 48 : index
      %parallel_loop3A_280 = tpu.vector_load %arg10[%parallel_loop3A_278, %parallel_loop3A_279] {strides = array<i32>} : memref<160x128xf32, #tpu.memory_space<vmem>>, vector<1x16xf32>,
      %parallel_loop3A_281 = vector.shape_cast %parallel_loop3A_280 : vector<1x16xf32> to vector<16xf32>
      %parallel_loop3A_282 = arith.index_cast %parallel_loop3A_235 : i32 to index
      %parallel_loop3A_283 = arith.constant 48 : index
      %parallel_loop3A_284 = tpu.vector_load %arg6[%parallel_loop3A_282, %parallel_loop3A_283] {strides = array<i32>} : memref<200x128xf32, #tpu.memory_space<vmem>>, vector<1x16xf32>,
      %parallel_loop3A_285 = vector.shape_cast %parallel_loop3A_284 : vector<1x16xf32> to vector<16xf32>
      %parallel_loop3A_286 = arith.addf %parallel_loop3A_281, %parallel_loop3A_285 : vector<16xf32>
      %parallel_loop3A_287 = arith.index_cast %parallel_loop3A_229 : i32 to index
      %parallel_loop3A_288 = arith.constant 48 : index
      %parallel_loop3A_289 = tpu.vector_load %arg10[%parallel_loop3A_287, %parallel_loop3A_288] {strides = array<i32>} : memref<160x128xf32, #tpu.memory_space<vmem>>, vector<1x16xf32>,
      %parallel_loop3A_290 = vector.shape_cast %parallel_loop3A_289 : vector<1x16xf32> to vector<16xf32>
      %parallel_loop3A_291 = vector.shape_cast %parallel_loop3A_286 : vector<16xf32> to vector<1x16xf32>
      tpu.vector_store %arg10[%parallel_loop3A_287, %parallel_loop3A_288], %parallel_loop3A_291 {strides = array<i32>} : memref<160x128xf32, #tpu.memory_space<vmem>>, vector<1x16xf32>,
      %parallel_loop3A_292 = arith.index_cast %parallel_loop3A_229 : i32 to index
      %parallel_loop3A_293 = arith.constant 64 : index
      %parallel_loop3A_294 = tpu.vector_load %arg10[%parallel_loop3A_292, %parallel_loop3A_293] {strides = array<i32>} : memref<160x128xf32, #tpu.memory_space<vmem>>, vector<1x16xf32>,
      %parallel_loop3A_295 = vector.shape_cast %parallel_loop3A_294 : vector<1x16xf32> to vector<16xf32>
      %parallel_loop3A_296 = arith.index_cast %parallel_loop3A_235 : i32 to index
      %parallel_loop3A_297 = arith.constant 64 : index
      %parallel_loop3A_298 = tpu.vector_load %arg6[%parallel_loop3A_296, %parallel_loop3A_297] {strides = array<i32>} : memref<200x128xf32, #tpu.memory_space<vmem>>, vector<1x16xf32>,
      %parallel_loop3A_299 = vector.shape_cast %parallel_loop3A_298 : vector<1x16xf32> to vector<16xf32>
      %parallel_loop3A_300 = arith.addf %parallel_loop3A_295, %parallel_loop3A_299 : vector<16xf32>
      %parallel_loop3A_301 = arith.index_cast %parallel_loop3A_229 : i32 to index
      %parallel_loop3A_302 = arith.constant 64 : index
      %parallel_loop3A_303 = tpu.vector_load %arg10[%parallel_loop3A_301, %parallel_loop3A_302] {strides = array<i32>} : memref<160x128xf32, #tpu.memory_space<vmem>>, vector<1x16xf32>,
      %parallel_loop3A_304 = vector.shape_cast %parallel_loop3A_303 : vector<1x16xf32> to vector<16xf32>
      %parallel_loop3A_305 = vector.shape_cast %parallel_loop3A_300 : vector<16xf32> to vector<1x16xf32>
      tpu.vector_store %arg10[%parallel_loop3A_301, %parallel_loop3A_302], %parallel_loop3A_305 {strides = array<i32>} : memref<160x128xf32, #tpu.memory_space<vmem>>, vector<1x16xf32>,
      %parallel_loop3A_306 = arith.index_cast %parallel_loop3A_229 : i32 to index
      %parallel_loop3A_307 = arith.constant 80 : index
      %parallel_loop3A_308 = tpu.vector_load %arg10[%parallel_loop3A_306, %parallel_loop3A_307] {strides = array<i32>} : memref<160x128xf32, #tpu.memory_space<vmem>>, vector<1x16xf32>,
      %parallel_loop3A_309 = vector.shape_cast %parallel_loop3A_308 : vector<1x16xf32> to vector<16xf32>
      %parallel_loop3A_310 = arith.index_cast %parallel_loop3A_235 : i32 to index
      %parallel_loop3A_311 = arith.constant 80 : index
      %parallel_loop3A_312 = tpu.vector_load %arg6[%parallel_loop3A_310, %parallel_loop3A_311] {strides = array<i32>} : memref<200x128xf32, #tpu.memory_space<vmem>>, vector<1x16xf32>,
      %parallel_loop3A_313 = vector.shape_cast %parallel_loop3A_312 : vector<1x16xf32> to vector<16xf32>
      %parallel_loop3A_314 = arith.addf %parallel_loop3A_309, %parallel_loop3A_313 : vector<16xf32>
      %parallel_loop3A_315 = arith.index_cast %parallel_loop3A_229 : i32 to index
      %parallel_loop3A_316 = arith.constant 80 : index
      %parallel_loop3A_317 = tpu.vector_load %arg10[%parallel_loop3A_315, %parallel_loop3A_316] {strides = array<i32>} : memref<160x128xf32, #tpu.memory_space<vmem>>, vector<1x16xf32>,
      %parallel_loop3A_318 = vector.shape_cast %parallel_loop3A_317 : vector<1x16xf32> to vector<16xf32>
      %parallel_loop3A_319 = vector.shape_cast %parallel_loop3A_314 : vector<16xf32> to vector<1x16xf32>
      tpu.vector_store %arg10[%parallel_loop3A_315, %parallel_loop3A_316], %parallel_loop3A_319 {strides = array<i32>} : memref<160x128xf32, #tpu.memory_space<vmem>>, vector<1x16xf32>,
      %parallel_loop3A_320 = arith.index_cast %parallel_loop3A_229 : i32 to index
      %parallel_loop3A_321 = arith.constant 96 : index
      %parallel_loop3A_322 = tpu.vector_load %arg10[%parallel_loop3A_320, %parallel_loop3A_321] {strides = array<i32>} : memref<160x128xf32, #tpu.memory_space<vmem>>, vector<1x16xf32>,
      %parallel_loop3A_323 = vector.shape_cast %parallel_loop3A_322 : vector<1x16xf32> to vector<16xf32>
      %parallel_loop3A_324 = arith.index_cast %parallel_loop3A_235 : i32 to index
      %parallel_loop3A_325 = arith.constant 96 : index
      %parallel_loop3A_326 = tpu.vector_load %arg6[%parallel_loop3A_324, %parallel_loop3A_325] {strides = array<i32>} : memref<200x128xf32, #tpu.memory_space<vmem>>, vector<1x16xf32>,
      %parallel_loop3A_327 = vector.shape_cast %parallel_loop3A_326 : vector<1x16xf32> to vector<16xf32>
      %parallel_loop3A_328 = arith.addf %parallel_loop3A_323, %parallel_loop3A_327 : vector<16xf32>
      %parallel_loop3A_329 = arith.index_cast %parallel_loop3A_229 : i32 to index
      %parallel_loop3A_330 = arith.constant 96 : index
      %parallel_loop3A_331 = tpu.vector_load %arg10[%parallel_loop3A_329, %parallel_loop3A_330] {strides = array<i32>} : memref<160x128xf32, #tpu.memory_space<vmem>>, vector<1x16xf32>,
      %parallel_loop3A_332 = vector.shape_cast %parallel_loop3A_331 : vector<1x16xf32> to vector<16xf32>
      %parallel_loop3A_333 = vector.shape_cast %parallel_loop3A_328 : vector<16xf32> to vector<1x16xf32>
      tpu.vector_store %arg10[%parallel_loop3A_329, %parallel_loop3A_330], %parallel_loop3A_333 {strides = array<i32>} : memref<160x128xf32, #tpu.memory_space<vmem>>, vector<1x16xf32>,
      %parallel_loop3A_334 = arith.index_cast %parallel_loop3A_229 : i32 to index
      %parallel_loop3A_335 = arith.constant 112 : index
      %parallel_loop3A_336 = tpu.vector_load %arg10[%parallel_loop3A_334, %parallel_loop3A_335] {strides = array<i32>} : memref<160x128xf32, #tpu.memory_space<vmem>>, vector<1x16xf32>,
      %parallel_loop3A_337 = vector.shape_cast %parallel_loop3A_336 : vector<1x16xf32> to vector<16xf32>
      %parallel_loop3A_338 = arith.index_cast %parallel_loop3A_235 : i32 to index
      %parallel_loop3A_339 = arith.constant 112 : index
      %parallel_loop3A_340 = tpu.vector_load %arg6[%parallel_loop3A_338, %parallel_loop3A_339] {strides = array<i32>} : memref<200x128xf32, #tpu.memory_space<vmem>>, vector<1x16xf32>,
      %parallel_loop3A_341 = vector.shape_cast %parallel_loop3A_340 : vector<1x16xf32> to vector<16xf32>
      %parallel_loop3A_342 = arith.addf %parallel_loop3A_337, %parallel_loop3A_341 : vector<16xf32>
      %parallel_loop3A_343 = arith.index_cast %parallel_loop3A_229 : i32 to index
      %parallel_loop3A_344 = arith.constant 112 : index
      %parallel_loop3A_345 = tpu.vector_load %arg10[%parallel_loop3A_343, %parallel_loop3A_344] {strides = array<i32>} : memref<160x128xf32, #tpu.memory_space<vmem>>, vector<1x16xf32>,
      %parallel_loop3A_346 = vector.shape_cast %parallel_loop3A_345 : vector<1x16xf32> to vector<16xf32>
      %parallel_loop3A_347 = vector.shape_cast %parallel_loop3A_342 : vector<16xf32> to vector<1x16xf32>
      tpu.vector_store %arg10[%parallel_loop3A_343, %parallel_loop3A_344], %parallel_loop3A_347 {strides = array<i32>} : memref<160x128xf32, #tpu.memory_space<vmem>>, vector<1x16xf32>,
    } {sc.loop_unroll_factor = 4 : i64, sc.parallel_access}
    %add3A_75 = arith.constant 320 : i32
    %add3A_76 = arith.addi %mul3A_2, %add3A_75 : i32
    %dma_start3A_77 = arith.constant 0 : i32
    %dma_start3A_78 = tpu.memref_slice %arg5[%add3A_76, %dma_start3A_77] : memref<204800x128xf32, #tpu.memory_space<hbm>> -> memref<160x128xf32, #tpu.memory_space<hbm>>
    %dma_start3A_79 = arith.constant 0 : i32
    %dma_start3A_80 = tpu.memref_slice %arg5[%add3A_76, %dma_start3A_79] : memref<204800x128xf32, #tpu.memory_space<hbm>> -> memref<160x128xf32, #tpu.memory_space<hbm>>
    tpu.enqueue_dma source(%arg10 : memref<160x128xf32, #tpu.memory_space<vmem>>) target(%dma_start3A_80 : memref<160x128xf32, #tpu.memory_space<hbm>>) target_semaphore(%arg18 : memref<!tpu.dma_semaphore, #tpu.memory_space<semaphore_mem>>)
    %add3A_81 = arith.constant 160 : i32
    %add3A_82 = arith.addi %mul3A_2, %add3A_81 : i32
    %dma_wait3A_83 = arith.constant 0 : i32
    %dma_wait3A_84 = tpu.memref_slice %arg5[%add3A_82, %dma_wait3A_83] : memref<204800x128xf32, #tpu.memory_space<hbm>> -> memref<160x128xf32, #tpu.memory_space<hbm>>
    %dma_wait3A_85 = arith.constant 0 : i32
    %dma_wait3A_86 = tpu.memref_slice %arg5[%add3A_82, %dma_wait3A_85] : memref<204800x128xf32, #tpu.memory_space<hbm>> -> memref<160x128xf32, #tpu.memory_space<hbm>>
    tpu.wait_dma2 semaphore(%arg17 : memref<!tpu.dma_semaphore, #tpu.memory_space<semaphore_mem>>) src(%arg9 : memref<160x128xf32, #tpu.memory_space<vmem>>) dst(%dma_wait3A_86 : memref<160x128xf32, #tpu.memory_space<hbm>>)
    %dma_start3A_87 = arith.constant 800 : i32
    %dma_start3A_88 = tpu.memref_slice %arg7[%dma_start3A_87] : memref<6400xi32, #tpu.memory_space<vmem>> -> memref<160xi32, #tpu.memory_space<vmem>>
    %dma_start3A_89 = arith.constant 0 : i32
    %dma_start3A_90 = arith.constant 0 : i32
    %dma_start3A_91 = tpu.memref_slice %arg3[%dma_start3A_89, %dma_start3A_90] : memref<100000x128xf32, #tpu.memory_space<hbm>> -> memref<100000x128xf32, #tpu.memory_space<hbm>>
    tpu.enqueue_indirect_dma source(%dma_start3A_91 : memref<100000x128xf32, #tpu.memory_space<hbm>>) target(%arg9 : memref<160x128xf32, #tpu.memory_space<vmem>>) offsets(%dma_start3A_88 : memref<160xi32, #tpu.memory_space<vmem>>) semaphore(%arg13 : memref<!tpu.dma_semaphore, #tpu.memory_space<semaphore_mem>>)
    %dma_wait3A_92 = arith.constant 480 : i32
    %dma_wait3A_93 = tpu.memref_slice %arg7[%dma_wait3A_92] : memref<6400xi32, #tpu.memory_space<vmem>> -> memref<160xi32, #tpu.memory_space<vmem>>
    %dma_wait3A_94 = arith.constant 0 : i32
    %dma_wait3A_95 = arith.constant 0 : i32
    %dma_wait3A_96 = tpu.memref_slice %arg3[%dma_wait3A_94, %dma_wait3A_95] : memref<100000x128xf32, #tpu.memory_space<hbm>> -> memref<100000x128xf32, #tpu.memory_space<hbm>>
    tpu.wait_indirect_dma semaphore(%arg15 : memref<!tpu.dma_semaphore, #tpu.memory_space<semaphore_mem>>) src(%dma_wait3A_96 : memref<100000x128xf32, #tpu.memory_space<hbm>>) dst(%arg11 : memref<160x128xf32, #tpu.memory_space<vmem>>)
    %rem3A_97 = arith.constant 480 : i32
    %rem3A_98 = arith.constant 200 : i32
    %rem3A_99 = arith.remsi %rem3A_97, %rem3A_98 : i32
    %parallel_loop3A_100 = arith.constant 0 : i32
    %parallel_loop3A_101 = arith.constant 160 : i32
    %parallel_loop3A_102 = arith.constant 1 : i32
    scf.for %parallel_loop3A_229 = %parallel_loop3A_100 to %parallel_loop3A_101 step %parallel_loop3A_102  : i32 {
      %parallel_loop3A_230 = arith.addi %parallel_loop3A_229, %rem3A_99 : i32
      %parallel_loop3A_231 = arith.constant 200 : i32
      %parallel_loop3A_232 = arith.cmpi sge, %parallel_loop3A_230, %parallel_loop3A_231 : i32
      %parallel_loop3A_233 = arith.constant 200 : i32
      %parallel_loop3A_234 = arith.subi %parallel_loop3A_230, %parallel_loop3A_233 : i32
      %parallel_loop3A_235 = arith.select %parallel_loop3A_232, %parallel_loop3A_234, %parallel_loop3A_230 : i32
      %parallel_loop3A_236 = arith.index_cast %parallel_loop3A_229 : i32 to index
      %parallel_loop3A_237 = arith.constant 0 : index
      %parallel_loop3A_238 = tpu.vector_load %arg11[%parallel_loop3A_236, %parallel_loop3A_237] {strides = array<i32>} : memref<160x128xf32, #tpu.memory_space<vmem>>, vector<1x16xf32>,
      %parallel_loop3A_239 = vector.shape_cast %parallel_loop3A_238 : vector<1x16xf32> to vector<16xf32>
      %parallel_loop3A_240 = arith.index_cast %parallel_loop3A_235 : i32 to index
      %parallel_loop3A_241 = arith.constant 0 : index
      %parallel_loop3A_242 = tpu.vector_load %arg6[%parallel_loop3A_240, %parallel_loop3A_241] {strides = array<i32>} : memref<200x128xf32, #tpu.memory_space<vmem>>, vector<1x16xf32>,
      %parallel_loop3A_243 = vector.shape_cast %parallel_loop3A_242 : vector<1x16xf32> to vector<16xf32>
      %parallel_loop3A_244 = arith.addf %parallel_loop3A_239, %parallel_loop3A_243 : vector<16xf32>
      %parallel_loop3A_245 = arith.index_cast %parallel_loop3A_229 : i32 to index
      %parallel_loop3A_246 = arith.constant 0 : index
      %parallel_loop3A_247 = tpu.vector_load %arg11[%parallel_loop3A_245, %parallel_loop3A_246] {strides = array<i32>} : memref<160x128xf32, #tpu.memory_space<vmem>>, vector<1x16xf32>,
      %parallel_loop3A_248 = vector.shape_cast %parallel_loop3A_247 : vector<1x16xf32> to vector<16xf32>
      %parallel_loop3A_249 = vector.shape_cast %parallel_loop3A_244 : vector<16xf32> to vector<1x16xf32>
      tpu.vector_store %arg11[%parallel_loop3A_245, %parallel_loop3A_246], %parallel_loop3A_249 {strides = array<i32>} : memref<160x128xf32, #tpu.memory_space<vmem>>, vector<1x16xf32>,
      %parallel_loop3A_250 = arith.index_cast %parallel_loop3A_229 : i32 to index
      %parallel_loop3A_251 = arith.constant 16 : index
      %parallel_loop3A_252 = tpu.vector_load %arg11[%parallel_loop3A_250, %parallel_loop3A_251] {strides = array<i32>} : memref<160x128xf32, #tpu.memory_space<vmem>>, vector<1x16xf32>,
      %parallel_loop3A_253 = vector.shape_cast %parallel_loop3A_252 : vector<1x16xf32> to vector<16xf32>
      %parallel_loop3A_254 = arith.index_cast %parallel_loop3A_235 : i32 to index
      %parallel_loop3A_255 = arith.constant 16 : index
      %parallel_loop3A_256 = tpu.vector_load %arg6[%parallel_loop3A_254, %parallel_loop3A_255] {strides = array<i32>} : memref<200x128xf32, #tpu.memory_space<vmem>>, vector<1x16xf32>,
      %parallel_loop3A_257 = vector.shape_cast %parallel_loop3A_256 : vector<1x16xf32> to vector<16xf32>
      %parallel_loop3A_258 = arith.addf %parallel_loop3A_253, %parallel_loop3A_257 : vector<16xf32>
      %parallel_loop3A_259 = arith.index_cast %parallel_loop3A_229 : i32 to index
      %parallel_loop3A_260 = arith.constant 16 : index
      %parallel_loop3A_261 = tpu.vector_load %arg11[%parallel_loop3A_259, %parallel_loop3A_260] {strides = array<i32>} : memref<160x128xf32, #tpu.memory_space<vmem>>, vector<1x16xf32>,
      %parallel_loop3A_262 = vector.shape_cast %parallel_loop3A_261 : vector<1x16xf32> to vector<16xf32>
      %parallel_loop3A_263 = vector.shape_cast %parallel_loop3A_258 : vector<16xf32> to vector<1x16xf32>
      tpu.vector_store %arg11[%parallel_loop3A_259, %parallel_loop3A_260], %parallel_loop3A_263 {strides = array<i32>} : memref<160x128xf32, #tpu.memory_space<vmem>>, vector<1x16xf32>,
      %parallel_loop3A_264 = arith.index_cast %parallel_loop3A_229 : i32 to index
      %parallel_loop3A_265 = arith.constant 32 : index
      %parallel_loop3A_266 = tpu.vector_load %arg11[%parallel_loop3A_264, %parallel_loop3A_265] {strides = array<i32>} : memref<160x128xf32, #tpu.memory_space<vmem>>, vector<1x16xf32>,
      %parallel_loop3A_267 = vector.shape_cast %parallel_loop3A_266 : vector<1x16xf32> to vector<16xf32>
      %parallel_loop3A_268 = arith.index_cast %parallel_loop3A_235 : i32 to index
      %parallel_loop3A_269 = arith.constant 32 : index
      %parallel_loop3A_270 = tpu.vector_load %arg6[%parallel_loop3A_268, %parallel_loop3A_269] {strides = array<i32>} : memref<200x128xf32, #tpu.memory_space<vmem>>, vector<1x16xf32>,
      %parallel_loop3A_271 = vector.shape_cast %parallel_loop3A_270 : vector<1x16xf32> to vector<16xf32>
      %parallel_loop3A_272 = arith.addf %parallel_loop3A_267, %parallel_loop3A_271 : vector<16xf32>
      %parallel_loop3A_273 = arith.index_cast %parallel_loop3A_229 : i32 to index
      %parallel_loop3A_274 = arith.constant 32 : index
      %parallel_loop3A_275 = tpu.vector_load %arg11[%parallel_loop3A_273, %parallel_loop3A_274] {strides = array<i32>} : memref<160x128xf32, #tpu.memory_space<vmem>>, vector<1x16xf32>,
      %parallel_loop3A_276 = vector.shape_cast %parallel_loop3A_275 : vector<1x16xf32> to vector<16xf32>
      %parallel_loop3A_277 = vector.shape_cast %parallel_loop3A_272 : vector<16xf32> to vector<1x16xf32>
      tpu.vector_store %arg11[%parallel_loop3A_273, %parallel_loop3A_274], %parallel_loop3A_277 {strides = array<i32>} : memref<160x128xf32, #tpu.memory_space<vmem>>, vector<1x16xf32>,
      %parallel_loop3A_278 = arith.index_cast %parallel_loop3A_229 : i32 to index
      %parallel_loop3A_279 = arith.constant 48 : index
      %parallel_loop3A_280 = tpu.vector_load %arg11[%parallel_loop3A_278, %parallel_loop3A_279] {strides = array<i32>} : memref<160x128xf32, #tpu.memory_space<vmem>>, vector<1x16xf32>,
      %parallel_loop3A_281 = vector.shape_cast %parallel_loop3A_280 : vector<1x16xf32> to vector<16xf32>
      %parallel_loop3A_282 = arith.index_cast %parallel_loop3A_235 : i32 to index
      %parallel_loop3A_283 = arith.constant 48 : index
      %parallel_loop3A_284 = tpu.vector_load %arg6[%parallel_loop3A_282, %parallel_loop3A_283] {strides = array<i32>} : memref<200x128xf32, #tpu.memory_space<vmem>>, vector<1x16xf32>,
      %parallel_loop3A_285 = vector.shape_cast %parallel_loop3A_284 : vector<1x16xf32> to vector<16xf32>
      %parallel_loop3A_286 = arith.addf %parallel_loop3A_281, %parallel_loop3A_285 : vector<16xf32>
      %parallel_loop3A_287 = arith.index_cast %parallel_loop3A_229 : i32 to index
      %parallel_loop3A_288 = arith.constant 48 : index
      %parallel_loop3A_289 = tpu.vector_load %arg11[%parallel_loop3A_287, %parallel_loop3A_288] {strides = array<i32>} : memref<160x128xf32, #tpu.memory_space<vmem>>, vector<1x16xf32>,
      %parallel_loop3A_290 = vector.shape_cast %parallel_loop3A_289 : vector<1x16xf32> to vector<16xf32>
      %parallel_loop3A_291 = vector.shape_cast %parallel_loop3A_286 : vector<16xf32> to vector<1x16xf32>
      tpu.vector_store %arg11[%parallel_loop3A_287, %parallel_loop3A_288], %parallel_loop3A_291 {strides = array<i32>} : memref<160x128xf32, #tpu.memory_space<vmem>>, vector<1x16xf32>,
      %parallel_loop3A_292 = arith.index_cast %parallel_loop3A_229 : i32 to index
      %parallel_loop3A_293 = arith.constant 64 : index
      %parallel_loop3A_294 = tpu.vector_load %arg11[%parallel_loop3A_292, %parallel_loop3A_293] {strides = array<i32>} : memref<160x128xf32, #tpu.memory_space<vmem>>, vector<1x16xf32>,
      %parallel_loop3A_295 = vector.shape_cast %parallel_loop3A_294 : vector<1x16xf32> to vector<16xf32>
      %parallel_loop3A_296 = arith.index_cast %parallel_loop3A_235 : i32 to index
      %parallel_loop3A_297 = arith.constant 64 : index
      %parallel_loop3A_298 = tpu.vector_load %arg6[%parallel_loop3A_296, %parallel_loop3A_297] {strides = array<i32>} : memref<200x128xf32, #tpu.memory_space<vmem>>, vector<1x16xf32>,
      %parallel_loop3A_299 = vector.shape_cast %parallel_loop3A_298 : vector<1x16xf32> to vector<16xf32>
      %parallel_loop3A_300 = arith.addf %parallel_loop3A_295, %parallel_loop3A_299 : vector<16xf32>
      %parallel_loop3A_301 = arith.index_cast %parallel_loop3A_229 : i32 to index
      %parallel_loop3A_302 = arith.constant 64 : index
      %parallel_loop3A_303 = tpu.vector_load %arg11[%parallel_loop3A_301, %parallel_loop3A_302] {strides = array<i32>} : memref<160x128xf32, #tpu.memory_space<vmem>>, vector<1x16xf32>,
      %parallel_loop3A_304 = vector.shape_cast %parallel_loop3A_303 : vector<1x16xf32> to vector<16xf32>
      %parallel_loop3A_305 = vector.shape_cast %parallel_loop3A_300 : vector<16xf32> to vector<1x16xf32>
      tpu.vector_store %arg11[%parallel_loop3A_301, %parallel_loop3A_302], %parallel_loop3A_305 {strides = array<i32>} : memref<160x128xf32, #tpu.memory_space<vmem>>, vector<1x16xf32>,
      %parallel_loop3A_306 = arith.index_cast %parallel_loop3A_229 : i32 to index
      %parallel_loop3A_307 = arith.constant 80 : index
      %parallel_loop3A_308 = tpu.vector_load %arg11[%parallel_loop3A_306, %parallel_loop3A_307] {strides = array<i32>} : memref<160x128xf32, #tpu.memory_space<vmem>>, vector<1x16xf32>,
      %parallel_loop3A_309 = vector.shape_cast %parallel_loop3A_308 : vector<1x16xf32> to vector<16xf32>
      %parallel_loop3A_310 = arith.index_cast %parallel_loop3A_235 : i32 to index
      %parallel_loop3A_311 = arith.constant 80 : index
      %parallel_loop3A_312 = tpu.vector_load %arg6[%parallel_loop3A_310, %parallel_loop3A_311] {strides = array<i32>} : memref<200x128xf32, #tpu.memory_space<vmem>>, vector<1x16xf32>,
      %parallel_loop3A_313 = vector.shape_cast %parallel_loop3A_312 : vector<1x16xf32> to vector<16xf32>
      %parallel_loop3A_314 = arith.addf %parallel_loop3A_309, %parallel_loop3A_313 : vector<16xf32>
      %parallel_loop3A_315 = arith.index_cast %parallel_loop3A_229 : i32 to index
      %parallel_loop3A_316 = arith.constant 80 : index
      %parallel_loop3A_317 = tpu.vector_load %arg11[%parallel_loop3A_315, %parallel_loop3A_316] {strides = array<i32>} : memref<160x128xf32, #tpu.memory_space<vmem>>, vector<1x16xf32>,
      %parallel_loop3A_318 = vector.shape_cast %parallel_loop3A_317 : vector<1x16xf32> to vector<16xf32>
      %parallel_loop3A_319 = vector.shape_cast %parallel_loop3A_314 : vector<16xf32> to vector<1x16xf32>
      tpu.vector_store %arg11[%parallel_loop3A_315, %parallel_loop3A_316], %parallel_loop3A_319 {strides = array<i32>} : memref<160x128xf32, #tpu.memory_space<vmem>>, vector<1x16xf32>,
      %parallel_loop3A_320 = arith.index_cast %parallel_loop3A_229 : i32 to index
      %parallel_loop3A_321 = arith.constant 96 : index
      %parallel_loop3A_322 = tpu.vector_load %arg11[%parallel_loop3A_320, %parallel_loop3A_321] {strides = array<i32>} : memref<160x128xf32, #tpu.memory_space<vmem>>, vector<1x16xf32>,
      %parallel_loop3A_323 = vector.shape_cast %parallel_loop3A_322 : vector<1x16xf32> to vector<16xf32>
      %parallel_loop3A_324 = arith.index_cast %parallel_loop3A_235 : i32 to index
      %parallel_loop3A_325 = arith.constant 96 : index
      %parallel_loop3A_326 = tpu.vector_load %arg6[%parallel_loop3A_324, %parallel_loop3A_325] {strides = array<i32>} : memref<200x128xf32, #tpu.memory_space<vmem>>, vector<1x16xf32>,
      %parallel_loop3A_327 = vector.shape_cast %parallel_loop3A_326 : vector<1x16xf32> to vector<16xf32>
      %parallel_loop3A_328 = arith.addf %parallel_loop3A_323, %parallel_loop3A_327 : vector<16xf32>
      %parallel_loop3A_329 = arith.index_cast %parallel_loop3A_229 : i32 to index
      %parallel_loop3A_330 = arith.constant 96 : index
      %parallel_loop3A_331 = tpu.vector_load %arg11[%parallel_loop3A_329, %parallel_loop3A_330] {strides = array<i32>} : memref<160x128xf32, #tpu.memory_space<vmem>>, vector<1x16xf32>,
      %parallel_loop3A_332 = vector.shape_cast %parallel_loop3A_331 : vector<1x16xf32> to vector<16xf32>
      %parallel_loop3A_333 = vector.shape_cast %parallel_loop3A_328 : vector<16xf32> to vector<1x16xf32>
      tpu.vector_store %arg11[%parallel_loop3A_329, %parallel_loop3A_330], %parallel_loop3A_333 {strides = array<i32>} : memref<160x128xf32, #tpu.memory_space<vmem>>, vector<1x16xf32>,
      %parallel_loop3A_334 = arith.index_cast %parallel_loop3A_229 : i32 to index
      %parallel_loop3A_335 = arith.constant 112 : index
      %parallel_loop3A_336 = tpu.vector_load %arg11[%parallel_loop3A_334, %parallel_loop3A_335] {strides = array<i32>} : memref<160x128xf32, #tpu.memory_space<vmem>>, vector<1x16xf32>,
      %parallel_loop3A_337 = vector.shape_cast %parallel_loop3A_336 : vector<1x16xf32> to vector<16xf32>
      %parallel_loop3A_338 = arith.index_cast %parallel_loop3A_235 : i32 to index
      %parallel_loop3A_339 = arith.constant 112 : index
      %parallel_loop3A_340 = tpu.vector_load %arg6[%parallel_loop3A_338, %parallel_loop3A_339] {strides = array<i32>} : memref<200x128xf32, #tpu.memory_space<vmem>>, vector<1x16xf32>,
      %parallel_loop3A_341 = vector.shape_cast %parallel_loop3A_340 : vector<1x16xf32> to vector<16xf32>
      %parallel_loop3A_342 = arith.addf %parallel_loop3A_337, %parallel_loop3A_341 : vector<16xf32>
      %parallel_loop3A_343 = arith.index_cast %parallel_loop3A_229 : i32 to index
      %parallel_loop3A_344 = arith.constant 112 : index
      %parallel_loop3A_345 = tpu.vector_load %arg11[%parallel_loop3A_343, %parallel_loop3A_344] {strides = array<i32>} : memref<160x128xf32, #tpu.memory_space<vmem>>, vector<1x16xf32>,
      %parallel_loop3A_346 = vector.shape_cast %parallel_loop3A_345 : vector<1x16xf32> to vector<16xf32>
      %parallel_loop3A_347 = vector.shape_cast %parallel_loop3A_342 : vector<16xf32> to vector<1x16xf32>
      tpu.vector_store %arg11[%parallel_loop3A_343, %parallel_loop3A_344], %parallel_loop3A_347 {strides = array<i32>} : memref<160x128xf32, #tpu.memory_space<vmem>>, vector<1x16xf32>,
    } {sc.loop_unroll_factor = 4 : i64, sc.parallel_access}
    %add3A_103 = arith.constant 480 : i32
    %add3A_104 = arith.addi %mul3A_2, %add3A_103 : i32
    %dma_start3A_105 = arith.constant 0 : i32
    %dma_start3A_106 = tpu.memref_slice %arg5[%add3A_104, %dma_start3A_105] : memref<204800x128xf32, #tpu.memory_space<hbm>> -> memref<160x128xf32, #tpu.memory_space<hbm>>
    %dma_start3A_107 = arith.constant 0 : i32
    %dma_start3A_108 = tpu.memref_slice %arg5[%add3A_104, %dma_start3A_107] : memref<204800x128xf32, #tpu.memory_space<hbm>> -> memref<160x128xf32, #tpu.memory_space<hbm>>
    tpu.enqueue_dma source(%arg11 : memref<160x128xf32, #tpu.memory_space<vmem>>) target(%dma_start3A_108 : memref<160x128xf32, #tpu.memory_space<hbm>>) target_semaphore(%arg19 : memref<!tpu.dma_semaphore, #tpu.memory_space<semaphore_mem>>)
    %scan3A = arith.constant 0 : i32
    %scan3A_109 = arith.constant 1 : i32
    %scan3A_110 = arith.constant 8 : i32
    %scan3A_111 = arith.addi %scan3A_109, %scan3A_110 : i32
    %scan3A_112 = arith.constant 1 : i32
    %scan3A_113 = scf.for %scan3A_229 = %scan3A_109 to %scan3A_111 step %scan3A_112 iter_args(%scan3A_230 = %scan3A) -> (i32)  : i32 {
      %mul3A_231 = arith.constant 4 : i32
      %mul3A_232 = arith.muli %scan3A_229, %mul3A_231 : i32
      %add3A_233 = arith.constant 0 : i32
      %add3A_234 = arith.addi %mul3A_232, %add3A_233 : i32
      %sub3A = arith.constant 2 : i32
      %sub3A_235 = arith.subi %add3A_234, %sub3A : i32
      %mul3A_236 = arith.constant 160 : i32
      %mul3A_237 = arith.muli %sub3A_235, %mul3A_236 : i32
      %add3A_238 = arith.addi %mul3A_2, %mul3A_237 : i32
      %dma_wait3A_239 = arith.constant 0 : i32
      %dma_wait3A_240 = tpu.memref_slice %arg5[%add3A_238, %dma_wait3A_239] : memref<204800x128xf32, #tpu.memory_space<hbm>> -> memref<160x128xf32, #tpu.memory_space<hbm>>
      %dma_wait3A_241 = arith.constant 0 : i32
      %dma_wait3A_242 = tpu.memref_slice %arg5[%add3A_238, %dma_wait3A_241] : memref<204800x128xf32, #tpu.memory_space<hbm>> -> memref<160x128xf32, #tpu.memory_space<hbm>>
      tpu.wait_dma2 semaphore(%arg18 : memref<!tpu.dma_semaphore, #tpu.memory_space<semaphore_mem>>) src(%arg10 : memref<160x128xf32, #tpu.memory_space<vmem>>) dst(%dma_wait3A_242 : memref<160x128xf32, #tpu.memory_space<hbm>>)
      %add3A_243 = arith.constant 2 : i32
      %add3A_244 = arith.addi %add3A_234, %add3A_243 : i32
      %mul3A_245 = arith.constant 160 : i32
      %mul3A_246 = arith.muli %add3A_244, %mul3A_245 : i32
      %dma_start3A_247 = tpu.memref_slice %arg7[%mul3A_246] : memref<6400xi32, #tpu.memory_space<vmem>> -> memref<160xi32, #tpu.memory_space<vmem>>
      %dma_start3A_248 = arith.constant 0 : i32
      %dma_start3A_249 = arith.constant 0 : i32
      %dma_start3A_250 = tpu.memref_slice %arg3[%dma_start3A_248, %dma_start3A_249] : memref<100000x128xf32, #tpu.memory_space<hbm>> -> memref<100000x128xf32, #tpu.memory_space<hbm>>
      tpu.enqueue_indirect_dma source(%dma_start3A_250 : memref<100000x128xf32, #tpu.memory_space<hbm>>) target(%arg10 : memref<160x128xf32, #tpu.memory_space<vmem>>) offsets(%dma_start3A_247 : memref<160xi32, #tpu.memory_space<vmem>>) semaphore(%arg14 : memref<!tpu.dma_semaphore, #tpu.memory_space<semaphore_mem>>)
      %mul3A_251 = arith.constant 160 : i32
      %mul3A_252 = arith.muli %add3A_234, %mul3A_251 : i32
      %dma_wait3A_253 = tpu.memref_slice %arg7[%mul3A_252] : memref<6400xi32, #tpu.memory_space<vmem>> -> memref<160xi32, #tpu.memory_space<vmem>>
      %dma_wait3A_254 = arith.constant 0 : i32
      %dma_wait3A_255 = arith.constant 0 : i32
      %dma_wait3A_256 = tpu.memref_slice %arg3[%dma_wait3A_254, %dma_wait3A_255] : memref<100000x128xf32, #tpu.memory_space<hbm>> -> memref<100000x128xf32, #tpu.memory_space<hbm>>
      tpu.wait_indirect_dma semaphore(%arg12 : memref<!tpu.dma_semaphore, #tpu.memory_space<semaphore_mem>>) src(%dma_wait3A_256 : memref<100000x128xf32, #tpu.memory_space<hbm>>) dst(%arg8 : memref<160x128xf32, #tpu.memory_space<vmem>>)
      %mul3A_257 = arith.constant 160 : i32
      %mul3A_258 = arith.muli %add3A_234, %mul3A_257 : i32
      %rem3A_259 = arith.constant 200 : i32
      %rem3A_260 = arith.remsi %mul3A_258, %rem3A_259 : i32
      %parallel_loop3A_261 = arith.constant 0 : i32
      %parallel_loop3A_262 = arith.constant 160 : i32
      %parallel_loop3A_263 = arith.constant 1 : i32
      scf.for %parallel_loop3A_389 = %parallel_loop3A_261 to %parallel_loop3A_262 step %parallel_loop3A_263  : i32 {
        %parallel_loop3A_390 = arith.addi %parallel_loop3A_389, %rem3A_260 : i32
        %parallel_loop3A_391 = arith.constant 200 : i32
        %parallel_loop3A_392 = arith.cmpi sge, %parallel_loop3A_390, %parallel_loop3A_391 : i32
        %parallel_loop3A_393 = arith.constant 200 : i32
        %parallel_loop3A_394 = arith.subi %parallel_loop3A_390, %parallel_loop3A_393 : i32
        %parallel_loop3A_395 = arith.select %parallel_loop3A_392, %parallel_loop3A_394, %parallel_loop3A_390 : i32
        %parallel_loop3A_396 = arith.index_cast %parallel_loop3A_389 : i32 to index
        %parallel_loop3A_397 = arith.constant 0 : index
        %parallel_loop3A_398 = tpu.vector_load %arg8[%parallel_loop3A_396, %parallel_loop3A_397] {strides = array<i32>} : memref<160x128xf32, #tpu.memory_space<vmem>>, vector<1x16xf32>,
        %parallel_loop3A_399 = vector.shape_cast %parallel_loop3A_398 : vector<1x16xf32> to vector<16xf32>
        %parallel_loop3A_400 = arith.index_cast %parallel_loop3A_395 : i32 to index
        %parallel_loop3A_401 = arith.constant 0 : index
        %parallel_loop3A_402 = tpu.vector_load %arg6[%parallel_loop3A_400, %parallel_loop3A_401] {strides = array<i32>} : memref<200x128xf32, #tpu.memory_space<vmem>>, vector<1x16xf32>,
        %parallel_loop3A_403 = vector.shape_cast %parallel_loop3A_402 : vector<1x16xf32> to vector<16xf32>
        %parallel_loop3A_404 = arith.addf %parallel_loop3A_399, %parallel_loop3A_403 : vector<16xf32>
        %parallel_loop3A_405 = arith.index_cast %parallel_loop3A_389 : i32 to index
        %parallel_loop3A_406 = arith.constant 0 : index
        %parallel_loop3A_407 = tpu.vector_load %arg8[%parallel_loop3A_405, %parallel_loop3A_406] {strides = array<i32>} : memref<160x128xf32, #tpu.memory_space<vmem>>, vector<1x16xf32>,
        %parallel_loop3A_408 = vector.shape_cast %parallel_loop3A_407 : vector<1x16xf32> to vector<16xf32>
        %parallel_loop3A_409 = vector.shape_cast %parallel_loop3A_404 : vector<16xf32> to vector<1x16xf32>
        tpu.vector_store %arg8[%parallel_loop3A_405, %parallel_loop3A_406], %parallel_loop3A_409 {strides = array<i32>} : memref<160x128xf32, #tpu.memory_space<vmem>>, vector<1x16xf32>,
        %parallel_loop3A_410 = arith.index_cast %parallel_loop3A_389 : i32 to index
        %parallel_loop3A_411 = arith.constant 16 : index
        %parallel_loop3A_412 = tpu.vector_load %arg8[%parallel_loop3A_410, %parallel_loop3A_411] {strides = array<i32>} : memref<160x128xf32, #tpu.memory_space<vmem>>, vector<1x16xf32>,
        %parallel_loop3A_413 = vector.shape_cast %parallel_loop3A_412 : vector<1x16xf32> to vector<16xf32>
        %parallel_loop3A_414 = arith.index_cast %parallel_loop3A_395 : i32 to index
        %parallel_loop3A_415 = arith.constant 16 : index
        %parallel_loop3A_416 = tpu.vector_load %arg6[%parallel_loop3A_414, %parallel_loop3A_415] {strides = array<i32>} : memref<200x128xf32, #tpu.memory_space<vmem>>, vector<1x16xf32>,
        %parallel_loop3A_417 = vector.shape_cast %parallel_loop3A_416 : vector<1x16xf32> to vector<16xf32>
        %parallel_loop3A_418 = arith.addf %parallel_loop3A_413, %parallel_loop3A_417 : vector<16xf32>
        %parallel_loop3A_419 = arith.index_cast %parallel_loop3A_389 : i32 to index
        %parallel_loop3A_420 = arith.constant 16 : index
        %parallel_loop3A_421 = tpu.vector_load %arg8[%parallel_loop3A_419, %parallel_loop3A_420] {strides = array<i32>} : memref<160x128xf32, #tpu.memory_space<vmem>>, vector<1x16xf32>,
        %parallel_loop3A_422 = vector.shape_cast %parallel_loop3A_421 : vector<1x16xf32> to vector<16xf32>
        %parallel_loop3A_423 = vector.shape_cast %parallel_loop3A_418 : vector<16xf32> to vector<1x16xf32>
        tpu.vector_store %arg8[%parallel_loop3A_419, %parallel_loop3A_420], %parallel_loop3A_423 {strides = array<i32>} : memref<160x128xf32, #tpu.memory_space<vmem>>, vector<1x16xf32>,
        %parallel_loop3A_424 = arith.index_cast %parallel_loop3A_389 : i32 to index
        %parallel_loop3A_425 = arith.constant 32 : index
        %parallel_loop3A_426 = tpu.vector_load %arg8[%parallel_loop3A_424, %parallel_loop3A_425] {strides = array<i32>} : memref<160x128xf32, #tpu.memory_space<vmem>>, vector<1x16xf32>,
        %parallel_loop3A_427 = vector.shape_cast %parallel_loop3A_426 : vector<1x16xf32> to vector<16xf32>
        %parallel_loop3A_428 = arith.index_cast %parallel_loop3A_395 : i32 to index
        %parallel_loop3A_429 = arith.constant 32 : index
        %parallel_loop3A_430 = tpu.vector_load %arg6[%parallel_loop3A_428, %parallel_loop3A_429] {strides = array<i32>} : memref<200x128xf32, #tpu.memory_space<vmem>>, vector<1x16xf32>,
        %parallel_loop3A_431 = vector.shape_cast %parallel_loop3A_430 : vector<1x16xf32> to vector<16xf32>
        %parallel_loop3A_432 = arith.addf %parallel_loop3A_427, %parallel_loop3A_431 : vector<16xf32>
        %parallel_loop3A_433 = arith.index_cast %parallel_loop3A_389 : i32 to index
        %parallel_loop3A_434 = arith.constant 32 : index
        %parallel_loop3A_435 = tpu.vector_load %arg8[%parallel_loop3A_433, %parallel_loop3A_434] {strides = array<i32>} : memref<160x128xf32, #tpu.memory_space<vmem>>, vector<1x16xf32>,
        %parallel_loop3A_436 = vector.shape_cast %parallel_loop3A_435 : vector<1x16xf32> to vector<16xf32>
        %parallel_loop3A_437 = vector.shape_cast %parallel_loop3A_432 : vector<16xf32> to vector<1x16xf32>
        tpu.vector_store %arg8[%parallel_loop3A_433, %parallel_loop3A_434], %parallel_loop3A_437 {strides = array<i32>} : memref<160x128xf32, #tpu.memory_space<vmem>>, vector<1x16xf32>,
        %parallel_loop3A_438 = arith.index_cast %parallel_loop3A_389 : i32 to index
        %parallel_loop3A_439 = arith.constant 48 : index
        %parallel_loop3A_440 = tpu.vector_load %arg8[%parallel_loop3A_438, %parallel_loop3A_439] {strides = array<i32>} : memref<160x128xf32, #tpu.memory_space<vmem>>, vector<1x16xf32>,
        %parallel_loop3A_441 = vector.shape_cast %parallel_loop3A_440 : vector<1x16xf32> to vector<16xf32>
        %parallel_loop3A_442 = arith.index_cast %parallel_loop3A_395 : i32 to index
        %parallel_loop3A_443 = arith.constant 48 : index
        %parallel_loop3A_444 = tpu.vector_load %arg6[%parallel_loop3A_442, %parallel_loop3A_443] {strides = array<i32>} : memref<200x128xf32, #tpu.memory_space<vmem>>, vector<1x16xf32>,
        %parallel_loop3A_445 = vector.shape_cast %parallel_loop3A_444 : vector<1x16xf32> to vector<16xf32>
        %parallel_loop3A_446 = arith.addf %parallel_loop3A_441, %parallel_loop3A_445 : vector<16xf32>
        %parallel_loop3A_447 = arith.index_cast %parallel_loop3A_389 : i32 to index
        %parallel_loop3A_448 = arith.constant 48 : index
        %parallel_loop3A_449 = tpu.vector_load %arg8[%parallel_loop3A_447, %parallel_loop3A_448] {strides = array<i32>} : memref<160x128xf32, #tpu.memory_space<vmem>>, vector<1x16xf32>,
        %parallel_loop3A_450 = vector.shape_cast %parallel_loop3A_449 : vector<1x16xf32> to vector<16xf32>
        %parallel_loop3A_451 = vector.shape_cast %parallel_loop3A_446 : vector<16xf32> to vector<1x16xf32>
        tpu.vector_store %arg8[%parallel_loop3A_447, %parallel_loop3A_448], %parallel_loop3A_451 {strides = array<i32>} : memref<160x128xf32, #tpu.memory_space<vmem>>, vector<1x16xf32>,
        %parallel_loop3A_452 = arith.index_cast %parallel_loop3A_389 : i32 to index
        %parallel_loop3A_453 = arith.constant 64 : index
        %parallel_loop3A_454 = tpu.vector_load %arg8[%parallel_loop3A_452, %parallel_loop3A_453] {strides = array<i32>} : memref<160x128xf32, #tpu.memory_space<vmem>>, vector<1x16xf32>,
        %parallel_loop3A_455 = vector.shape_cast %parallel_loop3A_454 : vector<1x16xf32> to vector<16xf32>
        %parallel_loop3A_456 = arith.index_cast %parallel_loop3A_395 : i32 to index
        %parallel_loop3A_457 = arith.constant 64 : index
        %parallel_loop3A_458 = tpu.vector_load %arg6[%parallel_loop3A_456, %parallel_loop3A_457] {strides = array<i32>} : memref<200x128xf32, #tpu.memory_space<vmem>>, vector<1x16xf32>,
        %parallel_loop3A_459 = vector.shape_cast %parallel_loop3A_458 : vector<1x16xf32> to vector<16xf32>
        %parallel_loop3A_460 = arith.addf %parallel_loop3A_455, %parallel_loop3A_459 : vector<16xf32>
        %parallel_loop3A_461 = arith.index_cast %parallel_loop3A_389 : i32 to index
        %parallel_loop3A_462 = arith.constant 64 : index
        %parallel_loop3A_463 = tpu.vector_load %arg8[%parallel_loop3A_461, %parallel_loop3A_462] {strides = array<i32>} : memref<160x128xf32, #tpu.memory_space<vmem>>, vector<1x16xf32>,
        %parallel_loop3A_464 = vector.shape_cast %parallel_loop3A_463 : vector<1x16xf32> to vector<16xf32>
        %parallel_loop3A_465 = vector.shape_cast %parallel_loop3A_460 : vector<16xf32> to vector<1x16xf32>
        tpu.vector_store %arg8[%parallel_loop3A_461, %parallel_loop3A_462], %parallel_loop3A_465 {strides = array<i32>} : memref<160x128xf32, #tpu.memory_space<vmem>>, vector<1x16xf32>,
        %parallel_loop3A_466 = arith.index_cast %parallel_loop3A_389 : i32 to index
        %parallel_loop3A_467 = arith.constant 80 : index
        %parallel_loop3A_468 = tpu.vector_load %arg8[%parallel_loop3A_466, %parallel_loop3A_467] {strides = array<i32>} : memref<160x128xf32, #tpu.memory_space<vmem>>, vector<1x16xf32>,
        %parallel_loop3A_469 = vector.shape_cast %parallel_loop3A_468 : vector<1x16xf32> to vector<16xf32>
        %parallel_loop3A_470 = arith.index_cast %parallel_loop3A_395 : i32 to index
        %parallel_loop3A_471 = arith.constant 80 : index
        %parallel_loop3A_472 = tpu.vector_load %arg6[%parallel_loop3A_470, %parallel_loop3A_471] {strides = array<i32>} : memref<200x128xf32, #tpu.memory_space<vmem>>, vector<1x16xf32>,
        %parallel_loop3A_473 = vector.shape_cast %parallel_loop3A_472 : vector<1x16xf32> to vector<16xf32>
        %parallel_loop3A_474 = arith.addf %parallel_loop3A_469, %parallel_loop3A_473 : vector<16xf32>
        %parallel_loop3A_475 = arith.index_cast %parallel_loop3A_389 : i32 to index
        %parallel_loop3A_476 = arith.constant 80 : index
        %parallel_loop3A_477 = tpu.vector_load %arg8[%parallel_loop3A_475, %parallel_loop3A_476] {strides = array<i32>} : memref<160x128xf32, #tpu.memory_space<vmem>>, vector<1x16xf32>,
        %parallel_loop3A_478 = vector.shape_cast %parallel_loop3A_477 : vector<1x16xf32> to vector<16xf32>
        %parallel_loop3A_479 = vector.shape_cast %parallel_loop3A_474 : vector<16xf32> to vector<1x16xf32>
        tpu.vector_store %arg8[%parallel_loop3A_475, %parallel_loop3A_476], %parallel_loop3A_479 {strides = array<i32>} : memref<160x128xf32, #tpu.memory_space<vmem>>, vector<1x16xf32>,
        %parallel_loop3A_480 = arith.index_cast %parallel_loop3A_389 : i32 to index
        %parallel_loop3A_481 = arith.constant 96 : index
        %parallel_loop3A_482 = tpu.vector_load %arg8[%parallel_loop3A_480, %parallel_loop3A_481] {strides = array<i32>} : memref<160x128xf32, #tpu.memory_space<vmem>>, vector<1x16xf32>,
        %parallel_loop3A_483 = vector.shape_cast %parallel_loop3A_482 : vector<1x16xf32> to vector<16xf32>
        %parallel_loop3A_484 = arith.index_cast %parallel_loop3A_395 : i32 to index
        %parallel_loop3A_485 = arith.constant 96 : index
        %parallel_loop3A_486 = tpu.vector_load %arg6[%parallel_loop3A_484, %parallel_loop3A_485] {strides = array<i32>} : memref<200x128xf32, #tpu.memory_space<vmem>>, vector<1x16xf32>,
        %parallel_loop3A_487 = vector.shape_cast %parallel_loop3A_486 : vector<1x16xf32> to vector<16xf32>
        %parallel_loop3A_488 = arith.addf %parallel_loop3A_483, %parallel_loop3A_487 : vector<16xf32>
        %parallel_loop3A_489 = arith.index_cast %parallel_loop3A_389 : i32 to index
        %parallel_loop3A_490 = arith.constant 96 : index
        %parallel_loop3A_491 = tpu.vector_load %arg8[%parallel_loop3A_489, %parallel_loop3A_490] {strides = array<i32>} : memref<160x128xf32, #tpu.memory_space<vmem>>, vector<1x16xf32>,
        %parallel_loop3A_492 = vector.shape_cast %parallel_loop3A_491 : vector<1x16xf32> to vector<16xf32>
        %parallel_loop3A_493 = vector.shape_cast %parallel_loop3A_488 : vector<16xf32> to vector<1x16xf32>
        tpu.vector_store %arg8[%parallel_loop3A_489, %parallel_loop3A_490], %parallel_loop3A_493 {strides = array<i32>} : memref<160x128xf32, #tpu.memory_space<vmem>>, vector<1x16xf32>,
        %parallel_loop3A_494 = arith.index_cast %parallel_loop3A_389 : i32 to index
        %parallel_loop3A_495 = arith.constant 112 : index
        %parallel_loop3A_496 = tpu.vector_load %arg8[%parallel_loop3A_494, %parallel_loop3A_495] {strides = array<i32>} : memref<160x128xf32, #tpu.memory_space<vmem>>, vector<1x16xf32>,
        %parallel_loop3A_497 = vector.shape_cast %parallel_loop3A_496 : vector<1x16xf32> to vector<16xf32>
        %parallel_loop3A_498 = arith.index_cast %parallel_loop3A_395 : i32 to index
        %parallel_loop3A_499 = arith.constant 112 : index
        %parallel_loop3A_500 = tpu.vector_load %arg6[%parallel_loop3A_498, %parallel_loop3A_499] {strides = array<i32>} : memref<200x128xf32, #tpu.memory_space<vmem>>, vector<1x16xf32>,
        %parallel_loop3A_501 = vector.shape_cast %parallel_loop3A_500 : vector<1x16xf32> to vector<16xf32>
        %parallel_loop3A_502 = arith.addf %parallel_loop3A_497, %parallel_loop3A_501 : vector<16xf32>
        %parallel_loop3A_503 = arith.index_cast %parallel_loop3A_389 : i32 to index
        %parallel_loop3A_504 = arith.constant 112 : index
        %parallel_loop3A_505 = tpu.vector_load %arg8[%parallel_loop3A_503, %parallel_loop3A_504] {strides = array<i32>} : memref<160x128xf32, #tpu.memory_space<vmem>>, vector<1x16xf32>,
        %parallel_loop3A_506 = vector.shape_cast %parallel_loop3A_505 : vector<1x16xf32> to vector<16xf32>
        %parallel_loop3A_507 = vector.shape_cast %parallel_loop3A_502 : vector<16xf32> to vector<1x16xf32>
        tpu.vector_store %arg8[%parallel_loop3A_503, %parallel_loop3A_504], %parallel_loop3A_507 {strides = array<i32>} : memref<160x128xf32, #tpu.memory_space<vmem>>, vector<1x16xf32>,
      } {sc.loop_unroll_factor = 4 : i64, sc.parallel_access}
      %mul3A_264 = arith.constant 160 : i32
      %mul3A_265 = arith.muli %add3A_234, %mul3A_264 : i32
      %add3A_266 = arith.addi %mul3A_2, %mul3A_265 : i32
      %dma_start3A_267 = arith.constant 0 : i32
      %dma_start3A_268 = tpu.memref_slice %arg5[%add3A_266, %dma_start3A_267] : memref<204800x128xf32, #tpu.memory_space<hbm>> -> memref<160x128xf32, #tpu.memory_space<hbm>>
      %dma_start3A_269 = arith.constant 0 : i32
      %dma_start3A_270 = tpu.memref_slice %arg5[%add3A_266, %dma_start3A_269] : memref<204800x128xf32, #tpu.memory_space<hbm>> -> memref<160x128xf32, #tpu.memory_space<hbm>>
      tpu.enqueue_dma source(%arg8 : memref<160x128xf32, #tpu.memory_space<vmem>>) target(%dma_start3A_270 : memref<160x128xf32, #tpu.memory_space<hbm>>) target_semaphore(%arg16 : memref<!tpu.dma_semaphore, #tpu.memory_space<semaphore_mem>>)
      %add3A_271 = arith.constant 1 : i32
      %add3A_272 = arith.addi %mul3A_232, %add3A_271 : i32
      %sub3A_273 = arith.constant 2 : i32
      %sub3A_274 = arith.subi %add3A_272, %sub3A_273 : i32
      %mul3A_275 = arith.constant 160 : i32
      %mul3A_276 = arith.muli %sub3A_274, %mul3A_275 : i32
      %add3A_277 = arith.addi %mul3A_2, %mul3A_276 : i32
      %dma_wait3A_278 = arith.constant 0 : i32
      %dma_wait3A_279 = tpu.memref_slice %arg5[%add3A_277, %dma_wait3A_278] : memref<204800x128xf32, #tpu.memory_space<hbm>> -> memref<160x128xf32, #tpu.memory_space<hbm>>
      %dma_wait3A_280 = arith.constant 0 : i32
      %dma_wait3A_281 = tpu.memref_slice %arg5[%add3A_277, %dma_wait3A_280] : memref<204800x128xf32, #tpu.memory_space<hbm>> -> memref<160x128xf32, #tpu.memory_space<hbm>>
      tpu.wait_dma2 semaphore(%arg19 : memref<!tpu.dma_semaphore, #tpu.memory_space<semaphore_mem>>) src(%arg11 : memref<160x128xf32, #tpu.memory_space<vmem>>) dst(%dma_wait3A_281 : memref<160x128xf32, #tpu.memory_space<hbm>>)
      %add3A_282 = arith.constant 2 : i32
      %add3A_283 = arith.addi %add3A_272, %add3A_282 : i32
      %mul3A_284 = arith.constant 160 : i32
      %mul3A_285 = arith.muli %add3A_283, %mul3A_284 : i32
      %dma_start3A_286 = tpu.memref_slice %arg7[%mul3A_285] : memref<6400xi32, #tpu.memory_space<vmem>> -> memref<160xi32, #tpu.memory_space<vmem>>
      %dma_start3A_287 = arith.constant 0 : i32
      %dma_start3A_288 = arith.constant 0 : i32
      %dma_start3A_289 = tpu.memref_slice %arg3[%dma_start3A_287, %dma_start3A_288] : memref<100000x128xf32, #tpu.memory_space<hbm>> -> memref<100000x128xf32, #tpu.memory_space<hbm>>
      tpu.enqueue_indirect_dma source(%dma_start3A_289 : memref<100000x128xf32, #tpu.memory_space<hbm>>) target(%arg11 : memref<160x128xf32, #tpu.memory_space<vmem>>) offsets(%dma_start3A_286 : memref<160xi32, #tpu.memory_space<vmem>>) semaphore(%arg15 : memref<!tpu.dma_semaphore, #tpu.memory_space<semaphore_mem>>)
      %mul3A_290 = arith.constant 160 : i32
      %mul3A_291 = arith.muli %add3A_272, %mul3A_290 : i32
      %dma_wait3A_292 = tpu.memref_slice %arg7[%mul3A_291] : memref<6400xi32, #tpu.memory_space<vmem>> -> memref<160xi32, #tpu.memory_space<vmem>>
      %dma_wait3A_293 = arith.constant 0 : i32
      %dma_wait3A_294 = arith.constant 0 : i32
      %dma_wait3A_295 = tpu.memref_slice %arg3[%dma_wait3A_293, %dma_wait3A_294] : memref<100000x128xf32, #tpu.memory_space<hbm>> -> memref<100000x128xf32, #tpu.memory_space<hbm>>
      tpu.wait_indirect_dma semaphore(%arg13 : memref<!tpu.dma_semaphore, #tpu.memory_space<semaphore_mem>>) src(%dma_wait3A_295 : memref<100000x128xf32, #tpu.memory_space<hbm>>) dst(%arg9 : memref<160x128xf32, #tpu.memory_space<vmem>>)
      %mul3A_296 = arith.constant 160 : i32
      %mul3A_297 = arith.muli %add3A_272, %mul3A_296 : i32
      %rem3A_298 = arith.constant 200 : i32
      %rem3A_299 = arith.remsi %mul3A_297, %rem3A_298 : i32
      %parallel_loop3A_300 = arith.constant 0 : i32
      %parallel_loop3A_301 = arith.constant 160 : i32
      %parallel_loop3A_302 = arith.constant 1 : i32
      scf.for %parallel_loop3A_389 = %parallel_loop3A_300 to %parallel_loop3A_301 step %parallel_loop3A_302  : i32 {
        %parallel_loop3A_390 = arith.addi %parallel_loop3A_389, %rem3A_299 : i32
        %parallel_loop3A_391 = arith.constant 200 : i32
        %parallel_loop3A_392 = arith.cmpi sge, %parallel_loop3A_390, %parallel_loop3A_391 : i32
        %parallel_loop3A_393 = arith.constant 200 : i32
        %parallel_loop3A_394 = arith.subi %parallel_loop3A_390, %parallel_loop3A_393 : i32
        %parallel_loop3A_395 = arith.select %parallel_loop3A_392, %parallel_loop3A_394, %parallel_loop3A_390 : i32
        %parallel_loop3A_396 = arith.index_cast %parallel_loop3A_389 : i32 to index
        %parallel_loop3A_397 = arith.constant 0 : index
        %parallel_loop3A_398 = tpu.vector_load %arg9[%parallel_loop3A_396, %parallel_loop3A_397] {strides = array<i32>} : memref<160x128xf32, #tpu.memory_space<vmem>>, vector<1x16xf32>,
        %parallel_loop3A_399 = vector.shape_cast %parallel_loop3A_398 : vector<1x16xf32> to vector<16xf32>
        %parallel_loop3A_400 = arith.index_cast %parallel_loop3A_395 : i32 to index
        %parallel_loop3A_401 = arith.constant 0 : index
        %parallel_loop3A_402 = tpu.vector_load %arg6[%parallel_loop3A_400, %parallel_loop3A_401] {strides = array<i32>} : memref<200x128xf32, #tpu.memory_space<vmem>>, vector<1x16xf32>,
        %parallel_loop3A_403 = vector.shape_cast %parallel_loop3A_402 : vector<1x16xf32> to vector<16xf32>
        %parallel_loop3A_404 = arith.addf %parallel_loop3A_399, %parallel_loop3A_403 : vector<16xf32>
        %parallel_loop3A_405 = arith.index_cast %parallel_loop3A_389 : i32 to index
        %parallel_loop3A_406 = arith.constant 0 : index
        %parallel_loop3A_407 = tpu.vector_load %arg9[%parallel_loop3A_405, %parallel_loop3A_406] {strides = array<i32>} : memref<160x128xf32, #tpu.memory_space<vmem>>, vector<1x16xf32>,
        %parallel_loop3A_408 = vector.shape_cast %parallel_loop3A_407 : vector<1x16xf32> to vector<16xf32>
        %parallel_loop3A_409 = vector.shape_cast %parallel_loop3A_404 : vector<16xf32> to vector<1x16xf32>
        tpu.vector_store %arg9[%parallel_loop3A_405, %parallel_loop3A_406], %parallel_loop3A_409 {strides = array<i32>} : memref<160x128xf32, #tpu.memory_space<vmem>>, vector<1x16xf32>,
        %parallel_loop3A_410 = arith.index_cast %parallel_loop3A_389 : i32 to index
        %parallel_loop3A_411 = arith.constant 16 : index
        %parallel_loop3A_412 = tpu.vector_load %arg9[%parallel_loop3A_410, %parallel_loop3A_411] {strides = array<i32>} : memref<160x128xf32, #tpu.memory_space<vmem>>, vector<1x16xf32>,
        %parallel_loop3A_413 = vector.shape_cast %parallel_loop3A_412 : vector<1x16xf32> to vector<16xf32>
        %parallel_loop3A_414 = arith.index_cast %parallel_loop3A_395 : i32 to index
        %parallel_loop3A_415 = arith.constant 16 : index
        %parallel_loop3A_416 = tpu.vector_load %arg6[%parallel_loop3A_414, %parallel_loop3A_415] {strides = array<i32>} : memref<200x128xf32, #tpu.memory_space<vmem>>, vector<1x16xf32>,
        %parallel_loop3A_417 = vector.shape_cast %parallel_loop3A_416 : vector<1x16xf32> to vector<16xf32>
        %parallel_loop3A_418 = arith.addf %parallel_loop3A_413, %parallel_loop3A_417 : vector<16xf32>
        %parallel_loop3A_419 = arith.index_cast %parallel_loop3A_389 : i32 to index
        %parallel_loop3A_420 = arith.constant 16 : index
        %parallel_loop3A_421 = tpu.vector_load %arg9[%parallel_loop3A_419, %parallel_loop3A_420] {strides = array<i32>} : memref<160x128xf32, #tpu.memory_space<vmem>>, vector<1x16xf32>,
        %parallel_loop3A_422 = vector.shape_cast %parallel_loop3A_421 : vector<1x16xf32> to vector<16xf32>
        %parallel_loop3A_423 = vector.shape_cast %parallel_loop3A_418 : vector<16xf32> to vector<1x16xf32>
        tpu.vector_store %arg9[%parallel_loop3A_419, %parallel_loop3A_420], %parallel_loop3A_423 {strides = array<i32>} : memref<160x128xf32, #tpu.memory_space<vmem>>, vector<1x16xf32>,
        %parallel_loop3A_424 = arith.index_cast %parallel_loop3A_389 : i32 to index
        %parallel_loop3A_425 = arith.constant 32 : index
        %parallel_loop3A_426 = tpu.vector_load %arg9[%parallel_loop3A_424, %parallel_loop3A_425] {strides = array<i32>} : memref<160x128xf32, #tpu.memory_space<vmem>>, vector<1x16xf32>,
        %parallel_loop3A_427 = vector.shape_cast %parallel_loop3A_426 : vector<1x16xf32> to vector<16xf32>
        %parallel_loop3A_428 = arith.index_cast %parallel_loop3A_395 : i32 to index
        %parallel_loop3A_429 = arith.constant 32 : index
        %parallel_loop3A_430 = tpu.vector_load %arg6[%parallel_loop3A_428, %parallel_loop3A_429] {strides = array<i32>} : memref<200x128xf32, #tpu.memory_space<vmem>>, vector<1x16xf32>,
        %parallel_loop3A_431 = vector.shape_cast %parallel_loop3A_430 : vector<1x16xf32> to vector<16xf32>
        %parallel_loop3A_432 = arith.addf %parallel_loop3A_427, %parallel_loop3A_431 : vector<16xf32>
        %parallel_loop3A_433 = arith.index_cast %parallel_loop3A_389 : i32 to index
        %parallel_loop3A_434 = arith.constant 32 : index
        %parallel_loop3A_435 = tpu.vector_load %arg9[%parallel_loop3A_433, %parallel_loop3A_434] {strides = array<i32>} : memref<160x128xf32, #tpu.memory_space<vmem>>, vector<1x16xf32>,
        %parallel_loop3A_436 = vector.shape_cast %parallel_loop3A_435 : vector<1x16xf32> to vector<16xf32>
        %parallel_loop3A_437 = vector.shape_cast %parallel_loop3A_432 : vector<16xf32> to vector<1x16xf32>
        tpu.vector_store %arg9[%parallel_loop3A_433, %parallel_loop3A_434], %parallel_loop3A_437 {strides = array<i32>} : memref<160x128xf32, #tpu.memory_space<vmem>>, vector<1x16xf32>,
        %parallel_loop3A_438 = arith.index_cast %parallel_loop3A_389 : i32 to index
        %parallel_loop3A_439 = arith.constant 48 : index
        %parallel_loop3A_440 = tpu.vector_load %arg9[%parallel_loop3A_438, %parallel_loop3A_439] {strides = array<i32>} : memref<160x128xf32, #tpu.memory_space<vmem>>, vector<1x16xf32>,
        %parallel_loop3A_441 = vector.shape_cast %parallel_loop3A_440 : vector<1x16xf32> to vector<16xf32>
        %parallel_loop3A_442 = arith.index_cast %parallel_loop3A_395 : i32 to index
        %parallel_loop3A_443 = arith.constant 48 : index
        %parallel_loop3A_444 = tpu.vector_load %arg6[%parallel_loop3A_442, %parallel_loop3A_443] {strides = array<i32>} : memref<200x128xf32, #tpu.memory_space<vmem>>, vector<1x16xf32>,
        %parallel_loop3A_445 = vector.shape_cast %parallel_loop3A_444 : vector<1x16xf32> to vector<16xf32>
        %parallel_loop3A_446 = arith.addf %parallel_loop3A_441, %parallel_loop3A_445 : vector<16xf32>
        %parallel_loop3A_447 = arith.index_cast %parallel_loop3A_389 : i32 to index
        %parallel_loop3A_448 = arith.constant 48 : index
        %parallel_loop3A_449 = tpu.vector_load %arg9[%parallel_loop3A_447, %parallel_loop3A_448] {strides = array<i32>} : memref<160x128xf32, #tpu.memory_space<vmem>>, vector<1x16xf32>,
        %parallel_loop3A_450 = vector.shape_cast %parallel_loop3A_449 : vector<1x16xf32> to vector<16xf32>
        %parallel_loop3A_451 = vector.shape_cast %parallel_loop3A_446 : vector<16xf32> to vector<1x16xf32>
        tpu.vector_store %arg9[%parallel_loop3A_447, %parallel_loop3A_448], %parallel_loop3A_451 {strides = array<i32>} : memref<160x128xf32, #tpu.memory_space<vmem>>, vector<1x16xf32>,
        %parallel_loop3A_452 = arith.index_cast %parallel_loop3A_389 : i32 to index
        %parallel_loop3A_453 = arith.constant 64 : index
        %parallel_loop3A_454 = tpu.vector_load %arg9[%parallel_loop3A_452, %parallel_loop3A_453] {strides = array<i32>} : memref<160x128xf32, #tpu.memory_space<vmem>>, vector<1x16xf32>,
        %parallel_loop3A_455 = vector.shape_cast %parallel_loop3A_454 : vector<1x16xf32> to vector<16xf32>
        %parallel_loop3A_456 = arith.index_cast %parallel_loop3A_395 : i32 to index
        %parallel_loop3A_457 = arith.constant 64 : index
        %parallel_loop3A_458 = tpu.vector_load %arg6[%parallel_loop3A_456, %parallel_loop3A_457] {strides = array<i32>} : memref<200x128xf32, #tpu.memory_space<vmem>>, vector<1x16xf32>,
        %parallel_loop3A_459 = vector.shape_cast %parallel_loop3A_458 : vector<1x16xf32> to vector<16xf32>
        %parallel_loop3A_460 = arith.addf %parallel_loop3A_455, %parallel_loop3A_459 : vector<16xf32>
        %parallel_loop3A_461 = arith.index_cast %parallel_loop3A_389 : i32 to index
        %parallel_loop3A_462 = arith.constant 64 : index
        %parallel_loop3A_463 = tpu.vector_load %arg9[%parallel_loop3A_461, %parallel_loop3A_462] {strides = array<i32>} : memref<160x128xf32, #tpu.memory_space<vmem>>, vector<1x16xf32>,
        %parallel_loop3A_464 = vector.shape_cast %parallel_loop3A_463 : vector<1x16xf32> to vector<16xf32>
        %parallel_loop3A_465 = vector.shape_cast %parallel_loop3A_460 : vector<16xf32> to vector<1x16xf32>
        tpu.vector_store %arg9[%parallel_loop3A_461, %parallel_loop3A_462], %parallel_loop3A_465 {strides = array<i32>} : memref<160x128xf32, #tpu.memory_space<vmem>>, vector<1x16xf32>,
        %parallel_loop3A_466 = arith.index_cast %parallel_loop3A_389 : i32 to index
        %parallel_loop3A_467 = arith.constant 80 : index
        %parallel_loop3A_468 = tpu.vector_load %arg9[%parallel_loop3A_466, %parallel_loop3A_467] {strides = array<i32>} : memref<160x128xf32, #tpu.memory_space<vmem>>, vector<1x16xf32>,
        %parallel_loop3A_469 = vector.shape_cast %parallel_loop3A_468 : vector<1x16xf32> to vector<16xf32>
        %parallel_loop3A_470 = arith.index_cast %parallel_loop3A_395 : i32 to index
        %parallel_loop3A_471 = arith.constant 80 : index
        %parallel_loop3A_472 = tpu.vector_load %arg6[%parallel_loop3A_470, %parallel_loop3A_471] {strides = array<i32>} : memref<200x128xf32, #tpu.memory_space<vmem>>, vector<1x16xf32>,
        %parallel_loop3A_473 = vector.shape_cast %parallel_loop3A_472 : vector<1x16xf32> to vector<16xf32>
        %parallel_loop3A_474 = arith.addf %parallel_loop3A_469, %parallel_loop3A_473 : vector<16xf32>
        %parallel_loop3A_475 = arith.index_cast %parallel_loop3A_389 : i32 to index
        %parallel_loop3A_476 = arith.constant 80 : index
        %parallel_loop3A_477 = tpu.vector_load %arg9[%parallel_loop3A_475, %parallel_loop3A_476] {strides = array<i32>} : memref<160x128xf32, #tpu.memory_space<vmem>>, vector<1x16xf32>,
        %parallel_loop3A_478 = vector.shape_cast %parallel_loop3A_477 : vector<1x16xf32> to vector<16xf32>
        %parallel_loop3A_479 = vector.shape_cast %parallel_loop3A_474 : vector<16xf32> to vector<1x16xf32>
        tpu.vector_store %arg9[%parallel_loop3A_475, %parallel_loop3A_476], %parallel_loop3A_479 {strides = array<i32>} : memref<160x128xf32, #tpu.memory_space<vmem>>, vector<1x16xf32>,
        %parallel_loop3A_480 = arith.index_cast %parallel_loop3A_389 : i32 to index
        %parallel_loop3A_481 = arith.constant 96 : index
        %parallel_loop3A_482 = tpu.vector_load %arg9[%parallel_loop3A_480, %parallel_loop3A_481] {strides = array<i32>} : memref<160x128xf32, #tpu.memory_space<vmem>>, vector<1x16xf32>,
        %parallel_loop3A_483 = vector.shape_cast %parallel_loop3A_482 : vector<1x16xf32> to vector<16xf32>
        %parallel_loop3A_484 = arith.index_cast %parallel_loop3A_395 : i32 to index
        %parallel_loop3A_485 = arith.constant 96 : index
        %parallel_loop3A_486 = tpu.vector_load %arg6[%parallel_loop3A_484, %parallel_loop3A_485] {strides = array<i32>} : memref<200x128xf32, #tpu.memory_space<vmem>>, vector<1x16xf32>,
        %parallel_loop3A_487 = vector.shape_cast %parallel_loop3A_486 : vector<1x16xf32> to vector<16xf32>
        %parallel_loop3A_488 = arith.addf %parallel_loop3A_483, %parallel_loop3A_487 : vector<16xf32>
        %parallel_loop3A_489 = arith.index_cast %parallel_loop3A_389 : i32 to index
        %parallel_loop3A_490 = arith.constant 96 : index
        %parallel_loop3A_491 = tpu.vector_load %arg9[%parallel_loop3A_489, %parallel_loop3A_490] {strides = array<i32>} : memref<160x128xf32, #tpu.memory_space<vmem>>, vector<1x16xf32>,
        %parallel_loop3A_492 = vector.shape_cast %parallel_loop3A_491 : vector<1x16xf32> to vector<16xf32>
        %parallel_loop3A_493 = vector.shape_cast %parallel_loop3A_488 : vector<16xf32> to vector<1x16xf32>
        tpu.vector_store %arg9[%parallel_loop3A_489, %parallel_loop3A_490], %parallel_loop3A_493 {strides = array<i32>} : memref<160x128xf32, #tpu.memory_space<vmem>>, vector<1x16xf32>,
        %parallel_loop3A_494 = arith.index_cast %parallel_loop3A_389 : i32 to index
        %parallel_loop3A_495 = arith.constant 112 : index
        %parallel_loop3A_496 = tpu.vector_load %arg9[%parallel_loop3A_494, %parallel_loop3A_495] {strides = array<i32>} : memref<160x128xf32, #tpu.memory_space<vmem>>, vector<1x16xf32>,
        %parallel_loop3A_497 = vector.shape_cast %parallel_loop3A_496 : vector<1x16xf32> to vector<16xf32>
        %parallel_loop3A_498 = arith.index_cast %parallel_loop3A_395 : i32 to index
        %parallel_loop3A_499 = arith.constant 112 : index
        %parallel_loop3A_500 = tpu.vector_load %arg6[%parallel_loop3A_498, %parallel_loop3A_499] {strides = array<i32>} : memref<200x128xf32, #tpu.memory_space<vmem>>, vector<1x16xf32>,
        %parallel_loop3A_501 = vector.shape_cast %parallel_loop3A_500 : vector<1x16xf32> to vector<16xf32>
        %parallel_loop3A_502 = arith.addf %parallel_loop3A_497, %parallel_loop3A_501 : vector<16xf32>
        %parallel_loop3A_503 = arith.index_cast %parallel_loop3A_389 : i32 to index
        %parallel_loop3A_504 = arith.constant 112 : index
        %parallel_loop3A_505 = tpu.vector_load %arg9[%parallel_loop3A_503, %parallel_loop3A_504] {strides = array<i32>} : memref<160x128xf32, #tpu.memory_space<vmem>>, vector<1x16xf32>,
        %parallel_loop3A_506 = vector.shape_cast %parallel_loop3A_505 : vector<1x16xf32> to vector<16xf32>
        %parallel_loop3A_507 = vector.shape_cast %parallel_loop3A_502 : vector<16xf32> to vector<1x16xf32>
        tpu.vector_store %arg9[%parallel_loop3A_503, %parallel_loop3A_504], %parallel_loop3A_507 {strides = array<i32>} : memref<160x128xf32, #tpu.memory_space<vmem>>, vector<1x16xf32>,
      } {sc.loop_unroll_factor = 4 : i64, sc.parallel_access}
      %mul3A_303 = arith.constant 160 : i32
      %mul3A_304 = arith.muli %add3A_272, %mul3A_303 : i32
      %add3A_305 = arith.addi %mul3A_2, %mul3A_304 : i32
      %dma_start3A_306 = arith.constant 0 : i32
      %dma_start3A_307 = tpu.memref_slice %arg5[%add3A_305, %dma_start3A_306] : memref<204800x128xf32, #tpu.memory_space<hbm>> -> memref<160x128xf32, #tpu.memory_space<hbm>>
      %dma_start3A_308 = arith.constant 0 : i32
      %dma_start3A_309 = tpu.memref_slice %arg5[%add3A_305, %dma_start3A_308] : memref<204800x128xf32, #tpu.memory_space<hbm>> -> memref<160x128xf32, #tpu.memory_space<hbm>>
      tpu.enqueue_dma source(%arg9 : memref<160x128xf32, #tpu.memory_space<vmem>>) target(%dma_start3A_309 : memref<160x128xf32, #tpu.memory_space<hbm>>) target_semaphore(%arg17 : memref<!tpu.dma_semaphore, #tpu.memory_space<semaphore_mem>>)
      %add3A_310 = arith.constant 2 : i32
      %add3A_311 = arith.addi %mul3A_232, %add3A_310 : i32
      %sub3A_312 = arith.constant 2 : i32
      %sub3A_313 = arith.subi %add3A_311, %sub3A_312 : i32
      %mul3A_314 = arith.constant 160 : i32
      %mul3A_315 = arith.muli %sub3A_313, %mul3A_314 : i32
      %add3A_316 = arith.addi %mul3A_2, %mul3A_315 : i32
      %dma_wait3A_317 = arith.constant 0 : i32
      %dma_wait3A_318 = tpu.memref_slice %arg5[%add3A_316, %dma_wait3A_317] : memref<204800x128xf32, #tpu.memory_space<hbm>> -> memref<160x128xf32, #tpu.memory_space<hbm>>
      %dma_wait3A_319 = arith.constant 0 : i32
      %dma_wait3A_320 = tpu.memref_slice %arg5[%add3A_316, %dma_wait3A_319] : memref<204800x128xf32, #tpu.memory_space<hbm>> -> memref<160x128xf32, #tpu.memory_space<hbm>>
      tpu.wait_dma2 semaphore(%arg16 : memref<!tpu.dma_semaphore, #tpu.memory_space<semaphore_mem>>) src(%arg8 : memref<160x128xf32, #tpu.memory_space<vmem>>) dst(%dma_wait3A_320 : memref<160x128xf32, #tpu.memory_space<hbm>>)
      %add3A_321 = arith.constant 2 : i32
      %add3A_322 = arith.addi %add3A_311, %add3A_321 : i32
      %mul3A_323 = arith.constant 160 : i32
      %mul3A_324 = arith.muli %add3A_322, %mul3A_323 : i32
      %dma_start3A_325 = tpu.memref_slice %arg7[%mul3A_324] : memref<6400xi32, #tpu.memory_space<vmem>> -> memref<160xi32, #tpu.memory_space<vmem>>
      %dma_start3A_326 = arith.constant 0 : i32
      %dma_start3A_327 = arith.constant 0 : i32
      %dma_start3A_328 = tpu.memref_slice %arg3[%dma_start3A_326, %dma_start3A_327] : memref<100000x128xf32, #tpu.memory_space<hbm>> -> memref<100000x128xf32, #tpu.memory_space<hbm>>
      tpu.enqueue_indirect_dma source(%dma_start3A_328 : memref<100000x128xf32, #tpu.memory_space<hbm>>) target(%arg8 : memref<160x128xf32, #tpu.memory_space<vmem>>) offsets(%dma_start3A_325 : memref<160xi32, #tpu.memory_space<vmem>>) semaphore(%arg12 : memref<!tpu.dma_semaphore, #tpu.memory_space<semaphore_mem>>)
      %mul3A_329 = arith.constant 160 : i32
      %mul3A_330 = arith.muli %add3A_311, %mul3A_329 : i32
      %dma_wait3A_331 = tpu.memref_slice %arg7[%mul3A_330] : memref<6400xi32, #tpu.memory_space<vmem>> -> memref<160xi32, #tpu.memory_space<vmem>>
      %dma_wait3A_332 = arith.constant 0 : i32
      %dma_wait3A_333 = arith.constant 0 : i32
      %dma_wait3A_334 = tpu.memref_slice %arg3[%dma_wait3A_332, %dma_wait3A_333] : memref<100000x128xf32, #tpu.memory_space<hbm>> -> memref<100000x128xf32, #tpu.memory_space<hbm>>
      tpu.wait_indirect_dma semaphore(%arg14 : memref<!tpu.dma_semaphore, #tpu.memory_space<semaphore_mem>>) src(%dma_wait3A_334 : memref<100000x128xf32, #tpu.memory_space<hbm>>) dst(%arg10 : memref<160x128xf32, #tpu.memory_space<vmem>>)
      %mul3A_335 = arith.constant 160 : i32
      %mul3A_336 = arith.muli %add3A_311, %mul3A_335 : i32
      %rem3A_337 = arith.constant 200 : i32
      %rem3A_338 = arith.remsi %mul3A_336, %rem3A_337 : i32
      %parallel_loop3A_339 = arith.constant 0 : i32
      %parallel_loop3A_340 = arith.constant 160 : i32
      %parallel_loop3A_341 = arith.constant 1 : i32
      scf.for %parallel_loop3A_389 = %parallel_loop3A_339 to %parallel_loop3A_340 step %parallel_loop3A_341  : i32 {
        %parallel_loop3A_390 = arith.addi %parallel_loop3A_389, %rem3A_338 : i32
        %parallel_loop3A_391 = arith.constant 200 : i32
        %parallel_loop3A_392 = arith.cmpi sge, %parallel_loop3A_390, %parallel_loop3A_391 : i32
        %parallel_loop3A_393 = arith.constant 200 : i32
        %parallel_loop3A_394 = arith.subi %parallel_loop3A_390, %parallel_loop3A_393 : i32
        %parallel_loop3A_395 = arith.select %parallel_loop3A_392, %parallel_loop3A_394, %parallel_loop3A_390 : i32
        %parallel_loop3A_396 = arith.index_cast %parallel_loop3A_389 : i32 to index
        %parallel_loop3A_397 = arith.constant 0 : index
        %parallel_loop3A_398 = tpu.vector_load %arg10[%parallel_loop3A_396, %parallel_loop3A_397] {strides = array<i32>} : memref<160x128xf32, #tpu.memory_space<vmem>>, vector<1x16xf32>,
        %parallel_loop3A_399 = vector.shape_cast %parallel_loop3A_398 : vector<1x16xf32> to vector<16xf32>
        %parallel_loop3A_400 = arith.index_cast %parallel_loop3A_395 : i32 to index
        %parallel_loop3A_401 = arith.constant 0 : index
        %parallel_loop3A_402 = tpu.vector_load %arg6[%parallel_loop3A_400, %parallel_loop3A_401] {strides = array<i32>} : memref<200x128xf32, #tpu.memory_space<vmem>>, vector<1x16xf32>,
        %parallel_loop3A_403 = vector.shape_cast %parallel_loop3A_402 : vector<1x16xf32> to vector<16xf32>
        %parallel_loop3A_404 = arith.addf %parallel_loop3A_399, %parallel_loop3A_403 : vector<16xf32>
        %parallel_loop3A_405 = arith.index_cast %parallel_loop3A_389 : i32 to index
        %parallel_loop3A_406 = arith.constant 0 : index
        %parallel_loop3A_407 = tpu.vector_load %arg10[%parallel_loop3A_405, %parallel_loop3A_406] {strides = array<i32>} : memref<160x128xf32, #tpu.memory_space<vmem>>, vector<1x16xf32>,
        %parallel_loop3A_408 = vector.shape_cast %parallel_loop3A_407 : vector<1x16xf32> to vector<16xf32>
        %parallel_loop3A_409 = vector.shape_cast %parallel_loop3A_404 : vector<16xf32> to vector<1x16xf32>
        tpu.vector_store %arg10[%parallel_loop3A_405, %parallel_loop3A_406], %parallel_loop3A_409 {strides = array<i32>} : memref<160x128xf32, #tpu.memory_space<vmem>>, vector<1x16xf32>,
        %parallel_loop3A_410 = arith.index_cast %parallel_loop3A_389 : i32 to index
        %parallel_loop3A_411 = arith.constant 16 : index
        %parallel_loop3A_412 = tpu.vector_load %arg10[%parallel_loop3A_410, %parallel_loop3A_411] {strides = array<i32>} : memref<160x128xf32, #tpu.memory_space<vmem>>, vector<1x16xf32>,
        %parallel_loop3A_413 = vector.shape_cast %parallel_loop3A_412 : vector<1x16xf32> to vector<16xf32>
        %parallel_loop3A_414 = arith.index_cast %parallel_loop3A_395 : i32 to index
        %parallel_loop3A_415 = arith.constant 16 : index
        %parallel_loop3A_416 = tpu.vector_load %arg6[%parallel_loop3A_414, %parallel_loop3A_415] {strides = array<i32>} : memref<200x128xf32, #tpu.memory_space<vmem>>, vector<1x16xf32>,
        %parallel_loop3A_417 = vector.shape_cast %parallel_loop3A_416 : vector<1x16xf32> to vector<16xf32>
        %parallel_loop3A_418 = arith.addf %parallel_loop3A_413, %parallel_loop3A_417 : vector<16xf32>
        %parallel_loop3A_419 = arith.index_cast %parallel_loop3A_389 : i32 to index
        %parallel_loop3A_420 = arith.constant 16 : index
        %parallel_loop3A_421 = tpu.vector_load %arg10[%parallel_loop3A_419, %parallel_loop3A_420] {strides = array<i32>} : memref<160x128xf32, #tpu.memory_space<vmem>>, vector<1x16xf32>,
        %parallel_loop3A_422 = vector.shape_cast %parallel_loop3A_421 : vector<1x16xf32> to vector<16xf32>
        %parallel_loop3A_423 = vector.shape_cast %parallel_loop3A_418 : vector<16xf32> to vector<1x16xf32>
        tpu.vector_store %arg10[%parallel_loop3A_419, %parallel_loop3A_420], %parallel_loop3A_423 {strides = array<i32>} : memref<160x128xf32, #tpu.memory_space<vmem>>, vector<1x16xf32>,
        %parallel_loop3A_424 = arith.index_cast %parallel_loop3A_389 : i32 to index
        %parallel_loop3A_425 = arith.constant 32 : index
        %parallel_loop3A_426 = tpu.vector_load %arg10[%parallel_loop3A_424, %parallel_loop3A_425] {strides = array<i32>} : memref<160x128xf32, #tpu.memory_space<vmem>>, vector<1x16xf32>,
        %parallel_loop3A_427 = vector.shape_cast %parallel_loop3A_426 : vector<1x16xf32> to vector<16xf32>
        %parallel_loop3A_428 = arith.index_cast %parallel_loop3A_395 : i32 to index
        %parallel_loop3A_429 = arith.constant 32 : index
        %parallel_loop3A_430 = tpu.vector_load %arg6[%parallel_loop3A_428, %parallel_loop3A_429] {strides = array<i32>} : memref<200x128xf32, #tpu.memory_space<vmem>>, vector<1x16xf32>,
        %parallel_loop3A_431 = vector.shape_cast %parallel_loop3A_430 : vector<1x16xf32> to vector<16xf32>
        %parallel_loop3A_432 = arith.addf %parallel_loop3A_427, %parallel_loop3A_431 : vector<16xf32>
        %parallel_loop3A_433 = arith.index_cast %parallel_loop3A_389 : i32 to index
        %parallel_loop3A_434 = arith.constant 32 : index
        %parallel_loop3A_435 = tpu.vector_load %arg10[%parallel_loop3A_433, %parallel_loop3A_434] {strides = array<i32>} : memref<160x128xf32, #tpu.memory_space<vmem>>, vector<1x16xf32>,
        %parallel_loop3A_436 = vector.shape_cast %parallel_loop3A_435 : vector<1x16xf32> to vector<16xf32>
        %parallel_loop3A_437 = vector.shape_cast %parallel_loop3A_432 : vector<16xf32> to vector<1x16xf32>
        tpu.vector_store %arg10[%parallel_loop3A_433, %parallel_loop3A_434], %parallel_loop3A_437 {strides = array<i32>} : memref<160x128xf32, #tpu.memory_space<vmem>>, vector<1x16xf32>,
        %parallel_loop3A_438 = arith.index_cast %parallel_loop3A_389 : i32 to index
        %parallel_loop3A_439 = arith.constant 48 : index
        %parallel_loop3A_440 = tpu.vector_load %arg10[%parallel_loop3A_438, %parallel_loop3A_439] {strides = array<i32>} : memref<160x128xf32, #tpu.memory_space<vmem>>, vector<1x16xf32>,
        %parallel_loop3A_441 = vector.shape_cast %parallel_loop3A_440 : vector<1x16xf32> to vector<16xf32>
        %parallel_loop3A_442 = arith.index_cast %parallel_loop3A_395 : i32 to index
        %parallel_loop3A_443 = arith.constant 48 : index
        %parallel_loop3A_444 = tpu.vector_load %arg6[%parallel_loop3A_442, %parallel_loop3A_443] {strides = array<i32>} : memref<200x128xf32, #tpu.memory_space<vmem>>, vector<1x16xf32>,
        %parallel_loop3A_445 = vector.shape_cast %parallel_loop3A_444 : vector<1x16xf32> to vector<16xf32>
        %parallel_loop3A_446 = arith.addf %parallel_loop3A_441, %parallel_loop3A_445 : vector<16xf32>
        %parallel_loop3A_447 = arith.index_cast %parallel_loop3A_389 : i32 to index
        %parallel_loop3A_448 = arith.constant 48 : index
        %parallel_loop3A_449 = tpu.vector_load %arg10[%parallel_loop3A_447, %parallel_loop3A_448] {strides = array<i32>} : memref<160x128xf32, #tpu.memory_space<vmem>>, vector<1x16xf32>,
        %parallel_loop3A_450 = vector.shape_cast %parallel_loop3A_449 : vector<1x16xf32> to vector<16xf32>
        %parallel_loop3A_451 = vector.shape_cast %parallel_loop3A_446 : vector<16xf32> to vector<1x16xf32>
        tpu.vector_store %arg10[%parallel_loop3A_447, %parallel_loop3A_448], %parallel_loop3A_451 {strides = array<i32>} : memref<160x128xf32, #tpu.memory_space<vmem>>, vector<1x16xf32>,
        %parallel_loop3A_452 = arith.index_cast %parallel_loop3A_389 : i32 to index
        %parallel_loop3A_453 = arith.constant 64 : index
        %parallel_loop3A_454 = tpu.vector_load %arg10[%parallel_loop3A_452, %parallel_loop3A_453] {strides = array<i32>} : memref<160x128xf32, #tpu.memory_space<vmem>>, vector<1x16xf32>,
        %parallel_loop3A_455 = vector.shape_cast %parallel_loop3A_454 : vector<1x16xf32> to vector<16xf32>
        %parallel_loop3A_456 = arith.index_cast %parallel_loop3A_395 : i32 to index
        %parallel_loop3A_457 = arith.constant 64 : index
        %parallel_loop3A_458 = tpu.vector_load %arg6[%parallel_loop3A_456, %parallel_loop3A_457] {strides = array<i32>} : memref<200x128xf32, #tpu.memory_space<vmem>>, vector<1x16xf32>,
        %parallel_loop3A_459 = vector.shape_cast %parallel_loop3A_458 : vector<1x16xf32> to vector<16xf32>
        %parallel_loop3A_460 = arith.addf %parallel_loop3A_455, %parallel_loop3A_459 : vector<16xf32>
        %parallel_loop3A_461 = arith.index_cast %parallel_loop3A_389 : i32 to index
        %parallel_loop3A_462 = arith.constant 64 : index
        %parallel_loop3A_463 = tpu.vector_load %arg10[%parallel_loop3A_461, %parallel_loop3A_462] {strides = array<i32>} : memref<160x128xf32, #tpu.memory_space<vmem>>, vector<1x16xf32>,
        %parallel_loop3A_464 = vector.shape_cast %parallel_loop3A_463 : vector<1x16xf32> to vector<16xf32>
        %parallel_loop3A_465 = vector.shape_cast %parallel_loop3A_460 : vector<16xf32> to vector<1x16xf32>
        tpu.vector_store %arg10[%parallel_loop3A_461, %parallel_loop3A_462], %parallel_loop3A_465 {strides = array<i32>} : memref<160x128xf32, #tpu.memory_space<vmem>>, vector<1x16xf32>,
        %parallel_loop3A_466 = arith.index_cast %parallel_loop3A_389 : i32 to index
        %parallel_loop3A_467 = arith.constant 80 : index
        %parallel_loop3A_468 = tpu.vector_load %arg10[%parallel_loop3A_466, %parallel_loop3A_467] {strides = array<i32>} : memref<160x128xf32, #tpu.memory_space<vmem>>, vector<1x16xf32>,
        %parallel_loop3A_469 = vector.shape_cast %parallel_loop3A_468 : vector<1x16xf32> to vector<16xf32>
        %parallel_loop3A_470 = arith.index_cast %parallel_loop3A_395 : i32 to index
        %parallel_loop3A_471 = arith.constant 80 : index
        %parallel_loop3A_472 = tpu.vector_load %arg6[%parallel_loop3A_470, %parallel_loop3A_471] {strides = array<i32>} : memref<200x128xf32, #tpu.memory_space<vmem>>, vector<1x16xf32>,
        %parallel_loop3A_473 = vector.shape_cast %parallel_loop3A_472 : vector<1x16xf32> to vector<16xf32>
        %parallel_loop3A_474 = arith.addf %parallel_loop3A_469, %parallel_loop3A_473 : vector<16xf32>
        %parallel_loop3A_475 = arith.index_cast %parallel_loop3A_389 : i32 to index
        %parallel_loop3A_476 = arith.constant 80 : index
        %parallel_loop3A_477 = tpu.vector_load %arg10[%parallel_loop3A_475, %parallel_loop3A_476] {strides = array<i32>} : memref<160x128xf32, #tpu.memory_space<vmem>>, vector<1x16xf32>,
        %parallel_loop3A_478 = vector.shape_cast %parallel_loop3A_477 : vector<1x16xf32> to vector<16xf32>
        %parallel_loop3A_479 = vector.shape_cast %parallel_loop3A_474 : vector<16xf32> to vector<1x16xf32>
        tpu.vector_store %arg10[%parallel_loop3A_475, %parallel_loop3A_476], %parallel_loop3A_479 {strides = array<i32>} : memref<160x128xf32, #tpu.memory_space<vmem>>, vector<1x16xf32>,
        %parallel_loop3A_480 = arith.index_cast %parallel_loop3A_389 : i32 to index
        %parallel_loop3A_481 = arith.constant 96 : index
        %parallel_loop3A_482 = tpu.vector_load %arg10[%parallel_loop3A_480, %parallel_loop3A_481] {strides = array<i32>} : memref<160x128xf32, #tpu.memory_space<vmem>>, vector<1x16xf32>,
        %parallel_loop3A_483 = vector.shape_cast %parallel_loop3A_482 : vector<1x16xf32> to vector<16xf32>
        %parallel_loop3A_484 = arith.index_cast %parallel_loop3A_395 : i32 to index
        %parallel_loop3A_485 = arith.constant 96 : index
        %parallel_loop3A_486 = tpu.vector_load %arg6[%parallel_loop3A_484, %parallel_loop3A_485] {strides = array<i32>} : memref<200x128xf32, #tpu.memory_space<vmem>>, vector<1x16xf32>,
        %parallel_loop3A_487 = vector.shape_cast %parallel_loop3A_486 : vector<1x16xf32> to vector<16xf32>
        %parallel_loop3A_488 = arith.addf %parallel_loop3A_483, %parallel_loop3A_487 : vector<16xf32>
        %parallel_loop3A_489 = arith.index_cast %parallel_loop3A_389 : i32 to index
        %parallel_loop3A_490 = arith.constant 96 : index
        %parallel_loop3A_491 = tpu.vector_load %arg10[%parallel_loop3A_489, %parallel_loop3A_490] {strides = array<i32>} : memref<160x128xf32, #tpu.memory_space<vmem>>, vector<1x16xf32>,
        %parallel_loop3A_492 = vector.shape_cast %parallel_loop3A_491 : vector<1x16xf32> to vector<16xf32>
        %parallel_loop3A_493 = vector.shape_cast %parallel_loop3A_488 : vector<16xf32> to vector<1x16xf32>
        tpu.vector_store %arg10[%parallel_loop3A_489, %parallel_loop3A_490], %parallel_loop3A_493 {strides = array<i32>} : memref<160x128xf32, #tpu.memory_space<vmem>>, vector<1x16xf32>,
        %parallel_loop3A_494 = arith.index_cast %parallel_loop3A_389 : i32 to index
        %parallel_loop3A_495 = arith.constant 112 : index
        %parallel_loop3A_496 = tpu.vector_load %arg10[%parallel_loop3A_494, %parallel_loop3A_495] {strides = array<i32>} : memref<160x128xf32, #tpu.memory_space<vmem>>, vector<1x16xf32>,
        %parallel_loop3A_497 = vector.shape_cast %parallel_loop3A_496 : vector<1x16xf32> to vector<16xf32>
        %parallel_loop3A_498 = arith.index_cast %parallel_loop3A_395 : i32 to index
        %parallel_loop3A_499 = arith.constant 112 : index
        %parallel_loop3A_500 = tpu.vector_load %arg6[%parallel_loop3A_498, %parallel_loop3A_499] {strides = array<i32>} : memref<200x128xf32, #tpu.memory_space<vmem>>, vector<1x16xf32>,
        %parallel_loop3A_501 = vector.shape_cast %parallel_loop3A_500 : vector<1x16xf32> to vector<16xf32>
        %parallel_loop3A_502 = arith.addf %parallel_loop3A_497, %parallel_loop3A_501 : vector<16xf32>
        %parallel_loop3A_503 = arith.index_cast %parallel_loop3A_389 : i32 to index
        %parallel_loop3A_504 = arith.constant 112 : index
        %parallel_loop3A_505 = tpu.vector_load %arg10[%parallel_loop3A_503, %parallel_loop3A_504] {strides = array<i32>} : memref<160x128xf32, #tpu.memory_space<vmem>>, vector<1x16xf32>,
        %parallel_loop3A_506 = vector.shape_cast %parallel_loop3A_505 : vector<1x16xf32> to vector<16xf32>
        %parallel_loop3A_507 = vector.shape_cast %parallel_loop3A_502 : vector<16xf32> to vector<1x16xf32>
        tpu.vector_store %arg10[%parallel_loop3A_503, %parallel_loop3A_504], %parallel_loop3A_507 {strides = array<i32>} : memref<160x128xf32, #tpu.memory_space<vmem>>, vector<1x16xf32>,
      } {sc.loop_unroll_factor = 4 : i64, sc.parallel_access}
      %mul3A_342 = arith.constant 160 : i32
      %mul3A_343 = arith.muli %add3A_311, %mul3A_342 : i32
      %add3A_344 = arith.addi %mul3A_2, %mul3A_343 : i32
      %dma_start3A_345 = arith.constant 0 : i32
      %dma_start3A_346 = tpu.memref_slice %arg5[%add3A_344, %dma_start3A_345] : memref<204800x128xf32, #tpu.memory_space<hbm>> -> memref<160x128xf32, #tpu.memory_space<hbm>>
      %dma_start3A_347 = arith.constant 0 : i32
      %dma_start3A_348 = tpu.memref_slice %arg5[%add3A_344, %dma_start3A_347] : memref<204800x128xf32, #tpu.memory_space<hbm>> -> memref<160x128xf32, #tpu.memory_space<hbm>>
      tpu.enqueue_dma source(%arg10 : memref<160x128xf32, #tpu.memory_space<vmem>>) target(%dma_start3A_348 : memref<160x128xf32, #tpu.memory_space<hbm>>) target_semaphore(%arg18 : memref<!tpu.dma_semaphore, #tpu.memory_space<semaphore_mem>>)
      %add3A_349 = arith.constant 3 : i32
      %add3A_350 = arith.addi %mul3A_232, %add3A_349 : i32
      %sub3A_351 = arith.constant 2 : i32
      %sub3A_352 = arith.subi %add3A_350, %sub3A_351 : i32
      %mul3A_353 = arith.constant 160 : i32
      %mul3A_354 = arith.muli %sub3A_352, %mul3A_353 : i32
      %add3A_355 = arith.addi %mul3A_2, %mul3A_354 : i32
      %dma_wait3A_356 = arith.constant 0 : i32
      %dma_wait3A_357 = tpu.memref_slice %arg5[%add3A_355, %dma_wait3A_356] : memref<204800x128xf32, #tpu.memory_space<hbm>> -> memref<160x128xf32, #tpu.memory_space<hbm>>
      %dma_wait3A_358 = arith.constant 0 : i32
      %dma_wait3A_359 = tpu.memref_slice %arg5[%add3A_355, %dma_wait3A_358] : memref<204800x128xf32, #tpu.memory_space<hbm>> -> memref<160x128xf32, #tpu.memory_space<hbm>>
      tpu.wait_dma2 semaphore(%arg17 : memref<!tpu.dma_semaphore, #tpu.memory_space<semaphore_mem>>) src(%arg9 : memref<160x128xf32, #tpu.memory_space<vmem>>) dst(%dma_wait3A_359 : memref<160x128xf32, #tpu.memory_space<hbm>>)
      %add3A_360 = arith.constant 2 : i32
      %add3A_361 = arith.addi %add3A_350, %add3A_360 : i32
      %mul3A_362 = arith.constant 160 : i32
      %mul3A_363 = arith.muli %add3A_361, %mul3A_362 : i32
      %dma_start3A_364 = tpu.memref_slice %arg7[%mul3A_363] : memref<6400xi32, #tpu.memory_space<vmem>> -> memref<160xi32, #tpu.memory_space<vmem>>
      %dma_start3A_365 = arith.constant 0 : i32
      %dma_start3A_366 = arith.constant 0 : i32
      %dma_start3A_367 = tpu.memref_slice %arg3[%dma_start3A_365, %dma_start3A_366] : memref<100000x128xf32, #tpu.memory_space<hbm>> -> memref<100000x128xf32, #tpu.memory_space<hbm>>
      tpu.enqueue_indirect_dma source(%dma_start3A_367 : memref<100000x128xf32, #tpu.memory_space<hbm>>) target(%arg9 : memref<160x128xf32, #tpu.memory_space<vmem>>) offsets(%dma_start3A_364 : memref<160xi32, #tpu.memory_space<vmem>>) semaphore(%arg13 : memref<!tpu.dma_semaphore, #tpu.memory_space<semaphore_mem>>)
      %mul3A_368 = arith.constant 160 : i32
      %mul3A_369 = arith.muli %add3A_350, %mul3A_368 : i32
      %dma_wait3A_370 = tpu.memref_slice %arg7[%mul3A_369] : memref<6400xi32, #tpu.memory_space<vmem>> -> memref<160xi32, #tpu.memory_space<vmem>>
      %dma_wait3A_371 = arith.constant 0 : i32
      %dma_wait3A_372 = arith.constant 0 : i32
      %dma_wait3A_373 = tpu.memref_slice %arg3[%dma_wait3A_371, %dma_wait3A_372] : memref<100000x128xf32, #tpu.memory_space<hbm>> -> memref<100000x128xf32, #tpu.memory_space<hbm>>
      tpu.wait_indirect_dma semaphore(%arg15 : memref<!tpu.dma_semaphore, #tpu.memory_space<semaphore_mem>>) src(%dma_wait3A_373 : memref<100000x128xf32, #tpu.memory_space<hbm>>) dst(%arg11 : memref<160x128xf32, #tpu.memory_space<vmem>>)
      %mul3A_374 = arith.constant 160 : i32
      %mul3A_375 = arith.muli %add3A_350, %mul3A_374 : i32
      %rem3A_376 = arith.constant 200 : i32
      %rem3A_377 = arith.remsi %mul3A_375, %rem3A_376 : i32
      %parallel_loop3A_378 = arith.constant 0 : i32
      %parallel_loop3A_379 = arith.constant 160 : i32
      %parallel_loop3A_380 = arith.constant 1 : i32
      scf.for %parallel_loop3A_389 = %parallel_loop3A_378 to %parallel_loop3A_379 step %parallel_loop3A_380  : i32 {
        %parallel_loop3A_390 = arith.addi %parallel_loop3A_389, %rem3A_377 : i32
        %parallel_loop3A_391 = arith.constant 200 : i32
        %parallel_loop3A_392 = arith.cmpi sge, %parallel_loop3A_390, %parallel_loop3A_391 : i32
        %parallel_loop3A_393 = arith.constant 200 : i32
        %parallel_loop3A_394 = arith.subi %parallel_loop3A_390, %parallel_loop3A_393 : i32
        %parallel_loop3A_395 = arith.select %parallel_loop3A_392, %parallel_loop3A_394, %parallel_loop3A_390 : i32
        %parallel_loop3A_396 = arith.index_cast %parallel_loop3A_389 : i32 to index
        %parallel_loop3A_397 = arith.constant 0 : index
        %parallel_loop3A_398 = tpu.vector_load %arg11[%parallel_loop3A_396, %parallel_loop3A_397] {strides = array<i32>} : memref<160x128xf32, #tpu.memory_space<vmem>>, vector<1x16xf32>,
        %parallel_loop3A_399 = vector.shape_cast %parallel_loop3A_398 : vector<1x16xf32> to vector<16xf32>
        %parallel_loop3A_400 = arith.index_cast %parallel_loop3A_395 : i32 to index
        %parallel_loop3A_401 = arith.constant 0 : index
        %parallel_loop3A_402 = tpu.vector_load %arg6[%parallel_loop3A_400, %parallel_loop3A_401] {strides = array<i32>} : memref<200x128xf32, #tpu.memory_space<vmem>>, vector<1x16xf32>,
        %parallel_loop3A_403 = vector.shape_cast %parallel_loop3A_402 : vector<1x16xf32> to vector<16xf32>
        %parallel_loop3A_404 = arith.addf %parallel_loop3A_399, %parallel_loop3A_403 : vector<16xf32>
        %parallel_loop3A_405 = arith.index_cast %parallel_loop3A_389 : i32 to index
        %parallel_loop3A_406 = arith.constant 0 : index
        %parallel_loop3A_407 = tpu.vector_load %arg11[%parallel_loop3A_405, %parallel_loop3A_406] {strides = array<i32>} : memref<160x128xf32, #tpu.memory_space<vmem>>, vector<1x16xf32>,
        %parallel_loop3A_408 = vector.shape_cast %parallel_loop3A_407 : vector<1x16xf32> to vector<16xf32>
        %parallel_loop3A_409 = vector.shape_cast %parallel_loop3A_404 : vector<16xf32> to vector<1x16xf32>
        tpu.vector_store %arg11[%parallel_loop3A_405, %parallel_loop3A_406], %parallel_loop3A_409 {strides = array<i32>} : memref<160x128xf32, #tpu.memory_space<vmem>>, vector<1x16xf32>,
        %parallel_loop3A_410 = arith.index_cast %parallel_loop3A_389 : i32 to index
        %parallel_loop3A_411 = arith.constant 16 : index
        %parallel_loop3A_412 = tpu.vector_load %arg11[%parallel_loop3A_410, %parallel_loop3A_411] {strides = array<i32>} : memref<160x128xf32, #tpu.memory_space<vmem>>, vector<1x16xf32>,
        %parallel_loop3A_413 = vector.shape_cast %parallel_loop3A_412 : vector<1x16xf32> to vector<16xf32>
        %parallel_loop3A_414 = arith.index_cast %parallel_loop3A_395 : i32 to index
        %parallel_loop3A_415 = arith.constant 16 : index
        %parallel_loop3A_416 = tpu.vector_load %arg6[%parallel_loop3A_414, %parallel_loop3A_415] {strides = array<i32>} : memref<200x128xf32, #tpu.memory_space<vmem>>, vector<1x16xf32>,
        %parallel_loop3A_417 = vector.shape_cast %parallel_loop3A_416 : vector<1x16xf32> to vector<16xf32>
        %parallel_loop3A_418 = arith.addf %parallel_loop3A_413, %parallel_loop3A_417 : vector<16xf32>
        %parallel_loop3A_419 = arith.index_cast %parallel_loop3A_389 : i32 to index
        %parallel_loop3A_420 = arith.constant 16 : index
        %parallel_loop3A_421 = tpu.vector_load %arg11[%parallel_loop3A_419, %parallel_loop3A_420] {strides = array<i32>} : memref<160x128xf32, #tpu.memory_space<vmem>>, vector<1x16xf32>,
        %parallel_loop3A_422 = vector.shape_cast %parallel_loop3A_421 : vector<1x16xf32> to vector<16xf32>
        %parallel_loop3A_423 = vector.shape_cast %parallel_loop3A_418 : vector<16xf32> to vector<1x16xf32>
        tpu.vector_store %arg11[%parallel_loop3A_419, %parallel_loop3A_420], %parallel_loop3A_423 {strides = array<i32>} : memref<160x128xf32, #tpu.memory_space<vmem>>, vector<1x16xf32>,
        %parallel_loop3A_424 = arith.index_cast %parallel_loop3A_389 : i32 to index
        %parallel_loop3A_425 = arith.constant 32 : index
        %parallel_loop3A_426 = tpu.vector_load %arg11[%parallel_loop3A_424, %parallel_loop3A_425] {strides = array<i32>} : memref<160x128xf32, #tpu.memory_space<vmem>>, vector<1x16xf32>,
        %parallel_loop3A_427 = vector.shape_cast %parallel_loop3A_426 : vector<1x16xf32> to vector<16xf32>
        %parallel_loop3A_428 = arith.index_cast %parallel_loop3A_395 : i32 to index
        %parallel_loop3A_429 = arith.constant 32 : index
        %parallel_loop3A_430 = tpu.vector_load %arg6[%parallel_loop3A_428, %parallel_loop3A_429] {strides = array<i32>} : memref<200x128xf32, #tpu.memory_space<vmem>>, vector<1x16xf32>,
        %parallel_loop3A_431 = vector.shape_cast %parallel_loop3A_430 : vector<1x16xf32> to vector<16xf32>
        %parallel_loop3A_432 = arith.addf %parallel_loop3A_427, %parallel_loop3A_431 : vector<16xf32>
        %parallel_loop3A_433 = arith.index_cast %parallel_loop3A_389 : i32 to index
        %parallel_loop3A_434 = arith.constant 32 : index
        %parallel_loop3A_435 = tpu.vector_load %arg11[%parallel_loop3A_433, %parallel_loop3A_434] {strides = array<i32>} : memref<160x128xf32, #tpu.memory_space<vmem>>, vector<1x16xf32>,
        %parallel_loop3A_436 = vector.shape_cast %parallel_loop3A_435 : vector<1x16xf32> to vector<16xf32>
        %parallel_loop3A_437 = vector.shape_cast %parallel_loop3A_432 : vector<16xf32> to vector<1x16xf32>
        tpu.vector_store %arg11[%parallel_loop3A_433, %parallel_loop3A_434], %parallel_loop3A_437 {strides = array<i32>} : memref<160x128xf32, #tpu.memory_space<vmem>>, vector<1x16xf32>,
        %parallel_loop3A_438 = arith.index_cast %parallel_loop3A_389 : i32 to index
        %parallel_loop3A_439 = arith.constant 48 : index
        %parallel_loop3A_440 = tpu.vector_load %arg11[%parallel_loop3A_438, %parallel_loop3A_439] {strides = array<i32>} : memref<160x128xf32, #tpu.memory_space<vmem>>, vector<1x16xf32>,
        %parallel_loop3A_441 = vector.shape_cast %parallel_loop3A_440 : vector<1x16xf32> to vector<16xf32>
        %parallel_loop3A_442 = arith.index_cast %parallel_loop3A_395 : i32 to index
        %parallel_loop3A_443 = arith.constant 48 : index
        %parallel_loop3A_444 = tpu.vector_load %arg6[%parallel_loop3A_442, %parallel_loop3A_443] {strides = array<i32>} : memref<200x128xf32, #tpu.memory_space<vmem>>, vector<1x16xf32>,
        %parallel_loop3A_445 = vector.shape_cast %parallel_loop3A_444 : vector<1x16xf32> to vector<16xf32>
        %parallel_loop3A_446 = arith.addf %parallel_loop3A_441, %parallel_loop3A_445 : vector<16xf32>
        %parallel_loop3A_447 = arith.index_cast %parallel_loop3A_389 : i32 to index
        %parallel_loop3A_448 = arith.constant 48 : index
        %parallel_loop3A_449 = tpu.vector_load %arg11[%parallel_loop3A_447, %parallel_loop3A_448] {strides = array<i32>} : memref<160x128xf32, #tpu.memory_space<vmem>>, vector<1x16xf32>,
        %parallel_loop3A_450 = vector.shape_cast %parallel_loop3A_449 : vector<1x16xf32> to vector<16xf32>
        %parallel_loop3A_451 = vector.shape_cast %parallel_loop3A_446 : vector<16xf32> to vector<1x16xf32>
        tpu.vector_store %arg11[%parallel_loop3A_447, %parallel_loop3A_448], %parallel_loop3A_451 {strides = array<i32>} : memref<160x128xf32, #tpu.memory_space<vmem>>, vector<1x16xf32>,
        %parallel_loop3A_452 = arith.index_cast %parallel_loop3A_389 : i32 to index
        %parallel_loop3A_453 = arith.constant 64 : index
        %parallel_loop3A_454 = tpu.vector_load %arg11[%parallel_loop3A_452, %parallel_loop3A_453] {strides = array<i32>} : memref<160x128xf32, #tpu.memory_space<vmem>>, vector<1x16xf32>,
        %parallel_loop3A_455 = vector.shape_cast %parallel_loop3A_454 : vector<1x16xf32> to vector<16xf32>
        %parallel_loop3A_456 = arith.index_cast %parallel_loop3A_395 : i32 to index
        %parallel_loop3A_457 = arith.constant 64 : index
        %parallel_loop3A_458 = tpu.vector_load %arg6[%parallel_loop3A_456, %parallel_loop3A_457] {strides = array<i32>} : memref<200x128xf32, #tpu.memory_space<vmem>>, vector<1x16xf32>,
        %parallel_loop3A_459 = vector.shape_cast %parallel_loop3A_458 : vector<1x16xf32> to vector<16xf32>
        %parallel_loop3A_460 = arith.addf %parallel_loop3A_455, %parallel_loop3A_459 : vector<16xf32>
        %parallel_loop3A_461 = arith.index_cast %parallel_loop3A_389 : i32 to index
        %parallel_loop3A_462 = arith.constant 64 : index
        %parallel_loop3A_463 = tpu.vector_load %arg11[%parallel_loop3A_461, %parallel_loop3A_462] {strides = array<i32>} : memref<160x128xf32, #tpu.memory_space<vmem>>, vector<1x16xf32>,
        %parallel_loop3A_464 = vector.shape_cast %parallel_loop3A_463 : vector<1x16xf32> to vector<16xf32>
        %parallel_loop3A_465 = vector.shape_cast %parallel_loop3A_460 : vector<16xf32> to vector<1x16xf32>
        tpu.vector_store %arg11[%parallel_loop3A_461, %parallel_loop3A_462], %parallel_loop3A_465 {strides = array<i32>} : memref<160x128xf32, #tpu.memory_space<vmem>>, vector<1x16xf32>,
        %parallel_loop3A_466 = arith.index_cast %parallel_loop3A_389 : i32 to index
        %parallel_loop3A_467 = arith.constant 80 : index
        %parallel_loop3A_468 = tpu.vector_load %arg11[%parallel_loop3A_466, %parallel_loop3A_467] {strides = array<i32>} : memref<160x128xf32, #tpu.memory_space<vmem>>, vector<1x16xf32>,
        %parallel_loop3A_469 = vector.shape_cast %parallel_loop3A_468 : vector<1x16xf32> to vector<16xf32>
        %parallel_loop3A_470 = arith.index_cast %parallel_loop3A_395 : i32 to index
        %parallel_loop3A_471 = arith.constant 80 : index
        %parallel_loop3A_472 = tpu.vector_load %arg6[%parallel_loop3A_470, %parallel_loop3A_471] {strides = array<i32>} : memref<200x128xf32, #tpu.memory_space<vmem>>, vector<1x16xf32>,
        %parallel_loop3A_473 = vector.shape_cast %parallel_loop3A_472 : vector<1x16xf32> to vector<16xf32>
        %parallel_loop3A_474 = arith.addf %parallel_loop3A_469, %parallel_loop3A_473 : vector<16xf32>
        %parallel_loop3A_475 = arith.index_cast %parallel_loop3A_389 : i32 to index
        %parallel_loop3A_476 = arith.constant 80 : index
        %parallel_loop3A_477 = tpu.vector_load %arg11[%parallel_loop3A_475, %parallel_loop3A_476] {strides = array<i32>} : memref<160x128xf32, #tpu.memory_space<vmem>>, vector<1x16xf32>,
        %parallel_loop3A_478 = vector.shape_cast %parallel_loop3A_477 : vector<1x16xf32> to vector<16xf32>
        %parallel_loop3A_479 = vector.shape_cast %parallel_loop3A_474 : vector<16xf32> to vector<1x16xf32>
        tpu.vector_store %arg11[%parallel_loop3A_475, %parallel_loop3A_476], %parallel_loop3A_479 {strides = array<i32>} : memref<160x128xf32, #tpu.memory_space<vmem>>, vector<1x16xf32>,
        %parallel_loop3A_480 = arith.index_cast %parallel_loop3A_389 : i32 to index
        %parallel_loop3A_481 = arith.constant 96 : index
        %parallel_loop3A_482 = tpu.vector_load %arg11[%parallel_loop3A_480, %parallel_loop3A_481] {strides = array<i32>} : memref<160x128xf32, #tpu.memory_space<vmem>>, vector<1x16xf32>,
        %parallel_loop3A_483 = vector.shape_cast %parallel_loop3A_482 : vector<1x16xf32> to vector<16xf32>
        %parallel_loop3A_484 = arith.index_cast %parallel_loop3A_395 : i32 to index
        %parallel_loop3A_485 = arith.constant 96 : index
        %parallel_loop3A_486 = tpu.vector_load %arg6[%parallel_loop3A_484, %parallel_loop3A_485] {strides = array<i32>} : memref<200x128xf32, #tpu.memory_space<vmem>>, vector<1x16xf32>,
        %parallel_loop3A_487 = vector.shape_cast %parallel_loop3A_486 : vector<1x16xf32> to vector<16xf32>
        %parallel_loop3A_488 = arith.addf %parallel_loop3A_483, %parallel_loop3A_487 : vector<16xf32>
        %parallel_loop3A_489 = arith.index_cast %parallel_loop3A_389 : i32 to index
        %parallel_loop3A_490 = arith.constant 96 : index
        %parallel_loop3A_491 = tpu.vector_load %arg11[%parallel_loop3A_489, %parallel_loop3A_490] {strides = array<i32>} : memref<160x128xf32, #tpu.memory_space<vmem>>, vector<1x16xf32>,
        %parallel_loop3A_492 = vector.shape_cast %parallel_loop3A_491 : vector<1x16xf32> to vector<16xf32>
        %parallel_loop3A_493 = vector.shape_cast %parallel_loop3A_488 : vector<16xf32> to vector<1x16xf32>
        tpu.vector_store %arg11[%parallel_loop3A_489, %parallel_loop3A_490], %parallel_loop3A_493 {strides = array<i32>} : memref<160x128xf32, #tpu.memory_space<vmem>>, vector<1x16xf32>,
        %parallel_loop3A_494 = arith.index_cast %parallel_loop3A_389 : i32 to index
        %parallel_loop3A_495 = arith.constant 112 : index
        %parallel_loop3A_496 = tpu.vector_load %arg11[%parallel_loop3A_494, %parallel_loop3A_495] {strides = array<i32>} : memref<160x128xf32, #tpu.memory_space<vmem>>, vector<1x16xf32>,
        %parallel_loop3A_497 = vector.shape_cast %parallel_loop3A_496 : vector<1x16xf32> to vector<16xf32>
        %parallel_loop3A_498 = arith.index_cast %parallel_loop3A_395 : i32 to index
        %parallel_loop3A_499 = arith.constant 112 : index
        %parallel_loop3A_500 = tpu.vector_load %arg6[%parallel_loop3A_498, %parallel_loop3A_499] {strides = array<i32>} : memref<200x128xf32, #tpu.memory_space<vmem>>, vector<1x16xf32>,
        %parallel_loop3A_501 = vector.shape_cast %parallel_loop3A_500 : vector<1x16xf32> to vector<16xf32>
        %parallel_loop3A_502 = arith.addf %parallel_loop3A_497, %parallel_loop3A_501 : vector<16xf32>
        %parallel_loop3A_503 = arith.index_cast %parallel_loop3A_389 : i32 to index
        %parallel_loop3A_504 = arith.constant 112 : index
        %parallel_loop3A_505 = tpu.vector_load %arg11[%parallel_loop3A_503, %parallel_loop3A_504] {strides = array<i32>} : memref<160x128xf32, #tpu.memory_space<vmem>>, vector<1x16xf32>,
        %parallel_loop3A_506 = vector.shape_cast %parallel_loop3A_505 : vector<1x16xf32> to vector<16xf32>
        %parallel_loop3A_507 = vector.shape_cast %parallel_loop3A_502 : vector<16xf32> to vector<1x16xf32>
        tpu.vector_store %arg11[%parallel_loop3A_503, %parallel_loop3A_504], %parallel_loop3A_507 {strides = array<i32>} : memref<160x128xf32, #tpu.memory_space<vmem>>, vector<1x16xf32>,
      } {sc.loop_unroll_factor = 4 : i64, sc.parallel_access}
      %mul3A_381 = arith.constant 160 : i32
      %mul3A_382 = arith.muli %add3A_350, %mul3A_381 : i32
      %add3A_383 = arith.addi %mul3A_2, %mul3A_382 : i32
      %dma_start3A_384 = arith.constant 0 : i32
      %dma_start3A_385 = tpu.memref_slice %arg5[%add3A_383, %dma_start3A_384] : memref<204800x128xf32, #tpu.memory_space<hbm>> -> memref<160x128xf32, #tpu.memory_space<hbm>>
      %dma_start3A_386 = arith.constant 0 : i32
      %dma_start3A_387 = tpu.memref_slice %arg5[%add3A_383, %dma_start3A_386] : memref<204800x128xf32, #tpu.memory_space<hbm>> -> memref<160x128xf32, #tpu.memory_space<hbm>>
      tpu.enqueue_dma source(%arg11 : memref<160x128xf32, #tpu.memory_space<vmem>>) target(%dma_start3A_387 : memref<160x128xf32, #tpu.memory_space<hbm>>) target_semaphore(%arg19 : memref<!tpu.dma_semaphore, #tpu.memory_space<semaphore_mem>>)
      %scan3A_388 = arith.constant 0 : i32
      scf.yield %scan3A_388 : i32
    }
    %scan3A_114 = arith.constant 8 : i32
    %add3A_115 = arith.constant 5440 : i32
    %add3A_116 = arith.addi %mul3A_2, %add3A_115 : i32
    %dma_wait3A_117 = arith.constant 0 : i32
    %dma_wait3A_118 = tpu.memref_slice %arg5[%add3A_116, %dma_wait3A_117] : memref<204800x128xf32, #tpu.memory_space<hbm>> -> memref<160x128xf32, #tpu.memory_space<hbm>>
    %dma_wait3A_119 = arith.constant 0 : i32
    %dma_wait3A_120 = tpu.memref_slice %arg5[%add3A_116, %dma_wait3A_119] : memref<204800x128xf32, #tpu.memory_space<hbm>> -> memref<160x128xf32, #tpu.memory_space<hbm>>
    tpu.wait_dma2 semaphore(%arg18 : memref<!tpu.dma_semaphore, #tpu.memory_space<semaphore_mem>>) src(%arg10 : memref<160x128xf32, #tpu.memory_space<vmem>>) dst(%dma_wait3A_120 : memref<160x128xf32, #tpu.memory_space<hbm>>)
    %dma_start3A_121 = arith.constant 6080 : i32
    %dma_start3A_122 = tpu.memref_slice %arg7[%dma_start3A_121] : memref<6400xi32, #tpu.memory_space<vmem>> -> memref<160xi32, #tpu.memory_space<vmem>>
    %dma_start3A_123 = arith.constant 0 : i32
    %dma_start3A_124 = arith.constant 0 : i32
    %dma_start3A_125 = tpu.memref_slice %arg3[%dma_start3A_123, %dma_start3A_124] : memref<100000x128xf32, #tpu.memory_space<hbm>> -> memref<100000x128xf32, #tpu.memory_space<hbm>>
    tpu.enqueue_indirect_dma source(%dma_start3A_125 : memref<100000x128xf32, #tpu.memory_space<hbm>>) target(%arg10 : memref<160x128xf32, #tpu.memory_space<vmem>>) offsets(%dma_start3A_122 : memref<160xi32, #tpu.memory_space<vmem>>) semaphore(%arg14 : memref<!tpu.dma_semaphore, #tpu.memory_space<semaphore_mem>>)
    %dma_wait3A_126 = arith.constant 5760 : i32
    %dma_wait3A_127 = tpu.memref_slice %arg7[%dma_wait3A_126] : memref<6400xi32, #tpu.memory_space<vmem>> -> memref<160xi32, #tpu.memory_space<vmem>>
    %dma_wait3A_128 = arith.constant 0 : i32
    %dma_wait3A_129 = arith.constant 0 : i32
    %dma_wait3A_130 = tpu.memref_slice %arg3[%dma_wait3A_128, %dma_wait3A_129] : memref<100000x128xf32, #tpu.memory_space<hbm>> -> memref<100000x128xf32, #tpu.memory_space<hbm>>
    tpu.wait_indirect_dma semaphore(%arg12 : memref<!tpu.dma_semaphore, #tpu.memory_space<semaphore_mem>>) src(%dma_wait3A_130 : memref<100000x128xf32, #tpu.memory_space<hbm>>) dst(%arg8 : memref<160x128xf32, #tpu.memory_space<vmem>>)
    %rem3A_131 = arith.constant 5760 : i32
    %rem3A_132 = arith.constant 200 : i32
    %rem3A_133 = arith.remsi %rem3A_131, %rem3A_132 : i32
    %parallel_loop3A_134 = arith.constant 0 : i32
    %parallel_loop3A_135 = arith.constant 160 : i32
    %parallel_loop3A_136 = arith.constant 1 : i32
    scf.for %parallel_loop3A_229 = %parallel_loop3A_134 to %parallel_loop3A_135 step %parallel_loop3A_136  : i32 {
      %parallel_loop3A_230 = arith.addi %parallel_loop3A_229, %rem3A_133 : i32
      %parallel_loop3A_231 = arith.constant 200 : i32
      %parallel_loop3A_232 = arith.cmpi sge, %parallel_loop3A_230, %parallel_loop3A_231 : i32
      %parallel_loop3A_233 = arith.constant 200 : i32
      %parallel_loop3A_234 = arith.subi %parallel_loop3A_230, %parallel_loop3A_233 : i32
      %parallel_loop3A_235 = arith.select %parallel_loop3A_232, %parallel_loop3A_234, %parallel_loop3A_230 : i32
      %parallel_loop3A_236 = arith.index_cast %parallel_loop3A_229 : i32 to index
      %parallel_loop3A_237 = arith.constant 0 : index
      %parallel_loop3A_238 = tpu.vector_load %arg8[%parallel_loop3A_236, %parallel_loop3A_237] {strides = array<i32>} : memref<160x128xf32, #tpu.memory_space<vmem>>, vector<1x16xf32>,
      %parallel_loop3A_239 = vector.shape_cast %parallel_loop3A_238 : vector<1x16xf32> to vector<16xf32>
      %parallel_loop3A_240 = arith.index_cast %parallel_loop3A_235 : i32 to index
      %parallel_loop3A_241 = arith.constant 0 : index
      %parallel_loop3A_242 = tpu.vector_load %arg6[%parallel_loop3A_240, %parallel_loop3A_241] {strides = array<i32>} : memref<200x128xf32, #tpu.memory_space<vmem>>, vector<1x16xf32>,
      %parallel_loop3A_243 = vector.shape_cast %parallel_loop3A_242 : vector<1x16xf32> to vector<16xf32>
      %parallel_loop3A_244 = arith.addf %parallel_loop3A_239, %parallel_loop3A_243 : vector<16xf32>
      %parallel_loop3A_245 = arith.index_cast %parallel_loop3A_229 : i32 to index
      %parallel_loop3A_246 = arith.constant 0 : index
      %parallel_loop3A_247 = tpu.vector_load %arg8[%parallel_loop3A_245, %parallel_loop3A_246] {strides = array<i32>} : memref<160x128xf32, #tpu.memory_space<vmem>>, vector<1x16xf32>,
      %parallel_loop3A_248 = vector.shape_cast %parallel_loop3A_247 : vector<1x16xf32> to vector<16xf32>
      %parallel_loop3A_249 = vector.shape_cast %parallel_loop3A_244 : vector<16xf32> to vector<1x16xf32>
      tpu.vector_store %arg8[%parallel_loop3A_245, %parallel_loop3A_246], %parallel_loop3A_249 {strides = array<i32>} : memref<160x128xf32, #tpu.memory_space<vmem>>, vector<1x16xf32>,
      %parallel_loop3A_250 = arith.index_cast %parallel_loop3A_229 : i32 to index
      %parallel_loop3A_251 = arith.constant 16 : index
      %parallel_loop3A_252 = tpu.vector_load %arg8[%parallel_loop3A_250, %parallel_loop3A_251] {strides = array<i32>} : memref<160x128xf32, #tpu.memory_space<vmem>>, vector<1x16xf32>,
      %parallel_loop3A_253 = vector.shape_cast %parallel_loop3A_252 : vector<1x16xf32> to vector<16xf32>
      %parallel_loop3A_254 = arith.index_cast %parallel_loop3A_235 : i32 to index
      %parallel_loop3A_255 = arith.constant 16 : index
      %parallel_loop3A_256 = tpu.vector_load %arg6[%parallel_loop3A_254, %parallel_loop3A_255] {strides = array<i32>} : memref<200x128xf32, #tpu.memory_space<vmem>>, vector<1x16xf32>,
      %parallel_loop3A_257 = vector.shape_cast %parallel_loop3A_256 : vector<1x16xf32> to vector<16xf32>
      %parallel_loop3A_258 = arith.addf %parallel_loop3A_253, %parallel_loop3A_257 : vector<16xf32>
      %parallel_loop3A_259 = arith.index_cast %parallel_loop3A_229 : i32 to index
      %parallel_loop3A_260 = arith.constant 16 : index
      %parallel_loop3A_261 = tpu.vector_load %arg8[%parallel_loop3A_259, %parallel_loop3A_260] {strides = array<i32>} : memref<160x128xf32, #tpu.memory_space<vmem>>, vector<1x16xf32>,
      %parallel_loop3A_262 = vector.shape_cast %parallel_loop3A_261 : vector<1x16xf32> to vector<16xf32>
      %parallel_loop3A_263 = vector.shape_cast %parallel_loop3A_258 : vector<16xf32> to vector<1x16xf32>
      tpu.vector_store %arg8[%parallel_loop3A_259, %parallel_loop3A_260], %parallel_loop3A_263 {strides = array<i32>} : memref<160x128xf32, #tpu.memory_space<vmem>>, vector<1x16xf32>,
      %parallel_loop3A_264 = arith.index_cast %parallel_loop3A_229 : i32 to index
      %parallel_loop3A_265 = arith.constant 32 : index
      %parallel_loop3A_266 = tpu.vector_load %arg8[%parallel_loop3A_264, %parallel_loop3A_265] {strides = array<i32>} : memref<160x128xf32, #tpu.memory_space<vmem>>, vector<1x16xf32>,
      %parallel_loop3A_267 = vector.shape_cast %parallel_loop3A_266 : vector<1x16xf32> to vector<16xf32>
      %parallel_loop3A_268 = arith.index_cast %parallel_loop3A_235 : i32 to index
      %parallel_loop3A_269 = arith.constant 32 : index
      %parallel_loop3A_270 = tpu.vector_load %arg6[%parallel_loop3A_268, %parallel_loop3A_269] {strides = array<i32>} : memref<200x128xf32, #tpu.memory_space<vmem>>, vector<1x16xf32>,
      %parallel_loop3A_271 = vector.shape_cast %parallel_loop3A_270 : vector<1x16xf32> to vector<16xf32>
      %parallel_loop3A_272 = arith.addf %parallel_loop3A_267, %parallel_loop3A_271 : vector<16xf32>
      %parallel_loop3A_273 = arith.index_cast %parallel_loop3A_229 : i32 to index
      %parallel_loop3A_274 = arith.constant 32 : index
      %parallel_loop3A_275 = tpu.vector_load %arg8[%parallel_loop3A_273, %parallel_loop3A_274] {strides = array<i32>} : memref<160x128xf32, #tpu.memory_space<vmem>>, vector<1x16xf32>,
      %parallel_loop3A_276 = vector.shape_cast %parallel_loop3A_275 : vector<1x16xf32> to vector<16xf32>
      %parallel_loop3A_277 = vector.shape_cast %parallel_loop3A_272 : vector<16xf32> to vector<1x16xf32>
      tpu.vector_store %arg8[%parallel_loop3A_273, %parallel_loop3A_274], %parallel_loop3A_277 {strides = array<i32>} : memref<160x128xf32, #tpu.memory_space<vmem>>, vector<1x16xf32>,
      %parallel_loop3A_278 = arith.index_cast %parallel_loop3A_229 : i32 to index
      %parallel_loop3A_279 = arith.constant 48 : index
      %parallel_loop3A_280 = tpu.vector_load %arg8[%parallel_loop3A_278, %parallel_loop3A_279] {strides = array<i32>} : memref<160x128xf32, #tpu.memory_space<vmem>>, vector<1x16xf32>,
      %parallel_loop3A_281 = vector.shape_cast %parallel_loop3A_280 : vector<1x16xf32> to vector<16xf32>
      %parallel_loop3A_282 = arith.index_cast %parallel_loop3A_235 : i32 to index
      %parallel_loop3A_283 = arith.constant 48 : index
      %parallel_loop3A_284 = tpu.vector_load %arg6[%parallel_loop3A_282, %parallel_loop3A_283] {strides = array<i32>} : memref<200x128xf32, #tpu.memory_space<vmem>>, vector<1x16xf32>,
      %parallel_loop3A_285 = vector.shape_cast %parallel_loop3A_284 : vector<1x16xf32> to vector<16xf32>
      %parallel_loop3A_286 = arith.addf %parallel_loop3A_281, %parallel_loop3A_285 : vector<16xf32>
      %parallel_loop3A_287 = arith.index_cast %parallel_loop3A_229 : i32 to index
      %parallel_loop3A_288 = arith.constant 48 : index
      %parallel_loop3A_289 = tpu.vector_load %arg8[%parallel_loop3A_287, %parallel_loop3A_288] {strides = array<i32>} : memref<160x128xf32, #tpu.memory_space<vmem>>, vector<1x16xf32>,
      %parallel_loop3A_290 = vector.shape_cast %parallel_loop3A_289 : vector<1x16xf32> to vector<16xf32>
      %parallel_loop3A_291 = vector.shape_cast %parallel_loop3A_286 : vector<16xf32> to vector<1x16xf32>
      tpu.vector_store %arg8[%parallel_loop3A_287, %parallel_loop3A_288], %parallel_loop3A_291 {strides = array<i32>} : memref<160x128xf32, #tpu.memory_space<vmem>>, vector<1x16xf32>,
      %parallel_loop3A_292 = arith.index_cast %parallel_loop3A_229 : i32 to index
      %parallel_loop3A_293 = arith.constant 64 : index
      %parallel_loop3A_294 = tpu.vector_load %arg8[%parallel_loop3A_292, %parallel_loop3A_293] {strides = array<i32>} : memref<160x128xf32, #tpu.memory_space<vmem>>, vector<1x16xf32>,
      %parallel_loop3A_295 = vector.shape_cast %parallel_loop3A_294 : vector<1x16xf32> to vector<16xf32>
      %parallel_loop3A_296 = arith.index_cast %parallel_loop3A_235 : i32 to index
      %parallel_loop3A_297 = arith.constant 64 : index
      %parallel_loop3A_298 = tpu.vector_load %arg6[%parallel_loop3A_296, %parallel_loop3A_297] {strides = array<i32>} : memref<200x128xf32, #tpu.memory_space<vmem>>, vector<1x16xf32>,
      %parallel_loop3A_299 = vector.shape_cast %parallel_loop3A_298 : vector<1x16xf32> to vector<16xf32>
      %parallel_loop3A_300 = arith.addf %parallel_loop3A_295, %parallel_loop3A_299 : vector<16xf32>
      %parallel_loop3A_301 = arith.index_cast %parallel_loop3A_229 : i32 to index
      %parallel_loop3A_302 = arith.constant 64 : index
      %parallel_loop3A_303 = tpu.vector_load %arg8[%parallel_loop3A_301, %parallel_loop3A_302] {strides = array<i32>} : memref<160x128xf32, #tpu.memory_space<vmem>>, vector<1x16xf32>,
      %parallel_loop3A_304 = vector.shape_cast %parallel_loop3A_303 : vector<1x16xf32> to vector<16xf32>
      %parallel_loop3A_305 = vector.shape_cast %parallel_loop3A_300 : vector<16xf32> to vector<1x16xf32>
      tpu.vector_store %arg8[%parallel_loop3A_301, %parallel_loop3A_302], %parallel_loop3A_305 {strides = array<i32>} : memref<160x128xf32, #tpu.memory_space<vmem>>, vector<1x16xf32>,
      %parallel_loop3A_306 = arith.index_cast %parallel_loop3A_229 : i32 to index
      %parallel_loop3A_307 = arith.constant 80 : index
      %parallel_loop3A_308 = tpu.vector_load %arg8[%parallel_loop3A_306, %parallel_loop3A_307] {strides = array<i32>} : memref<160x128xf32, #tpu.memory_space<vmem>>, vector<1x16xf32>,
      %parallel_loop3A_309 = vector.shape_cast %parallel_loop3A_308 : vector<1x16xf32> to vector<16xf32>
      %parallel_loop3A_310 = arith.index_cast %parallel_loop3A_235 : i32 to index
      %parallel_loop3A_311 = arith.constant 80 : index
      %parallel_loop3A_312 = tpu.vector_load %arg6[%parallel_loop3A_310, %parallel_loop3A_311] {strides = array<i32>} : memref<200x128xf32, #tpu.memory_space<vmem>>, vector<1x16xf32>,
      %parallel_loop3A_313 = vector.shape_cast %parallel_loop3A_312 : vector<1x16xf32> to vector<16xf32>
      %parallel_loop3A_314 = arith.addf %parallel_loop3A_309, %parallel_loop3A_313 : vector<16xf32>
      %parallel_loop3A_315 = arith.index_cast %parallel_loop3A_229 : i32 to index
      %parallel_loop3A_316 = arith.constant 80 : index
      %parallel_loop3A_317 = tpu.vector_load %arg8[%parallel_loop3A_315, %parallel_loop3A_316] {strides = array<i32>} : memref<160x128xf32, #tpu.memory_space<vmem>>, vector<1x16xf32>,
      %parallel_loop3A_318 = vector.shape_cast %parallel_loop3A_317 : vector<1x16xf32> to vector<16xf32>
      %parallel_loop3A_319 = vector.shape_cast %parallel_loop3A_314 : vector<16xf32> to vector<1x16xf32>
      tpu.vector_store %arg8[%parallel_loop3A_315, %parallel_loop3A_316], %parallel_loop3A_319 {strides = array<i32>} : memref<160x128xf32, #tpu.memory_space<vmem>>, vector<1x16xf32>,
      %parallel_loop3A_320 = arith.index_cast %parallel_loop3A_229 : i32 to index
      %parallel_loop3A_321 = arith.constant 96 : index
      %parallel_loop3A_322 = tpu.vector_load %arg8[%parallel_loop3A_320, %parallel_loop3A_321] {strides = array<i32>} : memref<160x128xf32, #tpu.memory_space<vmem>>, vector<1x16xf32>,
      %parallel_loop3A_323 = vector.shape_cast %parallel_loop3A_322 : vector<1x16xf32> to vector<16xf32>
      %parallel_loop3A_324 = arith.index_cast %parallel_loop3A_235 : i32 to index
      %parallel_loop3A_325 = arith.constant 96 : index
      %parallel_loop3A_326 = tpu.vector_load %arg6[%parallel_loop3A_324, %parallel_loop3A_325] {strides = array<i32>} : memref<200x128xf32, #tpu.memory_space<vmem>>, vector<1x16xf32>,
      %parallel_loop3A_327 = vector.shape_cast %parallel_loop3A_326 : vector<1x16xf32> to vector<16xf32>
      %parallel_loop3A_328 = arith.addf %parallel_loop3A_323, %parallel_loop3A_327 : vector<16xf32>
      %parallel_loop3A_329 = arith.index_cast %parallel_loop3A_229 : i32 to index
      %parallel_loop3A_330 = arith.constant 96 : index
      %parallel_loop3A_331 = tpu.vector_load %arg8[%parallel_loop3A_329, %parallel_loop3A_330] {strides = array<i32>} : memref<160x128xf32, #tpu.memory_space<vmem>>, vector<1x16xf32>,
      %parallel_loop3A_332 = vector.shape_cast %parallel_loop3A_331 : vector<1x16xf32> to vector<16xf32>
      %parallel_loop3A_333 = vector.shape_cast %parallel_loop3A_328 : vector<16xf32> to vector<1x16xf32>
      tpu.vector_store %arg8[%parallel_loop3A_329, %parallel_loop3A_330], %parallel_loop3A_333 {strides = array<i32>} : memref<160x128xf32, #tpu.memory_space<vmem>>, vector<1x16xf32>,
      %parallel_loop3A_334 = arith.index_cast %parallel_loop3A_229 : i32 to index
      %parallel_loop3A_335 = arith.constant 112 : index
      %parallel_loop3A_336 = tpu.vector_load %arg8[%parallel_loop3A_334, %parallel_loop3A_335] {strides = array<i32>} : memref<160x128xf32, #tpu.memory_space<vmem>>, vector<1x16xf32>,
      %parallel_loop3A_337 = vector.shape_cast %parallel_loop3A_336 : vector<1x16xf32> to vector<16xf32>
      %parallel_loop3A_338 = arith.index_cast %parallel_loop3A_235 : i32 to index
      %parallel_loop3A_339 = arith.constant 112 : index
      %parallel_loop3A_340 = tpu.vector_load %arg6[%parallel_loop3A_338, %parallel_loop3A_339] {strides = array<i32>} : memref<200x128xf32, #tpu.memory_space<vmem>>, vector<1x16xf32>,
      %parallel_loop3A_341 = vector.shape_cast %parallel_loop3A_340 : vector<1x16xf32> to vector<16xf32>
      %parallel_loop3A_342 = arith.addf %parallel_loop3A_337, %parallel_loop3A_341 : vector<16xf32>
      %parallel_loop3A_343 = arith.index_cast %parallel_loop3A_229 : i32 to index
      %parallel_loop3A_344 = arith.constant 112 : index
      %parallel_loop3A_345 = tpu.vector_load %arg8[%parallel_loop3A_343, %parallel_loop3A_344] {strides = array<i32>} : memref<160x128xf32, #tpu.memory_space<vmem>>, vector<1x16xf32>,
      %parallel_loop3A_346 = vector.shape_cast %parallel_loop3A_345 : vector<1x16xf32> to vector<16xf32>
      %parallel_loop3A_347 = vector.shape_cast %parallel_loop3A_342 : vector<16xf32> to vector<1x16xf32>
      tpu.vector_store %arg8[%parallel_loop3A_343, %parallel_loop3A_344], %parallel_loop3A_347 {strides = array<i32>} : memref<160x128xf32, #tpu.memory_space<vmem>>, vector<1x16xf32>,
    } {sc.loop_unroll_factor = 4 : i64, sc.parallel_access}
    %add3A_137 = arith.constant 5760 : i32
    %add3A_138 = arith.addi %mul3A_2, %add3A_137 : i32
    %dma_start3A_139 = arith.constant 0 : i32
    %dma_start3A_140 = tpu.memref_slice %arg5[%add3A_138, %dma_start3A_139] : memref<204800x128xf32, #tpu.memory_space<hbm>> -> memref<160x128xf32, #tpu.memory_space<hbm>>
    %dma_start3A_141 = arith.constant 0 : i32
    %dma_start3A_142 = tpu.memref_slice %arg5[%add3A_138, %dma_start3A_141] : memref<204800x128xf32, #tpu.memory_space<hbm>> -> memref<160x128xf32, #tpu.memory_space<hbm>>
    tpu.enqueue_dma source(%arg8 : memref<160x128xf32, #tpu.memory_space<vmem>>) target(%dma_start3A_142 : memref<160x128xf32, #tpu.memory_space<hbm>>) target_semaphore(%arg16 : memref<!tpu.dma_semaphore, #tpu.memory_space<semaphore_mem>>)
    %add3A_143 = arith.constant 5600 : i32
    %add3A_144 = arith.addi %mul3A_2, %add3A_143 : i32
    %dma_wait3A_145 = arith.constant 0 : i32
    %dma_wait3A_146 = tpu.memref_slice %arg5[%add3A_144, %dma_wait3A_145] : memref<204800x128xf32, #tpu.memory_space<hbm>> -> memref<160x128xf32, #tpu.memory_space<hbm>>
    %dma_wait3A_147 = arith.constant 0 : i32
    %dma_wait3A_148 = tpu.memref_slice %arg5[%add3A_144, %dma_wait3A_147] : memref<204800x128xf32, #tpu.memory_space<hbm>> -> memref<160x128xf32, #tpu.memory_space<hbm>>
    tpu.wait_dma2 semaphore(%arg19 : memref<!tpu.dma_semaphore, #tpu.memory_space<semaphore_mem>>) src(%arg11 : memref<160x128xf32, #tpu.memory_space<vmem>>) dst(%dma_wait3A_148 : memref<160x128xf32, #tpu.memory_space<hbm>>)
    %dma_start3A_149 = arith.constant 6240 : i32
    %dma_start3A_150 = tpu.memref_slice %arg7[%dma_start3A_149] : memref<6400xi32, #tpu.memory_space<vmem>> -> memref<160xi32, #tpu.memory_space<vmem>>
    %dma_start3A_151 = arith.constant 0 : i32
    %dma_start3A_152 = arith.constant 0 : i32
    %dma_start3A_153 = tpu.memref_slice %arg3[%dma_start3A_151, %dma_start3A_152] : memref<100000x128xf32, #tpu.memory_space<hbm>> -> memref<100000x128xf32, #tpu.memory_space<hbm>>
    tpu.enqueue_indirect_dma source(%dma_start3A_153 : memref<100000x128xf32, #tpu.memory_space<hbm>>) target(%arg11 : memref<160x128xf32, #tpu.memory_space<vmem>>) offsets(%dma_start3A_150 : memref<160xi32, #tpu.memory_space<vmem>>) semaphore(%arg15 : memref<!tpu.dma_semaphore, #tpu.memory_space<semaphore_mem>>)
    %dma_wait3A_154 = arith.constant 5920 : i32
    %dma_wait3A_155 = tpu.memref_slice %arg7[%dma_wait3A_154] : memref<6400xi32, #tpu.memory_space<vmem>> -> memref<160xi32, #tpu.memory_space<vmem>>
    %dma_wait3A_156 = arith.constant 0 : i32
    %dma_wait3A_157 = arith.constant 0 : i32
    %dma_wait3A_158 = tpu.memref_slice %arg3[%dma_wait3A_156, %dma_wait3A_157] : memref<100000x128xf32, #tpu.memory_space<hbm>> -> memref<100000x128xf32, #tpu.memory_space<hbm>>
    tpu.wait_indirect_dma semaphore(%arg13 : memref<!tpu.dma_semaphore, #tpu.memory_space<semaphore_mem>>) src(%dma_wait3A_158 : memref<100000x128xf32, #tpu.memory_space<hbm>>) dst(%arg9 : memref<160x128xf32, #tpu.memory_space<vmem>>)
    %rem3A_159 = arith.constant 5920 : i32
    %rem3A_160 = arith.constant 200 : i32
    %rem3A_161 = arith.remsi %rem3A_159, %rem3A_160 : i32
    %parallel_loop3A_162 = arith.constant 0 : i32
    %parallel_loop3A_163 = arith.constant 160 : i32
    %parallel_loop3A_164 = arith.constant 1 : i32
    scf.for %parallel_loop3A_229 = %parallel_loop3A_162 to %parallel_loop3A_163 step %parallel_loop3A_164  : i32 {
      %parallel_loop3A_230 = arith.addi %parallel_loop3A_229, %rem3A_161 : i32
      %parallel_loop3A_231 = arith.constant 200 : i32
      %parallel_loop3A_232 = arith.cmpi sge, %parallel_loop3A_230, %parallel_loop3A_231 : i32
      %parallel_loop3A_233 = arith.constant 200 : i32
      %parallel_loop3A_234 = arith.subi %parallel_loop3A_230, %parallel_loop3A_233 : i32
      %parallel_loop3A_235 = arith.select %parallel_loop3A_232, %parallel_loop3A_234, %parallel_loop3A_230 : i32
      %parallel_loop3A_236 = arith.index_cast %parallel_loop3A_229 : i32 to index
      %parallel_loop3A_237 = arith.constant 0 : index
      %parallel_loop3A_238 = tpu.vector_load %arg9[%parallel_loop3A_236, %parallel_loop3A_237] {strides = array<i32>} : memref<160x128xf32, #tpu.memory_space<vmem>>, vector<1x16xf32>,
      %parallel_loop3A_239 = vector.shape_cast %parallel_loop3A_238 : vector<1x16xf32> to vector<16xf32>
      %parallel_loop3A_240 = arith.index_cast %parallel_loop3A_235 : i32 to index
      %parallel_loop3A_241 = arith.constant 0 : index
      %parallel_loop3A_242 = tpu.vector_load %arg6[%parallel_loop3A_240, %parallel_loop3A_241] {strides = array<i32>} : memref<200x128xf32, #tpu.memory_space<vmem>>, vector<1x16xf32>,
      %parallel_loop3A_243 = vector.shape_cast %parallel_loop3A_242 : vector<1x16xf32> to vector<16xf32>
      %parallel_loop3A_244 = arith.addf %parallel_loop3A_239, %parallel_loop3A_243 : vector<16xf32>
      %parallel_loop3A_245 = arith.index_cast %parallel_loop3A_229 : i32 to index
      %parallel_loop3A_246 = arith.constant 0 : index
      %parallel_loop3A_247 = tpu.vector_load %arg9[%parallel_loop3A_245, %parallel_loop3A_246] {strides = array<i32>} : memref<160x128xf32, #tpu.memory_space<vmem>>, vector<1x16xf32>,
      %parallel_loop3A_248 = vector.shape_cast %parallel_loop3A_247 : vector<1x16xf32> to vector<16xf32>
      %parallel_loop3A_249 = vector.shape_cast %parallel_loop3A_244 : vector<16xf32> to vector<1x16xf32>
      tpu.vector_store %arg9[%parallel_loop3A_245, %parallel_loop3A_246], %parallel_loop3A_249 {strides = array<i32>} : memref<160x128xf32, #tpu.memory_space<vmem>>, vector<1x16xf32>,
      %parallel_loop3A_250 = arith.index_cast %parallel_loop3A_229 : i32 to index
      %parallel_loop3A_251 = arith.constant 16 : index
      %parallel_loop3A_252 = tpu.vector_load %arg9[%parallel_loop3A_250, %parallel_loop3A_251] {strides = array<i32>} : memref<160x128xf32, #tpu.memory_space<vmem>>, vector<1x16xf32>,
      %parallel_loop3A_253 = vector.shape_cast %parallel_loop3A_252 : vector<1x16xf32> to vector<16xf32>
      %parallel_loop3A_254 = arith.index_cast %parallel_loop3A_235 : i32 to index
      %parallel_loop3A_255 = arith.constant 16 : index
      %parallel_loop3A_256 = tpu.vector_load %arg6[%parallel_loop3A_254, %parallel_loop3A_255] {strides = array<i32>} : memref<200x128xf32, #tpu.memory_space<vmem>>, vector<1x16xf32>,
      %parallel_loop3A_257 = vector.shape_cast %parallel_loop3A_256 : vector<1x16xf32> to vector<16xf32>
      %parallel_loop3A_258 = arith.addf %parallel_loop3A_253, %parallel_loop3A_257 : vector<16xf32>
      %parallel_loop3A_259 = arith.index_cast %parallel_loop3A_229 : i32 to index
      %parallel_loop3A_260 = arith.constant 16 : index
      %parallel_loop3A_261 = tpu.vector_load %arg9[%parallel_loop3A_259, %parallel_loop3A_260] {strides = array<i32>} : memref<160x128xf32, #tpu.memory_space<vmem>>, vector<1x16xf32>,
      %parallel_loop3A_262 = vector.shape_cast %parallel_loop3A_261 : vector<1x16xf32> to vector<16xf32>
      %parallel_loop3A_263 = vector.shape_cast %parallel_loop3A_258 : vector<16xf32> to vector<1x16xf32>
      tpu.vector_store %arg9[%parallel_loop3A_259, %parallel_loop3A_260], %parallel_loop3A_263 {strides = array<i32>} : memref<160x128xf32, #tpu.memory_space<vmem>>, vector<1x16xf32>,
      %parallel_loop3A_264 = arith.index_cast %parallel_loop3A_229 : i32 to index
      %parallel_loop3A_265 = arith.constant 32 : index
      %parallel_loop3A_266 = tpu.vector_load %arg9[%parallel_loop3A_264, %parallel_loop3A_265] {strides = array<i32>} : memref<160x128xf32, #tpu.memory_space<vmem>>, vector<1x16xf32>,
      %parallel_loop3A_267 = vector.shape_cast %parallel_loop3A_266 : vector<1x16xf32> to vector<16xf32>
      %parallel_loop3A_268 = arith.index_cast %parallel_loop3A_235 : i32 to index
      %parallel_loop3A_269 = arith.constant 32 : index
      %parallel_loop3A_270 = tpu.vector_load %arg6[%parallel_loop3A_268, %parallel_loop3A_269] {strides = array<i32>} : memref<200x128xf32, #tpu.memory_space<vmem>>, vector<1x16xf32>,
      %parallel_loop3A_271 = vector.shape_cast %parallel_loop3A_270 : vector<1x16xf32> to vector<16xf32>
      %parallel_loop3A_272 = arith.addf %parallel_loop3A_267, %parallel_loop3A_271 : vector<16xf32>
      %parallel_loop3A_273 = arith.index_cast %parallel_loop3A_229 : i32 to index
      %parallel_loop3A_274 = arith.constant 32 : index
      %parallel_loop3A_275 = tpu.vector_load %arg9[%parallel_loop3A_273, %parallel_loop3A_274] {strides = array<i32>} : memref<160x128xf32, #tpu.memory_space<vmem>>, vector<1x16xf32>,
      %parallel_loop3A_276 = vector.shape_cast %parallel_loop3A_275 : vector<1x16xf32> to vector<16xf32>
      %parallel_loop3A_277 = vector.shape_cast %parallel_loop3A_272 : vector<16xf32> to vector<1x16xf32>
      tpu.vector_store %arg9[%parallel_loop3A_273, %parallel_loop3A_274], %parallel_loop3A_277 {strides = array<i32>} : memref<160x128xf32, #tpu.memory_space<vmem>>, vector<1x16xf32>,
      %parallel_loop3A_278 = arith.index_cast %parallel_loop3A_229 : i32 to index
      %parallel_loop3A_279 = arith.constant 48 : index
      %parallel_loop3A_280 = tpu.vector_load %arg9[%parallel_loop3A_278, %parallel_loop3A_279] {strides = array<i32>} : memref<160x128xf32, #tpu.memory_space<vmem>>, vector<1x16xf32>,
      %parallel_loop3A_281 = vector.shape_cast %parallel_loop3A_280 : vector<1x16xf32> to vector<16xf32>
      %parallel_loop3A_282 = arith.index_cast %parallel_loop3A_235 : i32 to index
      %parallel_loop3A_283 = arith.constant 48 : index
      %parallel_loop3A_284 = tpu.vector_load %arg6[%parallel_loop3A_282, %parallel_loop3A_283] {strides = array<i32>} : memref<200x128xf32, #tpu.memory_space<vmem>>, vector<1x16xf32>,
      %parallel_loop3A_285 = vector.shape_cast %parallel_loop3A_284 : vector<1x16xf32> to vector<16xf32>
      %parallel_loop3A_286 = arith.addf %parallel_loop3A_281, %parallel_loop3A_285 : vector<16xf32>
      %parallel_loop3A_287 = arith.index_cast %parallel_loop3A_229 : i32 to index
      %parallel_loop3A_288 = arith.constant 48 : index
      %parallel_loop3A_289 = tpu.vector_load %arg9[%parallel_loop3A_287, %parallel_loop3A_288] {strides = array<i32>} : memref<160x128xf32, #tpu.memory_space<vmem>>, vector<1x16xf32>,
      %parallel_loop3A_290 = vector.shape_cast %parallel_loop3A_289 : vector<1x16xf32> to vector<16xf32>
      %parallel_loop3A_291 = vector.shape_cast %parallel_loop3A_286 : vector<16xf32> to vector<1x16xf32>
      tpu.vector_store %arg9[%parallel_loop3A_287, %parallel_loop3A_288], %parallel_loop3A_291 {strides = array<i32>} : memref<160x128xf32, #tpu.memory_space<vmem>>, vector<1x16xf32>,
      %parallel_loop3A_292 = arith.index_cast %parallel_loop3A_229 : i32 to index
      %parallel_loop3A_293 = arith.constant 64 : index
      %parallel_loop3A_294 = tpu.vector_load %arg9[%parallel_loop3A_292, %parallel_loop3A_293] {strides = array<i32>} : memref<160x128xf32, #tpu.memory_space<vmem>>, vector<1x16xf32>,
      %parallel_loop3A_295 = vector.shape_cast %parallel_loop3A_294 : vector<1x16xf32> to vector<16xf32>
      %parallel_loop3A_296 = arith.index_cast %parallel_loop3A_235 : i32 to index
      %parallel_loop3A_297 = arith.constant 64 : index
      %parallel_loop3A_298 = tpu.vector_load %arg6[%parallel_loop3A_296, %parallel_loop3A_297] {strides = array<i32>} : memref<200x128xf32, #tpu.memory_space<vmem>>, vector<1x16xf32>,
      %parallel_loop3A_299 = vector.shape_cast %parallel_loop3A_298 : vector<1x16xf32> to vector<16xf32>
      %parallel_loop3A_300 = arith.addf %parallel_loop3A_295, %parallel_loop3A_299 : vector<16xf32>
      %parallel_loop3A_301 = arith.index_cast %parallel_loop3A_229 : i32 to index
      %parallel_loop3A_302 = arith.constant 64 : index
      %parallel_loop3A_303 = tpu.vector_load %arg9[%parallel_loop3A_301, %parallel_loop3A_302] {strides = array<i32>} : memref<160x128xf32, #tpu.memory_space<vmem>>, vector<1x16xf32>,
      %parallel_loop3A_304 = vector.shape_cast %parallel_loop3A_303 : vector<1x16xf32> to vector<16xf32>
      %parallel_loop3A_305 = vector.shape_cast %parallel_loop3A_300 : vector<16xf32> to vector<1x16xf32>
      tpu.vector_store %arg9[%parallel_loop3A_301, %parallel_loop3A_302], %parallel_loop3A_305 {strides = array<i32>} : memref<160x128xf32, #tpu.memory_space<vmem>>, vector<1x16xf32>,
      %parallel_loop3A_306 = arith.index_cast %parallel_loop3A_229 : i32 to index
      %parallel_loop3A_307 = arith.constant 80 : index
      %parallel_loop3A_308 = tpu.vector_load %arg9[%parallel_loop3A_306, %parallel_loop3A_307] {strides = array<i32>} : memref<160x128xf32, #tpu.memory_space<vmem>>, vector<1x16xf32>,
      %parallel_loop3A_309 = vector.shape_cast %parallel_loop3A_308 : vector<1x16xf32> to vector<16xf32>
      %parallel_loop3A_310 = arith.index_cast %parallel_loop3A_235 : i32 to index
      %parallel_loop3A_311 = arith.constant 80 : index
      %parallel_loop3A_312 = tpu.vector_load %arg6[%parallel_loop3A_310, %parallel_loop3A_311] {strides = array<i32>} : memref<200x128xf32, #tpu.memory_space<vmem>>, vector<1x16xf32>,
      %parallel_loop3A_313 = vector.shape_cast %parallel_loop3A_312 : vector<1x16xf32> to vector<16xf32>
      %parallel_loop3A_314 = arith.addf %parallel_loop3A_309, %parallel_loop3A_313 : vector<16xf32>
      %parallel_loop3A_315 = arith.index_cast %parallel_loop3A_229 : i32 to index
      %parallel_loop3A_316 = arith.constant 80 : index
      %parallel_loop3A_317 = tpu.vector_load %arg9[%parallel_loop3A_315, %parallel_loop3A_316] {strides = array<i32>} : memref<160x128xf32, #tpu.memory_space<vmem>>, vector<1x16xf32>,
      %parallel_loop3A_318 = vector.shape_cast %parallel_loop3A_317 : vector<1x16xf32> to vector<16xf32>
      %parallel_loop3A_319 = vector.shape_cast %parallel_loop3A_314 : vector<16xf32> to vector<1x16xf32>
      tpu.vector_store %arg9[%parallel_loop3A_315, %parallel_loop3A_316], %parallel_loop3A_319 {strides = array<i32>} : memref<160x128xf32, #tpu.memory_space<vmem>>, vector<1x16xf32>,
      %parallel_loop3A_320 = arith.index_cast %parallel_loop3A_229 : i32 to index
      %parallel_loop3A_321 = arith.constant 96 : index
      %parallel_loop3A_322 = tpu.vector_load %arg9[%parallel_loop3A_320, %parallel_loop3A_321] {strides = array<i32>} : memref<160x128xf32, #tpu.memory_space<vmem>>, vector<1x16xf32>,
      %parallel_loop3A_323 = vector.shape_cast %parallel_loop3A_322 : vector<1x16xf32> to vector<16xf32>
      %parallel_loop3A_324 = arith.index_cast %parallel_loop3A_235 : i32 to index
      %parallel_loop3A_325 = arith.constant 96 : index
      %parallel_loop3A_326 = tpu.vector_load %arg6[%parallel_loop3A_324, %parallel_loop3A_325] {strides = array<i32>} : memref<200x128xf32, #tpu.memory_space<vmem>>, vector<1x16xf32>,
      %parallel_loop3A_327 = vector.shape_cast %parallel_loop3A_326 : vector<1x16xf32> to vector<16xf32>
      %parallel_loop3A_328 = arith.addf %parallel_loop3A_323, %parallel_loop3A_327 : vector<16xf32>
      %parallel_loop3A_329 = arith.index_cast %parallel_loop3A_229 : i32 to index
      %parallel_loop3A_330 = arith.constant 96 : index
      %parallel_loop3A_331 = tpu.vector_load %arg9[%parallel_loop3A_329, %parallel_loop3A_330] {strides = array<i32>} : memref<160x128xf32, #tpu.memory_space<vmem>>, vector<1x16xf32>,
      %parallel_loop3A_332 = vector.shape_cast %parallel_loop3A_331 : vector<1x16xf32> to vector<16xf32>
      %parallel_loop3A_333 = vector.shape_cast %parallel_loop3A_328 : vector<16xf32> to vector<1x16xf32>
      tpu.vector_store %arg9[%parallel_loop3A_329, %parallel_loop3A_330], %parallel_loop3A_333 {strides = array<i32>} : memref<160x128xf32, #tpu.memory_space<vmem>>, vector<1x16xf32>,
      %parallel_loop3A_334 = arith.index_cast %parallel_loop3A_229 : i32 to index
      %parallel_loop3A_335 = arith.constant 112 : index
      %parallel_loop3A_336 = tpu.vector_load %arg9[%parallel_loop3A_334, %parallel_loop3A_335] {strides = array<i32>} : memref<160x128xf32, #tpu.memory_space<vmem>>, vector<1x16xf32>,
      %parallel_loop3A_337 = vector.shape_cast %parallel_loop3A_336 : vector<1x16xf32> to vector<16xf32>
      %parallel_loop3A_338 = arith.index_cast %parallel_loop3A_235 : i32 to index
      %parallel_loop3A_339 = arith.constant 112 : index
      %parallel_loop3A_340 = tpu.vector_load %arg6[%parallel_loop3A_338, %parallel_loop3A_339] {strides = array<i32>} : memref<200x128xf32, #tpu.memory_space<vmem>>, vector<1x16xf32>,
      %parallel_loop3A_341 = vector.shape_cast %parallel_loop3A_340 : vector<1x16xf32> to vector<16xf32>
      %parallel_loop3A_342 = arith.addf %parallel_loop3A_337, %parallel_loop3A_341 : vector<16xf32>
      %parallel_loop3A_343 = arith.index_cast %parallel_loop3A_229 : i32 to index
      %parallel_loop3A_344 = arith.constant 112 : index
      %parallel_loop3A_345 = tpu.vector_load %arg9[%parallel_loop3A_343, %parallel_loop3A_344] {strides = array<i32>} : memref<160x128xf32, #tpu.memory_space<vmem>>, vector<1x16xf32>,
      %parallel_loop3A_346 = vector.shape_cast %parallel_loop3A_345 : vector<1x16xf32> to vector<16xf32>
      %parallel_loop3A_347 = vector.shape_cast %parallel_loop3A_342 : vector<16xf32> to vector<1x16xf32>
      tpu.vector_store %arg9[%parallel_loop3A_343, %parallel_loop3A_344], %parallel_loop3A_347 {strides = array<i32>} : memref<160x128xf32, #tpu.memory_space<vmem>>, vector<1x16xf32>,
    } {sc.loop_unroll_factor = 4 : i64, sc.parallel_access}
    %add3A_165 = arith.constant 5920 : i32
    %add3A_166 = arith.addi %mul3A_2, %add3A_165 : i32
    %dma_start3A_167 = arith.constant 0 : i32
    %dma_start3A_168 = tpu.memref_slice %arg5[%add3A_166, %dma_start3A_167] : memref<204800x128xf32, #tpu.memory_space<hbm>> -> memref<160x128xf32, #tpu.memory_space<hbm>>
    %dma_start3A_169 = arith.constant 0 : i32
    %dma_start3A_170 = tpu.memref_slice %arg5[%add3A_166, %dma_start3A_169] : memref<204800x128xf32, #tpu.memory_space<hbm>> -> memref<160x128xf32, #tpu.memory_space<hbm>>
    tpu.enqueue_dma source(%arg9 : memref<160x128xf32, #tpu.memory_space<vmem>>) target(%dma_start3A_170 : memref<160x128xf32, #tpu.memory_space<hbm>>) target_semaphore(%arg17 : memref<!tpu.dma_semaphore, #tpu.memory_space<semaphore_mem>>)
    %dma_wait3A_171 = arith.constant 6080 : i32
    %dma_wait3A_172 = tpu.memref_slice %arg7[%dma_wait3A_171] : memref<6400xi32, #tpu.memory_space<vmem>> -> memref<160xi32, #tpu.memory_space<vmem>>
    %dma_wait3A_173 = arith.constant 0 : i32
    %dma_wait3A_174 = arith.constant 0 : i32
    %dma_wait3A_175 = tpu.memref_slice %arg3[%dma_wait3A_173, %dma_wait3A_174] : memref<100000x128xf32, #tpu.memory_space<hbm>> -> memref<100000x128xf32, #tpu.memory_space<hbm>>
    tpu.wait_indirect_dma semaphore(%arg14 : memref<!tpu.dma_semaphore, #tpu.memory_space<semaphore_mem>>) src(%dma_wait3A_175 : memref<100000x128xf32, #tpu.memory_space<hbm>>) dst(%arg10 : memref<160x128xf32, #tpu.memory_space<vmem>>)
    %rem3A_176 = arith.constant 6080 : i32
    %rem3A_177 = arith.constant 200 : i32
    %rem3A_178 = arith.remsi %rem3A_176, %rem3A_177 : i32
    %parallel_loop3A_179 = arith.constant 0 : i32
    %parallel_loop3A_180 = arith.constant 160 : i32
    %parallel_loop3A_181 = arith.constant 1 : i32
    scf.for %parallel_loop3A_229 = %parallel_loop3A_179 to %parallel_loop3A_180 step %parallel_loop3A_181  : i32 {
      %parallel_loop3A_230 = arith.addi %parallel_loop3A_229, %rem3A_178 : i32
      %parallel_loop3A_231 = arith.constant 200 : i32
      %parallel_loop3A_232 = arith.cmpi sge, %parallel_loop3A_230, %parallel_loop3A_231 : i32
      %parallel_loop3A_233 = arith.constant 200 : i32
      %parallel_loop3A_234 = arith.subi %parallel_loop3A_230, %parallel_loop3A_233 : i32
      %parallel_loop3A_235 = arith.select %parallel_loop3A_232, %parallel_loop3A_234, %parallel_loop3A_230 : i32
      %parallel_loop3A_236 = arith.index_cast %parallel_loop3A_229 : i32 to index
      %parallel_loop3A_237 = arith.constant 0 : index
      %parallel_loop3A_238 = tpu.vector_load %arg10[%parallel_loop3A_236, %parallel_loop3A_237] {strides = array<i32>} : memref<160x128xf32, #tpu.memory_space<vmem>>, vector<1x16xf32>,
      %parallel_loop3A_239 = vector.shape_cast %parallel_loop3A_238 : vector<1x16xf32> to vector<16xf32>
      %parallel_loop3A_240 = arith.index_cast %parallel_loop3A_235 : i32 to index
      %parallel_loop3A_241 = arith.constant 0 : index
      %parallel_loop3A_242 = tpu.vector_load %arg6[%parallel_loop3A_240, %parallel_loop3A_241] {strides = array<i32>} : memref<200x128xf32, #tpu.memory_space<vmem>>, vector<1x16xf32>,
      %parallel_loop3A_243 = vector.shape_cast %parallel_loop3A_242 : vector<1x16xf32> to vector<16xf32>
      %parallel_loop3A_244 = arith.addf %parallel_loop3A_239, %parallel_loop3A_243 : vector<16xf32>
      %parallel_loop3A_245 = arith.index_cast %parallel_loop3A_229 : i32 to index
      %parallel_loop3A_246 = arith.constant 0 : index
      %parallel_loop3A_247 = tpu.vector_load %arg10[%parallel_loop3A_245, %parallel_loop3A_246] {strides = array<i32>} : memref<160x128xf32, #tpu.memory_space<vmem>>, vector<1x16xf32>,
      %parallel_loop3A_248 = vector.shape_cast %parallel_loop3A_247 : vector<1x16xf32> to vector<16xf32>
      %parallel_loop3A_249 = vector.shape_cast %parallel_loop3A_244 : vector<16xf32> to vector<1x16xf32>
      tpu.vector_store %arg10[%parallel_loop3A_245, %parallel_loop3A_246], %parallel_loop3A_249 {strides = array<i32>} : memref<160x128xf32, #tpu.memory_space<vmem>>, vector<1x16xf32>,
      %parallel_loop3A_250 = arith.index_cast %parallel_loop3A_229 : i32 to index
      %parallel_loop3A_251 = arith.constant 16 : index
      %parallel_loop3A_252 = tpu.vector_load %arg10[%parallel_loop3A_250, %parallel_loop3A_251] {strides = array<i32>} : memref<160x128xf32, #tpu.memory_space<vmem>>, vector<1x16xf32>,
      %parallel_loop3A_253 = vector.shape_cast %parallel_loop3A_252 : vector<1x16xf32> to vector<16xf32>
      %parallel_loop3A_254 = arith.index_cast %parallel_loop3A_235 : i32 to index
      %parallel_loop3A_255 = arith.constant 16 : index
      %parallel_loop3A_256 = tpu.vector_load %arg6[%parallel_loop3A_254, %parallel_loop3A_255] {strides = array<i32>} : memref<200x128xf32, #tpu.memory_space<vmem>>, vector<1x16xf32>,
      %parallel_loop3A_257 = vector.shape_cast %parallel_loop3A_256 : vector<1x16xf32> to vector<16xf32>
      %parallel_loop3A_258 = arith.addf %parallel_loop3A_253, %parallel_loop3A_257 : vector<16xf32>
      %parallel_loop3A_259 = arith.index_cast %parallel_loop3A_229 : i32 to index
      %parallel_loop3A_260 = arith.constant 16 : index
      %parallel_loop3A_261 = tpu.vector_load %arg10[%parallel_loop3A_259, %parallel_loop3A_260] {strides = array<i32>} : memref<160x128xf32, #tpu.memory_space<vmem>>, vector<1x16xf32>,
      %parallel_loop3A_262 = vector.shape_cast %parallel_loop3A_261 : vector<1x16xf32> to vector<16xf32>
      %parallel_loop3A_263 = vector.shape_cast %parallel_loop3A_258 : vector<16xf32> to vector<1x16xf32>
      tpu.vector_store %arg10[%parallel_loop3A_259, %parallel_loop3A_260], %parallel_loop3A_263 {strides = array<i32>} : memref<160x128xf32, #tpu.memory_space<vmem>>, vector<1x16xf32>,
      %parallel_loop3A_264 = arith.index_cast %parallel_loop3A_229 : i32 to index
      %parallel_loop3A_265 = arith.constant 32 : index
      %parallel_loop3A_266 = tpu.vector_load %arg10[%parallel_loop3A_264, %parallel_loop3A_265] {strides = array<i32>} : memref<160x128xf32, #tpu.memory_space<vmem>>, vector<1x16xf32>,
      %parallel_loop3A_267 = vector.shape_cast %parallel_loop3A_266 : vector<1x16xf32> to vector<16xf32>
      %parallel_loop3A_268 = arith.index_cast %parallel_loop3A_235 : i32 to index
      %parallel_loop3A_269 = arith.constant 32 : index
      %parallel_loop3A_270 = tpu.vector_load %arg6[%parallel_loop3A_268, %parallel_loop3A_269] {strides = array<i32>} : memref<200x128xf32, #tpu.memory_space<vmem>>, vector<1x16xf32>,
      %parallel_loop3A_271 = vector.shape_cast %parallel_loop3A_270 : vector<1x16xf32> to vector<16xf32>
      %parallel_loop3A_272 = arith.addf %parallel_loop3A_267, %parallel_loop3A_271 : vector<16xf32>
      %parallel_loop3A_273 = arith.index_cast %parallel_loop3A_229 : i32 to index
      %parallel_loop3A_274 = arith.constant 32 : index
      %parallel_loop3A_275 = tpu.vector_load %arg10[%parallel_loop3A_273, %parallel_loop3A_274] {strides = array<i32>} : memref<160x128xf32, #tpu.memory_space<vmem>>, vector<1x16xf32>,
      %parallel_loop3A_276 = vector.shape_cast %parallel_loop3A_275 : vector<1x16xf32> to vector<16xf32>
      %parallel_loop3A_277 = vector.shape_cast %parallel_loop3A_272 : vector<16xf32> to vector<1x16xf32>
      tpu.vector_store %arg10[%parallel_loop3A_273, %parallel_loop3A_274], %parallel_loop3A_277 {strides = array<i32>} : memref<160x128xf32, #tpu.memory_space<vmem>>, vector<1x16xf32>,
      %parallel_loop3A_278 = arith.index_cast %parallel_loop3A_229 : i32 to index
      %parallel_loop3A_279 = arith.constant 48 : index
      %parallel_loop3A_280 = tpu.vector_load %arg10[%parallel_loop3A_278, %parallel_loop3A_279] {strides = array<i32>} : memref<160x128xf32, #tpu.memory_space<vmem>>, vector<1x16xf32>,
      %parallel_loop3A_281 = vector.shape_cast %parallel_loop3A_280 : vector<1x16xf32> to vector<16xf32>
      %parallel_loop3A_282 = arith.index_cast %parallel_loop3A_235 : i32 to index
      %parallel_loop3A_283 = arith.constant 48 : index
      %parallel_loop3A_284 = tpu.vector_load %arg6[%parallel_loop3A_282, %parallel_loop3A_283] {strides = array<i32>} : memref<200x128xf32, #tpu.memory_space<vmem>>, vector<1x16xf32>,
      %parallel_loop3A_285 = vector.shape_cast %parallel_loop3A_284 : vector<1x16xf32> to vector<16xf32>
      %parallel_loop3A_286 = arith.addf %parallel_loop3A_281, %parallel_loop3A_285 : vector<16xf32>
      %parallel_loop3A_287 = arith.index_cast %parallel_loop3A_229 : i32 to index
      %parallel_loop3A_288 = arith.constant 48 : index
      %parallel_loop3A_289 = tpu.vector_load %arg10[%parallel_loop3A_287, %parallel_loop3A_288] {strides = array<i32>} : memref<160x128xf32, #tpu.memory_space<vmem>>, vector<1x16xf32>,
      %parallel_loop3A_290 = vector.shape_cast %parallel_loop3A_289 : vector<1x16xf32> to vector<16xf32>
      %parallel_loop3A_291 = vector.shape_cast %parallel_loop3A_286 : vector<16xf32> to vector<1x16xf32>
      tpu.vector_store %arg10[%parallel_loop3A_287, %parallel_loop3A_288], %parallel_loop3A_291 {strides = array<i32>} : memref<160x128xf32, #tpu.memory_space<vmem>>, vector<1x16xf32>,
      %parallel_loop3A_292 = arith.index_cast %parallel_loop3A_229 : i32 to index
      %parallel_loop3A_293 = arith.constant 64 : index
      %parallel_loop3A_294 = tpu.vector_load %arg10[%parallel_loop3A_292, %parallel_loop3A_293] {strides = array<i32>} : memref<160x128xf32, #tpu.memory_space<vmem>>, vector<1x16xf32>,
      %parallel_loop3A_295 = vector.shape_cast %parallel_loop3A_294 : vector<1x16xf32> to vector<16xf32>
      %parallel_loop3A_296 = arith.index_cast %parallel_loop3A_235 : i32 to index
      %parallel_loop3A_297 = arith.constant 64 : index
      %parallel_loop3A_298 = tpu.vector_load %arg6[%parallel_loop3A_296, %parallel_loop3A_297] {strides = array<i32>} : memref<200x128xf32, #tpu.memory_space<vmem>>, vector<1x16xf32>,
      %parallel_loop3A_299 = vector.shape_cast %parallel_loop3A_298 : vector<1x16xf32> to vector<16xf32>
      %parallel_loop3A_300 = arith.addf %parallel_loop3A_295, %parallel_loop3A_299 : vector<16xf32>
      %parallel_loop3A_301 = arith.index_cast %parallel_loop3A_229 : i32 to index
      %parallel_loop3A_302 = arith.constant 64 : index
      %parallel_loop3A_303 = tpu.vector_load %arg10[%parallel_loop3A_301, %parallel_loop3A_302] {strides = array<i32>} : memref<160x128xf32, #tpu.memory_space<vmem>>, vector<1x16xf32>,
      %parallel_loop3A_304 = vector.shape_cast %parallel_loop3A_303 : vector<1x16xf32> to vector<16xf32>
      %parallel_loop3A_305 = vector.shape_cast %parallel_loop3A_300 : vector<16xf32> to vector<1x16xf32>
      tpu.vector_store %arg10[%parallel_loop3A_301, %parallel_loop3A_302], %parallel_loop3A_305 {strides = array<i32>} : memref<160x128xf32, #tpu.memory_space<vmem>>, vector<1x16xf32>,
      %parallel_loop3A_306 = arith.index_cast %parallel_loop3A_229 : i32 to index
      %parallel_loop3A_307 = arith.constant 80 : index
      %parallel_loop3A_308 = tpu.vector_load %arg10[%parallel_loop3A_306, %parallel_loop3A_307] {strides = array<i32>} : memref<160x128xf32, #tpu.memory_space<vmem>>, vector<1x16xf32>,
      %parallel_loop3A_309 = vector.shape_cast %parallel_loop3A_308 : vector<1x16xf32> to vector<16xf32>
      %parallel_loop3A_310 = arith.index_cast %parallel_loop3A_235 : i32 to index
      %parallel_loop3A_311 = arith.constant 80 : index
      %parallel_loop3A_312 = tpu.vector_load %arg6[%parallel_loop3A_310, %parallel_loop3A_311] {strides = array<i32>} : memref<200x128xf32, #tpu.memory_space<vmem>>, vector<1x16xf32>,
      %parallel_loop3A_313 = vector.shape_cast %parallel_loop3A_312 : vector<1x16xf32> to vector<16xf32>
      %parallel_loop3A_314 = arith.addf %parallel_loop3A_309, %parallel_loop3A_313 : vector<16xf32>
      %parallel_loop3A_315 = arith.index_cast %parallel_loop3A_229 : i32 to index
      %parallel_loop3A_316 = arith.constant 80 : index
      %parallel_loop3A_317 = tpu.vector_load %arg10[%parallel_loop3A_315, %parallel_loop3A_316] {strides = array<i32>} : memref<160x128xf32, #tpu.memory_space<vmem>>, vector<1x16xf32>,
      %parallel_loop3A_318 = vector.shape_cast %parallel_loop3A_317 : vector<1x16xf32> to vector<16xf32>
      %parallel_loop3A_319 = vector.shape_cast %parallel_loop3A_314 : vector<16xf32> to vector<1x16xf32>
      tpu.vector_store %arg10[%parallel_loop3A_315, %parallel_loop3A_316], %parallel_loop3A_319 {strides = array<i32>} : memref<160x128xf32, #tpu.memory_space<vmem>>, vector<1x16xf32>,
      %parallel_loop3A_320 = arith.index_cast %parallel_loop3A_229 : i32 to index
      %parallel_loop3A_321 = arith.constant 96 : index
      %parallel_loop3A_322 = tpu.vector_load %arg10[%parallel_loop3A_320, %parallel_loop3A_321] {strides = array<i32>} : memref<160x128xf32, #tpu.memory_space<vmem>>, vector<1x16xf32>,
      %parallel_loop3A_323 = vector.shape_cast %parallel_loop3A_322 : vector<1x16xf32> to vector<16xf32>
      %parallel_loop3A_324 = arith.index_cast %parallel_loop3A_235 : i32 to index
      %parallel_loop3A_325 = arith.constant 96 : index
      %parallel_loop3A_326 = tpu.vector_load %arg6[%parallel_loop3A_324, %parallel_loop3A_325] {strides = array<i32>} : memref<200x128xf32, #tpu.memory_space<vmem>>, vector<1x16xf32>,
      %parallel_loop3A_327 = vector.shape_cast %parallel_loop3A_326 : vector<1x16xf32> to vector<16xf32>
      %parallel_loop3A_328 = arith.addf %parallel_loop3A_323, %parallel_loop3A_327 : vector<16xf32>
      %parallel_loop3A_329 = arith.index_cast %parallel_loop3A_229 : i32 to index
      %parallel_loop3A_330 = arith.constant 96 : index
      %parallel_loop3A_331 = tpu.vector_load %arg10[%parallel_loop3A_329, %parallel_loop3A_330] {strides = array<i32>} : memref<160x128xf32, #tpu.memory_space<vmem>>, vector<1x16xf32>,
      %parallel_loop3A_332 = vector.shape_cast %parallel_loop3A_331 : vector<1x16xf32> to vector<16xf32>
      %parallel_loop3A_333 = vector.shape_cast %parallel_loop3A_328 : vector<16xf32> to vector<1x16xf32>
      tpu.vector_store %arg10[%parallel_loop3A_329, %parallel_loop3A_330], %parallel_loop3A_333 {strides = array<i32>} : memref<160x128xf32, #tpu.memory_space<vmem>>, vector<1x16xf32>,
      %parallel_loop3A_334 = arith.index_cast %parallel_loop3A_229 : i32 to index
      %parallel_loop3A_335 = arith.constant 112 : index
      %parallel_loop3A_336 = tpu.vector_load %arg10[%parallel_loop3A_334, %parallel_loop3A_335] {strides = array<i32>} : memref<160x128xf32, #tpu.memory_space<vmem>>, vector<1x16xf32>,
      %parallel_loop3A_337 = vector.shape_cast %parallel_loop3A_336 : vector<1x16xf32> to vector<16xf32>
      %parallel_loop3A_338 = arith.index_cast %parallel_loop3A_235 : i32 to index
      %parallel_loop3A_339 = arith.constant 112 : index
      %parallel_loop3A_340 = tpu.vector_load %arg6[%parallel_loop3A_338, %parallel_loop3A_339] {strides = array<i32>} : memref<200x128xf32, #tpu.memory_space<vmem>>, vector<1x16xf32>,
      %parallel_loop3A_341 = vector.shape_cast %parallel_loop3A_340 : vector<1x16xf32> to vector<16xf32>
      %parallel_loop3A_342 = arith.addf %parallel_loop3A_337, %parallel_loop3A_341 : vector<16xf32>
      %parallel_loop3A_343 = arith.index_cast %parallel_loop3A_229 : i32 to index
      %parallel_loop3A_344 = arith.constant 112 : index
      %parallel_loop3A_345 = tpu.vector_load %arg10[%parallel_loop3A_343, %parallel_loop3A_344] {strides = array<i32>} : memref<160x128xf32, #tpu.memory_space<vmem>>, vector<1x16xf32>,
      %parallel_loop3A_346 = vector.shape_cast %parallel_loop3A_345 : vector<1x16xf32> to vector<16xf32>
      %parallel_loop3A_347 = vector.shape_cast %parallel_loop3A_342 : vector<16xf32> to vector<1x16xf32>
      tpu.vector_store %arg10[%parallel_loop3A_343, %parallel_loop3A_344], %parallel_loop3A_347 {strides = array<i32>} : memref<160x128xf32, #tpu.memory_space<vmem>>, vector<1x16xf32>,
    } {sc.loop_unroll_factor = 4 : i64, sc.parallel_access}
    %add3A_182 = arith.constant 6080 : i32
    %add3A_183 = arith.addi %mul3A_2, %add3A_182 : i32
    %dma_start3A_184 = arith.constant 0 : i32
    %dma_start3A_185 = tpu.memref_slice %arg5[%add3A_183, %dma_start3A_184] : memref<204800x128xf32, #tpu.memory_space<hbm>> -> memref<160x128xf32, #tpu.memory_space<hbm>>
    %dma_start3A_186 = arith.constant 0 : i32
    %dma_start3A_187 = tpu.memref_slice %arg5[%add3A_183, %dma_start3A_186] : memref<204800x128xf32, #tpu.memory_space<hbm>> -> memref<160x128xf32, #tpu.memory_space<hbm>>
    tpu.enqueue_dma source(%arg10 : memref<160x128xf32, #tpu.memory_space<vmem>>) target(%dma_start3A_187 : memref<160x128xf32, #tpu.memory_space<hbm>>) target_semaphore(%arg18 : memref<!tpu.dma_semaphore, #tpu.memory_space<semaphore_mem>>)
    %dma_wait3A_188 = arith.constant 6240 : i32
    %dma_wait3A_189 = tpu.memref_slice %arg7[%dma_wait3A_188] : memref<6400xi32, #tpu.memory_space<vmem>> -> memref<160xi32, #tpu.memory_space<vmem>>
    %dma_wait3A_190 = arith.constant 0 : i32
    %dma_wait3A_191 = arith.constant 0 : i32
    %dma_wait3A_192 = tpu.memref_slice %arg3[%dma_wait3A_190, %dma_wait3A_191] : memref<100000x128xf32, #tpu.memory_space<hbm>> -> memref<100000x128xf32, #tpu.memory_space<hbm>>
    tpu.wait_indirect_dma semaphore(%arg15 : memref<!tpu.dma_semaphore, #tpu.memory_space<semaphore_mem>>) src(%dma_wait3A_192 : memref<100000x128xf32, #tpu.memory_space<hbm>>) dst(%arg11 : memref<160x128xf32, #tpu.memory_space<vmem>>)
    %rem3A_193 = arith.constant 6240 : i32
    %rem3A_194 = arith.constant 200 : i32
    %rem3A_195 = arith.remsi %rem3A_193, %rem3A_194 : i32
    %parallel_loop3A_196 = arith.constant 0 : i32
    %parallel_loop3A_197 = arith.constant 160 : i32
    %parallel_loop3A_198 = arith.constant 1 : i32
    scf.for %parallel_loop3A_229 = %parallel_loop3A_196 to %parallel_loop3A_197 step %parallel_loop3A_198  : i32 {
      %parallel_loop3A_230 = arith.addi %parallel_loop3A_229, %rem3A_195 : i32
      %parallel_loop3A_231 = arith.constant 200 : i32
      %parallel_loop3A_232 = arith.cmpi sge, %parallel_loop3A_230, %parallel_loop3A_231 : i32
      %parallel_loop3A_233 = arith.constant 200 : i32
      %parallel_loop3A_234 = arith.subi %parallel_loop3A_230, %parallel_loop3A_233 : i32
      %parallel_loop3A_235 = arith.select %parallel_loop3A_232, %parallel_loop3A_234, %parallel_loop3A_230 : i32
      %parallel_loop3A_236 = arith.index_cast %parallel_loop3A_229 : i32 to index
      %parallel_loop3A_237 = arith.constant 0 : index
      %parallel_loop3A_238 = tpu.vector_load %arg11[%parallel_loop3A_236, %parallel_loop3A_237] {strides = array<i32>} : memref<160x128xf32, #tpu.memory_space<vmem>>, vector<1x16xf32>,
      %parallel_loop3A_239 = vector.shape_cast %parallel_loop3A_238 : vector<1x16xf32> to vector<16xf32>
      %parallel_loop3A_240 = arith.index_cast %parallel_loop3A_235 : i32 to index
      %parallel_loop3A_241 = arith.constant 0 : index
      %parallel_loop3A_242 = tpu.vector_load %arg6[%parallel_loop3A_240, %parallel_loop3A_241] {strides = array<i32>} : memref<200x128xf32, #tpu.memory_space<vmem>>, vector<1x16xf32>,
      %parallel_loop3A_243 = vector.shape_cast %parallel_loop3A_242 : vector<1x16xf32> to vector<16xf32>
      %parallel_loop3A_244 = arith.addf %parallel_loop3A_239, %parallel_loop3A_243 : vector<16xf32>
      %parallel_loop3A_245 = arith.index_cast %parallel_loop3A_229 : i32 to index
      %parallel_loop3A_246 = arith.constant 0 : index
      %parallel_loop3A_247 = tpu.vector_load %arg11[%parallel_loop3A_245, %parallel_loop3A_246] {strides = array<i32>} : memref<160x128xf32, #tpu.memory_space<vmem>>, vector<1x16xf32>,
      %parallel_loop3A_248 = vector.shape_cast %parallel_loop3A_247 : vector<1x16xf32> to vector<16xf32>
      %parallel_loop3A_249 = vector.shape_cast %parallel_loop3A_244 : vector<16xf32> to vector<1x16xf32>
      tpu.vector_store %arg11[%parallel_loop3A_245, %parallel_loop3A_246], %parallel_loop3A_249 {strides = array<i32>} : memref<160x128xf32, #tpu.memory_space<vmem>>, vector<1x16xf32>,
      %parallel_loop3A_250 = arith.index_cast %parallel_loop3A_229 : i32 to index
      %parallel_loop3A_251 = arith.constant 16 : index
      %parallel_loop3A_252 = tpu.vector_load %arg11[%parallel_loop3A_250, %parallel_loop3A_251] {strides = array<i32>} : memref<160x128xf32, #tpu.memory_space<vmem>>, vector<1x16xf32>,
      %parallel_loop3A_253 = vector.shape_cast %parallel_loop3A_252 : vector<1x16xf32> to vector<16xf32>
      %parallel_loop3A_254 = arith.index_cast %parallel_loop3A_235 : i32 to index
      %parallel_loop3A_255 = arith.constant 16 : index
      %parallel_loop3A_256 = tpu.vector_load %arg6[%parallel_loop3A_254, %parallel_loop3A_255] {strides = array<i32>} : memref<200x128xf32, #tpu.memory_space<vmem>>, vector<1x16xf32>,
      %parallel_loop3A_257 = vector.shape_cast %parallel_loop3A_256 : vector<1x16xf32> to vector<16xf32>
      %parallel_loop3A_258 = arith.addf %parallel_loop3A_253, %parallel_loop3A_257 : vector<16xf32>
      %parallel_loop3A_259 = arith.index_cast %parallel_loop3A_229 : i32 to index
      %parallel_loop3A_260 = arith.constant 16 : index
      %parallel_loop3A_261 = tpu.vector_load %arg11[%parallel_loop3A_259, %parallel_loop3A_260] {strides = array<i32>} : memref<160x128xf32, #tpu.memory_space<vmem>>, vector<1x16xf32>,
      %parallel_loop3A_262 = vector.shape_cast %parallel_loop3A_261 : vector<1x16xf32> to vector<16xf32>
      %parallel_loop3A_263 = vector.shape_cast %parallel_loop3A_258 : vector<16xf32> to vector<1x16xf32>
      tpu.vector_store %arg11[%parallel_loop3A_259, %parallel_loop3A_260], %parallel_loop3A_263 {strides = array<i32>} : memref<160x128xf32, #tpu.memory_space<vmem>>, vector<1x16xf32>,
      %parallel_loop3A_264 = arith.index_cast %parallel_loop3A_229 : i32 to index
      %parallel_loop3A_265 = arith.constant 32 : index
      %parallel_loop3A_266 = tpu.vector_load %arg11[%parallel_loop3A_264, %parallel_loop3A_265] {strides = array<i32>} : memref<160x128xf32, #tpu.memory_space<vmem>>, vector<1x16xf32>,
      %parallel_loop3A_267 = vector.shape_cast %parallel_loop3A_266 : vector<1x16xf32> to vector<16xf32>
      %parallel_loop3A_268 = arith.index_cast %parallel_loop3A_235 : i32 to index
      %parallel_loop3A_269 = arith.constant 32 : index
      %parallel_loop3A_270 = tpu.vector_load %arg6[%parallel_loop3A_268, %parallel_loop3A_269] {strides = array<i32>} : memref<200x128xf32, #tpu.memory_space<vmem>>, vector<1x16xf32>,
      %parallel_loop3A_271 = vector.shape_cast %parallel_loop3A_270 : vector<1x16xf32> to vector<16xf32>
      %parallel_loop3A_272 = arith.addf %parallel_loop3A_267, %parallel_loop3A_271 : vector<16xf32>
      %parallel_loop3A_273 = arith.index_cast %parallel_loop3A_229 : i32 to index
      %parallel_loop3A_274 = arith.constant 32 : index
      %parallel_loop3A_275 = tpu.vector_load %arg11[%parallel_loop3A_273, %parallel_loop3A_274] {strides = array<i32>} : memref<160x128xf32, #tpu.memory_space<vmem>>, vector<1x16xf32>,
      %parallel_loop3A_276 = vector.shape_cast %parallel_loop3A_275 : vector<1x16xf32> to vector<16xf32>
      %parallel_loop3A_277 = vector.shape_cast %parallel_loop3A_272 : vector<16xf32> to vector<1x16xf32>
      tpu.vector_store %arg11[%parallel_loop3A_273, %parallel_loop3A_274], %parallel_loop3A_277 {strides = array<i32>} : memref<160x128xf32, #tpu.memory_space<vmem>>, vector<1x16xf32>,
      %parallel_loop3A_278 = arith.index_cast %parallel_loop3A_229 : i32 to index
      %parallel_loop3A_279 = arith.constant 48 : index
      %parallel_loop3A_280 = tpu.vector_load %arg11[%parallel_loop3A_278, %parallel_loop3A_279] {strides = array<i32>} : memref<160x128xf32, #tpu.memory_space<vmem>>, vector<1x16xf32>,
      %parallel_loop3A_281 = vector.shape_cast %parallel_loop3A_280 : vector<1x16xf32> to vector<16xf32>
      %parallel_loop3A_282 = arith.index_cast %parallel_loop3A_235 : i32 to index
      %parallel_loop3A_283 = arith.constant 48 : index
      %parallel_loop3A_284 = tpu.vector_load %arg6[%parallel_loop3A_282, %parallel_loop3A_283] {strides = array<i32>} : memref<200x128xf32, #tpu.memory_space<vmem>>, vector<1x16xf32>,
      %parallel_loop3A_285 = vector.shape_cast %parallel_loop3A_284 : vector<1x16xf32> to vector<16xf32>
      %parallel_loop3A_286 = arith.addf %parallel_loop3A_281, %parallel_loop3A_285 : vector<16xf32>
      %parallel_loop3A_287 = arith.index_cast %parallel_loop3A_229 : i32 to index
      %parallel_loop3A_288 = arith.constant 48 : index
      %parallel_loop3A_289 = tpu.vector_load %arg11[%parallel_loop3A_287, %parallel_loop3A_288] {strides = array<i32>} : memref<160x128xf32, #tpu.memory_space<vmem>>, vector<1x16xf32>,
      %parallel_loop3A_290 = vector.shape_cast %parallel_loop3A_289 : vector<1x16xf32> to vector<16xf32>
      %parallel_loop3A_291 = vector.shape_cast %parallel_loop3A_286 : vector<16xf32> to vector<1x16xf32>
      tpu.vector_store %arg11[%parallel_loop3A_287, %parallel_loop3A_288], %parallel_loop3A_291 {strides = array<i32>} : memref<160x128xf32, #tpu.memory_space<vmem>>, vector<1x16xf32>,
      %parallel_loop3A_292 = arith.index_cast %parallel_loop3A_229 : i32 to index
      %parallel_loop3A_293 = arith.constant 64 : index
      %parallel_loop3A_294 = tpu.vector_load %arg11[%parallel_loop3A_292, %parallel_loop3A_293] {strides = array<i32>} : memref<160x128xf32, #tpu.memory_space<vmem>>, vector<1x16xf32>,
      %parallel_loop3A_295 = vector.shape_cast %parallel_loop3A_294 : vector<1x16xf32> to vector<16xf32>
      %parallel_loop3A_296 = arith.index_cast %parallel_loop3A_235 : i32 to index
      %parallel_loop3A_297 = arith.constant 64 : index
      %parallel_loop3A_298 = tpu.vector_load %arg6[%parallel_loop3A_296, %parallel_loop3A_297] {strides = array<i32>} : memref<200x128xf32, #tpu.memory_space<vmem>>, vector<1x16xf32>,
      %parallel_loop3A_299 = vector.shape_cast %parallel_loop3A_298 : vector<1x16xf32> to vector<16xf32>
      %parallel_loop3A_300 = arith.addf %parallel_loop3A_295, %parallel_loop3A_299 : vector<16xf32>
      %parallel_loop3A_301 = arith.index_cast %parallel_loop3A_229 : i32 to index
      %parallel_loop3A_302 = arith.constant 64 : index
      %parallel_loop3A_303 = tpu.vector_load %arg11[%parallel_loop3A_301, %parallel_loop3A_302] {strides = array<i32>} : memref<160x128xf32, #tpu.memory_space<vmem>>, vector<1x16xf32>,
      %parallel_loop3A_304 = vector.shape_cast %parallel_loop3A_303 : vector<1x16xf32> to vector<16xf32>
      %parallel_loop3A_305 = vector.shape_cast %parallel_loop3A_300 : vector<16xf32> to vector<1x16xf32>
      tpu.vector_store %arg11[%parallel_loop3A_301, %parallel_loop3A_302], %parallel_loop3A_305 {strides = array<i32>} : memref<160x128xf32, #tpu.memory_space<vmem>>, vector<1x16xf32>,
      %parallel_loop3A_306 = arith.index_cast %parallel_loop3A_229 : i32 to index
      %parallel_loop3A_307 = arith.constant 80 : index
      %parallel_loop3A_308 = tpu.vector_load %arg11[%parallel_loop3A_306, %parallel_loop3A_307] {strides = array<i32>} : memref<160x128xf32, #tpu.memory_space<vmem>>, vector<1x16xf32>,
      %parallel_loop3A_309 = vector.shape_cast %parallel_loop3A_308 : vector<1x16xf32> to vector<16xf32>
      %parallel_loop3A_310 = arith.index_cast %parallel_loop3A_235 : i32 to index
      %parallel_loop3A_311 = arith.constant 80 : index
      %parallel_loop3A_312 = tpu.vector_load %arg6[%parallel_loop3A_310, %parallel_loop3A_311] {strides = array<i32>} : memref<200x128xf32, #tpu.memory_space<vmem>>, vector<1x16xf32>,
      %parallel_loop3A_313 = vector.shape_cast %parallel_loop3A_312 : vector<1x16xf32> to vector<16xf32>
      %parallel_loop3A_314 = arith.addf %parallel_loop3A_309, %parallel_loop3A_313 : vector<16xf32>
      %parallel_loop3A_315 = arith.index_cast %parallel_loop3A_229 : i32 to index
      %parallel_loop3A_316 = arith.constant 80 : index
      %parallel_loop3A_317 = tpu.vector_load %arg11[%parallel_loop3A_315, %parallel_loop3A_316] {strides = array<i32>} : memref<160x128xf32, #tpu.memory_space<vmem>>, vector<1x16xf32>,
      %parallel_loop3A_318 = vector.shape_cast %parallel_loop3A_317 : vector<1x16xf32> to vector<16xf32>
      %parallel_loop3A_319 = vector.shape_cast %parallel_loop3A_314 : vector<16xf32> to vector<1x16xf32>
      tpu.vector_store %arg11[%parallel_loop3A_315, %parallel_loop3A_316], %parallel_loop3A_319 {strides = array<i32>} : memref<160x128xf32, #tpu.memory_space<vmem>>, vector<1x16xf32>,
      %parallel_loop3A_320 = arith.index_cast %parallel_loop3A_229 : i32 to index
      %parallel_loop3A_321 = arith.constant 96 : index
      %parallel_loop3A_322 = tpu.vector_load %arg11[%parallel_loop3A_320, %parallel_loop3A_321] {strides = array<i32>} : memref<160x128xf32, #tpu.memory_space<vmem>>, vector<1x16xf32>,
      %parallel_loop3A_323 = vector.shape_cast %parallel_loop3A_322 : vector<1x16xf32> to vector<16xf32>
      %parallel_loop3A_324 = arith.index_cast %parallel_loop3A_235 : i32 to index
      %parallel_loop3A_325 = arith.constant 96 : index
      %parallel_loop3A_326 = tpu.vector_load %arg6[%parallel_loop3A_324, %parallel_loop3A_325] {strides = array<i32>} : memref<200x128xf32, #tpu.memory_space<vmem>>, vector<1x16xf32>,
      %parallel_loop3A_327 = vector.shape_cast %parallel_loop3A_326 : vector<1x16xf32> to vector<16xf32>
      %parallel_loop3A_328 = arith.addf %parallel_loop3A_323, %parallel_loop3A_327 : vector<16xf32>
      %parallel_loop3A_329 = arith.index_cast %parallel_loop3A_229 : i32 to index
      %parallel_loop3A_330 = arith.constant 96 : index
      %parallel_loop3A_331 = tpu.vector_load %arg11[%parallel_loop3A_329, %parallel_loop3A_330] {strides = array<i32>} : memref<160x128xf32, #tpu.memory_space<vmem>>, vector<1x16xf32>,
      %parallel_loop3A_332 = vector.shape_cast %parallel_loop3A_331 : vector<1x16xf32> to vector<16xf32>
      %parallel_loop3A_333 = vector.shape_cast %parallel_loop3A_328 : vector<16xf32> to vector<1x16xf32>
      tpu.vector_store %arg11[%parallel_loop3A_329, %parallel_loop3A_330], %parallel_loop3A_333 {strides = array<i32>} : memref<160x128xf32, #tpu.memory_space<vmem>>, vector<1x16xf32>,
      %parallel_loop3A_334 = arith.index_cast %parallel_loop3A_229 : i32 to index
      %parallel_loop3A_335 = arith.constant 112 : index
      %parallel_loop3A_336 = tpu.vector_load %arg11[%parallel_loop3A_334, %parallel_loop3A_335] {strides = array<i32>} : memref<160x128xf32, #tpu.memory_space<vmem>>, vector<1x16xf32>,
      %parallel_loop3A_337 = vector.shape_cast %parallel_loop3A_336 : vector<1x16xf32> to vector<16xf32>
      %parallel_loop3A_338 = arith.index_cast %parallel_loop3A_235 : i32 to index
      %parallel_loop3A_339 = arith.constant 112 : index
      %parallel_loop3A_340 = tpu.vector_load %arg6[%parallel_loop3A_338, %parallel_loop3A_339] {strides = array<i32>} : memref<200x128xf32, #tpu.memory_space<vmem>>, vector<1x16xf32>,
      %parallel_loop3A_341 = vector.shape_cast %parallel_loop3A_340 : vector<1x16xf32> to vector<16xf32>
      %parallel_loop3A_342 = arith.addf %parallel_loop3A_337, %parallel_loop3A_341 : vector<16xf32>
      %parallel_loop3A_343 = arith.index_cast %parallel_loop3A_229 : i32 to index
      %parallel_loop3A_344 = arith.constant 112 : index
      %parallel_loop3A_345 = tpu.vector_load %arg11[%parallel_loop3A_343, %parallel_loop3A_344] {strides = array<i32>} : memref<160x128xf32, #tpu.memory_space<vmem>>, vector<1x16xf32>,
      %parallel_loop3A_346 = vector.shape_cast %parallel_loop3A_345 : vector<1x16xf32> to vector<16xf32>
      %parallel_loop3A_347 = vector.shape_cast %parallel_loop3A_342 : vector<16xf32> to vector<1x16xf32>
      tpu.vector_store %arg11[%parallel_loop3A_343, %parallel_loop3A_344], %parallel_loop3A_347 {strides = array<i32>} : memref<160x128xf32, #tpu.memory_space<vmem>>, vector<1x16xf32>,
    } {sc.loop_unroll_factor = 4 : i64, sc.parallel_access}
    %add3A_199 = arith.constant 6240 : i32
    %add3A_200 = arith.addi %mul3A_2, %add3A_199 : i32
    %dma_start3A_201 = arith.constant 0 : i32
    %dma_start3A_202 = tpu.memref_slice %arg5[%add3A_200, %dma_start3A_201] : memref<204800x128xf32, #tpu.memory_space<hbm>> -> memref<160x128xf32, #tpu.memory_space<hbm>>
    %dma_start3A_203 = arith.constant 0 : i32
    %dma_start3A_204 = tpu.memref_slice %arg5[%add3A_200, %dma_start3A_203] : memref<204800x128xf32, #tpu.memory_space<hbm>> -> memref<160x128xf32, #tpu.memory_space<hbm>>
    tpu.enqueue_dma source(%arg11 : memref<160x128xf32, #tpu.memory_space<vmem>>) target(%dma_start3A_204 : memref<160x128xf32, #tpu.memory_space<hbm>>) target_semaphore(%arg19 : memref<!tpu.dma_semaphore, #tpu.memory_space<semaphore_mem>>)
    %add3A_205 = arith.constant 5760 : i32
    %add3A_206 = arith.addi %mul3A_2, %add3A_205 : i32
    %dma_wait3A_207 = arith.constant 0 : i32
    %dma_wait3A_208 = tpu.memref_slice %arg5[%add3A_206, %dma_wait3A_207] : memref<204800x128xf32, #tpu.memory_space<hbm>> -> memref<160x128xf32, #tpu.memory_space<hbm>>
    %dma_wait3A_209 = arith.constant 0 : i32
    %dma_wait3A_210 = tpu.memref_slice %arg5[%add3A_206, %dma_wait3A_209] : memref<204800x128xf32, #tpu.memory_space<hbm>> -> memref<160x128xf32, #tpu.memory_space<hbm>>
    tpu.wait_dma2 semaphore(%arg16 : memref<!tpu.dma_semaphore, #tpu.memory_space<semaphore_mem>>) src(%arg8 : memref<160x128xf32, #tpu.memory_space<vmem>>) dst(%dma_wait3A_210 : memref<160x128xf32, #tpu.memory_space<hbm>>)
    %add3A_211 = arith.constant 5920 : i32
    %add3A_212 = arith.addi %mul3A_2, %add3A_211 : i32
    %dma_wait3A_213 = arith.constant 0 : i32
    %dma_wait3A_214 = tpu.memref_slice %arg5[%add3A_212, %dma_wait3A_213] : memref<204800x128xf32, #tpu.memory_space<hbm>> -> memref<160x128xf32, #tpu.memory_space<hbm>>
    %dma_wait3A_215 = arith.constant 0 : i32
    %dma_wait3A_216 = tpu.memref_slice %arg5[%add3A_212, %dma_wait3A_215] : memref<204800x128xf32, #tpu.memory_space<hbm>> -> memref<160x128xf32, #tpu.memory_space<hbm>>
    tpu.wait_dma2 semaphore(%arg17 : memref<!tpu.dma_semaphore, #tpu.memory_space<semaphore_mem>>) src(%arg9 : memref<160x128xf32, #tpu.memory_space<vmem>>) dst(%dma_wait3A_216 : memref<160x128xf32, #tpu.memory_space<hbm>>)
    %add3A_217 = arith.constant 6080 : i32
    %add3A_218 = arith.addi %mul3A_2, %add3A_217 : i32
    %dma_wait3A_219 = arith.constant 0 : i32
    %dma_wait3A_220 = tpu.memref_slice %arg5[%add3A_218, %dma_wait3A_219] : memref<204800x128xf32, #tpu.memory_space<hbm>> -> memref<160x128xf32, #tpu.memory_space<hbm>>
    %dma_wait3A_221 = arith.constant 0 : i32
    %dma_wait3A_222 = tpu.memref_slice %arg5[%add3A_218, %dma_wait3A_221] : memref<204800x128xf32, #tpu.memory_space<hbm>> -> memref<160x128xf32, #tpu.memory_space<hbm>>
    tpu.wait_dma2 semaphore(%arg18 : memref<!tpu.dma_semaphore, #tpu.memory_space<semaphore_mem>>) src(%arg10 : memref<160x128xf32, #tpu.memory_space<vmem>>) dst(%dma_wait3A_222 : memref<160x128xf32, #tpu.memory_space<hbm>>)
    %add3A_223 = arith.constant 6240 : i32
    %add3A_224 = arith.addi %mul3A_2, %add3A_223 : i32
    %dma_wait3A_225 = arith.constant 0 : i32
    %dma_wait3A_226 = tpu.memref_slice %arg5[%add3A_224, %dma_wait3A_225] : memref<204800x128xf32, #tpu.memory_space<hbm>> -> memref<160x128xf32, #tpu.memory_space<hbm>>
    %dma_wait3A_227 = arith.constant 0 : i32
    %dma_wait3A_228 = tpu.memref_slice %arg5[%add3A_224, %dma_wait3A_227] : memref<204800x128xf32, #tpu.memory_space<hbm>> -> memref<160x128xf32, #tpu.memory_space<hbm>>
    tpu.wait_dma2 semaphore(%arg19 : memref<!tpu.dma_semaphore, #tpu.memory_space<semaphore_mem>>) src(%arg11 : memref<160x128xf32, #tpu.memory_space<vmem>>) dst(%dma_wait3A_228 : memref<160x128xf32, #tpu.memory_space<hbm>>)
    return
  }
}

</mosaic_0001>

<sc_bundles>
// kernel: kernel.3.cloned.1.call-start
scs
__scs_entry_jumppad:
0x0: {  	(pc) =	sbr.rel $0x88, $3  }
0x1: {  	(tag) =	ssettag $0x0;
	lr =	simm.s32 $0x1  }
0x2: {  	[smem:$0x3F9F] =	sst lr;
	_ =	strace $0xD0000000  }
0x3: {  	_ = 	snop  }
0x4: {  	_ = 	snop  }
0x5: {  	_ = 	snop  }
0x6: {  	_ = 	snop  }
0x7: {  	_ = 	snop  }
__scs_overlays_trampoline_lowered:
0x8: {  	[smem:$0x3FAE] =	sst s0  }
0x9: {  	[smem:$0x3FAF] =	sst s1  }
0xa: {  	[smem:$0x3FB0] =	sst s2  }
0xb: {  	[smem:$0x3FB1] =	sst s3  }
0xc: {  	[smem:$0x3FB2] =	sst s4  }
0xd: {  	[smem:$0x3FB3] =	sst s5  }
0xe: {  	[smem:$0x3FB4] =	sst s6  }
0xf: {  	[smem:$0x3FB5] =	sst s7  }
0x10: {  	[smem:$0x3FB6] =	sst s8  }
0x11: {  	[smem:$0x3FB7] =	sst s9;
	s0 =	simm.s32 @!p0 $0x0  }
0x12: {  	s1 =	sld [smem:$0x3F9D];
	s0 =	simm.s32 @p0 $0x1  }
0x13: {  	[smem:$0x3FB8] =	sst s0;
	s0 =	simm.s32 @!p1 $0x0  }
0x14: {  	s2 =	sld [smem:$0x3F9C];
	s0 =	simm.s32 @p1 $0x1  }
0x15: {  	[smem:$0x3FB9] =	sst s0;
	s0 =	simm.s32 @!p2 $0x0  }
0x16: {  	s3 =	sld [smem:$0x3FDB];
	s0 =	simm.s32 @p2 $0x1  }
0x17: {  	s4 =	simm.s32 $0x1BF5;
	[smem:$0x3FBB] =	sst s0  }
0x18: {  	s0 =	sld [smem:$0x3F9E];
	_ =	swait.ge [sflag:s4], $0x0  }
0x19: {  	s7 =	sld [smem:$0x3F9F]  }
0x1a: {  	s8 =	sadd.s32 $0xFFFFE003, lr  }
0x1b: {  	s9 =	sadd.s32 $0xFFFFFEF7, lr;
	s5 =	simm.s32 $0xFFFFFFFF;
	p2 =	slt.u32 s8, $0xFFFFF086  }
0x1c: {  	p1 =	slt.u32 s9, $0xF7A;
	s5 =	simm.s32 @!p2 $0x0  }
0x1d: {  	s5 =	simm.s32 @p1 $0x1;
	p0 =	seq.s32 s7, s2  }
0x1e: {  	s7 =	smul.u32 @!p0 $0xF7A, s2;
	p2 =	seq.s32 @!p0 s5, $0x0  }
0x1f: {  	s9 =	smul.u32 $0xF7A, s1;
	s8 =	simm.s32 @!p0 $0x1BF5;
	p2 =	por !p2, p0  }
0x20: {  	[sflag:s8] =	ssyncset.s32 @!p0 $0xFFFFF086;
	s6 =	sadd.s32 @!p0 s3, s7;
	s7 =	simm.s32 @!p0 $0x108  }
0x21: {  	s3 =	sadd.s32 s3, s9;
	s6 =	sadd.s32 @!p0 $0x88, s6;
	s7 =	simm.s32 @p2 $0x1082  }
0x22: {  	[simem:s7], [sflag:s8] =	dma.local @!p0 [hbm:s6], $0xF7A  }
0x23: {  	s9 =	sor.u32 $0xD0000000, s2;
	s6 =	simm.s32 $0x108;
	_ =	swait.ge @!p0 [sflag:s8], $0x0  }
0x24: {  	s3 =	sadd.s32 $0x88, s3;
	s6 =	simm.s32 @!p1 $0x1082;
	[sflag:s4] =	ssyncset.s32 $0xFFFFF086  }
0x25: {  	[simem:s6], [sflag:s4] =	dma.local [hbm:s3], $0xF7A  }
0x26: {  	[smem:$0x3F9F] =	sst s1;
	(tag) =	ssettag s2;
	_ =	strace s9  }
0x27: {  	s1 =	sld [smem:$0x3FAF]  }
0x28: {  	s2 =	sld [smem:$0x3FB0]  }
0x29: {  	s4 =	sld [smem:$0x3FB2]  }
0x2a: {  	p0 =	seq.s32 s5, $0x0;
	s5 =	sld [smem:$0x3FB3]  }
0x2b: {  	s6 =	sld [smem:$0x3FB4]  }
0x2c: {  	s7 =	sld [smem:$0x3FB5]  }
0x2d: {  	s3 =	simm.s32 $0x108;
	s8 =	sld [smem:$0x3FB6]  }
0x2e: {  	s3 =	simm.s32 @!p0 $0x1082;
	s9 =	sld [smem:$0x3FB7]  }
0x2f: {  	lr =	sadd.s32 s0, s3;
	s0 =	sld [smem:$0x3FAE]  }
0x30: {  	s3 =	sld [smem:$0x3FB1]  }
0x31: {  	[smem:$0x3FBA] =	sst s10  }
0x32: {  	s10 =	sld [smem:$0x3FB8];
	_ =	sdelay $0x3  }
0x33: {  	p0 =	seq.s32 s10, $0x1;
	s10 =	sld [smem:$0x3FBA];
	_ =	sdelay $0x3  }
0x34: {  	[smem:$0x3FBA] =	sst s10  }
0x35: {  	s10 =	sld [smem:$0x3FB9];
	_ =	sdelay $0x3  }
0x36: {  	p1 =	seq.s32 s10, $0x1;
	s10 =	sld [smem:$0x3FBA];
	_ =	sdelay $0x3  }
0x37: {  	[smem:$0x3FBA] =	sst s10  }
0x38: {  	s10 =	sld [smem:$0x3FBB]  }
0x39: {  	_ = 	snop;
	(pc) =	sbr.ind lr, $3  }
0x3a: {  	_ = 	snop  }
0x3b: {  	_ = 	snop  }
0x3c: {  	p2 =	seq.s32 s10, $0x1;
	s10 =	sld [smem:$0x3FBA]  }
0x3d: {  	_ =	shalt  }
0x3e: {  	_ =	shalt  }
0x3f: {  	_ =	shalt  }
0x40: {  	_ =	shalt  }
0x41: {  	_ =	shalt  }
0x42: {  	_ =	shalt  }
0x43: {  	_ =	shalt  }
0x44: {  	_ =	shalt  }
0x45: {  	_ =	shalt  }
0x46: {  	_ =	shalt  }
0x47: {  	_ =	shalt  }
0x48: {  	_ =	shalt  }
0x49: {  	_ =	shalt  }
0x4a: {  	_ =	shalt  }
0x4b: {  	_ =	shalt  }
0x4c: {  	_ =	shalt  }
0x4d: {  	_ =	shalt  }
0x4e: {  	_ =	shalt  }
0x4f: {  	_ =	shalt  }
0x50: {  	_ =	shalt  }
0x51: {  	_ =	shalt  }
0x52: {  	_ =	shalt  }
0x53: {  	_ =	shalt  }
0x54: {  	_ =	shalt  }
0x55: {  	_ =	shalt  }
0x56: {  	_ =	shalt  }
0x57: {  	_ =	shalt  }
0x58: {  	_ =	shalt  }
0x59: {  	_ =	shalt  }
0x5a: {  	_ =	shalt  }
0x5b: {  	_ =	shalt  }
0x5c: {  	_ =	shalt  }
0x5d: {  	_ =	shalt  }
0x5e: {  	_ =	shalt  }
0x5f: {  	_ =	shalt  }
0x60: {  	_ =	shalt  }
0x61: {  	_ =	shalt  }
0x62: {  	_ =	shalt  }
0x63: {  	_ =	shalt  }
0x64: {  	_ =	shalt  }
0x65: {  	_ =	shalt  }
0x66: {  	_ =	shalt  }
0x67: {  	_ =	shalt  }
0x68: {  	_ =	shalt  }
0x69: {  	_ =	shalt  }
0x6a: {  	_ =	shalt  }
0x6b: {  	_ =	shalt  }
0x6c: {  	_ =	shalt  }
0x6d: {  	_ =	shalt  }
0x6e: {  	_ =	shalt  }
0x6f: {  	_ =	shalt  }
0x70: {  	_ =	shalt  }
0x71: {  	_ =	shalt  }
0x72: {  	_ =	shalt  }
0x73: {  	_ =	shalt  }
0x74: {  	_ =	shalt  }
0x75: {  	_ =	shalt  }
0x76: {  	_ =	shalt  }
0x77: {  	_ =	shalt  }
0x78: {  	_ =	shalt  }
0x79: {  	_ =	shalt  }
0x7a: {  	_ =	shalt  }
0x7b: {  	_ =	shalt  }
0x7c: {  	_ =	shalt  }
0x7d: {  	_ =	shalt  }
0x7e: {  	_ =	shalt  }
0x7f: {  	_ =	shalt  }
0x80: {  	_ =	shalt  }
0x81: {  	_ =	shalt  }
0x82: {  	_ =	shalt  }
0x83: {  	_ =	shalt  }
0x84: {  	_ =	shalt  }
0x85: {  	_ =	shalt  }
0x86: {  	_ =	shalt  }
0x87: {  	_ =	shalt  }
.Lfunc_end0:
.L_simem_size_0:
called_computation_lowered:
.L_overlay_start_0:
0x88: {  	s2 =	sld [smem:$0x3FD9]  }
0x89: {  	s3 =	sld [smem:$0x3FFE];
	_ =	sdelay $0x1  }
0x8a: {  	s1 =	srdreg.scid  }
0x8b: {  	s0 =	sand.u32 $0x1, s1  }
0x8c: {  	s17 =	sshll.u32 s0, $0xA;
	s2 =	sadd.s32 s3, s2  }
0x8d: {  	s2 =	sadd.s32 s2, s17  }
0x8e: {  	[smem:$0x3FC6] =	sst s2  }
0x8f: {  	_ = 	snop  }
0x90: {  	s2 =	sld [smem:$0x3FC8]  }
0x91: {  	s18 =	sld [smem:$0x3FD0];
	(tm) =	ssettm $0x1  }
0x92: {  	s4 =	sld [smem:$0x3FFB];
	_ =	sdelay $0x3  }
0x93: {  	_ =	strace s4  }
0x94: {  	s4 =	sld [smem:$0x3FFC];
	_ =	sdelay $0x3  }
0x95: {  	_ =	strace s4  }
0x96: {  	s4 =	sld [smem:$0x3FFD];
	_ =	sdelay $0x3  }
0x97: {  	_ =	strace s4  }
0x98: {  	_ =	strace $0x8FFFFFFF  }
0x99: {  	s19 =	sld [smem:$0x3FDB];
	_ =	sdelay $0x1  }
0x9a: {  	s5 =	simm.s32 $_scs_section_size  }
0x9b: {  	s6 =	simm.s32 $_size__tile_overlayer_lowered;
	s7 =	simm.s32 $_tile_overlayer_lowered  }
0x9c: {  	s22 =	simm.s32 $0x1BFF;
	s21 =	sshll.u32 s7, $0x1;
	s4 =	sadd.s32 s5, s19  }
0x9d: {  	s8 =	simm.s32 $0x0;
	s20 =	sshll.u32 s6, $0x1;
	s6 =	sadd.s32 s21, s4  }
0x9e: {  	[timem:s8], [sflag:s22] =	dma.local [hbm:s6], s20  }
0x9f: {  	_ =	swait.ge [sflag:s22], s20  }
0xa0: {  	s5 =	ssub.s32 $0x0, s20;
	[sflag:s22] =	ssyncset.done $0x0  }
0xa1: {  	[sflag:s22] =	ssyncadd.s32 s5;
	_ =	sdelay $0x1  }
0xa2: {  	s23 =	simm.s32 $0x1B8B  }
0xa3: {  	_ =	swait.ge [sflag:s23], $0x1  }
0xa4: {  	[sflag:s23] =	ssyncset.done $0x0  }
0xa5: {  	s25 =	simm.s32 $0x1B8E;
	s24 =	sld [smem:$0x3FFE];
	[sflag:s23] =	ssyncadd.s32 $0xFFFFFFFF  }
0xa6: {  	s26 =	simm.s32 $execute0_lowered;
	[smem:$0x3FD2] =	sst s25  }
0xa7: {  	s6 =	sshll.u32 s26, $0x1;
	_ =	strace $0x80000046;
	[dreg:$0x1] =	wrdreg $0xFFFFFFFF  }
0xa8: {  	s28 =	simm.s32 $_size_execute0_lowered;
	s4 =	sadd.s32 s4, s6;
	[dreg:$0x0] =	wrdreg $0x0  }
0xa9: {  	s6 =	sshll.u32 s28, $0x1;
	[dreg:$0x2] =	wrdreg s4  }
0xaa: {  	[dreg:$0x3] =	wrdreg s6  }
0xab: {  	[dreg:$0x4] =	wrdreg $0xC0  }
0xac: {  	_ =	task [dreg:s8], $0x5FFFF  }
0xad: {  	[dreg:$0x1] =	wrdreg $0xFFFFFFFF  }
0xae: {  	[dreg:$0x0] =	wrdreg $0x60  }
0xaf: {  	[dreg:$0x2] =	wrdreg s24  }
0xb0: {  	[dreg:$0x3] =	wrdreg s2  }
0xb1: {  	[dreg:$0x4] =	wrdreg s18  }
0xb2: {  	[dreg:$0x5] =	wrdreg $0x9  }
0xb3: {  	_ =	task.clear_ibuf [dreg:s8], $0x6FFFF;
	_ =	strace $0x90000046  }
0xb4: {  	s29 =	simm.s32 $0x9;
	_ =	strace $0x80000048  }
0xb5: {  	_ =	swait.ge [sflag:s29], $0x1  }
0xb6: {  	[sflag:s29] =	ssyncadd.s32 $0xFFFFFFFF  }
0xb7: {  	_ =	strace $0x90000048  }
0xb8: {  	_ =	sfence  }
0xb9: {  	s30 =	sld [smem:$0x0];
	_ =	sdelay $0x2  }
0xba: {  	s31 =	sshll.u32 s1, $0xD;
	s1 =	sshrl.u32 s1, $0x2  }
0xbb: {  	s3 =	sand.u32 $0x4000, s31;
	s1 =	sadd.s32 s1, s30  }
0xbc: {  	s0 =	sor.u32 s3, s0;
	s1 =	sshll.u32 s1, $0x11  }
0xbd: {  	s0 =	sor.u32 s1, s0  }
0xbe: {  	s0 =	sadd.s32 $0x8F2B, s0  }
0xbf: {  	[sflag:s0] =	ssyncadd.remote.s32 $0x1  }
0xc0: {  	_ =	sfence.sel $0xFFFF  }
0xc1: {  	[dreg:$0x0] =	wrdreg $0xFFFFFFFF;
	(pc) =	sbr.abs _section_cstart, $3  }
0xc2: {  	[dreg:$0x1] =	wrdreg $0xFFFFFFFF  }
0xc3: {  	_ =	task.clear_ibuf [dreg:s8], $0x2FFFF;
	_ =	strace $0x9FFFFFFF  }
0xc4: {  	(tm) =	ssettm $0x7FFFFFFF  }
0xc5: {  	_ =	shalt  }
tec
execute0_lowered:
.L_overlay_start_1:
0x0: {  	(tag) =	ssettag $0x1  }
0x1: {  	s1 =	srdreg.scid;
	s2 =	stileid.u32  }
0x2: {  	s1 =	sand.u32 $0x1, s1;
	s3 =	sshll.u32 s2, $0x1  }
0x3: {  	s0 =	rddreg [dreg:$0x0];
	s3 =	sor.u32 s1, s3  }
0x4: {  	s29 =	rddreg [dreg:$0x1];
	s19 =	smul.u32 $0x1900, s3  }
0x5: {  	s5 =	rddreg [dreg:$0x2];
	s25 =	simm.s32 $0x0;
	s4 =	smul.u32 $0x19000, s3  }
0x6: {  	[smem:$0x7FF] =	sst s25;
	s1 =	ssub.s32 $0x2, s1;
	s3 =	smul.u32 $0xC8000, s3  }
0x7: {  	_ =	strace $0x80000047;
	s20 =	sshrl.u32 s1, $0x1;
	[dreg:$0x4] =	wrdreg s19  }
0x8: {  	s6 =	sshrl.u32 s19, $0x3;
	s21 =	sadd.s32 s5, s4;
	s22 =	sshrl.u32 s3, $0x3  }
0x9: {  	s6 =	sadd.s32 s6, s0;
	s0 =	sadd.s32 $0x6800, s0;
	[dreg:$0x6] =	wrdreg s21  }
0xa: {  	s2 =	sadd.s32 $0xA00, s21;
	[dreg:$0x5] =	wrdreg s0;
	s0 =	ssub.s32 s1, s20  }
0xb: {  	s23 =	sadd.s32 $0x400, s6;
	[dreg:$0x8] =	wrdreg s2;
	s1 =	sadd.s32 s5, s22  }
0xc: {  	[dreg:$0x7] =	wrdreg s23;
	s24 =	sadd.s32 $0x1400, s1  }
0xd: {  	s26 =	sadd.s32 $0x1E00, s1;
	[dreg:$0x9] =	wrdreg s24  }
0xe: {  	s28 =	sadd.s32 $0x16800, s1;
	[dreg:$0xa] =	wrdreg s26  }
0xf: {  	s30 =	sadd.s32 $0x17200, s1;
	[dreg:$0xb] =	wrdreg s28  }
0x10: {  	s31 =	sadd.s32 $0x17C00, s1;
	[dreg:$0xc] =	wrdreg s30  }
0x11: {  	s1 =	sadd.s32 $0x18600, s1;
	[dreg:$0xd] =	wrdreg s31  }
0x12: {  	s0 =	smax.u32 s0, $0x1;
	[dreg:$0xe] =	wrdreg s1  }
0x13: {  	s2 =	simm.s32 $0x0;
	[dreg:$0xf] =	wrdreg s0;
	s26 =	simm.s32 $0x11D00  }
.LBB2_1:
0x14: {  	[dreg:$0x10] =	wrdreg s2  }
0x15: {  	s0 =	rddreg [dreg:$0x5];
	s1 =	simm.s32 $0x9  }
0x16: {  	[tilespmem:s25], [sflag:$0x9] =	stream.linear.gather [hbm4b:s0+s25], $0x6400, $0x38;
	[tilespmem:$0x1BD00] =	vst v63  }
0x17: {  	_ =	swait.ge [sflag:s1], $0x6400  }
0x18: {  	[sflag:s1] =	ssyncset.done $0x0  }
0x19: {  	s22 =	simm.s32 $0x6400;
	s21 =	rddreg [dreg:$0x7];
	[sflag:s1] =	ssyncadd.s32 $0xFFFF9C00  }
0x1a: {  	[tilespmem:s22], [sflag:$0x9] =	stream.linear.gather [hbm4b:s21+s25], $0x1900, $0x38;
	[tilespmem:$0x1BD00] =	vst v63  }
0x1b: {  	_ =	swait.ge [sflag:s1], $0x1900  }
0x1c: {  	[sflag:s1] =	ssyncset.done $0x0  }
0x1d: {  	s23 =	simm.s32 $0xA0;
	s24 =	simm.s32 $0x7D00;
	[sflag:s1] =	ssyncadd.s32 $0xFFFFE700  }
0x1e: {  	[tilespmem:s24], [sflag:$0x1] =	stream.indirect.gather [hbm4b:s29+s23], $0x80, s22, s23, $0xb8;
	[tilespmem:$0x1BD00] =	vst v63  }
0x1f: {  	s28 =	simm.s32 $0xCD00;
	s25 =	simm.s32 $0x64A0  }
0x20: {  	[tilespmem:s28], [sflag:$0x2] =	stream.indirect.gather [hbm4b:s29+s23], $0x80, s25, s23, $0xb8;
	[tilespmem:$0x1BD00] =	vst v63  }
0x21: {  	s30 =	simm.s32 $0x6540;
	s31 =	simm.s32 $0x1  }
0x22: {  	[tilespmem:s26], [sflag:$0x3] =	stream.indirect.gather [hbm4b:s29+s23], $0x80, s30, s23, $0xb8;
	[tilespmem:$0x1BD00] =	vst v63  }
0x23: {  	_ =	swait.ge [sflag:s31], $0x5000  }
0x24: {  	[sflag:s31] =	ssyncset.done $0x0  }
0x25: {  	s1 =	simm.s32 $0x7E00;
	[sflag:s31] =	ssyncadd.s32 $0xFFFFB000  }
0x26: {  	s0 =	simm.s32 $0x100;
	v0 =	vld [tilespmem:s1+$0x80]  }
0x27: {  	v1 =	vld [tilespmem:s0+$0x80]  }
0x28: {  	v2 =	vld [tilespmem:s1+$0xFFFFFF80]  }
0x29: {  	v3 =	vld [tilespmem:s0+$0xFFFFFF80]  }
0x2a: {  	v4 =	vld [tilespmem:s1+$0x0]  }
0x2b: {  	v5 =	vld [tilespmem:s0+$0x0]  }
0x2c: {  	v6 =	vld [tilespmem:s1+$0xFFFFFF00];
	v0 =	vadd.f32 v1, v0  }
0x2d: {  	v1 =	vld [tilespmem:s0+$0xFFFFFF00]  }
0x2e: {  	[tilespmem:s1+$0x80] =	vst v0;
	v0 =	vld [tilespmem:s1+$0x90]  }
0x2f: {  	v2 =	vadd.f32 v3, v2;
	v3 =	vld [tilespmem:s0+$0x90]  }
0x30: {  	v7 =	vld [tilespmem:s1+$0xFFFFFF10]  }
0x31: {  	[tilespmem:s1+$0xFFFFFF80] =	vst v2;
	v2 =	vadd.f32 v5, v4;
	v4 =	vld [tilespmem:s1+$0xFFFFFF90]  }
0x32: {  	v5 =	vld [tilespmem:s0+$0xFFFFFF90];
	v1 =	vadd.f32 v1, v6  }
0x33: {  	[tilespmem:s1+$0x0] =	vst v2;
	v2 =	vld [tilespmem:s1+$0x10]  }
0x34: {  	v6 =	vld [tilespmem:s0+$0x10];
	[tilespmem:s1+$0xFFFFFF00] =	vst v1;
	v0 =	vadd.f32 v3, v0  }
0x35: {  	v1 =	vld [tilespmem:s0+$0xFFFFFF10]  }
0x36: {  	[tilespmem:s1+$0x90] =	vst v0;
	v0 =	vld [tilespmem:s1+$0xA0]  }
0x37: {  	v3 =	vadd.f32 v5, v4;
	v4 =	vld [tilespmem:s0+$0xA0]  }
0x38: {  	v5 =	vld [tilespmem:s1+$0xFFFFFF20]  }
0x39: {  	[tilespmem:s1+$0xFFFFFF90] =	vst v3;
	v2 =	vadd.f32 v6, v2;
	v3 =	vld [tilespmem:s1+$0xFFFFFFA0]  }
0x3a: {  	v6 =	vld [tilespmem:s0+$0xFFFFFFA0];
	v1 =	vadd.f32 v1, v7  }
0x3b: {  	[tilespmem:s1+$0x10] =	vst v2;
	v2 =	vld [tilespmem:s1+$0x20]  }
0x3c: {  	v7 =	vld [tilespmem:s0+$0x20];
	[tilespmem:s1+$0xFFFFFF10] =	vst v1;
	v0 =	vadd.f32 v4, v0  }
0x3d: {  	v1 =	vld [tilespmem:s0+$0xFFFFFF20]  }
0x3e: {  	[tilespmem:s1+$0xA0] =	vst v0;
	v0 =	vld [tilespmem:s1+$0xB0]  }
0x3f: {  	v3 =	vadd.f32 v6, v3;
	v4 =	vld [tilespmem:s0+$0xB0]  }
0x40: {  	v6 =	vld [tilespmem:s1+$0xFFFFFF30]  }
0x41: {  	[tilespmem:s1+$0xFFFFFFA0] =	vst v3;
	v2 =	vadd.f32 v7, v2;
	v3 =	vld [tilespmem:s1+$0xFFFFFFB0]  }
0x42: {  	v7 =	vld [tilespmem:s0+$0xFFFFFFB0];
	v1 =	vadd.f32 v1, v5  }
0x43: {  	[tilespmem:s1+$0x20] =	vst v2;
	v2 =	vld [tilespmem:s1+$0x30]  }
0x44: {  	v5 =	vld [tilespmem:s0+$0x30];
	[tilespmem:s1+$0xFFFFFF20] =	vst v1;
	v0 =	vadd.f32 v4, v0  }
0x45: {  	v1 =	vld [tilespmem:s0+$0xFFFFFF30]  }
0x46: {  	[tilespmem:s1+$0xB0] =	vst v0;
	v0 =	vld [tilespmem:s1+$0xC0]  }
0x47: {  	v3 =	vadd.f32 v7, v3;
	v4 =	vld [tilespmem:s0+$0xC0]  }
0x48: {  	v7 =	vld [tilespmem:s1+$0xFFFFFF40]  }
0x49: {  	[tilespmem:s1+$0xFFFFFFB0] =	vst v3;
	v2 =	vadd.f32 v5, v2;
	v3 =	vld [tilespmem:s1+$0xFFFFFFC0]  }
0x4a: {  	v5 =	vld [tilespmem:s0+$0xFFFFFFC0];
	v1 =	vadd.f32 v1, v6  }
0x4b: {  	[tilespmem:s1+$0x30] =	vst v2;
	v2 =	vld [tilespmem:s1+$0x40]  }
0x4c: {  	v6 =	vld [tilespmem:s0+$0x40];
	[tilespmem:s1+$0xFFFFFF30] =	vst v1;
	v0 =	vadd.f32 v4, v0  }
0x4d: {  	v1 =	vld [tilespmem:s0+$0xFFFFFF40]  }
0x4e: {  	[tilespmem:s1+$0xC0] =	vst v0;
	v0 =	vld [tilespmem:s1+$0xD0]  }
0x4f: {  	v3 =	vadd.f32 v5, v3;
	v4 =	vld [tilespmem:s0+$0xD0]  }
0x50: {  	v5 =	vld [tilespmem:s1+$0xFFFFFF50]  }
0x51: {  	[tilespmem:s1+$0xFFFFFFC0] =	vst v3;
	v2 =	vadd.f32 v6, v2;
	v3 =	vld [tilespmem:s1+$0xFFFFFFD0]  }
0x52: {  	v6 =	vld [tilespmem:s0+$0xFFFFFFD0];
	v1 =	vadd.f32 v1, v7  }
0x53: {  	[tilespmem:s1+$0x40] =	vst v2;
	v2 =	vld [tilespmem:s1+$0x50]  }
0x54: {  	v7 =	vld [tilespmem:s0+$0x50];
	[tilespmem:s1+$0xFFFFFF40] =	vst v1;
	v0 =	vadd.f32 v4, v0  }
0x55: {  	v1 =	vld [tilespmem:s0+$0xFFFFFF50]  }
0x56: {  	[tilespmem:s1+$0xD0] =	vst v0;
	v0 =	vld [tilespmem:s1+$0xE0]  }
0x57: {  	v3 =	vadd.f32 v6, v3;
	v4 =	vld [tilespmem:s0+$0xE0]  }
0x58: {  	v6 =	vld [tilespmem:s1+$0xFFFFFF60]  }
0x59: {  	[tilespmem:s1+$0xFFFFFFD0] =	vst v3;
	v2 =	vadd.f32 v7, v2;
	v3 =	vld [tilespmem:s1+$0xFFFFFFE0]  }
0x5a: {  	v7 =	vld [tilespmem:s0+$0xFFFFFFE0];
	v1 =	vadd.f32 v1, v5  }
0x5b: {  	[tilespmem:s1+$0x50] =	vst v2;
	v2 =	vld [tilespmem:s1+$0x60]  }
0x5c: {  	v5 =	vld [tilespmem:s0+$0x60];
	[tilespmem:s1+$0xFFFFFF50] =	vst v1;
	v0 =	vadd.f32 v4, v0  }
0x5d: {  	v4 =	vld [tilespmem:s0+$0xFFFFFF60]  }
0x5e: {  	v8 =	vld [tilespmem:s1+$0xF0];
	[tilespmem:s1+$0xE0] =	vst v0  }
0x5f: {  	v1 =	vadd.f32 v7, v3;
	v7 =	vld [tilespmem:s0+$0xF0]  }
0x60: {  	v0 =	vld [tilespmem:s1+$0xFFFFFF70]  }
0x61: {  	[tilespmem:s1+$0xFFFFFFE0] =	vst v1;
	v2 =	vadd.f32 v5, v2;
	v1 =	vld [tilespmem:s1+$0xFFFFFFF0]  }
0x62: {  	v3 =	vld [tilespmem:s0+$0xFFFFFFF0];
	v4 =	vadd.f32 v4, v6  }
0x63: {  	[tilespmem:s1+$0x60] =	vst v2;
	v2 =	vld [tilespmem:s1+$0x70]  }
0x64: {  	[tilespmem:s1+$0xFFFFFF60] =	vst v4;
	v4 =	vld [tilespmem:s0+$0x70];
	v6 =	vadd.f32 v7, v8  }
0x65: {  	s6 =	simm.s32 $0x0;
	s7 =	simm.s32 $0x8000;
	v5 =	vld [tilespmem:s0+$0xFFFFFF70]  }
.LBB2_2:
0x66: {  	v7 =	vld [tilespmem:s7+$0x80];
	[tilespmem:s1+$0xF0] =	vst v6;
	s0 =	sadd.s32 $0x200, s0  }
0x67: {  	s6 =	sadd.s32 $0x4, s6;
	v6 =	vld [tilespmem:s0+$0x80];
	v1 =	vadd.f32 v3, v1  }
0x68: {  	p0 =	slt.u32 s6, $0x9C;
	v3 =	vld [tilespmem:s0+$0xFFFFFF00]  }
0x69: {  	v8 =	vld [tilespmem:s7+$0xFFFFFF80];
	[tilespmem:s1+$0xFFFFFFF0] =	vst v1;
	v1 =	vadd.f32 v4, v2  }
0x6a: {  	v2 =	vld [tilespmem:s0+$0xFFFFFF80];
	v0 =	vadd.f32 v5, v0  }
0x6b: {  	v4 =	vld [tilespmem:s7+$0x0];
	[tilespmem:s1+$0x70] =	vst v1  }
0x6c: {  	v1 =	vld [tilespmem:s0+$0x0];
	v5 =	vadd.f32 v6, v7;
	[tilespmem:s1+$0xFFFFFF70] =	vst v0;
	s1 =	smov.u32 s7  }
0x6d: {  	v0 =	vld [tilespmem:s7+$0xFFFFFF00]  }
0x6e: {  	[tilespmem:s7+$0x80] =	vst v5;
	v5 =	vld [tilespmem:s7+$0x90]  }
0x6f: {  	v2 =	vadd.f32 v2, v8;
	v6 =	vld [tilespmem:s0+$0x90]  }
0x70: {  	v7 =	vld [tilespmem:s7+$0xFFFFFF10]  }
0x71: {  	[tilespmem:s7+$0xFFFFFF80] =	vst v2;
	v2 =	vld [tilespmem:s7+$0xFFFFFF90];
	v1 =	vadd.f32 v1, v4  }
0x72: {  	v0 =	vadd.f32 v3, v0;
	v3 =	vld [tilespmem:s0+$0xFFFFFF90]  }
0x73: {  	[tilespmem:s7+$0x0] =	vst v1;
	v1 =	vld [tilespmem:s7+$0x10]  }
0x74: {  	[tilespmem:s7+$0xFFFFFF00] =	vst v0;
	v0 =	vld [tilespmem:s0+$0x10];
	v4 =	vadd.f32 v6, v5  }
0x75: {  	v5 =	vld [tilespmem:s0+$0xFFFFFF10]  }
0x76: {  	[tilespmem:s7+$0x90] =	vst v4;
	v4 =	vld [tilespmem:s7+$0xA0]  }
0x77: {  	v2 =	vadd.f32 v3, v2;
	v3 =	vld [tilespmem:s0+$0xA0]  }
0x78: {  	v6 =	vld [tilespmem:s7+$0xFFFFFF20]  }
0x79: {  	[tilespmem:s7+$0xFFFFFF90] =	vst v2;
	v2 =	vld [tilespmem:s7+$0xFFFFFFA0];
	v0 =	vadd.f32 v0, v1  }
0x7a: {  	v1 =	vadd.f32 v5, v7;
	v5 =	vld [tilespmem:s0+$0xFFFFFFA0]  }
0x7b: {  	[tilespmem:s7+$0x10] =	vst v0;
	v0 =	vld [tilespmem:s7+$0x20]  }
0x7c: {  	[tilespmem:s7+$0xFFFFFF10] =	vst v1;
	v1 =	vld [tilespmem:s0+$0x20];
	v3 =	vadd.f32 v3, v4  }
0x7d: {  	v4 =	vld [tilespmem:s0+$0xFFFFFF20]  }
0x7e: {  	[tilespmem:s7+$0xA0] =	vst v3;
	v3 =	vld [tilespmem:s7+$0xB0]  }
0x7f: {  	v2 =	vadd.f32 v5, v2;
	v5 =	vld [tilespmem:s0+$0xB0]  }
0x80: {  	v7 =	vld [tilespmem:s7+$0xFFFFFF30]  }
0x81: {  	[tilespmem:s7+$0xFFFFFFA0] =	vst v2;
	v2 =	vld [tilespmem:s7+$0xFFFFFFB0];
	v0 =	vadd.f32 v1, v0  }
0x82: {  	v1 =	vadd.f32 v4, v6;
	v4 =	vld [tilespmem:s0+$0xFFFFFFB0]  }
0x83: {  	[tilespmem:s7+$0x20] =	vst v0;
	v0 =	vld [tilespmem:s7+$0x30]  }
0x84: {  	[tilespmem:s7+$0xFFFFFF20] =	vst v1;
	v1 =	vld [tilespmem:s0+$0x30];
	v3 =	vadd.f32 v5, v3  }
0x85: {  	v5 =	vld [tilespmem:s0+$0xFFFFFF30]  }
0x86: {  	[tilespmem:s7+$0xB0] =	vst v3;
	v3 =	vld [tilespmem:s7+$0xC0]  }
0x87: {  	v2 =	vadd.f32 v4, v2;
	v4 =	vld [tilespmem:s0+$0xC0]  }
0x88: {  	v6 =	vld [tilespmem:s7+$0xFFFFFF40]  }
0x89: {  	[tilespmem:s7+$0xFFFFFFB0] =	vst v2;
	v2 =	vld [tilespmem:s7+$0xFFFFFFC0];
	v0 =	vadd.f32 v1, v0  }
0x8a: {  	v1 =	vadd.f32 v5, v7;
	v5 =	vld [tilespmem:s0+$0xFFFFFFC0]  }
0x8b: {  	[tilespmem:s7+$0x30] =	vst v0;
	v0 =	vld [tilespmem:s7+$0x40]  }
0x8c: {  	[tilespmem:s7+$0xFFFFFF30] =	vst v1;
	v1 =	vld [tilespmem:s0+$0x40];
	v3 =	vadd.f32 v4, v3  }
0x8d: {  	v4 =	vld [tilespmem:s0+$0xFFFFFF40]  }
0x8e: {  	[tilespmem:s7+$0xC0] =	vst v3;
	v3 =	vld [tilespmem:s7+$0xD0]  }
0x8f: {  	v2 =	vadd.f32 v5, v2;
	v5 =	vld [tilespmem:s0+$0xD0]  }
0x90: {  	v7 =	vld [tilespmem:s7+$0xFFFFFF50]  }
0x91: {  	[tilespmem:s7+$0xFFFFFFC0] =	vst v2;
	v2 =	vld [tilespmem:s7+$0xFFFFFFD0];
	v0 =	vadd.f32 v1, v0  }
0x92: {  	v1 =	vadd.f32 v4, v6;
	v4 =	vld [tilespmem:s0+$0xFFFFFFD0]  }
0x93: {  	[tilespmem:s7+$0x40] =	vst v0;
	v0 =	vld [tilespmem:s7+$0x50]  }
0x94: {  	[tilespmem:s7+$0xFFFFFF40] =	vst v1;
	v1 =	vld [tilespmem:s0+$0x50];
	v3 =	vadd.f32 v5, v3  }
0x95: {  	v5 =	vld [tilespmem:s0+$0xFFFFFF50]  }
0x96: {  	[tilespmem:s7+$0xD0] =	vst v3;
	v3 =	vld [tilespmem:s7+$0xE0]  }
0x97: {  	v2 =	vadd.f32 v4, v2;
	v4 =	vld [tilespmem:s0+$0xE0]  }
0x98: {  	v6 =	vld [tilespmem:s7+$0xFFFFFF60]  }
0x99: {  	[tilespmem:s7+$0xFFFFFFD0] =	vst v2;
	v2 =	vld [tilespmem:s7+$0xFFFFFFE0];
	v0 =	vadd.f32 v1, v0  }
0x9a: {  	v1 =	vadd.f32 v5, v7;
	v5 =	vld [tilespmem:s0+$0xFFFFFFE0]  }
0x9b: {  	[tilespmem:s7+$0x50] =	vst v0;
	v7 =	vld [tilespmem:s7+$0x60]  }
0x9c: {  	[tilespmem:s7+$0xFFFFFF50] =	vst v1;
	v8 =	vld [tilespmem:s0+$0x60];
	v0 =	vadd.f32 v4, v3  }
0x9d: {  	v3 =	vld [tilespmem:s0+$0xFFFFFF60]  }
0x9e: {  	[tilespmem:s7+$0xE0] =	vst v0;
	v9 =	vld [tilespmem:s7+$0xF0]  }
0x9f: {  	v1 =	vadd.f32 v5, v2;
	v5 =	vld [tilespmem:s0+$0xF0]  }
0xa0: {  	v0 =	vld [tilespmem:s7+$0xFFFFFF70]  }
.Ltmp0:
0xa1: {  	[tilespmem:s7+$0xFFFFFFE0] =	vst v1;
	v1 =	vld [tilespmem:s7+$0xFFFFFFF0];
	v2 =	vadd.f32 v8, v7;
	(pc) =	sbr.rel @p0 .LBB2_2-.Ltmp0, $4  }
0xa2: {  	v4 =	vadd.f32 v3, v6;
	v3 =	vld [tilespmem:s0+$0xFFFFFFF0]  }
0xa3: {  	[tilespmem:s7+$0x60] =	vst v2;
	v2 =	vld [tilespmem:s7+$0x70]  }
0xa4: {  	[tilespmem:s7+$0xFFFFFF60] =	vst v4;
	v4 =	vld [tilespmem:s0+$0x70];
	v6 =	vadd.f32 v5, v9  }
0xa5: {  	s7 =	sadd.s32 $0x200, s7;
	v5 =	vld [tilespmem:s0+$0xFFFFFF70]  }
0xa6: {  	_ =	sdelay $0x1  }
0xa7: {  	v1 =	vadd.f32 v3, v1  }
0xa8: {  	[tilespmem:s1+$0xF0] =	vst v6;
	v2 =	vadd.f32 v4, v2  }
0xa9: {  	[tilespmem:s1+$0xFFFFFFF0] =	vst v1;
	v0 =	vadd.f32 v5, v0  }
0xaa: {  	s0 =	simm.s32 $0x0;
	s2 =	simm.s32 $0x7D00;
	[tilespmem:s1+$0x70] =	vst v2  }
0xab: {  	s23 =	simm.s32 $0xA0;
	s24 =	simm.s32 $0x65E0;
	s25 =	simm.s32 $0x16D00;
	[tilespmem:s1+$0xFFFFFF70] =	vst v0  }
0xac: {  	s28 =	simm.s32 $0x2;
	p0 =	por $0x0, $0x0;
	s1 =	rddreg [dreg:$0x6]  }
0xad: {  	[hbm4b:s1+s0] =	stream.linear.scatter [tilespmem:s2], [sflag:$0x5], $0x5000, $0x38;
	[tilespmem:$0x1BD00] =	vst v63  }
0xae: {  	p1 =	por $0x0, $0x0;
	s6 =	simm.s32 $0xCE00;
	s0 =	simm.s32 $0x7FFFDA  }
0xaf: {  	[tilespmem:s25], [sflag:$0x4] =	stream.indirect.gather [hbm4b:s29+s23], $0x80, s24, s23, $0xb8;
	[tilespmem:$0x1BD00] =	vst v63  }
0xb0: {  	s4 =	simm.s32 $0x7FFFDB;
	s0 =	simm.s32 @!p0 $0xA2;
	_ =	swait.ge [sflag:s28], $0x5000  }
0xb1: {  	s1 =	simm.s32 $0x7FFFD9;
	s0 =	sadd.s32 $0x0, s0;
	[sflag:s28] =	ssyncset.done $0x0  }
0xb2: {  	s1 =	simm.s32 @!p1 $0xA1;
	s0 =	sshll.u32 s0, $0x9;
	[sflag:s28] =	ssyncadd.s32 $0xFFFFB000  }
0xb3: {  	p0 =	por $0x0, $0x0;
	s1 =	sadd.s32 $0x0, s1;
	s3 =	sshra.s32 s0, $0x2;
	v0 =	vld [tilespmem:s6+$0x0]  }
0xb4: {  	s4 =	simm.s32 @!p0 $0xA3;
	s30 =	sshll.u32 s1, $0x9;
	v1 =	vld [tilespmem:s3+$0x0]  }
0xb5: {  	s31 =	sadd.s32 $0x0, s4;
	s7 =	sshra.s32 s30, $0x2;
	v2 =	vld [tilespmem:s6+$0xFFFFFF80]  }
0xb6: {  	s0 =	sshll.u32 s31, $0x9;
	v3 =	vld [tilespmem:s7+$0x0]  }
0xb7: {  	s1 =	sshra.s32 s0, $0x2;
	v4 =	vld [tilespmem:s6+$0x80]  }
0xb8: {  	v5 =	vld [tilespmem:s1+$0x0];
	_ =	sdelay $0x1  }
0xb9: {  	v0 =	vadd.f32 v1, v0  }
0xba: {  	v1 =	vld [tilespmem:s6+$0x10];
	v2 =	vadd.f32 v3, v2  }
0xbb: {  	v3 =	vld [tilespmem:s6+$0xFFFFFF90];
	[tilespmem:s6+$0x0] =	vst v0  }
0xbc: {  	p0 =	por $0x0, $0x0;
	s0 =	simm.s32 $0x7FFFD8;
	[tilespmem:s6+$0xFFFFFF80] =	vst v2;
	v2 =	vadd.f32 v5, v4;
	v0 =	vld [tilespmem:s3+$0x10]  }
0xbd: {  	s0 =	simm.s32 @!p0 $0xA0;
	v4 =	vld [tilespmem:s7+$0x10]  }
0xbe: {  	v6 =	vld [tilespmem:s6+$0x90];
	s0 =	sadd.s32 $0x0, s0;
	[tilespmem:s6+$0x80] =	vst v2  }
0xbf: {  	s0 =	sshll.u32 s0, $0x9;
	v2 =	vld [tilespmem:s1+$0x10]  }
0xc0: {  	v8 =	vld [tilespmem:s6+$0xA0];
	s0 =	sshra.s32 s0, $0x2  }
0xc1: {  	v9 =	vld [tilespmem:s0+$0x0];
	v0 =	vadd.f32 v0, v1  }
0xc2: {  	v1 =	vld [tilespmem:s6+$0x20];
	v3 =	vadd.f32 v4, v3  }
0xc3: {  	v4 =	vld [tilespmem:s6+$0xFFFFFFA0];
	[tilespmem:s6+$0x10] =	vst v0  }
0xc4: {  	[tilespmem:s6+$0xFFFFFF90] =	vst v3;
	v2 =	vadd.f32 v2, v6;
	v0 =	vld [tilespmem:s3+$0x20]  }
0xc5: {  	v3 =	vld [tilespmem:s7+$0x20]  }
0xc6: {  	v5 =	vld [tilespmem:s6+$0xFFFFFF00];
	[tilespmem:s6+$0x90] =	vst v2  }
0xc7: {  	v2 =	vld [tilespmem:s1+$0x20]  }
0xc8: {  	v7 =	vld [tilespmem:s6+$0xFFFFFF10]  }
0xc9: {  	v10 =	vld [tilespmem:s6+$0xFFFFFF30];
	v0 =	vadd.f32 v0, v1  }
0xca: {  	v1 =	vld [tilespmem:s6+$0x30];
	v3 =	vadd.f32 v3, v4  }
0xcb: {  	v4 =	vld [tilespmem:s6+$0xB0];
	[tilespmem:s6+$0x20] =	vst v0  }
0xcc: {  	[tilespmem:s6+$0xFFFFFFA0] =	vst v3;
	v2 =	vadd.f32 v2, v8;
	v3 =	vadd.f32 v9, v5;
	v5 =	vld [tilespmem:s6+$0xFFFFFFB0]  }
0xcd: {  	v0 =	vld [tilespmem:s3+$0x30]  }
0xce: {  	v8 =	vld [tilespmem:s7+$0x30];
	[tilespmem:s6+$0xA0] =	vst v2  }
0xcf: {  	[tilespmem:s6+$0xFFFFFF00] =	vst v3;
	v2 =	vld [tilespmem:s1+$0x30]  }
0xd0: {  	v3 =	vld [tilespmem:s0+$0x10]  }
0xd1: {  	v6 =	vld [tilespmem:s6+$0xFFFFFF20]  }
0xd2: {  	v9 =	vld [tilespmem:s6+$0xC0];
	v0 =	vadd.f32 v0, v1  }
0xd3: {  	v1 =	vld [tilespmem:s6+$0x40];
	v5 =	vadd.f32 v8, v5  }
0xd4: {  	[tilespmem:s6+$0x30] =	vst v0;
	v2 =	vadd.f32 v2, v4;
	v0 =	vld [tilespmem:s6+$0xFFFFFF40]  }
0xd5: {  	[tilespmem:s6+$0xFFFFFFB0] =	vst v5;
	v3 =	vadd.f32 v3, v7;
	v8 =	vld [tilespmem:s3+$0x40]  }
0xd6: {  	v4 =	vld [tilespmem:s7+$0x40];
	[tilespmem:s6+$0xB0] =	vst v2  }
0xd7: {  	[tilespmem:s6+$0xFFFFFF10] =	vst v3;
	v3 =	vld [tilespmem:s6+$0xFFFFFFC0]  }
0xd8: {  	v2 =	vld [tilespmem:s1+$0x40]  }
0xd9: {  	v5 =	vld [tilespmem:s0+$0x20]  }
0xda: {  	v7 =	vld [tilespmem:s6+$0xD0];
	v1 =	vadd.f32 v8, v1  }
0xdb: {  	v8 =	vld [tilespmem:s6+$0x50]  }
0xdc: {  	v3 =	vadd.f32 v4, v3;
	[tilespmem:s6+$0x40] =	vst v1;
	v1 =	vld [tilespmem:s6+$0xFFFFFF50]  }
0xdd: {  	v2 =	vadd.f32 v2, v9;
	v9 =	vld [tilespmem:s3+$0x50]  }
0xde: {  	v4 =	vadd.f32 v5, v6;
	v6 =	vld [tilespmem:s6+$0xFFFFFFD0];
	[tilespmem:s6+$0xFFFFFFC0] =	vst v3  }
0xdf: {  	[tilespmem:s6+$0xC0] =	vst v2;
	v3 =	vld [tilespmem:s7+$0x50]  }
0xe0: {  	v2 =	vld [tilespmem:s1+$0x50]  }
0xe1: {  	v5 =	vld [tilespmem:s6+$0x70];
	[tilespmem:s6+$0xFFFFFF20] =	vst v4  }
0xe2: {  	v4 =	vld [tilespmem:s0+$0x30];
	v8 =	vadd.f32 v9, v8  }
0xe3: {  	v9 =	vld [tilespmem:s6+$0xE0]  }
0xe4: {  	v3 =	vadd.f32 v3, v6;
	[tilespmem:s6+$0x50] =	vst v8;
	v8 =	vld [tilespmem:s6+$0x60]  }
0xe5: {  	v2 =	vadd.f32 v2, v7;
	v6 =	vld [tilespmem:s3+$0x60]  }
0xe6: {  	v7 =	vld [tilespmem:s6+$0xFFFFFFE0];
	[tilespmem:s6+$0xFFFFFFD0] =	vst v3  }
0xe7: {  	[tilespmem:s6+$0xD0] =	vst v2;
	v11 =	vld [tilespmem:s7+$0x60]  }
0xe8: {  	v4 =	vadd.f32 v4, v10;
	v10 =	vld [tilespmem:s1+$0x60]  }
0xe9: {  	v3 =	vld [tilespmem:s6+$0xFFFFFF60]  }
0xea: {  	[tilespmem:s6+$0xFFFFFF30] =	vst v4;
	v2 =	vld [tilespmem:s6+$0xFFFFFF70];
	v8 =	vadd.f32 v6, v8  }
0xeb: {  	v4 =	vld [tilespmem:s0+$0x40]  }
0xec: {  	v6 =	vld [tilespmem:s6+$0xF0];
	[tilespmem:s6+$0x60] =	vst v8  }
0xed: {  	s8 =	simm.s32 $0xD000;
	s4 =	simm.s32 $0x4;
	v9 =	vadd.f32 v10, v9;
	v8 =	vadd.f32 v11, v7;
	v7 =	vld [tilespmem:s3+$0x70]  }
.LBB2_4:
0xee: {  	p0 =	sgt.u32 s4, $0x27;
	p1 =	sgt.u32 s4, $0x26;
	p2 =	sgt.u32 s4, $0x25  }
0xef: {  	v10 =	vld [tilespmem:s6+$0xFFFFFFF0];
	[tilespmem:s6+$0xE0] =	vst v9;
	s3 =	smov.u32 s4;
	s10 =	simm.s32 $0x7FFFD9;
	s11 =	simm.s32 $0x7FFFDA  }
0xf0: {  	s9 =	sadd.s32 $0x4, s4;
	s10 =	simm.s32 @!p1 $0xA1;
	[tilespmem:s6+$0xFFFFFFE0] =	vst v8;
	v8 =	vld [tilespmem:s1+$0x70];
	s1 =	simm.s32 $0x7FFFD8  }
0xf1: {  	s11 =	simm.s32 @!p2 $0xA2;
	p1 =	sgt.u32 s3, $0x24;
	s1 =	simm.s32 @!p0 $0xA0  }
0xf2: {  	s10 =	sadd.s32 s3, s10;
	v9 =	vld [tilespmem:s8+$0x80];
	p0 =	slt.u32 s4, $0x9C;
	s4 =	sadd.s32 s3, s1  }
0xf3: {  	v11 =	vld [tilespmem:s8+$0xFFFFFF00];
	s1 =	sshll.u32 s10, $0x9;
	s10 =	sadd.s32 s3, s11;
	s11 =	simm.s32 $0x7FFFDB  }
0xf4: {  	v12 =	vld [tilespmem:s8+$0xFFFFFF80];
	s11 =	simm.s32 @!p1 $0xA3;
	v5 =	vadd.f32 v7, v5  }
0xf5: {  	s12 =	sshra.s32 s1, $0x2;
	s1 =	sshll.u32 s10, $0x9;
	v7 =	vld [tilespmem:s8+$0x0];
	s10 =	sadd.s32 s3, s11  }
0xf6: {  	s3 =	sshra.s32 s1, $0x2;
	v13 =	vld [tilespmem:s12+$0x0];
	s1 =	sshll.u32 s10, $0x9;
	[tilespmem:s6+$0x70] =	vst v5;
	v5 =	vadd.f32 v8, v6  }
0xf7: {  	v6 =	vld [tilespmem:s3+$0x0];
	s1 =	sshra.s32 s1, $0x2  }
0xf8: {  	v8 =	vld [tilespmem:s1+$0x0];
	[tilespmem:s6+$0xF0] =	vst v5  }
0xf9: {  	v5 =	vld [tilespmem:s8+$0x90]  }
0xfa: {  	v14 =	vld [tilespmem:s8+$0xFFFFFF10]  }
0xfb: {  	v12 =	vadd.f32 v13, v12;
	v13 =	vld [tilespmem:s8+$0x10]  }
0xfc: {  	v15 =	vld [tilespmem:s8+$0xFFFFFF90];
	v6 =	vadd.f32 v6, v7  }
0xfd: {  	[tilespmem:s8+$0xFFFFFF80] =	vst v12;
	v7 =	vadd.f32 v8, v9;
	v8 =	vld [tilespmem:s7+$0x70];
	s7 =	smov.u32 s12  }
0xfe: {  	v9 =	vld [tilespmem:s7+$0x10];
	[tilespmem:s8+$0x0] =	vst v6  }
0xff: {  	v6 =	vld [tilespmem:s3+$0x10];
	[tilespmem:s8+$0x80] =	vst v7  }
0x100: {  	v7 =	vld [tilespmem:s1+$0x10]  }
0x101: {  	v12 =	vld [tilespmem:s8+$0xA0]  }
0x102: {  	v16 =	vld [tilespmem:s8+$0xFFFFFF20];
	v8 =	vadd.f32 v8, v10  }
0x103: {  	s4 =	sshll.u32 s4, $0x9;
	v9 =	vadd.f32 v9, v15;
	v10 =	vld [tilespmem:s8+$0x20]  }
0x104: {  	s4 =	sshra.s32 s4, $0x2;
	v15 =	vld [tilespmem:s8+$0xFFFFFFA0];
	v6 =	vadd.f32 v6, v13;
	[tilespmem:s6+$0xFFFFFFF0] =	vst v8  }
0x105: {  	v8 =	vld [tilespmem:s4+$0x0];
	[tilespmem:s8+$0xFFFFFF90] =	vst v9;
	v5 =	vadd.f32 v7, v5  }
0x106: {  	v0 =	vadd.f32 v4, v0;
	v7 =	vld [tilespmem:s7+$0x20];
	[tilespmem:s8+$0x10] =	vst v6  }
0x107: {  	v4 =	vld [tilespmem:s3+$0x20];
	[tilespmem:s8+$0x90] =	vst v5  }
0x108: {  	v5 =	vld [tilespmem:s1+$0x20];
	[tilespmem:s6+$0xFFFFFF40] =	vst v0  }
0x109: {  	v0 =	vld [tilespmem:s0+$0x50]  }
0x10a: {  	v6 =	vadd.f32 v8, v11;
	v8 =	vld [tilespmem:s8+$0xFFFFFF30]  }
0x10b: {  	v7 =	vadd.f32 v7, v15;
	v9 =	vld [tilespmem:s8+$0xB0]  }
0x10c: {  	[tilespmem:s8+$0xFFFFFF00] =	vst v6;
	v4 =	vadd.f32 v4, v10;
	v6 =	vld [tilespmem:s8+$0x30]  }
0x10d: {  	[tilespmem:s8+$0xFFFFFFA0] =	vst v7;
	v7 =	vld [tilespmem:s8+$0xFFFFFFB0];
	v5 =	vadd.f32 v5, v12  }
0x10e: {  	v10 =	vld [tilespmem:s7+$0x30];
	[tilespmem:s8+$0x20] =	vst v4;
	v0 =	vadd.f32 v0, v1  }
0x10f: {  	v1 =	vld [tilespmem:s3+$0x30];
	[tilespmem:s8+$0xA0] =	vst v5  }
0x110: {  	v4 =	vld [tilespmem:s4+$0x10];
	[tilespmem:s6+$0xFFFFFF50] =	vst v0  }
0x111: {  	v5 =	vld [tilespmem:s1+$0x30]  }
0x112: {  	v11 =	vld [tilespmem:s0+$0x60]  }
0x113: {  	v7 =	vadd.f32 v10, v7;
	v10 =	vld [tilespmem:s8+$0xC0]  }
0x114: {  	v0 =	vld [tilespmem:s8+$0xFFFFFF40];
	v1 =	vadd.f32 v1, v6  }
0x115: {  	v4 =	vadd.f32 v4, v14;
	[tilespmem:s8+$0xFFFFFFB0] =	vst v7;
	v6 =	vld [tilespmem:s8+$0x40]  }
0x116: {  	v7 =	vld [tilespmem:s7+$0x40];
	[tilespmem:s8+$0x30] =	vst v1;
	v1 =	vadd.f32 v5, v9  }
0x117: {  	[tilespmem:s8+$0xFFFFFF10] =	vst v4;
	v4 =	vld [tilespmem:s3+$0x40];
	v3 =	vadd.f32 v11, v3  }
0x118: {  	v5 =	vld [tilespmem:s4+$0x20];
	[tilespmem:s8+$0xB0] =	vst v1  }
0x119: {  	v9 =	vld [tilespmem:s1+$0x40];
	[tilespmem:s6+$0xFFFFFF60] =	vst v3  }
0x11a: {  	v3 =	vld [tilespmem:s8+$0xFFFFFFC0]  }
0x11b: {  	v11 =	vld [tilespmem:s0+$0x70];
	s0 =	smov.u32 s4  }
0x11c: {  	v4 =	vadd.f32 v4, v6;
	v6 =	vld [tilespmem:s8+$0xD0]  }
0x11d: {  	v5 =	vadd.f32 v5, v16;
	v1 =	vld [tilespmem:s8+$0xFFFFFF50]  }
0x11e: {  	[tilespmem:s8+$0x40] =	vst v4;
	v4 =	vld [tilespmem:s8+$0x50];
	v9 =	vadd.f32 v9, v10  }
0x11f: {  	v3 =	vadd.f32 v7, v3;
	v7 =	vld [tilespmem:s3+$0x50]  }
0x120: {  	v10 =	vld [tilespmem:s8+$0xFFFFFFD0];
	[tilespmem:s8+$0xC0] =	vst v9  }
0x121: {  	v2 =	vadd.f32 v11, v2;
	[tilespmem:s8+$0xFFFFFFC0] =	vst v3;
	v3 =	vld [tilespmem:s1+$0x50]  }
0x122: {  	[tilespmem:s8+$0xFFFFFF20] =	vst v5;
	v9 =	vld [tilespmem:s7+$0x50]  }
0x123: {  	v11 =	vld [tilespmem:s0+$0x30];
	[tilespmem:s6+$0xFFFFFF70] =	vst v2;
	s6 =	smov.u32 s8  }
0x124: {  	v2 =	vadd.f32 v7, v4;
	v5 =	vld [tilespmem:s8+$0x70]  }
0x125: {  	v7 =	vld [tilespmem:s8+$0xE0]  }
0x126: {  	[tilespmem:s8+$0x50] =	vst v2;
	v2 =	vld [tilespmem:s8+$0x60];
	v3 =	vadd.f32 v3, v6  }
0x127: {  	v4 =	vadd.f32 v9, v10;
	v6 =	vld [tilespmem:s3+$0x60]  }
0x128: {  	v8 =	vadd.f32 v11, v8;
	v10 =	vld [tilespmem:s8+$0xFFFFFFE0];
	[tilespmem:s8+$0xD0] =	vst v3  }
0x129: {  	[tilespmem:s8+$0xFFFFFFD0] =	vst v4;
	v9 =	vld [tilespmem:s1+$0x60]  }
0x12a: {  	[tilespmem:s8+$0xFFFFFF30] =	vst v8;
	v8 =	vld [tilespmem:s7+$0x60]  }
.Ltmp1:
0x12b: {  	v4 =	vld [tilespmem:s0+$0x40];
	(pc) =	sbr.rel @p0 .LBB2_4-.Ltmp1, $4  }
0x12c: {  	v11 =	vadd.f32 v6, v2;
	v6 =	vld [tilespmem:s8+$0xF0]  }
0x12d: {  	v2 =	vld [tilespmem:s8+$0xFFFFFF70]  }
0x12e: {  	v3 =	vld [tilespmem:s8+$0xFFFFFF60];
	[tilespmem:s8+$0x60] =	vst v11;
	v9 =	vadd.f32 v9, v7  }
0x12f: {  	s4 =	smov.u32 s9;
	s8 =	sadd.s32 $0x200, s8;
	v8 =	vadd.f32 v8, v10;
	v7 =	vld [tilespmem:s3+$0x70]  }
0x130: {  	v0 =	vadd.f32 v4, v0;
	_ =	sdelay $0x1  }
0x131: {  	[tilespmem:s6+$0xFFFFFF40] =	vst v0  }
0x132: {  	v0 =	vld [tilespmem:s0+$0x50];
	_ =	sdelay $0x4  }
0x133: {  	v0 =	vadd.f32 v0, v1;
	_ =	sdelay $0x1  }
0x134: {  	[tilespmem:s6+$0xFFFFFF50] =	vst v0  }
0x135: {  	v0 =	vld [tilespmem:s0+$0x60];
	_ =	sdelay $0x3  }
0x136: {  	[tilespmem:s6+$0xFFFFFFE0] =	vst v8  }
0x137: {  	v4 =	vld [tilespmem:s7+$0x70];
	v0 =	vadd.f32 v0, v3  }
0x138: {  	[tilespmem:s6+$0xE0] =	vst v9;
	v1 =	vld [tilespmem:s6+$0xFFFFFFF0]  }
0x139: {  	v3 =	vld [tilespmem:s1+$0x70];
	[tilespmem:s6+$0xFFFFFF60] =	vst v0  }
0x13a: {  	v0 =	vld [tilespmem:s0+$0x70];
	_ =	sdelay $0x1  }
0x13b: {  	v5 =	vadd.f32 v7, v5  }
0x13c: {  	v1 =	vadd.f32 v4, v1  }
0x13d: {  	[tilespmem:s6+$0x70] =	vst v5;
	v3 =	vadd.f32 v3, v6  }
0x13e: {  	[tilespmem:s6+$0xFFFFFFF0] =	vst v1;
	v0 =	vadd.f32 v0, v2  }
0x13f: {  	[tilespmem:s6+$0xF0] =	vst v3  }
0x140: {  	s20 =	simm.s32 $0x0;
	s2 =	simm.s32 $0xCD00;
	s22 =	simm.s32 $0x5;
	[tilespmem:s6+$0xFFFFFF70] =	vst v0  }
0x141: {  	s23 =	simm.s32 $0xA0;
	s24 =	simm.s32 $0x7D00;
	s21 =	rddreg [dreg:$0x8]  }
0x142: {  	[hbm4b:s21+s20] =	stream.linear.scatter [tilespmem:s2], [sflag:$0x6], $0x5000, $0x38;
	[tilespmem:$0x1BD00] =	vst v63  }
0x143: {  	s25 =	simm.s32 $0x6680;
	s28 =	simm.s32 $0x3;
	_ =	swait.ge [sflag:s22], $0x5000  }
0x144: {  	p0 =	por $0x0, $0x0;
	s4 =	simm.s32 $0x7FFFB3;
	[sflag:s22] =	ssyncset.done $0x0  }
0x145: {  	p1 =	por $0x0, $0x0;
	s0 =	simm.s32 $0x7FFFB2;
	[sflag:s22] =	ssyncadd.s32 $0xFFFFB000  }
0x146: {  	[tilespmem:s24], [sflag:$0x1] =	stream.indirect.gather [hbm4b:s29+s23], $0x80, s25, s23, $0xb8;
	[tilespmem:$0x1BD00] =	vst v63  }
0x147: {  	s1 =	simm.s32 $0x7FFFB1;
	s0 =	simm.s32 @!p0 $0x7A;
	_ =	swait.ge [sflag:s28], $0x5000  }
0x148: {  	s1 =	simm.s32 @!p1 $0x79;
	s0 =	sadd.s32 $0x0, s0;
	[sflag:s28] =	ssyncset.done $0x0  }
0x149: {  	s0 =	sshll.u32 s0, $0x9;
	s6 =	simm.s32 $0x11E00;
	[sflag:s28] =	ssyncadd.s32 $0xFFFFB000  }
0x14a: {  	s1 =	sadd.s32 $0x0, s1;
	p0 =	por $0x0, $0x0;
	s3 =	sshra.s32 s0, $0x2;
	v0 =	vld [tilespmem:s6+$0x0]  }
0x14b: {  	s30 =	sshll.u32 s1, $0x9;
	s4 =	simm.s32 @!p0 $0x7B;
	v1 =	vld [tilespmem:s3+$0x0]  }
0x14c: {  	s7 =	sshra.s32 s30, $0x2;
	s31 =	sadd.s32 $0x0, s4;
	v2 =	vld [tilespmem:s6+$0xFFFFFF80]  }
0x14d: {  	s0 =	sshll.u32 s31, $0x9;
	v3 =	vld [tilespmem:s7+$0x0]  }
0x14e: {  	s1 =	sshra.s32 s0, $0x2;
	v4 =	vld [tilespmem:s6+$0x80]  }
0x14f: {  	v5 =	vld [tilespmem:s1+$0x0];
	_ =	sdelay $0x1  }
0x150: {  	v0 =	vadd.f32 v1, v0  }
0x151: {  	v1 =	vld [tilespmem:s6+$0x10];
	v2 =	vadd.f32 v3, v2  }
0x152: {  	v3 =	vld [tilespmem:s6+$0xFFFFFF90];
	[tilespmem:s6+$0x0] =	vst v0  }
0x153: {  	p0 =	por $0x0, $0x0;
	s0 =	simm.s32 $0x7FFFB0;
	[tilespmem:s6+$0xFFFFFF80] =	vst v2;
	v2 =	vadd.f32 v5, v4;
	v0 =	vld [tilespmem:s3+$0x10]  }
0x154: {  	s0 =	simm.s32 @!p0 $0x78;
	v4 =	vld [tilespmem:s7+$0x10]  }
0x155: {  	s0 =	sadd.s32 $0x0, s0;
	v6 =	vld [tilespmem:s6+$0x90];
	[tilespmem:s6+$0x80] =	vst v2  }
0x156: {  	s0 =	sshll.u32 s0, $0x9;
	v2 =	vld [tilespmem:s1+$0x10]  }
0x157: {  	s0 =	sshra.s32 s0, $0x2;
	v8 =	vld [tilespmem:s6+$0xA0]  }
0x158: {  	v9 =	vld [tilespmem:s0+$0x0];
	v0 =	vadd.f32 v0, v1  }
0x159: {  	v1 =	vld [tilespmem:s6+$0x20];
	v3 =	vadd.f32 v4, v3  }
0x15a: {  	v4 =	vld [tilespmem:s6+$0xFFFFFFA0];
	[tilespmem:s6+$0x10] =	vst v0  }
0x15b: {  	[tilespmem:s6+$0xFFFFFF90] =	vst v3;
	v2 =	vadd.f32 v2, v6;
	v0 =	vld [tilespmem:s3+$0x20]  }
0x15c: {  	v3 =	vld [tilespmem:s7+$0x20]  }
0x15d: {  	v5 =	vld [tilespmem:s6+$0xFFFFFF00];
	[tilespmem:s6+$0x90] =	vst v2  }
0x15e: {  	v2 =	vld [tilespmem:s1+$0x20]  }
0x15f: {  	v7 =	vld [tilespmem:s6+$0xFFFFFF10]  }
0x160: {  	v10 =	vld [tilespmem:s6+$0xFFFFFF30];
	v0 =	vadd.f32 v0, v1  }
0x161: {  	v1 =	vld [tilespmem:s6+$0x30];
	v3 =	vadd.f32 v3, v4  }
0x162: {  	v4 =	vld [tilespmem:s6+$0xB0];
	[tilespmem:s6+$0x20] =	vst v0  }
0x163: {  	[tilespmem:s6+$0xFFFFFFA0] =	vst v3;
	v2 =	vadd.f32 v2, v8;
	v3 =	vadd.f32 v9, v5;
	v5 =	vld [tilespmem:s6+$0xFFFFFFB0]  }
0x164: {  	v0 =	vld [tilespmem:s3+$0x30]  }
0x165: {  	v8 =	vld [tilespmem:s7+$0x30];
	[tilespmem:s6+$0xA0] =	vst v2  }
0x166: {  	[tilespmem:s6+$0xFFFFFF00] =	vst v3;
	v2 =	vld [tilespmem:s1+$0x30]  }
0x167: {  	v3 =	vld [tilespmem:s0+$0x10]  }
0x168: {  	v6 =	vld [tilespmem:s6+$0xFFFFFF20]  }
0x169: {  	v9 =	vld [tilespmem:s6+$0xC0];
	v0 =	vadd.f32 v0, v1  }
0x16a: {  	v1 =	vld [tilespmem:s6+$0x40];
	v5 =	vadd.f32 v8, v5  }
0x16b: {  	[tilespmem:s6+$0x30] =	vst v0;
	v2 =	vadd.f32 v2, v4;
	v0 =	vld [tilespmem:s6+$0xFFFFFF40]  }
0x16c: {  	[tilespmem:s6+$0xFFFFFFB0] =	vst v5;
	v3 =	vadd.f32 v3, v7;
	v8 =	vld [tilespmem:s3+$0x40]  }
0x16d: {  	v4 =	vld [tilespmem:s7+$0x40];
	[tilespmem:s6+$0xB0] =	vst v2  }
0x16e: {  	[tilespmem:s6+$0xFFFFFF10] =	vst v3;
	v3 =	vld [tilespmem:s6+$0xFFFFFFC0]  }
0x16f: {  	v2 =	vld [tilespmem:s1+$0x40]  }
0x170: {  	v5 =	vld [tilespmem:s0+$0x20]  }
0x171: {  	v7 =	vld [tilespmem:s6+$0xD0];
	v1 =	vadd.f32 v8, v1  }
0x172: {  	v8 =	vld [tilespmem:s6+$0x50]  }
0x173: {  	v3 =	vadd.f32 v4, v3;
	[tilespmem:s6+$0x40] =	vst v1;
	v1 =	vld [tilespmem:s6+$0xFFFFFF50]  }
0x174: {  	v2 =	vadd.f32 v2, v9;
	v9 =	vld [tilespmem:s3+$0x50]  }
0x175: {  	v4 =	vadd.f32 v5, v6;
	v6 =	vld [tilespmem:s6+$0xFFFFFFD0];
	[tilespmem:s6+$0xFFFFFFC0] =	vst v3  }
0x176: {  	[tilespmem:s6+$0xC0] =	vst v2;
	v3 =	vld [tilespmem:s7+$0x50]  }
0x177: {  	v2 =	vld [tilespmem:s1+$0x50]  }
0x178: {  	v5 =	vld [tilespmem:s6+$0x70];
	[tilespmem:s6+$0xFFFFFF20] =	vst v4  }
0x179: {  	v4 =	vld [tilespmem:s0+$0x30];
	v8 =	vadd.f32 v9, v8  }
0x17a: {  	v9 =	vld [tilespmem:s6+$0xE0]  }
0x17b: {  	v3 =	vadd.f32 v3, v6;
	[tilespmem:s6+$0x50] =	vst v8;
	v8 =	vld [tilespmem:s6+$0x60]  }
0x17c: {  	v2 =	vadd.f32 v2, v7;
	v6 =	vld [tilespmem:s3+$0x60]  }
0x17d: {  	v7 =	vld [tilespmem:s6+$0xFFFFFFE0];
	[tilespmem:s6+$0xFFFFFFD0] =	vst v3  }
0x17e: {  	[tilespmem:s6+$0xD0] =	vst v2;
	v11 =	vld [tilespmem:s7+$0x60]  }
0x17f: {  	v4 =	vadd.f32 v4, v10;
	v10 =	vld [tilespmem:s1+$0x60]  }
0x180: {  	v3 =	vld [tilespmem:s6+$0xFFFFFF60]  }
0x181: {  	[tilespmem:s6+$0xFFFFFF30] =	vst v4;
	v2 =	vld [tilespmem:s6+$0xFFFFFF70];
	v8 =	vadd.f32 v6, v8  }
0x182: {  	v4 =	vld [tilespmem:s0+$0x40]  }
0x183: {  	v6 =	vld [tilespmem:s6+$0xF0];
	[tilespmem:s6+$0x60] =	vst v8  }
0x184: {  	s8 =	simm.s32 $0x12000;
	s4 =	simm.s32 $0x4;
	v9 =	vadd.f32 v10, v9;
	v8 =	vadd.f32 v11, v7;
	v7 =	vld [tilespmem:s3+$0x70]  }
.LBB2_6:
0x185: {  	p0 =	sgt.u32 s4, $0x4F;
	p1 =	sgt.u32 s4, $0x4E;
	p2 =	sgt.u32 s4, $0x4D  }
0x186: {  	v10 =	vld [tilespmem:s6+$0xFFFFFFF0];
	[tilespmem:s6+$0xE0] =	vst v9;
	s3 =	smov.u32 s4;
	s10 =	simm.s32 $0x7FFFB1;
	s11 =	simm.s32 $0x7FFFB2  }
0x187: {  	s9 =	sadd.s32 $0x4, s4;
	s10 =	simm.s32 @!p1 $0x79;
	[tilespmem:s6+$0xFFFFFFE0] =	vst v8;
	v8 =	vld [tilespmem:s1+$0x70];
	s1 =	simm.s32 $0x7FFFB0  }
0x188: {  	s11 =	simm.s32 @!p2 $0x7A;
	p1 =	sgt.u32 s3, $0x4C;
	s1 =	simm.s32 @!p0 $0x78  }
0x189: {  	s10 =	sadd.s32 s3, s10;
	v9 =	vld [tilespmem:s8+$0x80];
	p0 =	slt.u32 s4, $0x9C;
	s4 =	sadd.s32 s3, s1  }
0x18a: {  	v11 =	vld [tilespmem:s8+$0xFFFFFF00];
	s1 =	sshll.u32 s10, $0x9;
	s10 =	sadd.s32 s3, s11;
	s11 =	simm.s32 $0x7FFFB3  }
0x18b: {  	v12 =	vld [tilespmem:s8+$0xFFFFFF80];
	s11 =	simm.s32 @!p1 $0x7B;
	v5 =	vadd.f32 v7, v5  }
0x18c: {  	s12 =	sshra.s32 s1, $0x2;
	s1 =	sshll.u32 s10, $0x9;
	v7 =	vld [tilespmem:s8+$0x0];
	s10 =	sadd.s32 s3, s11  }
0x18d: {  	s3 =	sshra.s32 s1, $0x2;
	v13 =	vld [tilespmem:s12+$0x0];
	s1 =	sshll.u32 s10, $0x9;
	[tilespmem:s6+$0x70] =	vst v5;
	v5 =	vadd.f32 v8, v6  }
0x18e: {  	v6 =	vld [tilespmem:s3+$0x0];
	s1 =	sshra.s32 s1, $0x2  }
0x18f: {  	v8 =	vld [tilespmem:s1+$0x0];
	[tilespmem:s6+$0xF0] =	vst v5  }
0x190: {  	v5 =	vld [tilespmem:s8+$0x90]  }
0x191: {  	v14 =	vld [tilespmem:s8+$0xFFFFFF10]  }
0x192: {  	v12 =	vadd.f32 v13, v12;
	v13 =	vld [tilespmem:s8+$0x10]  }
0x193: {  	v15 =	vld [tilespmem:s8+$0xFFFFFF90];
	v6 =	vadd.f32 v6, v7  }
0x194: {  	[tilespmem:s8+$0xFFFFFF80] =	vst v12;
	v7 =	vadd.f32 v8, v9;
	v8 =	vld [tilespmem:s7+$0x70];
	s7 =	smov.u32 s12  }
0x195: {  	v9 =	vld [tilespmem:s7+$0x10];
	[tilespmem:s8+$0x0] =	vst v6  }
0x196: {  	v6 =	vld [tilespmem:s3+$0x10];
	[tilespmem:s8+$0x80] =	vst v7  }
0x197: {  	v7 =	vld [tilespmem:s1+$0x10]  }
0x198: {  	v12 =	vld [tilespmem:s8+$0xA0]  }
0x199: {  	v16 =	vld [tilespmem:s8+$0xFFFFFF20];
	v8 =	vadd.f32 v8, v10  }
0x19a: {  	s4 =	sshll.u32 s4, $0x9;
	v9 =	vadd.f32 v9, v15;
	v10 =	vld [tilespmem:s8+$0x20]  }
0x19b: {  	s4 =	sshra.s32 s4, $0x2;
	v15 =	vld [tilespmem:s8+$0xFFFFFFA0];
	v6 =	vadd.f32 v6, v13;
	[tilespmem:s6+$0xFFFFFFF0] =	vst v8  }
0x19c: {  	v8 =	vld [tilespmem:s4+$0x0];
	[tilespmem:s8+$0xFFFFFF90] =	vst v9;
	v5 =	vadd.f32 v7, v5  }
0x19d: {  	v0 =	vadd.f32 v4, v0;
	v7 =	vld [tilespmem:s7+$0x20];
	[tilespmem:s8+$0x10] =	vst v6  }
0x19e: {  	v4 =	vld [tilespmem:s3+$0x20];
	[tilespmem:s8+$0x90] =	vst v5  }
0x19f: {  	v5 =	vld [tilespmem:s1+$0x20];
	[tilespmem:s6+$0xFFFFFF40] =	vst v0  }
0x1a0: {  	v0 =	vld [tilespmem:s0+$0x50]  }
0x1a1: {  	v6 =	vadd.f32 v8, v11;
	v8 =	vld [tilespmem:s8+$0xFFFFFF30]  }
0x1a2: {  	v7 =	vadd.f32 v7, v15;
	v9 =	vld [tilespmem:s8+$0xB0]  }
0x1a3: {  	[tilespmem:s8+$0xFFFFFF00] =	vst v6;
	v4 =	vadd.f32 v4, v10;
	v6 =	vld [tilespmem:s8+$0x30]  }
0x1a4: {  	[tilespmem:s8+$0xFFFFFFA0] =	vst v7;
	v7 =	vld [tilespmem:s8+$0xFFFFFFB0];
	v5 =	vadd.f32 v5, v12  }
0x1a5: {  	v10 =	vld [tilespmem:s7+$0x30];
	[tilespmem:s8+$0x20] =	vst v4;
	v0 =	vadd.f32 v0, v1  }
0x1a6: {  	v1 =	vld [tilespmem:s3+$0x30];
	[tilespmem:s8+$0xA0] =	vst v5  }
0x1a7: {  	v4 =	vld [tilespmem:s4+$0x10];
	[tilespmem:s6+$0xFFFFFF50] =	vst v0  }
0x1a8: {  	v5 =	vld [tilespmem:s1+$0x30]  }
0x1a9: {  	v11 =	vld [tilespmem:s0+$0x60]  }
0x1aa: {  	v7 =	vadd.f32 v10, v7;
	v10 =	vld [tilespmem:s8+$0xC0]  }
0x1ab: {  	v0 =	vld [tilespmem:s8+$0xFFFFFF40];
	v1 =	vadd.f32 v1, v6  }
0x1ac: {  	v4 =	vadd.f32 v4, v14;
	[tilespmem:s8+$0xFFFFFFB0] =	vst v7;
	v6 =	vld [tilespmem:s8+$0x40]  }
0x1ad: {  	v7 =	vld [tilespmem:s7+$0x40];
	[tilespmem:s8+$0x30] =	vst v1;
	v1 =	vadd.f32 v5, v9  }
0x1ae: {  	[tilespmem:s8+$0xFFFFFF10] =	vst v4;
	v4 =	vld [tilespmem:s3+$0x40];
	v3 =	vadd.f32 v11, v3  }
0x1af: {  	v5 =	vld [tilespmem:s4+$0x20];
	[tilespmem:s8+$0xB0] =	vst v1  }
0x1b0: {  	v9 =	vld [tilespmem:s1+$0x40];
	[tilespmem:s6+$0xFFFFFF60] =	vst v3  }
0x1b1: {  	v3 =	vld [tilespmem:s8+$0xFFFFFFC0]  }
0x1b2: {  	v11 =	vld [tilespmem:s0+$0x70];
	s0 =	smov.u32 s4  }
0x1b3: {  	v4 =	vadd.f32 v4, v6;
	v6 =	vld [tilespmem:s8+$0xD0]  }
0x1b4: {  	v5 =	vadd.f32 v5, v16;
	v1 =	vld [tilespmem:s8+$0xFFFFFF50]  }
0x1b5: {  	[tilespmem:s8+$0x40] =	vst v4;
	v4 =	vld [tilespmem:s8+$0x50];
	v9 =	vadd.f32 v9, v10  }
0x1b6: {  	v3 =	vadd.f32 v7, v3;
	v7 =	vld [tilespmem:s3+$0x50]  }
0x1b7: {  	v10 =	vld [tilespmem:s8+$0xFFFFFFD0];
	[tilespmem:s8+$0xC0] =	vst v9  }
0x1b8: {  	v2 =	vadd.f32 v11, v2;
	[tilespmem:s8+$0xFFFFFFC0] =	vst v3;
	v3 =	vld [tilespmem:s1+$0x50]  }
0x1b9: {  	[tilespmem:s8+$0xFFFFFF20] =	vst v5;
	v9 =	vld [tilespmem:s7+$0x50]  }
0x1ba: {  	v11 =	vld [tilespmem:s0+$0x30];
	[tilespmem:s6+$0xFFFFFF70] =	vst v2;
	s6 =	smov.u32 s8  }
0x1bb: {  	v2 =	vadd.f32 v7, v4;
	v5 =	vld [tilespmem:s8+$0x70]  }
0x1bc: {  	v7 =	vld [tilespmem:s8+$0xE0]  }
0x1bd: {  	[tilespmem:s8+$0x50] =	vst v2;
	v2 =	vld [tilespmem:s8+$0x60];
	v3 =	vadd.f32 v3, v6  }
0x1be: {  	v4 =	vadd.f32 v9, v10;
	v6 =	vld [tilespmem:s3+$0x60]  }
0x1bf: {  	v8 =	vadd.f32 v11, v8;
	v10 =	vld [tilespmem:s8+$0xFFFFFFE0];
	[tilespmem:s8+$0xD0] =	vst v3  }
0x1c0: {  	[tilespmem:s8+$0xFFFFFFD0] =	vst v4;
	v9 =	vld [tilespmem:s1+$0x60]  }
0x1c1: {  	[tilespmem:s8+$0xFFFFFF30] =	vst v8;
	v8 =	vld [tilespmem:s7+$0x60]  }
.Ltmp2:
0x1c2: {  	v4 =	vld [tilespmem:s0+$0x40];
	(pc) =	sbr.rel @p0 .LBB2_6-.Ltmp2, $4  }
0x1c3: {  	v11 =	vadd.f32 v6, v2;
	v6 =	vld [tilespmem:s8+$0xF0]  }
0x1c4: {  	v2 =	vld [tilespmem:s8+$0xFFFFFF70]  }
0x1c5: {  	v3 =	vld [tilespmem:s8+$0xFFFFFF60];
	[tilespmem:s8+$0x60] =	vst v11;
	v9 =	vadd.f32 v9, v7  }
0x1c6: {  	s4 =	smov.u32 s9;
	s8 =	sadd.s32 $0x200, s8;
	v8 =	vadd.f32 v8, v10;
	v7 =	vld [tilespmem:s3+$0x70]  }
0x1c7: {  	v0 =	vadd.f32 v4, v0;
	_ =	sdelay $0x1  }
0x1c8: {  	[tilespmem:s6+$0xFFFFFF40] =	vst v0  }
0x1c9: {  	v0 =	vld [tilespmem:s0+$0x50];
	_ =	sdelay $0x4  }
0x1ca: {  	v0 =	vadd.f32 v0, v1;
	_ =	sdelay $0x1  }
0x1cb: {  	[tilespmem:s6+$0xFFFFFF50] =	vst v0  }
0x1cc: {  	v0 =	vld [tilespmem:s0+$0x60];
	_ =	sdelay $0x3  }
0x1cd: {  	[tilespmem:s6+$0xFFFFFFE0] =	vst v8  }
0x1ce: {  	v4 =	vld [tilespmem:s7+$0x70];
	v0 =	vadd.f32 v0, v3  }
0x1cf: {  	[tilespmem:s6+$0xE0] =	vst v9;
	v1 =	vld [tilespmem:s6+$0xFFFFFFF0]  }
0x1d0: {  	v3 =	vld [tilespmem:s1+$0x70];
	[tilespmem:s6+$0xFFFFFF60] =	vst v0  }
0x1d1: {  	v0 =	vld [tilespmem:s0+$0x70];
	_ =	sdelay $0x1  }
0x1d2: {  	v5 =	vadd.f32 v7, v5  }
0x1d3: {  	v1 =	vadd.f32 v4, v1  }
0x1d4: {  	[tilespmem:s6+$0x70] =	vst v5;
	v3 =	vadd.f32 v3, v6  }
0x1d5: {  	[tilespmem:s6+$0xFFFFFFF0] =	vst v1;
	v0 =	vadd.f32 v0, v2  }
0x1d6: {  	[tilespmem:s6+$0xF0] =	vst v3  }
0x1d7: {  	s21 =	simm.s32 $0x0;
	s23 =	simm.s32 $0x6;
	[tilespmem:s6+$0xFFFFFF70] =	vst v0  }
0x1d8: {  	s24 =	simm.s32 $0xA0;
	s25 =	simm.s32 $0xCD00;
	s22 =	rddreg [dreg:$0x9]  }
0x1d9: {  	[hbm4b:s22+s21] =	stream.linear.scatter [tilespmem:s26], [sflag:$0x7], $0x5000, $0x38;
	[tilespmem:$0x1BD00] =	vst v63  }
0x1da: {  	s2 =	simm.s32 $0x6720;
	s28 =	simm.s32 $0x4;
	_ =	swait.ge [sflag:s23], $0x5000  }
0x1db: {  	p0 =	por $0x0, $0x0;
	s4 =	simm.s32 $0x7FFF8B;
	[sflag:s23] =	ssyncset.done $0x0  }
0x1dc: {  	p1 =	por $0x0, $0x0;
	s0 =	simm.s32 $0x7FFF8A;
	[sflag:s23] =	ssyncadd.s32 $0xFFFFB000  }
0x1dd: {  	[tilespmem:s25], [sflag:$0x2] =	stream.indirect.gather [hbm4b:s29+s24], $0x80, s2, s24, $0xb8;
	[tilespmem:$0x1BD00] =	vst v63  }
0x1de: {  	s1 =	simm.s32 $0x7FFF89;
	s0 =	simm.s32 @!p0 $0x52;
	_ =	swait.ge [sflag:s28], $0x5000  }
0x1df: {  	s1 =	simm.s32 @!p1 $0x51;
	s0 =	sadd.s32 $0x0, s0;
	[sflag:s28] =	ssyncset.done $0x0  }
0x1e0: {  	s0 =	sshll.u32 s0, $0x9;
	s6 =	simm.s32 $0x16E00;
	[sflag:s28] =	ssyncadd.s32 $0xFFFFB000  }
0x1e1: {  	s1 =	sadd.s32 $0x0, s1;
	p0 =	por $0x0, $0x0;
	s3 =	sshra.s32 s0, $0x2;
	v0 =	vld [tilespmem:s6+$0x0]  }
0x1e2: {  	s30 =	sshll.u32 s1, $0x9;
	s4 =	simm.s32 @!p0 $0x53;
	v1 =	vld [tilespmem:s3+$0x0]  }
0x1e3: {  	s7 =	sshra.s32 s30, $0x2;
	s31 =	sadd.s32 $0x0, s4;
	v2 =	vld [tilespmem:s6+$0xFFFFFF80]  }
0x1e4: {  	s0 =	sshll.u32 s31, $0x9;
	v3 =	vld [tilespmem:s7+$0x0]  }
0x1e5: {  	s1 =	sshra.s32 s0, $0x2;
	v4 =	vld [tilespmem:s6+$0x80]  }
0x1e6: {  	v5 =	vld [tilespmem:s1+$0x0];
	_ =	sdelay $0x1  }
0x1e7: {  	v0 =	vadd.f32 v1, v0  }
0x1e8: {  	v1 =	vld [tilespmem:s6+$0x10];
	v2 =	vadd.f32 v3, v2  }
0x1e9: {  	v3 =	vld [tilespmem:s6+$0xFFFFFF90];
	[tilespmem:s6+$0x0] =	vst v0  }
0x1ea: {  	p0 =	por $0x0, $0x0;
	s0 =	simm.s32 $0x7FFF88;
	[tilespmem:s6+$0xFFFFFF80] =	vst v2;
	v2 =	vadd.f32 v5, v4;
	v0 =	vld [tilespmem:s3+$0x10]  }
0x1eb: {  	s0 =	simm.s32 @!p0 $0x50;
	v4 =	vld [tilespmem:s7+$0x10]  }
0x1ec: {  	s0 =	sadd.s32 $0x0, s0;
	v6 =	vld [tilespmem:s6+$0x90];
	[tilespmem:s6+$0x80] =	vst v2  }
0x1ed: {  	s0 =	sshll.u32 s0, $0x9;
	v2 =	vld [tilespmem:s1+$0x10]  }
0x1ee: {  	s0 =	sshra.s32 s0, $0x2;
	v8 =	vld [tilespmem:s6+$0xA0]  }
0x1ef: {  	v9 =	vld [tilespmem:s0+$0x0];
	v0 =	vadd.f32 v0, v1  }
0x1f0: {  	v1 =	vld [tilespmem:s6+$0x20];
	v3 =	vadd.f32 v4, v3  }
0x1f1: {  	v4 =	vld [tilespmem:s6+$0xFFFFFFA0];
	[tilespmem:s6+$0x10] =	vst v0  }
0x1f2: {  	[tilespmem:s6+$0xFFFFFF90] =	vst v3;
	v2 =	vadd.f32 v2, v6;
	v0 =	vld [tilespmem:s3+$0x20]  }
0x1f3: {  	v3 =	vld [tilespmem:s7+$0x20]  }
0x1f4: {  	v5 =	vld [tilespmem:s6+$0xFFFFFF00];
	[tilespmem:s6+$0x90] =	vst v2  }
0x1f5: {  	v2 =	vld [tilespmem:s1+$0x20]  }
0x1f6: {  	v7 =	vld [tilespmem:s6+$0xFFFFFF10]  }
0x1f7: {  	v10 =	vld [tilespmem:s6+$0xFFFFFF30];
	v0 =	vadd.f32 v0, v1  }
0x1f8: {  	v1 =	vld [tilespmem:s6+$0x30];
	v3 =	vadd.f32 v3, v4  }
0x1f9: {  	v4 =	vld [tilespmem:s6+$0xB0];
	[tilespmem:s6+$0x20] =	vst v0  }
0x1fa: {  	[tilespmem:s6+$0xFFFFFFA0] =	vst v3;
	v2 =	vadd.f32 v2, v8;
	v3 =	vadd.f32 v9, v5;
	v5 =	vld [tilespmem:s6+$0xFFFFFFB0]  }
0x1fb: {  	v0 =	vld [tilespmem:s3+$0x30]  }
0x1fc: {  	v8 =	vld [tilespmem:s7+$0x30];
	[tilespmem:s6+$0xA0] =	vst v2  }
0x1fd: {  	[tilespmem:s6+$0xFFFFFF00] =	vst v3;
	v2 =	vld [tilespmem:s1+$0x30]  }
0x1fe: {  	v3 =	vld [tilespmem:s0+$0x10]  }
0x1ff: {  	v6 =	vld [tilespmem:s6+$0xFFFFFF20]  }
0x200: {  	v9 =	vld [tilespmem:s6+$0xC0];
	v0 =	vadd.f32 v0, v1  }
0x201: {  	v1 =	vld [tilespmem:s6+$0x40];
	v5 =	vadd.f32 v8, v5  }
0x202: {  	[tilespmem:s6+$0x30] =	vst v0;
	v2 =	vadd.f32 v2, v4;
	v0 =	vld [tilespmem:s6+$0xFFFFFF40]  }
0x203: {  	[tilespmem:s6+$0xFFFFFFB0] =	vst v5;
	v3 =	vadd.f32 v3, v7;
	v8 =	vld [tilespmem:s3+$0x40]  }
0x204: {  	v4 =	vld [tilespmem:s7+$0x40];
	[tilespmem:s6+$0xB0] =	vst v2  }
0x205: {  	[tilespmem:s6+$0xFFFFFF10] =	vst v3;
	v3 =	vld [tilespmem:s6+$0xFFFFFFC0]  }
0x206: {  	v2 =	vld [tilespmem:s1+$0x40]  }
0x207: {  	v5 =	vld [tilespmem:s0+$0x20]  }
0x208: {  	v7 =	vld [tilespmem:s6+$0xD0];
	v1 =	vadd.f32 v8, v1  }
0x209: {  	v8 =	vld [tilespmem:s6+$0x50]  }
0x20a: {  	v3 =	vadd.f32 v4, v3;
	[tilespmem:s6+$0x40] =	vst v1;
	v1 =	vld [tilespmem:s6+$0xFFFFFF50]  }
0x20b: {  	v2 =	vadd.f32 v2, v9;
	v9 =	vld [tilespmem:s3+$0x50]  }
0x20c: {  	v4 =	vadd.f32 v5, v6;
	v6 =	vld [tilespmem:s6+$0xFFFFFFD0];
	[tilespmem:s6+$0xFFFFFFC0] =	vst v3  }
0x20d: {  	[tilespmem:s6+$0xC0] =	vst v2;
	v3 =	vld [tilespmem:s7+$0x50]  }
0x20e: {  	v2 =	vld [tilespmem:s1+$0x50]  }
0x20f: {  	v5 =	vld [tilespmem:s6+$0x70];
	[tilespmem:s6+$0xFFFFFF20] =	vst v4  }
0x210: {  	v4 =	vld [tilespmem:s0+$0x30];
	v8 =	vadd.f32 v9, v8  }
0x211: {  	v9 =	vld [tilespmem:s6+$0xE0]  }
0x212: {  	v3 =	vadd.f32 v3, v6;
	[tilespmem:s6+$0x50] =	vst v8;
	v8 =	vld [tilespmem:s6+$0x60]  }
0x213: {  	v2 =	vadd.f32 v2, v7;
	v6 =	vld [tilespmem:s3+$0x60]  }
0x214: {  	v7 =	vld [tilespmem:s6+$0xFFFFFFE0];
	[tilespmem:s6+$0xFFFFFFD0] =	vst v3  }
0x215: {  	[tilespmem:s6+$0xD0] =	vst v2;
	v11 =	vld [tilespmem:s7+$0x60]  }
0x216: {  	v4 =	vadd.f32 v4, v10;
	v10 =	vld [tilespmem:s1+$0x60]  }
0x217: {  	v3 =	vld [tilespmem:s6+$0xFFFFFF60]  }
0x218: {  	[tilespmem:s6+$0xFFFFFF30] =	vst v4;
	v2 =	vld [tilespmem:s6+$0xFFFFFF70];
	v8 =	vadd.f32 v6, v8  }
0x219: {  	v4 =	vld [tilespmem:s0+$0x40]  }
0x21a: {  	v6 =	vld [tilespmem:s6+$0xF0];
	[tilespmem:s6+$0x60] =	vst v8  }
0x21b: {  	s8 =	simm.s32 $0x17000;
	s4 =	simm.s32 $0x4;
	v9 =	vadd.f32 v10, v9;
	v8 =	vadd.f32 v11, v7;
	v7 =	vld [tilespmem:s3+$0x70]  }
.LBB2_8:
0x21c: {  	p0 =	sgt.u32 s4, $0x77;
	p1 =	sgt.u32 s4, $0x76;
	p2 =	sgt.u32 s4, $0x75  }
0x21d: {  	v10 =	vld [tilespmem:s6+$0xFFFFFFF0];
	[tilespmem:s6+$0xE0] =	vst v9;
	s3 =	smov.u32 s4;
	s10 =	simm.s32 $0x7FFF89;
	s11 =	simm.s32 $0x7FFF8A  }
0x21e: {  	s9 =	sadd.s32 $0x4, s4;
	s10 =	simm.s32 @!p1 $0x51;
	[tilespmem:s6+$0xFFFFFFE0] =	vst v8;
	v8 =	vld [tilespmem:s1+$0x70];
	s1 =	simm.s32 $0x7FFF88  }
0x21f: {  	s11 =	simm.s32 @!p2 $0x52;
	p1 =	sgt.u32 s3, $0x74;
	s1 =	simm.s32 @!p0 $0x50  }
0x220: {  	s10 =	sadd.s32 s3, s10;
	v9 =	vld [tilespmem:s8+$0x80];
	p0 =	slt.u32 s4, $0x9C;
	s4 =	sadd.s32 s3, s1  }
0x221: {  	v11 =	vld [tilespmem:s8+$0xFFFFFF00];
	s1 =	sshll.u32 s10, $0x9;
	s10 =	sadd.s32 s3, s11;
	s11 =	simm.s32 $0x7FFF8B  }
0x222: {  	v12 =	vld [tilespmem:s8+$0xFFFFFF80];
	s11 =	simm.s32 @!p1 $0x53;
	v5 =	vadd.f32 v7, v5  }
0x223: {  	s12 =	sshra.s32 s1, $0x2;
	s1 =	sshll.u32 s10, $0x9;
	v7 =	vld [tilespmem:s8+$0x0];
	s10 =	sadd.s32 s3, s11  }
0x224: {  	s3 =	sshra.s32 s1, $0x2;
	v13 =	vld [tilespmem:s12+$0x0];
	s1 =	sshll.u32 s10, $0x9;
	[tilespmem:s6+$0x70] =	vst v5;
	v5 =	vadd.f32 v8, v6  }
0x225: {  	v6 =	vld [tilespmem:s3+$0x0];
	s1 =	sshra.s32 s1, $0x2  }
0x226: {  	v8 =	vld [tilespmem:s1+$0x0];
	[tilespmem:s6+$0xF0] =	vst v5  }
0x227: {  	v5 =	vld [tilespmem:s8+$0x90]  }
0x228: {  	v14 =	vld [tilespmem:s8+$0xFFFFFF10]  }
0x229: {  	v12 =	vadd.f32 v13, v12;
	v13 =	vld [tilespmem:s8+$0x10]  }
0x22a: {  	v15 =	vld [tilespmem:s8+$0xFFFFFF90];
	v6 =	vadd.f32 v6, v7  }
0x22b: {  	[tilespmem:s8+$0xFFFFFF80] =	vst v12;
	v7 =	vadd.f32 v8, v9;
	v8 =	vld [tilespmem:s7+$0x70];
	s7 =	smov.u32 s12  }
0x22c: {  	v9 =	vld [tilespmem:s7+$0x10];
	[tilespmem:s8+$0x0] =	vst v6  }
0x22d: {  	v6 =	vld [tilespmem:s3+$0x10];
	[tilespmem:s8+$0x80] =	vst v7  }
0x22e: {  	v7 =	vld [tilespmem:s1+$0x10]  }
0x22f: {  	v12 =	vld [tilespmem:s8+$0xA0]  }
0x230: {  	v16 =	vld [tilespmem:s8+$0xFFFFFF20];
	v8 =	vadd.f32 v8, v10  }
0x231: {  	s4 =	sshll.u32 s4, $0x9;
	v9 =	vadd.f32 v9, v15;
	v10 =	vld [tilespmem:s8+$0x20]  }
0x232: {  	s4 =	sshra.s32 s4, $0x2;
	v15 =	vld [tilespmem:s8+$0xFFFFFFA0];
	v6 =	vadd.f32 v6, v13;
	[tilespmem:s6+$0xFFFFFFF0] =	vst v8  }
0x233: {  	v8 =	vld [tilespmem:s4+$0x0];
	[tilespmem:s8+$0xFFFFFF90] =	vst v9;
	v5 =	vadd.f32 v7, v5  }
0x234: {  	v0 =	vadd.f32 v4, v0;
	v7 =	vld [tilespmem:s7+$0x20];
	[tilespmem:s8+$0x10] =	vst v6  }
0x235: {  	v4 =	vld [tilespmem:s3+$0x20];
	[tilespmem:s8+$0x90] =	vst v5  }
0x236: {  	v5 =	vld [tilespmem:s1+$0x20];
	[tilespmem:s6+$0xFFFFFF40] =	vst v0  }
0x237: {  	v0 =	vld [tilespmem:s0+$0x50]  }
0x238: {  	v6 =	vadd.f32 v8, v11;
	v8 =	vld [tilespmem:s8+$0xFFFFFF30]  }
0x239: {  	v7 =	vadd.f32 v7, v15;
	v9 =	vld [tilespmem:s8+$0xB0]  }
0x23a: {  	[tilespmem:s8+$0xFFFFFF00] =	vst v6;
	v4 =	vadd.f32 v4, v10;
	v6 =	vld [tilespmem:s8+$0x30]  }
0x23b: {  	[tilespmem:s8+$0xFFFFFFA0] =	vst v7;
	v7 =	vld [tilespmem:s8+$0xFFFFFFB0];
	v5 =	vadd.f32 v5, v12  }
0x23c: {  	v10 =	vld [tilespmem:s7+$0x30];
	[tilespmem:s8+$0x20] =	vst v4;
	v0 =	vadd.f32 v0, v1  }
0x23d: {  	v1 =	vld [tilespmem:s3+$0x30];
	[tilespmem:s8+$0xA0] =	vst v5  }
0x23e: {  	v4 =	vld [tilespmem:s4+$0x10];
	[tilespmem:s6+$0xFFFFFF50] =	vst v0  }
0x23f: {  	v5 =	vld [tilespmem:s1+$0x30]  }
0x240: {  	v11 =	vld [tilespmem:s0+$0x60]  }
0x241: {  	v7 =	vadd.f32 v10, v7;
	v10 =	vld [tilespmem:s8+$0xC0]  }
0x242: {  	v0 =	vld [tilespmem:s8+$0xFFFFFF40];
	v1 =	vadd.f32 v1, v6  }
0x243: {  	v4 =	vadd.f32 v4, v14;
	[tilespmem:s8+$0xFFFFFFB0] =	vst v7;
	v6 =	vld [tilespmem:s8+$0x40]  }
0x244: {  	v7 =	vld [tilespmem:s7+$0x40];
	[tilespmem:s8+$0x30] =	vst v1;
	v1 =	vadd.f32 v5, v9  }
0x245: {  	[tilespmem:s8+$0xFFFFFF10] =	vst v4;
	v4 =	vld [tilespmem:s3+$0x40];
	v3 =	vadd.f32 v11, v3  }
0x246: {  	v5 =	vld [tilespmem:s4+$0x20];
	[tilespmem:s8+$0xB0] =	vst v1  }
0x247: {  	v9 =	vld [tilespmem:s1+$0x40];
	[tilespmem:s6+$0xFFFFFF60] =	vst v3  }
0x248: {  	v3 =	vld [tilespmem:s8+$0xFFFFFFC0]  }
0x249: {  	v11 =	vld [tilespmem:s0+$0x70];
	s0 =	smov.u32 s4  }
0x24a: {  	v4 =	vadd.f32 v4, v6;
	v6 =	vld [tilespmem:s8+$0xD0]  }
0x24b: {  	v5 =	vadd.f32 v5, v16;
	v1 =	vld [tilespmem:s8+$0xFFFFFF50]  }
0x24c: {  	[tilespmem:s8+$0x40] =	vst v4;
	v4 =	vld [tilespmem:s8+$0x50];
	v9 =	vadd.f32 v9, v10  }
0x24d: {  	v3 =	vadd.f32 v7, v3;
	v7 =	vld [tilespmem:s3+$0x50]  }
0x24e: {  	v10 =	vld [tilespmem:s8+$0xFFFFFFD0];
	[tilespmem:s8+$0xC0] =	vst v9  }
0x24f: {  	v2 =	vadd.f32 v11, v2;
	[tilespmem:s8+$0xFFFFFFC0] =	vst v3;
	v3 =	vld [tilespmem:s1+$0x50]  }
0x250: {  	[tilespmem:s8+$0xFFFFFF20] =	vst v5;
	v9 =	vld [tilespmem:s7+$0x50]  }
0x251: {  	v11 =	vld [tilespmem:s0+$0x30];
	[tilespmem:s6+$0xFFFFFF70] =	vst v2;
	s6 =	smov.u32 s8  }
0x252: {  	v2 =	vadd.f32 v7, v4;
	v5 =	vld [tilespmem:s8+$0x70]  }
0x253: {  	v7 =	vld [tilespmem:s8+$0xE0]  }
0x254: {  	[tilespmem:s8+$0x50] =	vst v2;
	v2 =	vld [tilespmem:s8+$0x60];
	v3 =	vadd.f32 v3, v6  }
0x255: {  	v4 =	vadd.f32 v9, v10;
	v6 =	vld [tilespmem:s3+$0x60]  }
0x256: {  	v8 =	vadd.f32 v11, v8;
	v10 =	vld [tilespmem:s8+$0xFFFFFFE0];
	[tilespmem:s8+$0xD0] =	vst v3  }
0x257: {  	[tilespmem:s8+$0xFFFFFFD0] =	vst v4;
	v9 =	vld [tilespmem:s1+$0x60]  }
0x258: {  	[tilespmem:s8+$0xFFFFFF30] =	vst v8;
	v8 =	vld [tilespmem:s7+$0x60]  }
.Ltmp3:
0x259: {  	v4 =	vld [tilespmem:s0+$0x40];
	(pc) =	sbr.rel @p0 .LBB2_8-.Ltmp3, $4  }
0x25a: {  	v11 =	vadd.f32 v6, v2;
	v6 =	vld [tilespmem:s8+$0xF0]  }
0x25b: {  	v2 =	vld [tilespmem:s8+$0xFFFFFF70]  }
0x25c: {  	v3 =	vld [tilespmem:s8+$0xFFFFFF60];
	[tilespmem:s8+$0x60] =	vst v11;
	v9 =	vadd.f32 v9, v7  }
0x25d: {  	s4 =	smov.u32 s9;
	s8 =	sadd.s32 $0x200, s8;
	v8 =	vadd.f32 v8, v10;
	v7 =	vld [tilespmem:s3+$0x70]  }
0x25e: {  	v0 =	vadd.f32 v4, v0;
	_ =	sdelay $0x1  }
0x25f: {  	[tilespmem:s6+$0xFFFFFF40] =	vst v0  }
0x260: {  	v0 =	vld [tilespmem:s0+$0x50];
	_ =	sdelay $0x4  }
0x261: {  	v0 =	vadd.f32 v0, v1;
	_ =	sdelay $0x1  }
0x262: {  	[tilespmem:s6+$0xFFFFFF50] =	vst v0  }
0x263: {  	v0 =	vld [tilespmem:s0+$0x60];
	_ =	sdelay $0x4  }
0x264: {  	v61 =	vld [tilespmem:s6+$0xFFFFFFF0];
	[tilespmem:s6+$0xFFFFFFE0] =	vst v8;
	v0 =	vadd.f32 v0, v3  }
0x265: {  	[tilespmem:s6+$0xE0] =	vst v9;
	v63 =	vld [tilespmem:s7+$0x70]  }
0x266: {  	v62 =	vld [tilespmem:s1+$0x70];
	[tilespmem:s6+$0xFFFFFF60] =	vst v0  }
0x267: {  	v0 =	vld [tilespmem:s0+$0x70];
	_ =	sdelay $0x1  }
0x268: {  	v5 =	vadd.f32 v7, v5  }
0x269: {  	v1 =	vadd.f32 v63, v61  }
0x26a: {  	[tilespmem:s6+$0x70] =	vst v5;
	v3 =	vadd.f32 v62, v6  }
0x26b: {  	s18 =	simm.s32 $0x0;
	s30 =	simm.s32 $0x16D00;
	s8 =	simm.s32 $0x280;
	[tilespmem:s6+$0xFFFFFFF0] =	vst v1;
	v0 =	vadd.f32 v0, v2  }
0x26c: {  	s31 =	simm.s32 $0x14180;
	s10 =	simm.s32 $0x320;
	s11 =	simm.s32 $0x19180;
	[tilespmem:s6+$0xF0] =	vst v3  }
0x26d: {  	s12 =	simm.s32 $0x3C0;
	s13 =	simm.s32 $0x1E180;
	s14 =	simm.s32 $0x460;
	[tilespmem:s6+$0xFFFFFF70] =	vst v0  }
0x26e: {  	s15 =	simm.s32 $0x23180;
	s6 =	simm.s32 $0x1;
	s28 =	rddreg [dreg:$0xa]  }
0x26f: {  	[hbm4b:s28+s18] =	stream.linear.scatter [tilespmem:s30], [sflag:$0x8], $0x5000, $0x38;
	[tilespmem:$0x1BD00] =	vst v63  }
.LBB2_10:
0x270: {  	s0 =	smulhi.u32 $0x51EB851F, s8;
	s2 =	simm.s32 $0x7  }
0x271: {  	s25 =	smul.u32 $0x280, s6;
	s5 =	smov.u32 s29;
	_ =	swait.ge [sflag:s2], $0x5000  }
0x272: {  	s22 =	simm.s32 $0xA0;
	s0 =	sshrl.u32 s0, $0x6;
	[sflag:s2] =	ssyncset.done $0x0  }
0x273: {  	s3 =	sadd.s32 $0x6540, s25;
	s1 =	smul.u32 $0xC8, s0;
	[sflag:s2] =	ssyncadd.s32 $0xFFFFB000  }
0x274: {  	[tilespmem:s26], [sflag:$0x3] =	stream.indirect.gather [hbm4b:s29+s22], $0x80, s3, s22, $0xb8;
	[tilespmem:$0x1BD00] =	vst v63  }
0x275: {  	s23 =	simm.s32 $0x1;
	s30 =	smul.u32 $0xFFFF9C00, s0;
	s21 =	ssub.s32 s18, s1  }
0x276: {  	s0 =	simm.s32 $0xFFFF9B80;
	_ =	swait.ge [sflag:s23], $0x5000;
	s7 =	sadd.s32 $0xFFFFFFFC, s21  }
0x277: {  	s29 =	simm.s32 $0x7E00;
	[sflag:s23] =	ssyncset.done $0x0;
	s24 =	sadd.s32 $0x286, s7  }
0x278: {  	s1 =	sadd.s32 s31, s30;
	[sflag:s23] =	ssyncadd.s32 $0xFFFFB000;
	p0 =	sgt.u32 s24, $0xC7  }
0x279: {  	s26 =	sadd.s32 $0x284, s7;
	s4 =	sadd.s32 $0x285, s7;
	v0 =	vld [tilespmem:s29+$0x0];
	s0 =	simm.s32 @!p0 $0xFFFFFF80  }
0x27a: {  	v2 =	vld [tilespmem:s29+$0xFFFFFF00];
	p0 =	sgt.u32 s26, $0xC7;
	s2 =	sadd.s32 s0, s1;
	s0 =	simm.s32 $0xFFFF9A80  }
0x27b: {  	s9 =	simm.s32 $0xFFFF9B00;
	s0 =	simm.s32 @!p0 $0xFFFFFE80;
	v1 =	vld [tilespmem:s2+$0x0];
	p0 =	sgt.u32 s4, $0xC7  }
0x27c: {  	s23 =	sadd.s32 $0x287, s7;
	v6 =	vld [tilespmem:s29+$0x80];
	s19 =	sadd.s32 s0, s1;
	s9 =	simm.s32 @!p0 $0xFFFFFF00  }
0x27d: {  	s7 =	sadd.s32 $0xFFFF9C00, s1;
	p0 =	sgt.u32 s23, $0xC7;
	v3 =	vld [tilespmem:s19+$0x0];
	s0 =	sadd.s32 s9, s1  }
0x27e: {  	s1 =	smov.u32 @p0 s7;
	v4 =	vld [tilespmem:s0+$0x0]  }
0x27f: {  	v5 =	vld [tilespmem:s1+$0x0]  }
0x280: {  	v0 =	vadd.f32 v1, v0;
	v1 =	vld [tilespmem:s29+$0xFFFFFF80];
	_ =	sdelay $0x1  }
0x281: {  	v2 =	vadd.f32 v3, v2;
	[tilespmem:s29+$0x0] =	vst v0;
	v0 =	vld [tilespmem:s29+$0x10]  }
0x282: {  	v3 =	vld [tilespmem:s2+$0x10]  }
0x283: {  	v5 =	vadd.f32 v5, v6;
	[tilespmem:s29+$0xFFFFFF00] =	vst v2;
	v2 =	vld [tilespmem:s29+$0xFFFFFF10]  }
0x284: {  	v7 =	vld [tilespmem:s19+$0x10];
	v1 =	vadd.f32 v4, v1  }
0x285: {  	v4 =	vld [tilespmem:s29+$0xFFFFFF90];
	[tilespmem:s29+$0x80] =	vst v5  }
0x286: {  	v5 =	vld [tilespmem:s1+$0x10];
	[tilespmem:s29+$0xFFFFFF80] =	vst v1  }
0x287: {  	v0 =	vadd.f32 v3, v0;
	v3 =	vld [tilespmem:s0+$0x10]  }
0x288: {  	v1 =	vld [tilespmem:s29+$0x90]  }
0x289: {  	v2 =	vadd.f32 v7, v2;
	[tilespmem:s29+$0x10] =	vst v0;
	v0 =	vld [tilespmem:s29+$0x20]  }
0x28a: {  	v6 =	vld [tilespmem:s2+$0x20]  }
0x28b: {  	[tilespmem:s29+$0xFFFFFF10] =	vst v2;
	v2 =	vld [tilespmem:s29+$0xFFFFFF20]  }
0x28c: {  	v7 =	vld [tilespmem:s19+$0x20];
	v3 =	vadd.f32 v3, v4  }
0x28d: {  	v1 =	vadd.f32 v5, v1;
	v4 =	vld [tilespmem:s29+$0xFFFFFFA0]  }
0x28e: {  	[tilespmem:s29+$0xFFFFFF90] =	vst v3;
	v3 =	vld [tilespmem:s29+$0xA0]  }
0x28f: {  	[tilespmem:s29+$0x90] =	vst v1;
	v0 =	vadd.f32 v6, v0;
	v5 =	vld [tilespmem:s0+$0x20]  }
0x290: {  	v1 =	vld [tilespmem:s1+$0x20]  }
0x291: {  	v2 =	vadd.f32 v7, v2;
	[tilespmem:s29+$0x20] =	vst v0;
	v0 =	vld [tilespmem:s29+$0x30]  }
0x292: {  	v6 =	vld [tilespmem:s2+$0x30]  }
0x293: {  	[tilespmem:s29+$0xFFFFFF20] =	vst v2;
	v2 =	vld [tilespmem:s29+$0xFFFFFF30]  }
0x294: {  	v7 =	vld [tilespmem:s19+$0x30];
	v4 =	vadd.f32 v5, v4  }
0x295: {  	v1 =	vadd.f32 v1, v3;
	v3 =	vld [tilespmem:s29+$0xB0]  }
0x296: {  	v5 =	vld [tilespmem:s29+$0xFFFFFFB0];
	[tilespmem:s29+$0xFFFFFFA0] =	vst v4  }
0x297: {  	[tilespmem:s29+$0xA0] =	vst v1;
	v0 =	vadd.f32 v6, v0;
	v4 =	vld [tilespmem:s0+$0x30]  }
0x298: {  	v1 =	vld [tilespmem:s1+$0x30]  }
0x299: {  	v2 =	vadd.f32 v7, v2;
	[tilespmem:s29+$0x30] =	vst v0;
	v0 =	vld [tilespmem:s29+$0x40]  }
0x29a: {  	v6 =	vld [tilespmem:s2+$0x40]  }
0x29b: {  	[tilespmem:s29+$0xFFFFFF30] =	vst v2;
	v2 =	vld [tilespmem:s29+$0xFFFFFF40]  }
0x29c: {  	v7 =	vld [tilespmem:s19+$0x40];
	v4 =	vadd.f32 v4, v5  }
0x29d: {  	v1 =	vadd.f32 v1, v3;
	v3 =	vld [tilespmem:s29+$0xC0]  }
0x29e: {  	v5 =	vld [tilespmem:s29+$0xFFFFFFC0];
	[tilespmem:s29+$0xFFFFFFB0] =	vst v4  }
0x29f: {  	[tilespmem:s29+$0xB0] =	vst v1;
	v0 =	vadd.f32 v6, v0;
	v4 =	vld [tilespmem:s0+$0x40]  }
0x2a0: {  	v1 =	vld [tilespmem:s1+$0x40]  }
0x2a1: {  	v2 =	vadd.f32 v7, v2;
	[tilespmem:s29+$0x40] =	vst v0;
	v0 =	vld [tilespmem:s29+$0x50]  }
0x2a2: {  	v6 =	vld [tilespmem:s2+$0x50]  }
0x2a3: {  	[tilespmem:s29+$0xFFFFFF40] =	vst v2;
	v2 =	vld [tilespmem:s29+$0xFFFFFF50]  }
0x2a4: {  	v7 =	vld [tilespmem:s19+$0x50];
	v4 =	vadd.f32 v4, v5  }
0x2a5: {  	v1 =	vadd.f32 v1, v3;
	v3 =	vld [tilespmem:s29+$0xD0]  }
0x2a6: {  	v5 =	vld [tilespmem:s29+$0xFFFFFFD0];
	[tilespmem:s29+$0xFFFFFFC0] =	vst v4  }
0x2a7: {  	[tilespmem:s29+$0xC0] =	vst v1;
	v0 =	vadd.f32 v6, v0;
	v4 =	vld [tilespmem:s0+$0x50]  }
0x2a8: {  	v1 =	vld [tilespmem:s1+$0x50]  }
0x2a9: {  	v6 =	vld [tilespmem:s29+$0x60];
	v2 =	vadd.f32 v7, v2;
	[tilespmem:s29+$0x50] =	vst v0  }
0x2aa: {  	s17 =	smulhi.u32 $0x51EB851F, s12;
	v7 =	vld [tilespmem:s2+$0x60]  }
0x2ab: {  	[tilespmem:s29+$0xFFFFFF50] =	vst v2;
	v2 =	vld [tilespmem:s29+$0xFFFFFF60]  }
0x2ac: {  	s20 =	smulhi.u32 $0x51EB851F, s10;
	s17 =	sshrl.u32 s17, $0x6;
	v8 =	vld [tilespmem:s19+$0x60];
	v0 =	vadd.f32 v4, v5  }
0x2ad: {  	s22 =	smul.u32 $0xC8, s17;
	v9 =	vld [tilespmem:s29+$0xFFFFFFE0];
	v1 =	vadd.f32 v1, v3  }
0x2ae: {  	s24 =	smulhi.u32 $0x51EB851F, s14;
	[tilespmem:s29+$0xFFFFFFD0] =	vst v0;
	v0 =	vld [tilespmem:s29+$0xE0]  }
0x2af: {  	s23 =	sshrl.u32 s20, $0x6;
	s20 =	smul.u32 $0xFFFF9C00, s17;
	[tilespmem:s29+$0xD0] =	vst v1;
	v3 =	vadd.f32 v7, v6;
	v6 =	vld [tilespmem:s0+$0x60]  }
0x2b0: {  	s7 =	sshrl.u32 s24, $0x6;
	s24 =	smul.u32 $0xC8, s23;
	v5 =	vld [tilespmem:s1+$0x60]  }
0x2b1: {  	s28 =	smul.u32 $0xFFFF9C00, s23;
	v1 =	vadd.f32 v8, v2;
	[tilespmem:s29+$0x60] =	vst v3;
	v2 =	vld [tilespmem:s29+$0x70]  }
0x2b2: {  	s22 =	ssub.s32 s18, s22;
	s17 =	sadd.s32 $0x140, s25;
	s26 =	smul.u32 $0xC8, s7;
	v4 =	vld [tilespmem:s2+$0x70]  }
0x2b3: {  	s9 =	smov.u32 s31;
	s23 =	simm.s32 $0x7E00;
	s16 =	smul.u32 $0xFFFF9C00, s7;
	[tilespmem:s29+$0xFFFFFF60] =	vst v1;
	v1 =	vld [tilespmem:s29+$0xFFFFFF70]  }
0x2b4: {  	s24 =	ssub.s32 s18, s24;
	s7 =	ssub.s32 s18, s26;
	s26 =	simm.s32 $0x0;
	v3 =	vld [tilespmem:s19+$0x70];
	v6 =	vadd.f32 v6, v9  }
.LBB2_11:
0x2b5: {  	s4 =	sadd.s32 s26, s21  }
0x2b6: {  	s26 =	sadd.s32 $0x4, s26;
	v7 =	vld [tilespmem:s29+$0xFFFFFFF0];
	v0 =	vadd.f32 v5, v0;
	s9 =	sadd.s32 $0x200, s9;
	s3 =	sadd.s32 $0x284, s4  }
0x2b7: {  	s2 =	sadd.s32 $0x286, s4;
	p0 =	slt.u32 s26, $0x9C;
	[tilespmem:s29+$0xFFFFFFE0] =	vst v6;
	v5 =	vld [tilespmem:s29+$0xF0];
	s19 =	sadd.s32 $0x285, s4  }
0x2b8: {  	p1 =	sgt.u32 s2, $0xC7;
	v6 =	vld [tilespmem:s0+$0x70];
	s2 =	sadd.s32 s9, s30;
	s0 =	simm.s32 $0xFFFF9B80  }
0x2b9: {  	v2 =	vadd.f32 v4, v2;
	[tilespmem:s29+$0xE0] =	vst v0;
	s29 =	sadd.s32 $0x200, s29;
	p2 =	sgt.u32 s19, $0xC7;
	s19 =	sadd.s32 $0x287, s4  }
0x2ba: {  	s0 =	simm.s32 @!p1 $0xFFFFFF80;
	v0 =	vld [tilespmem:s1+$0x70];
	p1 =	sgt.u32 s3, $0xC7;
	s1 =	simm.s32 $0xFFFF9B00  }
0x2bb: {  	v4 =	vld [tilespmem:s29+$0x0];
	s3 =	sadd.s32 s0, s2;
	v1 =	vadd.f32 v3, v1;
	[tilespmem:s23+$0x70] =	vst v2;
	s0 =	simm.s32 $0xFFFF9A80;
	s1 =	simm.s32 @!p2 $0xFFFFFF00  }
0x2bc: {  	s0 =	simm.s32 @!p1 $0xFFFFFE80;
	v2 =	vld [tilespmem:s3+$0x0];
	p1 =	sgt.u32 s19, $0xC7;
	s19 =	sadd.s32 $0xFFFF9C00, s2  }
0x2bd: {  	v3 =	vld [tilespmem:s29+$0xFFFFFF00];
	s4 =	sadd.s32 s0, s2;
	[tilespmem:s23+$0xFFFFFF70] =	vst v1;
	s0 =	sadd.s32 s1, s2;
	s1 =	smov.u32 s2  }
0x2be: {  	v1 =	vld [tilespmem:s4+$0x0];
	s1 =	smov.u32 @p1 s19;
	v6 =	vadd.f32 v6, v7  }
0x2bf: {  	v7 =	vld [tilespmem:s0+$0x0];
	v0 =	vadd.f32 v0, v5  }
0x2c0: {  	v5 =	vld [tilespmem:s1+$0x0];
	[tilespmem:s23+$0xFFFFFFF0] =	vst v6  }
0x2c1: {  	v6 =	vld [tilespmem:s29+$0xFFFFFF80];
	v2 =	vadd.f32 v2, v4;
	[tilespmem:s23+$0xF0] =	vst v0;
	s23 =	smov.u32 s29  }
0x2c2: {  	v0 =	vld [tilespmem:s29+$0x80]  }
0x2c3: {  	v1 =	vadd.f32 v1, v3;
	[tilespmem:s29+$0x0] =	vst v2;
	v2 =	vld [tilespmem:s29+$0x10]  }
0x2c4: {  	v3 =	vld [tilespmem:s3+$0x10]  }
0x2c5: {  	[tilespmem:s29+$0xFFFFFF00] =	vst v1;
	v1 =	vld [tilespmem:s29+$0xFFFFFF10]  }
0x2c6: {  	v4 =	vld [tilespmem:s4+$0x10];
	v6 =	vadd.f32 v7, v6  }
0x2c7: {  	v7 =	vld [tilespmem:s29+$0xFFFFFF90];
	v0 =	vadd.f32 v5, v0  }
0x2c8: {  	[tilespmem:s29+$0xFFFFFF80] =	vst v6;
	v5 =	vld [tilespmem:s29+$0x90]  }
0x2c9: {  	v6 =	vld [tilespmem:s0+$0x10];
	v2 =	vadd.f32 v3, v2;
	[tilespmem:s29+$0x80] =	vst v0  }
0x2ca: {  	v0 =	vld [tilespmem:s1+$0x10]  }
0x2cb: {  	v1 =	vadd.f32 v4, v1;
	[tilespmem:s29+$0x10] =	vst v2;
	v2 =	vld [tilespmem:s29+$0x20]  }
0x2cc: {  	v3 =	vld [tilespmem:s3+$0x20]  }
0x2cd: {  	[tilespmem:s29+$0xFFFFFF10] =	vst v1;
	v1 =	vld [tilespmem:s29+$0xFFFFFF20]  }
0x2ce: {  	v4 =	vld [tilespmem:s4+$0x20];
	v6 =	vadd.f32 v6, v7  }
0x2cf: {  	v7 =	vld [tilespmem:s29+$0xFFFFFFA0];
	v0 =	vadd.f32 v0, v5  }
0x2d0: {  	[tilespmem:s29+$0xFFFFFF90] =	vst v6;
	v5 =	vld [tilespmem:s29+$0xA0]  }
0x2d1: {  	v6 =	vld [tilespmem:s0+$0x20];
	v2 =	vadd.f32 v3, v2;
	[tilespmem:s29+$0x90] =	vst v0  }
0x2d2: {  	v0 =	vld [tilespmem:s1+$0x20]  }
0x2d3: {  	v1 =	vadd.f32 v4, v1;
	[tilespmem:s29+$0x20] =	vst v2;
	v2 =	vld [tilespmem:s29+$0x30]  }
0x2d4: {  	v3 =	vld [tilespmem:s3+$0x30]  }
0x2d5: {  	[tilespmem:s29+$0xFFFFFF20] =	vst v1;
	v1 =	vld [tilespmem:s29+$0xFFFFFF30]  }
0x2d6: {  	v4 =	vld [tilespmem:s4+$0x30];
	v6 =	vadd.f32 v6, v7  }
0x2d7: {  	v7 =	vld [tilespmem:s29+$0xFFFFFFB0];
	v0 =	vadd.f32 v0, v5  }
0x2d8: {  	[tilespmem:s29+$0xFFFFFFA0] =	vst v6;
	v5 =	vld [tilespmem:s29+$0xB0]  }
0x2d9: {  	v6 =	vld [tilespmem:s0+$0x30];
	v2 =	vadd.f32 v3, v2;
	[tilespmem:s29+$0xA0] =	vst v0  }
0x2da: {  	v0 =	vld [tilespmem:s1+$0x30]  }
0x2db: {  	v1 =	vadd.f32 v4, v1;
	[tilespmem:s29+$0x30] =	vst v2;
	v2 =	vld [tilespmem:s29+$0x40]  }
0x2dc: {  	v3 =	vld [tilespmem:s3+$0x40]  }
0x2dd: {  	[tilespmem:s29+$0xFFFFFF30] =	vst v1;
	v1 =	vld [tilespmem:s29+$0xFFFFFF40]  }
0x2de: {  	v4 =	vld [tilespmem:s4+$0x40];
	v6 =	vadd.f32 v6, v7  }
0x2df: {  	v7 =	vld [tilespmem:s29+$0xFFFFFFC0];
	v0 =	vadd.f32 v0, v5  }
0x2e0: {  	[tilespmem:s29+$0xFFFFFFB0] =	vst v6;
	v5 =	vld [tilespmem:s29+$0xC0]  }
0x2e1: {  	v6 =	vld [tilespmem:s0+$0x40];
	v2 =	vadd.f32 v3, v2;
	[tilespmem:s29+$0xB0] =	vst v0  }
0x2e2: {  	v0 =	vld [tilespmem:s1+$0x40]  }
0x2e3: {  	v1 =	vadd.f32 v4, v1;
	[tilespmem:s29+$0x40] =	vst v2;
	v2 =	vld [tilespmem:s29+$0x50]  }
0x2e4: {  	v3 =	vld [tilespmem:s3+$0x50]  }
0x2e5: {  	[tilespmem:s29+$0xFFFFFF40] =	vst v1;
	v1 =	vld [tilespmem:s29+$0xFFFFFF50]  }
0x2e6: {  	v4 =	vld [tilespmem:s4+$0x50];
	v6 =	vadd.f32 v6, v7  }
0x2e7: {  	v7 =	vld [tilespmem:s29+$0xFFFFFFD0];
	v0 =	vadd.f32 v0, v5  }
0x2e8: {  	[tilespmem:s29+$0xFFFFFFC0] =	vst v6;
	v5 =	vld [tilespmem:s29+$0xD0]  }
0x2e9: {  	v6 =	vld [tilespmem:s0+$0x50];
	v2 =	vadd.f32 v3, v2;
	[tilespmem:s29+$0xC0] =	vst v0  }
0x2ea: {  	v0 =	vld [tilespmem:s1+$0x50]  }
0x2eb: {  	v1 =	vadd.f32 v4, v1;
	[tilespmem:s29+$0x50] =	vst v2;
	v2 =	vld [tilespmem:s29+$0x60]  }
0x2ec: {  	v3 =	vld [tilespmem:s3+$0x60]  }
0x2ed: {  	[tilespmem:s29+$0xFFFFFF50] =	vst v1;
	v1 =	vld [tilespmem:s29+$0xFFFFFF60]  }
0x2ee: {  	v4 =	vld [tilespmem:s4+$0x60];
	v6 =	vadd.f32 v6, v7  }
0x2ef: {  	v7 =	vld [tilespmem:s29+$0xFFFFFFE0];
	v5 =	vadd.f32 v0, v5  }
0x2f0: {  	[tilespmem:s29+$0xFFFFFFD0] =	vst v6;
	v0 =	vld [tilespmem:s29+$0xE0]  }
0x2f1: {  	v6 =	vld [tilespmem:s0+$0x60];
	v2 =	vadd.f32 v3, v2;
	[tilespmem:s29+$0xD0] =	vst v5  }
.Ltmp4:
0x2f2: {  	v5 =	vld [tilespmem:s1+$0x60];
	(pc) =	sbr.rel @p0 .LBB2_11-.Ltmp4, $4  }
0x2f3: {  	v1 =	vadd.f32 v4, v1;
	[tilespmem:s29+$0x60] =	vst v2;
	v2 =	vld [tilespmem:s29+$0x70]  }
0x2f4: {  	v4 =	vld [tilespmem:s3+$0x70]  }
0x2f5: {  	[tilespmem:s29+$0xFFFFFF60] =	vst v1;
	v1 =	vld [tilespmem:s29+$0xFFFFFF70]  }
0x2f6: {  	v3 =	vld [tilespmem:s4+$0x70];
	v6 =	vadd.f32 v6, v7  }
0x2f7: {  	v7 =	vld [tilespmem:s29+$0xFFFFFFF0];
	v0 =	vadd.f32 v5, v0  }
0x2f8: {  	v5 =	vld [tilespmem:s29+$0xF0];
	[tilespmem:s29+$0xFFFFFFE0] =	vst v6  }
0x2f9: {  	v6 =	vld [tilespmem:s0+$0x70];
	[tilespmem:s29+$0xE0] =	vst v0  }
0x2fa: {  	v2 =	vadd.f32 v4, v2;
	v0 =	vld [tilespmem:s1+$0x70]  }
0x2fb: {  	v1 =	vadd.f32 v3, v1  }
0x2fc: {  	[tilespmem:s23+$0x70] =	vst v2  }
0x2fd: {  	[tilespmem:s23+$0xFFFFFF70] =	vst v1  }
0x2fe: {  	v2 =	vadd.f32 v6, v7;
	s21 =	rddreg [dreg:$0x4]  }
0x2ff: {  	v0 =	vadd.f32 v0, v5;
	s0 =	sadd.s32 s21, s25  }
0x300: {  	s26 =	rddreg [dreg:$0x2];
	[tilespmem:s23+$0xFFFFFFF0] =	vst v2;
	s0 =	sshll.u32 s0, $0x4  }
0x301: {  	s30 =	simm.s32 $0x0;
	s2 =	simm.s32 $0x7D00;
	[tilespmem:s23+$0xF0] =	vst v0;
	s0 =	sadd.s32 s26, s0  }
0x302: {  	[hbm4b:s0+s30] =	stream.linear.scatter [tilespmem:s2], [sflag:$0x5], $0x5000, $0x38;
	[tilespmem:$0x1BD00] =	vst v63  }
0x303: {  	s2 =	simm.s32 $0x8  }
0x304: {  	s3 =	sadd.s32 $0x65E0, s25;
	s4 =	simm.s32 $0xA0;
	_ =	swait.ge [sflag:s2], $0x5000  }
0x305: {  	s9 =	simm.s32 $0x16D00;
	s19 =	simm.s32 $0x2;
	[sflag:s2] =	ssyncset.done $0x0  }
0x306: {  	s29 =	simm.s32 $0xCE00;
	s21 =	sadd.s32 $0xFFFFFFFC, s24;
	[sflag:s2] =	ssyncadd.s32 $0xFFFFB000  }
0x307: {  	[tilespmem:s9], [sflag:$0x4] =	stream.indirect.gather [hbm4b:s5+s4], $0x80, s3, s4, $0xb8;
	[tilespmem:$0x1BD00] =	vst v63  }
0x308: {  	s1 =	sadd.s32 s11, s28;
	s23 =	sadd.s32 $0x326, s21;
	_ =	swait.ge [sflag:s19], $0x5000  }
0x309: {  	p0 =	sgt.u32 s23, $0xC7;
	s2 =	simm.s32 $0xFFFF9B80;
	[sflag:s19] =	ssyncset.done $0x0  }
0x30a: {  	s3 =	sadd.s32 $0x324, s21;
	s2 =	simm.s32 @!p0 $0xFFFFFF80;
	[sflag:s19] =	ssyncadd.s32 $0xFFFFB000  }
0x30b: {  	p0 =	sgt.u32 s3, $0xC7;
	s26 =	sadd.s32 s2, s1;
	s2 =	simm.s32 $0xFFFF9A80;
	v0 =	vld [tilespmem:s29+$0x0]  }
0x30c: {  	s0 =	sadd.s32 $0x327, s21;
	s4 =	sadd.s32 $0x325, s21;
	s2 =	simm.s32 @!p0 $0xFFFFFE80;
	v1 =	vld [tilespmem:s26+$0x0]  }
0x30d: {  	s9 =	simm.s32 $0xFFFF9B00;
	p0 =	sgt.u32 s4, $0xC7;
	s30 =	sadd.s32 s2, s1;
	v2 =	vld [tilespmem:s29+$0xFFFFFF00]  }
0x30e: {  	s9 =	simm.s32 @!p0 $0xFFFFFF00;
	p0 =	sgt.u32 s0, $0xC7;
	s2 =	sadd.s32 $0xFFFF9C00, s1;
	v3 =	vld [tilespmem:s30+$0x0]  }
0x30f: {  	s0 =	sadd.s32 s9, s1;
	s1 =	smov.u32 @p0 s2;
	v6 =	vld [tilespmem:s29+$0x80]  }
0x310: {  	v5 =	vld [tilespmem:s1+$0x0]  }
0x311: {  	v4 =	vld [tilespmem:s0+$0x0]  }
0x312: {  	v0 =	vadd.f32 v1, v0;
	v1 =	vld [tilespmem:s29+$0xFFFFFF80];
	_ =	sdelay $0x1  }
0x313: {  	v2 =	vadd.f32 v3, v2;
	[tilespmem:s29+$0x0] =	vst v0;
	v0 =	vld [tilespmem:s29+$0x10]  }
0x314: {  	v5 =	vadd.f32 v5, v6;
	v3 =	vld [tilespmem:s26+$0x10]  }
0x315: {  	[tilespmem:s29+$0xFFFFFF00] =	vst v2;
	v2 =	vld [tilespmem:s29+$0xFFFFFF10]  }
0x316: {  	v7 =	vld [tilespmem:s30+$0x10];
	[tilespmem:s29+$0x80] =	vst v5;
	v1 =	vadd.f32 v4, v1  }
0x317: {  	v5 =	vld [tilespmem:s1+$0x10]  }
0x318: {  	v4 =	vld [tilespmem:s29+$0xFFFFFF90];
	[tilespmem:s29+$0xFFFFFF80] =	vst v1  }
0x319: {  	v0 =	vadd.f32 v3, v0;
	v3 =	vld [tilespmem:s0+$0x10]  }
0x31a: {  	v1 =	vld [tilespmem:s29+$0x90]  }
0x31b: {  	v2 =	vadd.f32 v7, v2;
	[tilespmem:s29+$0x10] =	vst v0;
	v0 =	vld [tilespmem:s29+$0x20]  }
0x31c: {  	v6 =	vld [tilespmem:s26+$0x20]  }
0x31d: {  	[tilespmem:s29+$0xFFFFFF10] =	vst v2;
	v2 =	vld [tilespmem:s29+$0xFFFFFF20]  }
0x31e: {  	v7 =	vld [tilespmem:s30+$0x20];
	v3 =	vadd.f32 v3, v4  }
0x31f: {  	v1 =	vadd.f32 v5, v1;
	v4 =	vld [tilespmem:s29+$0xFFFFFFA0]  }
0x320: {  	[tilespmem:s29+$0xFFFFFF90] =	vst v3;
	v3 =	vld [tilespmem:s29+$0xA0]  }
0x321: {  	[tilespmem:s29+$0x90] =	vst v1;
	v0 =	vadd.f32 v6, v0;
	v5 =	vld [tilespmem:s0+$0x20]  }
0x322: {  	v1 =	vld [tilespmem:s1+$0x20]  }
0x323: {  	v2 =	vadd.f32 v7, v2;
	[tilespmem:s29+$0x20] =	vst v0;
	v0 =	vld [tilespmem:s29+$0x30]  }
0x324: {  	v6 =	vld [tilespmem:s26+$0x30]  }
0x325: {  	[tilespmem:s29+$0xFFFFFF20] =	vst v2;
	v2 =	vld [tilespmem:s29+$0xFFFFFF30]  }
0x326: {  	v7 =	vld [tilespmem:s30+$0x30];
	v4 =	vadd.f32 v5, v4  }
0x327: {  	v1 =	vadd.f32 v1, v3;
	v3 =	vld [tilespmem:s29+$0xB0]  }
0x328: {  	v5 =	vld [tilespmem:s29+$0xFFFFFFB0];
	[tilespmem:s29+$0xFFFFFFA0] =	vst v4  }
0x329: {  	[tilespmem:s29+$0xA0] =	vst v1;
	v0 =	vadd.f32 v6, v0;
	v4 =	vld [tilespmem:s0+$0x30]  }
0x32a: {  	v1 =	vld [tilespmem:s1+$0x30]  }
0x32b: {  	v2 =	vadd.f32 v7, v2;
	[tilespmem:s29+$0x30] =	vst v0;
	v0 =	vld [tilespmem:s29+$0x40]  }
0x32c: {  	v6 =	vld [tilespmem:s26+$0x40]  }
0x32d: {  	[tilespmem:s29+$0xFFFFFF30] =	vst v2;
	v2 =	vld [tilespmem:s29+$0xFFFFFF40]  }
0x32e: {  	v7 =	vld [tilespmem:s30+$0x40];
	v4 =	vadd.f32 v4, v5  }
0x32f: {  	v1 =	vadd.f32 v1, v3;
	v3 =	vld [tilespmem:s29+$0xC0]  }
0x330: {  	v5 =	vld [tilespmem:s29+$0xFFFFFFC0];
	[tilespmem:s29+$0xFFFFFFB0] =	vst v4  }
0x331: {  	[tilespmem:s29+$0xB0] =	vst v1;
	v0 =	vadd.f32 v6, v0;
	v4 =	vld [tilespmem:s0+$0x40]  }
0x332: {  	v1 =	vld [tilespmem:s1+$0x40]  }
0x333: {  	v2 =	vadd.f32 v7, v2;
	[tilespmem:s29+$0x40] =	vst v0;
	v0 =	vld [tilespmem:s29+$0x50]  }
0x334: {  	v6 =	vld [tilespmem:s26+$0x50]  }
0x335: {  	[tilespmem:s29+$0xFFFFFF40] =	vst v2;
	v2 =	vld [tilespmem:s29+$0xFFFFFF50]  }
0x336: {  	v7 =	vld [tilespmem:s30+$0x50];
	v4 =	vadd.f32 v4, v5  }
0x337: {  	v1 =	vadd.f32 v1, v3;
	v3 =	vld [tilespmem:s29+$0xD0]  }
0x338: {  	v5 =	vld [tilespmem:s29+$0xFFFFFFD0];
	[tilespmem:s29+$0xFFFFFFC0] =	vst v4  }
0x339: {  	[tilespmem:s29+$0xC0] =	vst v1;
	v0 =	vadd.f32 v6, v0;
	v4 =	vld [tilespmem:s0+$0x50]  }
0x33a: {  	v1 =	vld [tilespmem:s1+$0x50]  }
0x33b: {  	v2 =	vadd.f32 v7, v2;
	[tilespmem:s29+$0x50] =	vst v0;
	v0 =	vld [tilespmem:s29+$0x60]  }
0x33c: {  	v6 =	vld [tilespmem:s26+$0x60]  }
0x33d: {  	v7 =	vld [tilespmem:s29+$0xFFFFFF60];
	[tilespmem:s29+$0xFFFFFF50] =	vst v2  }
0x33e: {  	v8 =	vld [tilespmem:s30+$0x60];
	v2 =	vadd.f32 v4, v5  }
0x33f: {  	v9 =	vld [tilespmem:s29+$0xFFFFFFE0]  }
0x340: {  	v1 =	vadd.f32 v1, v3;
	v3 =	vld [tilespmem:s29+$0x70];
	[tilespmem:s29+$0xFFFFFFD0] =	vst v2  }
0x341: {  	v0 =	vadd.f32 v6, v0;
	v6 =	vld [tilespmem:s0+$0x60]  }
0x342: {  	[tilespmem:s29+$0xD0] =	vst v1;
	v2 =	vld [tilespmem:s29+$0xE0]  }
0x343: {  	v5 =	vld [tilespmem:s1+$0x60];
	v1 =	vadd.f32 v8, v7  }
0x344: {  	[tilespmem:s29+$0x60] =	vst v0;
	v0 =	vld [tilespmem:s29+$0xFFFFFF70]  }
0x345: {  	s23 =	simm.s32 $0xCE00;
	s21 =	sadd.s32 $0x1E0, s25;
	[tilespmem:s29+$0xFFFFFF60] =	vst v1;
	v4 =	vld [tilespmem:s26+$0x70]  }
0x346: {  	s25 =	sadd.s32 $0xA0, s25;
	s9 =	smov.u32 s11;
	s26 =	simm.s32 $0x0;
	v1 =	vld [tilespmem:s30+$0x70];
	v6 =	vadd.f32 v6, v9  }
.LBB2_13:
0x347: {  	s2 =	sadd.s32 s26, s24  }
0x348: {  	s26 =	sadd.s32 $0x4, s26;
	s9 =	sadd.s32 $0x200, s9;
	s3 =	sadd.s32 $0x324, s2  }
0x349: {  	v7 =	vld [tilespmem:s29+$0xFFFFFFF0];
	v2 =	vadd.f32 v5, v2;
	s4 =	sadd.s32 $0x326, s2;
	p0 =	slt.u32 s26, $0x9C;
	s19 =	sadd.s32 $0x325, s2  }
0x34a: {  	[tilespmem:s29+$0xFFFFFFE0] =	vst v6;
	v5 =	vld [tilespmem:s29+$0xF0];
	s30 =	sadd.s32 s9, s28;
	s2 =	sadd.s32 $0x327, s2;
	p1 =	sgt.u32 s4, $0xC7  }
0x34b: {  	v6 =	vld [tilespmem:s0+$0x70];
	v3 =	vadd.f32 v4, v3;
	[tilespmem:s29+$0xE0] =	vst v2;
	s0 =	simm.s32 $0xFFFF9B80;
	s29 =	sadd.s32 $0x200, s29;
	p2 =	sgt.u32 s19, $0xC7  }
0x34c: {  	s0 =	simm.s32 @!p1 $0xFFFFFF80;
	v2 =	vld [tilespmem:s1+$0x70];
	p1 =	sgt.u32 s3, $0xC7;
	s1 =	simm.s32 $0xFFFF9B00  }
0x34d: {  	v4 =	vld [tilespmem:s29+$0x0];
	s3 =	sadd.s32 s0, s30;
	v0 =	vadd.f32 v1, v0;
	[tilespmem:s23+$0x70] =	vst v3;
	s0 =	simm.s32 $0xFFFF9A80;
	s1 =	simm.s32 @!p2 $0xFFFFFF00  }
0x34e: {  	s0 =	simm.s32 @!p1 $0xFFFFFE80;
	v1 =	vld [tilespmem:s3+$0x0];
	p1 =	sgt.u32 s2, $0xC7;
	s2 =	sadd.s32 $0xFFFF9C00, s30  }
0x34f: {  	v3 =	vld [tilespmem:s29+$0xFFFFFF00];
	s4 =	sadd.s32 s0, s30;
	[tilespmem:s23+$0xFFFFFF70] =	vst v0;
	s0 =	sadd.s32 s1, s30;
	s1 =	smov.u32 s30  }
0x350: {  	v0 =	vld [tilespmem:s4+$0x0];
	s1 =	smov.u32 @p1 s2;
	v6 =	vadd.f32 v6, v7  }
0x351: {  	v7 =	vld [tilespmem:s0+$0x0];
	v2 =	vadd.f32 v2, v5  }
0x352: {  	v5 =	vld [tilespmem:s1+$0x0];
	[tilespmem:s23+$0xFFFFFFF0] =	vst v6  }
0x353: {  	v6 =	vld [tilespmem:s29+$0xFFFFFF80];
	v1 =	vadd.f32 v1, v4;
	[tilespmem:s23+$0xF0] =	vst v2;
	s23 =	smov.u32 s29  }
0x354: {  	v2 =	vld [tilespmem:s29+$0x80]  }
0x355: {  	v0 =	vadd.f32 v0, v3;
	[tilespmem:s29+$0x0] =	vst v1;
	v1 =	vld [tilespmem:s29+$0x10]  }
0x356: {  	v3 =	vld [tilespmem:s3+$0x10]  }
0x357: {  	[tilespmem:s29+$0xFFFFFF00] =	vst v0;
	v0 =	vld [tilespmem:s29+$0xFFFFFF10]  }
0x358: {  	v4 =	vld [tilespmem:s4+$0x10];
	v6 =	vadd.f32 v7, v6  }
0x359: {  	v7 =	vld [tilespmem:s29+$0xFFFFFF90];
	v2 =	vadd.f32 v5, v2  }
0x35a: {  	[tilespmem:s29+$0xFFFFFF80] =	vst v6;
	v5 =	vld [tilespmem:s29+$0x90]  }
0x35b: {  	v6 =	vld [tilespmem:s0+$0x10];
	v1 =	vadd.f32 v3, v1;
	[tilespmem:s29+$0x80] =	vst v2  }
0x35c: {  	v2 =	vld [tilespmem:s1+$0x10]  }
0x35d: {  	v0 =	vadd.f32 v4, v0;
	[tilespmem:s29+$0x10] =	vst v1;
	v1 =	vld [tilespmem:s29+$0x20]  }
0x35e: {  	v3 =	vld [tilespmem:s3+$0x20]  }
0x35f: {  	[tilespmem:s29+$0xFFFFFF10] =	vst v0;
	v0 =	vld [tilespmem:s29+$0xFFFFFF20]  }
0x360: {  	v4 =	vld [tilespmem:s4+$0x20];
	v6 =	vadd.f32 v6, v7  }
0x361: {  	v7 =	vld [tilespmem:s29+$0xFFFFFFA0];
	v2 =	vadd.f32 v2, v5  }
0x362: {  	[tilespmem:s29+$0xFFFFFF90] =	vst v6;
	v5 =	vld [tilespmem:s29+$0xA0]  }
0x363: {  	v6 =	vld [tilespmem:s0+$0x20];
	v1 =	vadd.f32 v3, v1;
	[tilespmem:s29+$0x90] =	vst v2  }
0x364: {  	v2 =	vld [tilespmem:s1+$0x20]  }
0x365: {  	v0 =	vadd.f32 v4, v0;
	[tilespmem:s29+$0x20] =	vst v1;
	v1 =	vld [tilespmem:s29+$0x30]  }
0x366: {  	v3 =	vld [tilespmem:s3+$0x30]  }
0x367: {  	[tilespmem:s29+$0xFFFFFF20] =	vst v0;
	v0 =	vld [tilespmem:s29+$0xFFFFFF30]  }
0x368: {  	v4 =	vld [tilespmem:s4+$0x30];
	v6 =	vadd.f32 v6, v7  }
0x369: {  	v7 =	vld [tilespmem:s29+$0xFFFFFFB0];
	v2 =	vadd.f32 v2, v5  }
0x36a: {  	[tilespmem:s29+$0xFFFFFFA0] =	vst v6;
	v5 =	vld [tilespmem:s29+$0xB0]  }
0x36b: {  	v6 =	vld [tilespmem:s0+$0x30];
	v1 =	vadd.f32 v3, v1;
	[tilespmem:s29+$0xA0] =	vst v2  }
0x36c: {  	v2 =	vld [tilespmem:s1+$0x30]  }
0x36d: {  	v0 =	vadd.f32 v4, v0;
	[tilespmem:s29+$0x30] =	vst v1;
	v1 =	vld [tilespmem:s29+$0x40]  }
0x36e: {  	v3 =	vld [tilespmem:s3+$0x40]  }
0x36f: {  	[tilespmem:s29+$0xFFFFFF30] =	vst v0;
	v0 =	vld [tilespmem:s29+$0xFFFFFF40]  }
0x370: {  	v4 =	vld [tilespmem:s4+$0x40];
	v6 =	vadd.f32 v6, v7  }
0x371: {  	v7 =	vld [tilespmem:s29+$0xFFFFFFC0];
	v2 =	vadd.f32 v2, v5  }
0x372: {  	[tilespmem:s29+$0xFFFFFFB0] =	vst v6;
	v5 =	vld [tilespmem:s29+$0xC0]  }
0x373: {  	v6 =	vld [tilespmem:s0+$0x40];
	v1 =	vadd.f32 v3, v1;
	[tilespmem:s29+$0xB0] =	vst v2  }
0x374: {  	v2 =	vld [tilespmem:s1+$0x40]  }
0x375: {  	v0 =	vadd.f32 v4, v0;
	[tilespmem:s29+$0x40] =	vst v1;
	v1 =	vld [tilespmem:s29+$0x50]  }
0x376: {  	v3 =	vld [tilespmem:s3+$0x50]  }
0x377: {  	[tilespmem:s29+$0xFFFFFF40] =	vst v0;
	v0 =	vld [tilespmem:s29+$0xFFFFFF50]  }
0x378: {  	v4 =	vld [tilespmem:s4+$0x50];
	v6 =	vadd.f32 v6, v7  }
0x379: {  	v7 =	vld [tilespmem:s29+$0xFFFFFFD0];
	v2 =	vadd.f32 v2, v5  }
0x37a: {  	[tilespmem:s29+$0xFFFFFFC0] =	vst v6;
	v5 =	vld [tilespmem:s29+$0xD0]  }
0x37b: {  	v6 =	vld [tilespmem:s0+$0x50];
	v1 =	vadd.f32 v3, v1;
	[tilespmem:s29+$0xC0] =	vst v2  }
0x37c: {  	v2 =	vld [tilespmem:s1+$0x50]  }
0x37d: {  	v0 =	vadd.f32 v4, v0;
	[tilespmem:s29+$0x50] =	vst v1;
	v1 =	vld [tilespmem:s29+$0x60]  }
0x37e: {  	v3 =	vld [tilespmem:s3+$0x60]  }
0x37f: {  	[tilespmem:s29+$0xFFFFFF50] =	vst v0;
	v0 =	vld [tilespmem:s29+$0xFFFFFF60]  }
0x380: {  	v4 =	vld [tilespmem:s4+$0x60];
	v6 =	vadd.f32 v6, v7  }
0x381: {  	v7 =	vld [tilespmem:s29+$0xFFFFFFE0];
	v5 =	vadd.f32 v2, v5  }
0x382: {  	[tilespmem:s29+$0xFFFFFFD0] =	vst v6;
	v2 =	vld [tilespmem:s29+$0xE0]  }
0x383: {  	v6 =	vld [tilespmem:s0+$0x60];
	v1 =	vadd.f32 v3, v1;
	[tilespmem:s29+$0xD0] =	vst v5  }
.Ltmp5:
0x384: {  	v5 =	vld [tilespmem:s1+$0x60];
	(pc) =	sbr.rel @p0 .LBB2_13-.Ltmp5, $4  }
0x385: {  	v0 =	vadd.f32 v4, v0;
	[tilespmem:s29+$0x60] =	vst v1;
	v3 =	vld [tilespmem:s29+$0x70]  }
0x386: {  	v4 =	vld [tilespmem:s3+$0x70]  }
0x387: {  	[tilespmem:s29+$0xFFFFFF60] =	vst v0;
	v0 =	vld [tilespmem:s29+$0xFFFFFF70]  }
0x388: {  	v1 =	vld [tilespmem:s4+$0x70];
	v6 =	vadd.f32 v6, v7  }
0x389: {  	v7 =	vld [tilespmem:s29+$0xFFFFFFF0];
	v2 =	vadd.f32 v5, v2  }
0x38a: {  	v5 =	vld [tilespmem:s29+$0xF0];
	[tilespmem:s29+$0xFFFFFFE0] =	vst v6  }
0x38b: {  	v6 =	vld [tilespmem:s0+$0x70];
	[tilespmem:s29+$0xE0] =	vst v2  }
0x38c: {  	v3 =	vadd.f32 v4, v3;
	v2 =	vld [tilespmem:s1+$0x70]  }
0x38d: {  	v0 =	vadd.f32 v1, v0  }
0x38e: {  	[tilespmem:s23+$0x70] =	vst v3  }
0x38f: {  	[tilespmem:s23+$0xFFFFFF70] =	vst v0  }
0x390: {  	v1 =	vadd.f32 v6, v7;
	s26 =	rddreg [dreg:$0x4]  }
0x391: {  	v0 =	vadd.f32 v2, v5;
	s0 =	sadd.s32 s26, s25  }
0x392: {  	s30 =	rddreg [dreg:$0x2];
	[tilespmem:s23+$0xFFFFFFF0] =	vst v1;
	s0 =	sshll.u32 s0, $0x4  }
0x393: {  	s28 =	simm.s32 $0x0;
	s2 =	simm.s32 $0xCD00;
	[tilespmem:s23+$0xF0] =	vst v0;
	s0 =	sadd.s32 s30, s0  }
0x394: {  	[hbm4b:s0+s28] =	stream.linear.scatter [tilespmem:s2], [sflag:$0x6], $0x5000, $0x38;
	[tilespmem:$0x1BD00] =	vst v63  }
0x395: {  	s3 =	simm.s32 $0xA0;
	s1 =	smul.u32 $0xA00, s6;
	s2 =	simm.s32 $0x5  }
0x396: {  	s4 =	simm.s32 $0x7D00;
	s9 =	simm.s32 $0x3;
	_ =	swait.ge [sflag:s2], $0x5000  }
0x397: {  	s19 =	sadd.s32 $0xFFFFFFFC, s22;
	s24 =	sshra.s32 s1, $0x2;
	[sflag:s2] =	ssyncset.done $0x0  }
0x398: {  	s1 =	sadd.s32 s13, s20;
	s0 =	sadd.s32 $0x6680, s24;
	[sflag:s2] =	ssyncadd.s32 $0xFFFFB000  }
0x399: {  	[tilespmem:s4], [sflag:$0x1] =	stream.indirect.gather [hbm4b:s5+s3], $0x80, s0, s3, $0xb8;
	[tilespmem:$0x1BD00] =	vst v63  }
0x39a: {  	s25 =	simm.s32 $0x11E00;
	s23 =	sadd.s32 $0x3C6, s19;
	_ =	swait.ge [sflag:s9], $0x5000  }
0x39b: {  	p0 =	sgt.u32 s23, $0xC7;
	s2 =	simm.s32 $0xFFFF9B80;
	[sflag:s9] =	ssyncset.done $0x0  }
0x39c: {  	s3 =	sadd.s32 $0x3C4, s19;
	s2 =	simm.s32 @!p0 $0xFFFFFF80;
	[sflag:s9] =	ssyncadd.s32 $0xFFFFB000  }
0x39d: {  	p0 =	sgt.u32 s3, $0xC7;
	s26 =	sadd.s32 s2, s1;
	s2 =	simm.s32 $0xFFFF9A80;
	v0 =	vld [tilespmem:s25+$0x0]  }
0x39e: {  	s4 =	sadd.s32 $0x3C5, s19;
	s2 =	simm.s32 @!p0 $0xFFFFFE80;
	v1 =	vld [tilespmem:s26+$0x0]  }
0x39f: {  	p0 =	sgt.u32 s4, $0xC7;
	s9 =	simm.s32 $0xFFFF9B00;
	s28 =	sadd.s32 s2, s1;
	v2 =	vld [tilespmem:s25+$0xFFFFFF00]  }
0x3a0: {  	s0 =	sadd.s32 $0x3C7, s19;
	s9 =	simm.s32 @!p0 $0xFFFFFF00;
	v3 =	vld [tilespmem:s28+$0x0]  }
0x3a1: {  	s2 =	sadd.s32 $0xFFFF9C00, s1;
	p0 =	sgt.u32 s0, $0xC7;
	v6 =	vld [tilespmem:s25+$0x80];
	s0 =	sadd.s32 s9, s1  }
0x3a2: {  	s1 =	smov.u32 @p0 s2;
	v4 =	vld [tilespmem:s0+$0x0]  }
0x3a3: {  	v5 =	vld [tilespmem:s1+$0x0]  }
0x3a4: {  	v0 =	vadd.f32 v1, v0;
	v1 =	vld [tilespmem:s25+$0xFFFFFF80];
	_ =	sdelay $0x1  }
0x3a5: {  	v2 =	vadd.f32 v3, v2;
	[tilespmem:s25+$0x0] =	vst v0;
	v0 =	vld [tilespmem:s25+$0x10]  }
0x3a6: {  	v3 =	vld [tilespmem:s26+$0x10]  }
0x3a7: {  	[tilespmem:s25+$0xFFFFFF00] =	vst v2;
	v2 =	vld [tilespmem:s25+$0xFFFFFF10];
	v5 =	vadd.f32 v5, v6  }
0x3a8: {  	v7 =	vld [tilespmem:s28+$0x10];
	v1 =	vadd.f32 v4, v1  }
0x3a9: {  	[tilespmem:s25+$0x80] =	vst v5;
	v4 =	vld [tilespmem:s25+$0xFFFFFF90]  }
0x3aa: {  	v5 =	vld [tilespmem:s1+$0x10];
	[tilespmem:s25+$0xFFFFFF80] =	vst v1  }
0x3ab: {  	v0 =	vadd.f32 v3, v0;
	v3 =	vld [tilespmem:s0+$0x10]  }
0x3ac: {  	v1 =	vld [tilespmem:s25+$0x90]  }
0x3ad: {  	v2 =	vadd.f32 v7, v2;
	[tilespmem:s25+$0x10] =	vst v0;
	v0 =	vld [tilespmem:s25+$0x20]  }
0x3ae: {  	v6 =	vld [tilespmem:s26+$0x20]  }
0x3af: {  	[tilespmem:s25+$0xFFFFFF10] =	vst v2;
	v2 =	vld [tilespmem:s25+$0xFFFFFF20]  }
0x3b0: {  	v7 =	vld [tilespmem:s28+$0x20];
	v3 =	vadd.f32 v3, v4  }
0x3b1: {  	v1 =	vadd.f32 v5, v1;
	v4 =	vld [tilespmem:s25+$0xFFFFFFA0]  }
0x3b2: {  	[tilespmem:s25+$0xFFFFFF90] =	vst v3;
	v3 =	vld [tilespmem:s25+$0xA0]  }
0x3b3: {  	[tilespmem:s25+$0x90] =	vst v1;
	v0 =	vadd.f32 v6, v0;
	v5 =	vld [tilespmem:s0+$0x20]  }
0x3b4: {  	v1 =	vld [tilespmem:s1+$0x20]  }
0x3b5: {  	v2 =	vadd.f32 v7, v2;
	[tilespmem:s25+$0x20] =	vst v0;
	v0 =	vld [tilespmem:s25+$0x30]  }
0x3b6: {  	v6 =	vld [tilespmem:s26+$0x30]  }
0x3b7: {  	[tilespmem:s25+$0xFFFFFF20] =	vst v2;
	v2 =	vld [tilespmem:s25+$0xFFFFFF30]  }
0x3b8: {  	v7 =	vld [tilespmem:s28+$0x30];
	v4 =	vadd.f32 v5, v4  }
0x3b9: {  	v1 =	vadd.f32 v1, v3;
	v3 =	vld [tilespmem:s25+$0xB0]  }
0x3ba: {  	v5 =	vld [tilespmem:s25+$0xFFFFFFB0];
	[tilespmem:s25+$0xFFFFFFA0] =	vst v4  }
0x3bb: {  	[tilespmem:s25+$0xA0] =	vst v1;
	v0 =	vadd.f32 v6, v0;
	v4 =	vld [tilespmem:s0+$0x30]  }
0x3bc: {  	v1 =	vld [tilespmem:s1+$0x30]  }
0x3bd: {  	v2 =	vadd.f32 v7, v2;
	[tilespmem:s25+$0x30] =	vst v0;
	v0 =	vld [tilespmem:s25+$0x40]  }
0x3be: {  	v6 =	vld [tilespmem:s26+$0x40]  }
0x3bf: {  	[tilespmem:s25+$0xFFFFFF30] =	vst v2;
	v2 =	vld [tilespmem:s25+$0xFFFFFF40]  }
0x3c0: {  	v7 =	vld [tilespmem:s28+$0x40];
	v4 =	vadd.f32 v4, v5  }
0x3c1: {  	v1 =	vadd.f32 v1, v3;
	v3 =	vld [tilespmem:s25+$0xC0]  }
0x3c2: {  	v5 =	vld [tilespmem:s25+$0xFFFFFFC0];
	[tilespmem:s25+$0xFFFFFFB0] =	vst v4  }
0x3c3: {  	[tilespmem:s25+$0xB0] =	vst v1;
	v0 =	vadd.f32 v6, v0;
	v4 =	vld [tilespmem:s0+$0x40]  }
0x3c4: {  	v1 =	vld [tilespmem:s1+$0x40]  }
0x3c5: {  	v2 =	vadd.f32 v7, v2;
	[tilespmem:s25+$0x40] =	vst v0;
	v0 =	vld [tilespmem:s25+$0x50]  }
0x3c6: {  	v6 =	vld [tilespmem:s26+$0x50]  }
0x3c7: {  	[tilespmem:s25+$0xFFFFFF40] =	vst v2;
	v2 =	vld [tilespmem:s25+$0xFFFFFF50]  }
0x3c8: {  	v7 =	vld [tilespmem:s28+$0x50];
	v4 =	vadd.f32 v4, v5  }
0x3c9: {  	v1 =	vadd.f32 v1, v3;
	v3 =	vld [tilespmem:s25+$0xD0]  }
0x3ca: {  	v5 =	vld [tilespmem:s25+$0xFFFFFFD0];
	[tilespmem:s25+$0xFFFFFFC0] =	vst v4  }
0x3cb: {  	[tilespmem:s25+$0xC0] =	vst v1;
	v0 =	vadd.f32 v6, v0;
	v4 =	vld [tilespmem:s0+$0x50]  }
0x3cc: {  	v1 =	vld [tilespmem:s1+$0x50]  }
0x3cd: {  	v2 =	vadd.f32 v7, v2;
	[tilespmem:s25+$0x50] =	vst v0;
	v0 =	vld [tilespmem:s25+$0x60]  }
0x3ce: {  	v6 =	vld [tilespmem:s26+$0x60]  }
0x3cf: {  	v7 =	vld [tilespmem:s25+$0xFFFFFF60];
	[tilespmem:s25+$0xFFFFFF50] =	vst v2  }
0x3d0: {  	v8 =	vld [tilespmem:s28+$0x60];
	v2 =	vadd.f32 v4, v5  }
0x3d1: {  	v9 =	vld [tilespmem:s25+$0xFFFFFFE0]  }
0x3d2: {  	v1 =	vadd.f32 v1, v3;
	v3 =	vld [tilespmem:s25+$0x70];
	[tilespmem:s25+$0xFFFFFFD0] =	vst v2  }
0x3d3: {  	v0 =	vadd.f32 v6, v0;
	v6 =	vld [tilespmem:s0+$0x60]  }
0x3d4: {  	[tilespmem:s25+$0xD0] =	vst v1;
	v2 =	vld [tilespmem:s25+$0xE0]  }
0x3d5: {  	v5 =	vld [tilespmem:s1+$0x60];
	v1 =	vadd.f32 v8, v7  }
0x3d6: {  	[tilespmem:s25+$0x60] =	vst v0;
	v0 =	vld [tilespmem:s25+$0xFFFFFF70]  }
0x3d7: {  	s29 =	smov.u32 s5;
	[tilespmem:s25+$0xFFFFFF60] =	vst v1;
	v4 =	vld [tilespmem:s26+$0x70]  }
0x3d8: {  	s23 =	simm.s32 $0x11E00;
	s9 =	smov.u32 s13;
	s26 =	simm.s32 $0x0;
	v1 =	vld [tilespmem:s28+$0x70];
	v6 =	vadd.f32 v6, v9  }
.LBB2_15:
0x3d9: {  	s2 =	sadd.s32 s26, s22  }
0x3da: {  	s26 =	sadd.s32 $0x4, s26;
	s9 =	sadd.s32 $0x200, s9;
	s3 =	sadd.s32 $0x3C4, s2  }
0x3db: {  	v7 =	vld [tilespmem:s25+$0xFFFFFFF0];
	v2 =	vadd.f32 v5, v2;
	s4 =	sadd.s32 $0x3C6, s2;
	p0 =	slt.u32 s26, $0x9C;
	s19 =	sadd.s32 $0x3C5, s2  }
0x3dc: {  	[tilespmem:s25+$0xFFFFFFE0] =	vst v6;
	v5 =	vld [tilespmem:s25+$0xF0];
	s28 =	sadd.s32 s9, s20;
	s2 =	sadd.s32 $0x3C7, s2;
	p1 =	sgt.u32 s4, $0xC7  }
0x3dd: {  	v6 =	vld [tilespmem:s0+$0x70];
	v3 =	vadd.f32 v4, v3;
	[tilespmem:s25+$0xE0] =	vst v2;
	s0 =	simm.s32 $0xFFFF9B80;
	s25 =	sadd.s32 $0x200, s25;
	p2 =	sgt.u32 s19, $0xC7  }
0x3de: {  	s0 =	simm.s32 @!p1 $0xFFFFFF80;
	v2 =	vld [tilespmem:s1+$0x70];
	p1 =	sgt.u32 s3, $0xC7;
	s1 =	simm.s32 $0xFFFF9B00  }
0x3df: {  	v4 =	vld [tilespmem:s25+$0x0];
	s3 =	sadd.s32 s0, s28;
	v0 =	vadd.f32 v1, v0;
	[tilespmem:s23+$0x70] =	vst v3;
	s0 =	simm.s32 $0xFFFF9A80;
	s1 =	simm.s32 @!p2 $0xFFFFFF00  }
0x3e0: {  	s0 =	simm.s32 @!p1 $0xFFFFFE80;
	v1 =	vld [tilespmem:s3+$0x0];
	p1 =	sgt.u32 s2, $0xC7;
	s2 =	sadd.s32 $0xFFFF9C00, s28  }
0x3e1: {  	v3 =	vld [tilespmem:s25+$0xFFFFFF00];
	s4 =	sadd.s32 s0, s28;
	[tilespmem:s23+$0xFFFFFF70] =	vst v0;
	s0 =	sadd.s32 s1, s28;
	s1 =	smov.u32 s28  }
0x3e2: {  	v0 =	vld [tilespmem:s4+$0x0];
	s1 =	smov.u32 @p1 s2;
	v6 =	vadd.f32 v6, v7  }
0x3e3: {  	v7 =	vld [tilespmem:s0+$0x0];
	v2 =	vadd.f32 v2, v5  }
0x3e4: {  	v5 =	vld [tilespmem:s1+$0x0];
	[tilespmem:s23+$0xFFFFFFF0] =	vst v6  }
0x3e5: {  	v6 =	vld [tilespmem:s25+$0xFFFFFF80];
	v1 =	vadd.f32 v1, v4;
	[tilespmem:s23+$0xF0] =	vst v2;
	s23 =	smov.u32 s25  }
0x3e6: {  	v2 =	vld [tilespmem:s25+$0x80]  }
0x3e7: {  	v0 =	vadd.f32 v0, v3;
	[tilespmem:s25+$0x0] =	vst v1;
	v1 =	vld [tilespmem:s25+$0x10]  }
0x3e8: {  	v3 =	vld [tilespmem:s3+$0x10]  }
0x3e9: {  	[tilespmem:s25+$0xFFFFFF00] =	vst v0;
	v0 =	vld [tilespmem:s25+$0xFFFFFF10]  }
0x3ea: {  	v4 =	vld [tilespmem:s4+$0x10];
	v6 =	vadd.f32 v7, v6  }
0x3eb: {  	v7 =	vld [tilespmem:s25+$0xFFFFFF90];
	v2 =	vadd.f32 v5, v2  }
0x3ec: {  	[tilespmem:s25+$0xFFFFFF80] =	vst v6;
	v5 =	vld [tilespmem:s25+$0x90]  }
0x3ed: {  	v6 =	vld [tilespmem:s0+$0x10];
	v1 =	vadd.f32 v3, v1;
	[tilespmem:s25+$0x80] =	vst v2  }
0x3ee: {  	v2 =	vld [tilespmem:s1+$0x10]  }
0x3ef: {  	v0 =	vadd.f32 v4, v0;
	[tilespmem:s25+$0x10] =	vst v1;
	v1 =	vld [tilespmem:s25+$0x20]  }
0x3f0: {  	v3 =	vld [tilespmem:s3+$0x20]  }
0x3f1: {  	[tilespmem:s25+$0xFFFFFF10] =	vst v0;
	v0 =	vld [tilespmem:s25+$0xFFFFFF20]  }
0x3f2: {  	v4 =	vld [tilespmem:s4+$0x20];
	v6 =	vadd.f32 v6, v7  }
0x3f3: {  	v7 =	vld [tilespmem:s25+$0xFFFFFFA0];
	v2 =	vadd.f32 v2, v5  }
0x3f4: {  	[tilespmem:s25+$0xFFFFFF90] =	vst v6;
	v5 =	vld [tilespmem:s25+$0xA0]  }
0x3f5: {  	v6 =	vld [tilespmem:s0+$0x20];
	v1 =	vadd.f32 v3, v1;
	[tilespmem:s25+$0x90] =	vst v2  }
0x3f6: {  	v2 =	vld [tilespmem:s1+$0x20]  }
0x3f7: {  	v0 =	vadd.f32 v4, v0;
	[tilespmem:s25+$0x20] =	vst v1;
	v1 =	vld [tilespmem:s25+$0x30]  }
0x3f8: {  	v3 =	vld [tilespmem:s3+$0x30]  }
0x3f9: {  	[tilespmem:s25+$0xFFFFFF20] =	vst v0;
	v0 =	vld [tilespmem:s25+$0xFFFFFF30]  }
0x3fa: {  	v4 =	vld [tilespmem:s4+$0x30];
	v6 =	vadd.f32 v6, v7  }
0x3fb: {  	v7 =	vld [tilespmem:s25+$0xFFFFFFB0];
	v2 =	vadd.f32 v2, v5  }
0x3fc: {  	[tilespmem:s25+$0xFFFFFFA0] =	vst v6;
	v5 =	vld [tilespmem:s25+$0xB0]  }
0x3fd: {  	v6 =	vld [tilespmem:s0+$0x30];
	v1 =	vadd.f32 v3, v1;
	[tilespmem:s25+$0xA0] =	vst v2  }
0x3fe: {  	v2 =	vld [tilespmem:s1+$0x30]  }
0x3ff: {  	v0 =	vadd.f32 v4, v0;
	[tilespmem:s25+$0x30] =	vst v1;
	v1 =	vld [tilespmem:s25+$0x40]  }
0x400: {  	v3 =	vld [tilespmem:s3+$0x40]  }
0x401: {  	[tilespmem:s25+$0xFFFFFF30] =	vst v0;
	v0 =	vld [tilespmem:s25+$0xFFFFFF40]  }
0x402: {  	v4 =	vld [tilespmem:s4+$0x40];
	v6 =	vadd.f32 v6, v7  }
0x403: {  	v7 =	vld [tilespmem:s25+$0xFFFFFFC0];
	v2 =	vadd.f32 v2, v5  }
0x404: {  	[tilespmem:s25+$0xFFFFFFB0] =	vst v6;
	v5 =	vld [tilespmem:s25+$0xC0]  }
0x405: {  	v6 =	vld [tilespmem:s0+$0x40];
	v1 =	vadd.f32 v3, v1;
	[tilespmem:s25+$0xB0] =	vst v2  }
0x406: {  	v2 =	vld [tilespmem:s1+$0x40]  }
0x407: {  	v0 =	vadd.f32 v4, v0;
	[tilespmem:s25+$0x40] =	vst v1;
	v1 =	vld [tilespmem:s25+$0x50]  }
0x408: {  	v3 =	vld [tilespmem:s3+$0x50]  }
0x409: {  	[tilespmem:s25+$0xFFFFFF40] =	vst v0;
	v0 =	vld [tilespmem:s25+$0xFFFFFF50]  }
0x40a: {  	v4 =	vld [tilespmem:s4+$0x50];
	v6 =	vadd.f32 v6, v7  }
0x40b: {  	v7 =	vld [tilespmem:s25+$0xFFFFFFD0];
	v2 =	vadd.f32 v2, v5  }
0x40c: {  	[tilespmem:s25+$0xFFFFFFC0] =	vst v6;
	v5 =	vld [tilespmem:s25+$0xD0]  }
0x40d: {  	v6 =	vld [tilespmem:s0+$0x50];
	v1 =	vadd.f32 v3, v1;
	[tilespmem:s25+$0xC0] =	vst v2  }
0x40e: {  	v2 =	vld [tilespmem:s1+$0x50]  }
0x40f: {  	v0 =	vadd.f32 v4, v0;
	[tilespmem:s25+$0x50] =	vst v1;
	v1 =	vld [tilespmem:s25+$0x60]  }
0x410: {  	v3 =	vld [tilespmem:s3+$0x60]  }
0x411: {  	[tilespmem:s25+$0xFFFFFF50] =	vst v0;
	v0 =	vld [tilespmem:s25+$0xFFFFFF60]  }
0x412: {  	v4 =	vld [tilespmem:s4+$0x60];
	v6 =	vadd.f32 v6, v7  }
0x413: {  	v7 =	vld [tilespmem:s25+$0xFFFFFFE0];
	v5 =	vadd.f32 v2, v5  }
0x414: {  	[tilespmem:s25+$0xFFFFFFD0] =	vst v6;
	v2 =	vld [tilespmem:s25+$0xE0]  }
0x415: {  	v6 =	vld [tilespmem:s0+$0x60];
	v1 =	vadd.f32 v3, v1;
	[tilespmem:s25+$0xD0] =	vst v5  }
.Ltmp6:
0x416: {  	v5 =	vld [tilespmem:s1+$0x60];
	(pc) =	sbr.rel @p0 .LBB2_15-.Ltmp6, $4  }
0x417: {  	v0 =	vadd.f32 v4, v0;
	[tilespmem:s25+$0x60] =	vst v1;
	v3 =	vld [tilespmem:s25+$0x70]  }
0x418: {  	v4 =	vld [tilespmem:s3+$0x70]  }
0x419: {  	[tilespmem:s25+$0xFFFFFF60] =	vst v0;
	v0 =	vld [tilespmem:s25+$0xFFFFFF70]  }
0x41a: {  	v1 =	vld [tilespmem:s4+$0x70];
	v6 =	vadd.f32 v6, v7  }
0x41b: {  	v7 =	vld [tilespmem:s25+$0xFFFFFFF0];
	v2 =	vadd.f32 v5, v2  }
0x41c: {  	v5 =	vld [tilespmem:s25+$0xF0];
	[tilespmem:s25+$0xFFFFFFE0] =	vst v6  }
0x41d: {  	v6 =	vld [tilespmem:s0+$0x70];
	[tilespmem:s25+$0xE0] =	vst v2  }
0x41e: {  	v3 =	vadd.f32 v4, v3;
	v2 =	vld [tilespmem:s1+$0x70]  }
0x41f: {  	v0 =	vadd.f32 v1, v0  }
0x420: {  	[tilespmem:s23+$0x70] =	vst v3  }
0x421: {  	[tilespmem:s23+$0xFFFFFF70] =	vst v0  }
0x422: {  	v1 =	vadd.f32 v6, v7;
	s5 =	rddreg [dreg:$0x4]  }
0x423: {  	v0 =	vadd.f32 v2, v5;
	s0 =	sadd.s32 s5, s17  }
0x424: {  	s26 =	simm.s32 $0x11D00;
	[tilespmem:s23+$0xFFFFFFF0] =	vst v1;
	s0 =	sshll.u32 s0, $0x4  }
0x425: {  	s9 =	simm.s32 $0x6;
	s25 =	simm.s32 $0x0;
	[tilespmem:s23+$0xF0] =	vst v0;
	s0 =	sadd.s32 s30, s0  }
0x426: {  	[hbm4b:s0+s25] =	stream.linear.scatter [tilespmem:s26], [sflag:$0x7], $0x5000, $0x38;
	[tilespmem:$0x1BD00] =	vst v63  }
0x427: {  	s19 =	simm.s32 $0xA0;
	_ =	swait.ge [sflag:s9], $0x5000  }
0x428: {  	s2 =	simm.s32 $0xCD00;
	s20 =	simm.s32 $0x4;
	[sflag:s9] =	ssyncset.done $0x0  }
0x429: {  	s22 =	sadd.s32 $0xFFFFFFFC, s7;
	s17 =	sadd.s32 $0x6720, s24;
	[sflag:s9] =	ssyncadd.s32 $0xFFFFB000  }
0x42a: {  	[tilespmem:s2], [sflag:$0x2] =	stream.indirect.gather [hbm4b:s29+s19], $0x80, s17, s19, $0xb8;
	[tilespmem:$0x1BD00] =	vst v63  }
0x42b: {  	s1 =	sadd.s32 s15, s16;
	s23 =	sadd.s32 $0x466, s22;
	_ =	swait.ge [sflag:s20], $0x5000  }
0x42c: {  	p0 =	sgt.u32 s23, $0xC7;
	s2 =	simm.s32 $0xFFFF9B80;
	[sflag:s20] =	ssyncset.done $0x0  }
0x42d: {  	s17 =	simm.s32 $0x16E00;
	s2 =	simm.s32 @!p0 $0xFFFFFF80;
	[sflag:s20] =	ssyncadd.s32 $0xFFFFB000  }
0x42e: {  	s3 =	sadd.s32 $0x464, s22;
	s24 =	sadd.s32 s2, s1;
	v0 =	vld [tilespmem:s17+$0x0]  }
0x42f: {  	s4 =	sadd.s32 $0x465, s22;
	p0 =	sgt.u32 s3, $0xC7;
	s2 =	simm.s32 $0xFFFF9A80;
	v1 =	vld [tilespmem:s24+$0x0]  }
0x430: {  	s9 =	simm.s32 $0xFFFF9B00;
	s2 =	simm.s32 @!p0 $0xFFFFFE80;
	p0 =	sgt.u32 s4, $0xC7;
	v2 =	vld [tilespmem:s17+$0xFFFFFF00]  }
0x431: {  	s0 =	sadd.s32 $0x467, s22;
	s28 =	sadd.s32 s2, s1;
	s9 =	simm.s32 @!p0 $0xFFFFFF00;
	v6 =	vld [tilespmem:s17+$0x80]  }
0x432: {  	p0 =	sgt.u32 s0, $0xC7;
	s2 =	sadd.s32 $0xFFFF9C00, s1;
	v3 =	vld [tilespmem:s28+$0x0];
	s0 =	sadd.s32 s9, s1  }
0x433: {  	s1 =	smov.u32 @p0 s2;
	v4 =	vld [tilespmem:s0+$0x0]  }
0x434: {  	v5 =	vld [tilespmem:s1+$0x0]  }
0x435: {  	v0 =	vadd.f32 v1, v0;
	v1 =	vld [tilespmem:s17+$0xFFFFFF80];
	_ =	sdelay $0x1  }
0x436: {  	v2 =	vadd.f32 v3, v2;
	[tilespmem:s17+$0x0] =	vst v0;
	v0 =	vld [tilespmem:s17+$0x10]  }
0x437: {  	v3 =	vld [tilespmem:s24+$0x10]  }
0x438: {  	v5 =	vadd.f32 v5, v6;
	[tilespmem:s17+$0xFFFFFF00] =	vst v2;
	v2 =	vld [tilespmem:s17+$0xFFFFFF10]  }
0x439: {  	v7 =	vld [tilespmem:s28+$0x10];
	v1 =	vadd.f32 v4, v1  }
0x43a: {  	[tilespmem:s17+$0x80] =	vst v5;
	v4 =	vld [tilespmem:s17+$0xFFFFFF90]  }
0x43b: {  	v5 =	vld [tilespmem:s1+$0x10];
	[tilespmem:s17+$0xFFFFFF80] =	vst v1  }
0x43c: {  	v0 =	vadd.f32 v3, v0;
	v3 =	vld [tilespmem:s0+$0x10]  }
0x43d: {  	v1 =	vld [tilespmem:s17+$0x90]  }
0x43e: {  	v2 =	vadd.f32 v7, v2;
	[tilespmem:s17+$0x10] =	vst v0;
	v0 =	vld [tilespmem:s17+$0x20]  }
0x43f: {  	v6 =	vld [tilespmem:s24+$0x20]  }
0x440: {  	[tilespmem:s17+$0xFFFFFF10] =	vst v2;
	v2 =	vld [tilespmem:s17+$0xFFFFFF20]  }
0x441: {  	v7 =	vld [tilespmem:s28+$0x20];
	v3 =	vadd.f32 v3, v4  }
0x442: {  	v1 =	vadd.f32 v5, v1;
	v4 =	vld [tilespmem:s17+$0xFFFFFFA0]  }
0x443: {  	[tilespmem:s17+$0xFFFFFF90] =	vst v3;
	v3 =	vld [tilespmem:s17+$0xA0]  }
0x444: {  	[tilespmem:s17+$0x90] =	vst v1;
	v0 =	vadd.f32 v6, v0;
	v5 =	vld [tilespmem:s0+$0x20]  }
0x445: {  	v1 =	vld [tilespmem:s1+$0x20]  }
0x446: {  	v2 =	vadd.f32 v7, v2;
	[tilespmem:s17+$0x20] =	vst v0;
	v0 =	vld [tilespmem:s17+$0x30]  }
0x447: {  	v6 =	vld [tilespmem:s24+$0x30]  }
0x448: {  	[tilespmem:s17+$0xFFFFFF20] =	vst v2;
	v2 =	vld [tilespmem:s17+$0xFFFFFF30]  }
0x449: {  	v7 =	vld [tilespmem:s28+$0x30];
	v4 =	vadd.f32 v5, v4  }
0x44a: {  	v1 =	vadd.f32 v1, v3;
	v3 =	vld [tilespmem:s17+$0xB0]  }
0x44b: {  	v5 =	vld [tilespmem:s17+$0xFFFFFFB0];
	[tilespmem:s17+$0xFFFFFFA0] =	vst v4  }
0x44c: {  	[tilespmem:s17+$0xA0] =	vst v1;
	v0 =	vadd.f32 v6, v0;
	v4 =	vld [tilespmem:s0+$0x30]  }
0x44d: {  	v1 =	vld [tilespmem:s1+$0x30]  }
0x44e: {  	v2 =	vadd.f32 v7, v2;
	[tilespmem:s17+$0x30] =	vst v0;
	v0 =	vld [tilespmem:s17+$0x40]  }
0x44f: {  	v6 =	vld [tilespmem:s24+$0x40]  }
0x450: {  	[tilespmem:s17+$0xFFFFFF30] =	vst v2;
	v2 =	vld [tilespmem:s17+$0xFFFFFF40]  }
0x451: {  	v7 =	vld [tilespmem:s28+$0x40];
	v4 =	vadd.f32 v4, v5  }
0x452: {  	v1 =	vadd.f32 v1, v3;
	v3 =	vld [tilespmem:s17+$0xC0]  }
0x453: {  	v5 =	vld [tilespmem:s17+$0xFFFFFFC0];
	[tilespmem:s17+$0xFFFFFFB0] =	vst v4  }
0x454: {  	[tilespmem:s17+$0xB0] =	vst v1;
	v0 =	vadd.f32 v6, v0;
	v4 =	vld [tilespmem:s0+$0x40]  }
0x455: {  	v1 =	vld [tilespmem:s1+$0x40]  }
0x456: {  	v2 =	vadd.f32 v7, v2;
	[tilespmem:s17+$0x40] =	vst v0;
	v0 =	vld [tilespmem:s17+$0x50]  }
0x457: {  	v6 =	vld [tilespmem:s24+$0x50]  }
0x458: {  	[tilespmem:s17+$0xFFFFFF40] =	vst v2;
	v2 =	vld [tilespmem:s17+$0xFFFFFF50]  }
0x459: {  	v7 =	vld [tilespmem:s28+$0x50];
	v4 =	vadd.f32 v4, v5  }
0x45a: {  	v1 =	vadd.f32 v1, v3;
	v3 =	vld [tilespmem:s17+$0xD0]  }
0x45b: {  	v5 =	vld [tilespmem:s17+$0xFFFFFFD0];
	[tilespmem:s17+$0xFFFFFFC0] =	vst v4  }
0x45c: {  	[tilespmem:s17+$0xC0] =	vst v1;
	v0 =	vadd.f32 v6, v0;
	v4 =	vld [tilespmem:s0+$0x50]  }
0x45d: {  	v1 =	vld [tilespmem:s1+$0x50]  }
0x45e: {  	v2 =	vadd.f32 v7, v2;
	[tilespmem:s17+$0x50] =	vst v0;
	v0 =	vld [tilespmem:s17+$0x60]  }
0x45f: {  	v6 =	vld [tilespmem:s24+$0x60]  }
0x460: {  	v7 =	vld [tilespmem:s17+$0xFFFFFF60];
	[tilespmem:s17+$0xFFFFFF50] =	vst v2  }
0x461: {  	v8 =	vld [tilespmem:s28+$0x60];
	v2 =	vadd.f32 v4, v5  }
0x462: {  	v9 =	vld [tilespmem:s17+$0xFFFFFFE0]  }
0x463: {  	v1 =	vadd.f32 v1, v3;
	v3 =	vld [tilespmem:s17+$0x70];
	[tilespmem:s17+$0xFFFFFFD0] =	vst v2  }
0x464: {  	v0 =	vadd.f32 v6, v0;
	v6 =	vld [tilespmem:s0+$0x60]  }
0x465: {  	[tilespmem:s17+$0xD0] =	vst v1;
	v2 =	vld [tilespmem:s17+$0xE0]  }
0x466: {  	v5 =	vld [tilespmem:s1+$0x60];
	v1 =	vadd.f32 v8, v7  }
0x467: {  	[tilespmem:s17+$0x60] =	vst v0;
	v0 =	vld [tilespmem:s17+$0xFFFFFF70]  }
0x468: {  	v4 =	vld [tilespmem:s24+$0x70];
	[tilespmem:s17+$0xFFFFFF60] =	vst v1  }
0x469: {  	s22 =	simm.s32 $0x0;
	s20 =	simm.s32 $0x16E00;
	s9 =	smov.u32 s15;
	v1 =	vld [tilespmem:s28+$0x70];
	v6 =	vadd.f32 v6, v9  }
.LBB2_17:
0x46a: {  	s2 =	sadd.s32 s22, s7  }
0x46b: {  	s22 =	sadd.s32 $0x4, s22;
	s9 =	sadd.s32 $0x200, s9;
	s3 =	sadd.s32 $0x464, s2  }
0x46c: {  	v7 =	vld [tilespmem:s17+$0xFFFFFFF0];
	v2 =	vadd.f32 v5, v2;
	s4 =	sadd.s32 $0x466, s2;
	p0 =	slt.u32 s22, $0x9C;
	s19 =	sadd.s32 $0x465, s2  }
0x46d: {  	[tilespmem:s17+$0xFFFFFFE0] =	vst v6;
	v5 =	vld [tilespmem:s17+$0xF0];
	s23 =	sadd.s32 s9, s16;
	s2 =	sadd.s32 $0x467, s2;
	p1 =	sgt.u32 s4, $0xC7  }
0x46e: {  	v6 =	vld [tilespmem:s0+$0x70];
	v3 =	vadd.f32 v4, v3;
	[tilespmem:s17+$0xE0] =	vst v2;
	s0 =	simm.s32 $0xFFFF9B80;
	s17 =	sadd.s32 $0x200, s17;
	p2 =	sgt.u32 s19, $0xC7  }
0x46f: {  	s0 =	simm.s32 @!p1 $0xFFFFFF80;
	v2 =	vld [tilespmem:s1+$0x70];
	p1 =	sgt.u32 s3, $0xC7;
	s1 =	simm.s32 $0xFFFF9B00  }
0x470: {  	v4 =	vld [tilespmem:s17+$0x0];
	s3 =	sadd.s32 s0, s23;
	v0 =	vadd.f32 v1, v0;
	[tilespmem:s20+$0x70] =	vst v3;
	s0 =	simm.s32 $0xFFFF9A80;
	s1 =	simm.s32 @!p2 $0xFFFFFF00  }
0x471: {  	s0 =	simm.s32 @!p1 $0xFFFFFE80;
	v1 =	vld [tilespmem:s3+$0x0];
	p1 =	sgt.u32 s2, $0xC7;
	s2 =	sadd.s32 $0xFFFF9C00, s23  }
0x472: {  	v3 =	vld [tilespmem:s17+$0xFFFFFF00];
	s4 =	sadd.s32 s0, s23;
	[tilespmem:s20+$0xFFFFFF70] =	vst v0;
	s0 =	sadd.s32 s1, s23;
	s1 =	smov.u32 s23  }
0x473: {  	v0 =	vld [tilespmem:s4+$0x0];
	s1 =	smov.u32 @p1 s2;
	v6 =	vadd.f32 v6, v7  }
0x474: {  	v7 =	vld [tilespmem:s0+$0x0];
	v2 =	vadd.f32 v2, v5  }
0x475: {  	v5 =	vld [tilespmem:s1+$0x0];
	[tilespmem:s20+$0xFFFFFFF0] =	vst v6  }
0x476: {  	v6 =	vld [tilespmem:s17+$0xFFFFFF80];
	v1 =	vadd.f32 v1, v4;
	[tilespmem:s20+$0xF0] =	vst v2;
	s20 =	smov.u32 s17  }
0x477: {  	v2 =	vld [tilespmem:s17+$0x80]  }
0x478: {  	v0 =	vadd.f32 v0, v3;
	[tilespmem:s17+$0x0] =	vst v1;
	v1 =	vld [tilespmem:s17+$0x10]  }
0x479: {  	v3 =	vld [tilespmem:s3+$0x10]  }
0x47a: {  	[tilespmem:s17+$0xFFFFFF00] =	vst v0;
	v0 =	vld [tilespmem:s17+$0xFFFFFF10]  }
0x47b: {  	v4 =	vld [tilespmem:s4+$0x10];
	v6 =	vadd.f32 v7, v6  }
0x47c: {  	v7 =	vld [tilespmem:s17+$0xFFFFFF90];
	v2 =	vadd.f32 v5, v2  }
0x47d: {  	[tilespmem:s17+$0xFFFFFF80] =	vst v6;
	v5 =	vld [tilespmem:s17+$0x90]  }
0x47e: {  	v6 =	vld [tilespmem:s0+$0x10];
	v1 =	vadd.f32 v3, v1;
	[tilespmem:s17+$0x80] =	vst v2  }
0x47f: {  	v2 =	vld [tilespmem:s1+$0x10]  }
0x480: {  	v0 =	vadd.f32 v4, v0;
	[tilespmem:s17+$0x10] =	vst v1;
	v1 =	vld [tilespmem:s17+$0x20]  }
0x481: {  	v3 =	vld [tilespmem:s3+$0x20]  }
0x482: {  	[tilespmem:s17+$0xFFFFFF10] =	vst v0;
	v0 =	vld [tilespmem:s17+$0xFFFFFF20]  }
0x483: {  	v4 =	vld [tilespmem:s4+$0x20];
	v6 =	vadd.f32 v6, v7  }
0x484: {  	v7 =	vld [tilespmem:s17+$0xFFFFFFA0];
	v2 =	vadd.f32 v2, v5  }
0x485: {  	[tilespmem:s17+$0xFFFFFF90] =	vst v6;
	v5 =	vld [tilespmem:s17+$0xA0]  }
0x486: {  	v6 =	vld [tilespmem:s0+$0x20];
	v1 =	vadd.f32 v3, v1;
	[tilespmem:s17+$0x90] =	vst v2  }
0x487: {  	v2 =	vld [tilespmem:s1+$0x20]  }
0x488: {  	v0 =	vadd.f32 v4, v0;
	[tilespmem:s17+$0x20] =	vst v1;
	v1 =	vld [tilespmem:s17+$0x30]  }
0x489: {  	v3 =	vld [tilespmem:s3+$0x30]  }
0x48a: {  	[tilespmem:s17+$0xFFFFFF20] =	vst v0;
	v0 =	vld [tilespmem:s17+$0xFFFFFF30]  }
0x48b: {  	v4 =	vld [tilespmem:s4+$0x30];
	v6 =	vadd.f32 v6, v7  }
0x48c: {  	v7 =	vld [tilespmem:s17+$0xFFFFFFB0];
	v2 =	vadd.f32 v2, v5  }
0x48d: {  	[tilespmem:s17+$0xFFFFFFA0] =	vst v6;
	v5 =	vld [tilespmem:s17+$0xB0]  }
0x48e: {  	v6 =	vld [tilespmem:s0+$0x30];
	v1 =	vadd.f32 v3, v1;
	[tilespmem:s17+$0xA0] =	vst v2  }
0x48f: {  	v2 =	vld [tilespmem:s1+$0x30]  }
0x490: {  	v0 =	vadd.f32 v4, v0;
	[tilespmem:s17+$0x30] =	vst v1;
	v1 =	vld [tilespmem:s17+$0x40]  }
0x491: {  	v3 =	vld [tilespmem:s3+$0x40]  }
0x492: {  	[tilespmem:s17+$0xFFFFFF30] =	vst v0;
	v0 =	vld [tilespmem:s17+$0xFFFFFF40]  }
0x493: {  	v4 =	vld [tilespmem:s4+$0x40];
	v6 =	vadd.f32 v6, v7  }
0x494: {  	v7 =	vld [tilespmem:s17+$0xFFFFFFC0];
	v2 =	vadd.f32 v2, v5  }
0x495: {  	[tilespmem:s17+$0xFFFFFFB0] =	vst v6;
	v5 =	vld [tilespmem:s17+$0xC0]  }
0x496: {  	v6 =	vld [tilespmem:s0+$0x40];
	v1 =	vadd.f32 v3, v1;
	[tilespmem:s17+$0xB0] =	vst v2  }
0x497: {  	v2 =	vld [tilespmem:s1+$0x40]  }
0x498: {  	v0 =	vadd.f32 v4, v0;
	[tilespmem:s17+$0x40] =	vst v1;
	v1 =	vld [tilespmem:s17+$0x50]  }
0x499: {  	v3 =	vld [tilespmem:s3+$0x50]  }
0x49a: {  	[tilespmem:s17+$0xFFFFFF40] =	vst v0;
	v0 =	vld [tilespmem:s17+$0xFFFFFF50]  }
0x49b: {  	v4 =	vld [tilespmem:s4+$0x50];
	v6 =	vadd.f32 v6, v7  }
0x49c: {  	v7 =	vld [tilespmem:s17+$0xFFFFFFD0];
	v2 =	vadd.f32 v2, v5  }
0x49d: {  	[tilespmem:s17+$0xFFFFFFC0] =	vst v6;
	v5 =	vld [tilespmem:s17+$0xD0]  }
0x49e: {  	v6 =	vld [tilespmem:s0+$0x50];
	v1 =	vadd.f32 v3, v1;
	[tilespmem:s17+$0xC0] =	vst v2  }
0x49f: {  	v2 =	vld [tilespmem:s1+$0x50]  }
0x4a0: {  	v0 =	vadd.f32 v4, v0;
	[tilespmem:s17+$0x50] =	vst v1;
	v1 =	vld [tilespmem:s17+$0x60]  }
0x4a1: {  	v3 =	vld [tilespmem:s3+$0x60]  }
0x4a2: {  	[tilespmem:s17+$0xFFFFFF50] =	vst v0;
	v0 =	vld [tilespmem:s17+$0xFFFFFF60]  }
0x4a3: {  	v4 =	vld [tilespmem:s4+$0x60];
	v6 =	vadd.f32 v6, v7  }
0x4a4: {  	v7 =	vld [tilespmem:s17+$0xFFFFFFE0];
	v5 =	vadd.f32 v2, v5  }
0x4a5: {  	[tilespmem:s17+$0xFFFFFFD0] =	vst v6;
	v2 =	vld [tilespmem:s17+$0xE0]  }
0x4a6: {  	v6 =	vld [tilespmem:s0+$0x60];
	v1 =	vadd.f32 v3, v1;
	[tilespmem:s17+$0xD0] =	vst v5  }
.Ltmp7:
0x4a7: {  	v5 =	vld [tilespmem:s1+$0x60];
	(pc) =	sbr.rel @p0 .LBB2_17-.Ltmp7, $4  }
0x4a8: {  	v0 =	vadd.f32 v4, v0;
	[tilespmem:s17+$0x60] =	vst v1;
	v3 =	vld [tilespmem:s17+$0x70]  }
0x4a9: {  	v4 =	vld [tilespmem:s3+$0x70]  }
0x4aa: {  	[tilespmem:s17+$0xFFFFFF60] =	vst v0;
	v0 =	vld [tilespmem:s17+$0xFFFFFF70]  }
0x4ab: {  	v1 =	vld [tilespmem:s4+$0x70];
	v6 =	vadd.f32 v6, v7  }
0x4ac: {  	v7 =	vld [tilespmem:s17+$0xFFFFFFF0];
	v2 =	vadd.f32 v5, v2  }
0x4ad: {  	v61 =	vld [tilespmem:s17+$0xF0];
	[tilespmem:s17+$0xFFFFFFE0] =	vst v6  }
0x4ae: {  	v6 =	vld [tilespmem:s0+$0x70];
	[tilespmem:s17+$0xE0] =	vst v2  }
0x4af: {  	v3 =	vadd.f32 v4, v3;
	v2 =	vld [tilespmem:s1+$0x70]  }
0x4b0: {  	v0 =	vadd.f32 v1, v0  }
0x4b1: {  	s6 =	sadd.s32 $0x1, s6;
	s18 =	sadd.s32 $0x280, s18;
	[tilespmem:s20+$0x70] =	vst v3  }
0x4b2: {  	s8 =	sadd.s32 $0x280, s8;
	s31 =	sadd.s32 $0x14000, s31;
	p0 =	sne.s32 s6, $0x9;
	[tilespmem:s20+$0xFFFFFF70] =	vst v0  }
.Ltmp8:
0x4b3: {  	s10 =	sadd.s32 $0x280, s10;
	v62 =	vadd.f32 v6, v7;
	s28 =	rddreg [dreg:$0x4];
	(pc) =	sbr.rel @p0 .LBB2_10-.Ltmp8, $4  }
0x4b4: {  	s11 =	sadd.s32 $0x14000, s11;
	s12 =	sadd.s32 $0x280, s12;
	v63 =	vadd.f32 v2, v61;
	s0 =	sadd.s32 s28, s21  }
0x4b5: {  	s13 =	sadd.s32 $0x14000, s13;
	s14 =	sadd.s32 $0x280, s14;
	[tilespmem:s20+$0xFFFFFFF0] =	vst v62;
	s0 =	sshll.u32 s0, $0x4  }
0x4b6: {  	s15 =	sadd.s32 $0x14000, s15;
	[tilespmem:s20+$0xF0] =	vst v63;
	s0 =	sadd.s32 s30, s0;
	s30 =	simm.s32 $0x16D00  }
0x4b7: {  	[hbm4b:s0+s25] =	stream.linear.scatter [tilespmem:s30], [sflag:$0x8], $0x5000, $0x38;
	[tilespmem:$0x1BD00] =	vst v63  }
0x4b8: {  	s0 =	simm.s32 $0x7  }
0x4b9: {  	s28 =	simm.s32 $0xA0;
	s1 =	simm.s32 $0x7BC0;
	_ =	swait.ge [sflag:s0], $0x5000  }
0x4ba: {  	s2 =	simm.s32 $0x1;
	p0 =	por $0x0, $0x0;
	[sflag:s0] =	ssyncset.done $0x0  }
0x4bb: {  	p1 =	por $0x0, $0x0;
	[sflag:s0] =	ssyncadd.s32 $0xFFFFB000;
	s0 =	simm.s32 $0x7FFFDA  }
0x4bc: {  	[tilespmem:s26], [sflag:$0x3] =	stream.indirect.gather [hbm4b:s29+s28], $0x80, s1, s28, $0xb8;
	[tilespmem:$0x1BD00] =	vst v63  }
0x4bd: {  	s6 =	simm.s32 $0x7E00;
	s0 =	simm.s32 @!p0 $0xA2;
	_ =	swait.ge [sflag:s2], $0x5000  }
0x4be: {  	s1 =	simm.s32 $0x7FFFD9;
	s0 =	sadd.s32 $0x0, s0;
	[sflag:s2] =	ssyncset.done $0x0  }
0x4bf: {  	s1 =	simm.s32 @!p1 $0xA1;
	s0 =	sshll.u32 s0, $0x9;
	[sflag:s2] =	ssyncadd.s32 $0xFFFFB000  }
0x4c0: {  	s1 =	sadd.s32 $0x0, s1;
	s3 =	sshra.s32 s0, $0x2;
	v0 =	vld [tilespmem:s6+$0x0]  }
0x4c1: {  	p0 =	por $0x0, $0x0;
	s2 =	simm.s32 $0x7FFFDB;
	s30 =	sshll.u32 s1, $0x9;
	v1 =	vld [tilespmem:s3+$0x0]  }
0x4c2: {  	s2 =	simm.s32 @!p0 $0xA3;
	v2 =	vld [tilespmem:s6+$0xFFFFFF80];
	s7 =	sshra.s32 s30, $0x2  }
0x4c3: {  	s31 =	sadd.s32 $0x0, s2;
	v3 =	vld [tilespmem:s7+$0x0]  }
0x4c4: {  	s0 =	sshll.u32 s31, $0x9  }
0x4c5: {  	v4 =	vld [tilespmem:s6+$0x80];
	s1 =	sshra.s32 s0, $0x2  }
0x4c6: {  	v5 =	vld [tilespmem:s1+$0x0]  }
0x4c7: {  	v0 =	vadd.f32 v1, v0  }
0x4c8: {  	v1 =	vld [tilespmem:s6+$0x10];
	v2 =	vadd.f32 v3, v2  }
0x4c9: {  	v3 =	vld [tilespmem:s6+$0xFFFFFF90];
	[tilespmem:s6+$0x0] =	vst v0  }
0x4ca: {  	v0 =	vld [tilespmem:s3+$0x10];
	[tilespmem:s6+$0xFFFFFF80] =	vst v2  }
0x4cb: {  	v2 =	vadd.f32 v5, v4;
	v4 =	vld [tilespmem:s7+$0x10]  }
0x4cc: {  	v6 =	vld [tilespmem:s6+$0x90]  }
0x4cd: {  	v7 =	vld [tilespmem:s6+$0xFFFFFF10];
	[tilespmem:s6+$0x80] =	vst v2  }
0x4ce: {  	v2 =	vld [tilespmem:s1+$0x10]  }
0x4cf: {  	p0 =	por $0x0, $0x0;
	v8 =	vld [tilespmem:s6+$0xA0];
	s0 =	simm.s32 $0x7FFFD8;
	v0 =	vadd.f32 v0, v1  }
0x4d0: {  	s0 =	simm.s32 @!p0 $0xA0;
	v1 =	vld [tilespmem:s6+$0x20];
	v3 =	vadd.f32 v4, v3  }
0x4d1: {  	s0 =	sadd.s32 $0x0, s0;
	v4 =	vld [tilespmem:s6+$0xFFFFFFA0];
	[tilespmem:s6+$0x10] =	vst v0  }
0x4d2: {  	s0 =	sshll.u32 s0, $0x9;
	v0 =	vld [tilespmem:s3+$0x20];
	[tilespmem:s6+$0xFFFFFF90] =	vst v3  }
0x4d3: {  	s0 =	sshra.s32 s0, $0x2;
	v2 =	vadd.f32 v2, v6;
	v3 =	vld [tilespmem:s7+$0x20]  }
0x4d4: {  	v9 =	vld [tilespmem:s0+$0x0]  }
0x4d5: {  	v5 =	vld [tilespmem:s6+$0xFFFFFF00];
	[tilespmem:s6+$0x90] =	vst v2  }
0x4d6: {  	v2 =	vld [tilespmem:s1+$0x20]  }
0x4d7: {  	v10 =	vld [tilespmem:s6+$0xFFFFFF30];
	v0 =	vadd.f32 v0, v1  }
0x4d8: {  	v1 =	vld [tilespmem:s6+$0x30];
	v3 =	vadd.f32 v3, v4  }
0x4d9: {  	v4 =	vld [tilespmem:s6+$0xB0];
	[tilespmem:s6+$0x20] =	vst v0  }
0x4da: {  	v0 =	vld [tilespmem:s3+$0x30];
	[tilespmem:s6+$0xFFFFFFA0] =	vst v3;
	v3 =	vadd.f32 v9, v5  }
0x4db: {  	v5 =	vld [tilespmem:s6+$0xFFFFFFB0];
	v2 =	vadd.f32 v2, v8  }
0x4dc: {  	v8 =	vld [tilespmem:s7+$0x30];
	[tilespmem:s6+$0xFFFFFF00] =	vst v3  }
0x4dd: {  	[tilespmem:s6+$0xA0] =	vst v2;
	v3 =	vld [tilespmem:s0+$0x10]  }
0x4de: {  	v2 =	vld [tilespmem:s1+$0x30]  }
0x4df: {  	v6 =	vld [tilespmem:s6+$0xFFFFFF20]  }
0x4e0: {  	v9 =	vld [tilespmem:s6+$0xC0];
	v0 =	vadd.f32 v0, v1  }
0x4e1: {  	v1 =	vld [tilespmem:s6+$0x40];
	v5 =	vadd.f32 v8, v5  }
0x4e2: {  	[tilespmem:s6+$0x30] =	vst v0;
	v0 =	vld [tilespmem:s6+$0xFFFFFF40];
	v3 =	vadd.f32 v3, v7  }
0x4e3: {  	v8 =	vld [tilespmem:s3+$0x40];
	[tilespmem:s6+$0xFFFFFFB0] =	vst v5;
	v2 =	vadd.f32 v2, v4  }
0x4e4: {  	v4 =	vld [tilespmem:s7+$0x40];
	[tilespmem:s6+$0xFFFFFF10] =	vst v3  }
0x4e5: {  	v3 =	vld [tilespmem:s6+$0xFFFFFFC0];
	[tilespmem:s6+$0xB0] =	vst v2  }
0x4e6: {  	v2 =	vld [tilespmem:s1+$0x40]  }
0x4e7: {  	v5 =	vld [tilespmem:s0+$0x20]  }
0x4e8: {  	v7 =	vld [tilespmem:s6+$0xD0];
	v1 =	vadd.f32 v8, v1  }
0x4e9: {  	v8 =	vld [tilespmem:s6+$0x50]  }
0x4ea: {  	[tilespmem:s6+$0x40] =	vst v1;
	v1 =	vld [tilespmem:s6+$0xFFFFFF50];
	v3 =	vadd.f32 v4, v3  }
0x4eb: {  	v2 =	vadd.f32 v2, v9;
	v9 =	vld [tilespmem:s3+$0x50]  }
0x4ec: {  	v4 =	vadd.f32 v5, v6;
	v6 =	vld [tilespmem:s6+$0xFFFFFFD0];
	[tilespmem:s6+$0xFFFFFFC0] =	vst v3  }
0x4ed: {  	v3 =	vld [tilespmem:s7+$0x50];
	[tilespmem:s6+$0xC0] =	vst v2  }
0x4ee: {  	v2 =	vld [tilespmem:s1+$0x50]  }
0x4ef: {  	v5 =	vld [tilespmem:s6+$0x70];
	[tilespmem:s6+$0xFFFFFF20] =	vst v4  }
0x4f0: {  	v4 =	vld [tilespmem:s0+$0x30];
	v8 =	vadd.f32 v9, v8  }
0x4f1: {  	v9 =	vld [tilespmem:s6+$0xE0]  }
0x4f2: {  	v3 =	vadd.f32 v3, v6;
	[tilespmem:s6+$0x50] =	vst v8;
	v8 =	vld [tilespmem:s6+$0x60]  }
0x4f3: {  	v2 =	vadd.f32 v2, v7;
	v6 =	vld [tilespmem:s3+$0x60]  }
0x4f4: {  	v7 =	vld [tilespmem:s6+$0xFFFFFFE0];
	[tilespmem:s6+$0xFFFFFFD0] =	vst v3  }
0x4f5: {  	v4 =	vadd.f32 v4, v10;
	v11 =	vld [tilespmem:s7+$0x60];
	[tilespmem:s6+$0xD0] =	vst v2  }
0x4f6: {  	v10 =	vld [tilespmem:s1+$0x60]  }
0x4f7: {  	v3 =	vld [tilespmem:s6+$0xFFFFFF60];
	[tilespmem:s6+$0xFFFFFF30] =	vst v4  }
0x4f8: {  	v4 =	vld [tilespmem:s0+$0x40];
	v8 =	vadd.f32 v6, v8  }
0x4f9: {  	v2 =	vld [tilespmem:s6+$0xFFFFFF70]  }
0x4fa: {  	v6 =	vld [tilespmem:s6+$0xF0];
	[tilespmem:s6+$0x60] =	vst v8  }
0x4fb: {  	s4 =	simm.s32 $0x4;
	s8 =	simm.s32 $0x8000;
	v8 =	vadd.f32 v11, v7;
	v9 =	vadd.f32 v10, v9;
	v7 =	vld [tilespmem:s3+$0x70]  }
.LBB2_20:
0x4fc: {  	p0 =	sgt.u32 s4, $0x27;
	p1 =	sgt.u32 s4, $0x26;
	p2 =	sgt.u32 s4, $0x25  }
0x4fd: {  	v10 =	vld [tilespmem:s6+$0xFFFFFFF0];
	[tilespmem:s6+$0xE0] =	vst v9;
	s2 =	smov.u32 s4;
	s3 =	simm.s32 $0x7FFFD9;
	s10 =	simm.s32 $0x7FFFDA  }
0x4fe: {  	s9 =	sadd.s32 $0x4, s4;
	s3 =	simm.s32 @!p1 $0xA1;
	[tilespmem:s6+$0xFFFFFFE0] =	vst v8;
	v8 =	vld [tilespmem:s1+$0x70];
	s1 =	simm.s32 $0x7FFFD8  }
0x4ff: {  	s10 =	simm.s32 @!p2 $0xA2;
	p1 =	sgt.u32 s2, $0x24;
	s1 =	simm.s32 @!p0 $0xA0  }
0x500: {  	s3 =	sadd.s32 s2, s3;
	v9 =	vld [tilespmem:s8+$0x80];
	p0 =	slt.u32 s4, $0x9C;
	s4 =	sadd.s32 s2, s1  }
0x501: {  	v11 =	vld [tilespmem:s8+$0xFFFFFF00];
	s1 =	sshll.u32 s3, $0x9;
	s3 =	sadd.s32 s2, s10;
	s10 =	simm.s32 $0x7FFFDB  }
0x502: {  	v12 =	vld [tilespmem:s8+$0xFFFFFF80];
	s10 =	simm.s32 @!p1 $0xA3;
	v5 =	vadd.f32 v7, v5  }
0x503: {  	s11 =	sshra.s32 s1, $0x2;
	s1 =	sshll.u32 s3, $0x9;
	v7 =	vld [tilespmem:s8+$0x0];
	s2 =	sadd.s32 s2, s10  }
0x504: {  	s3 =	sshra.s32 s1, $0x2;
	v13 =	vld [tilespmem:s11+$0x0];
	s1 =	sshll.u32 s2, $0x9;
	[tilespmem:s6+$0x70] =	vst v5;
	v5 =	vadd.f32 v8, v6  }
0x505: {  	v6 =	vld [tilespmem:s3+$0x0];
	s1 =	sshra.s32 s1, $0x2  }
0x506: {  	v8 =	vld [tilespmem:s1+$0x0];
	[tilespmem:s6+$0xF0] =	vst v5  }
0x507: {  	v5 =	vld [tilespmem:s8+$0x90]  }
0x508: {  	v14 =	vld [tilespmem:s8+$0xFFFFFF10]  }
0x509: {  	v12 =	vadd.f32 v13, v12;
	v13 =	vld [tilespmem:s8+$0x10]  }
0x50a: {  	v15 =	vld [tilespmem:s8+$0xFFFFFF90];
	v6 =	vadd.f32 v6, v7  }
0x50b: {  	[tilespmem:s8+$0xFFFFFF80] =	vst v12;
	v7 =	vadd.f32 v8, v9;
	v8 =	vld [tilespmem:s7+$0x70];
	s7 =	smov.u32 s11  }
0x50c: {  	v9 =	vld [tilespmem:s7+$0x10];
	[tilespmem:s8+$0x0] =	vst v6  }
0x50d: {  	v6 =	vld [tilespmem:s3+$0x10];
	[tilespmem:s8+$0x80] =	vst v7  }
0x50e: {  	v7 =	vld [tilespmem:s1+$0x10]  }
0x50f: {  	v12 =	vld [tilespmem:s8+$0xA0]  }
0x510: {  	v16 =	vld [tilespmem:s8+$0xFFFFFF20];
	v8 =	vadd.f32 v8, v10  }
0x511: {  	s2 =	sshll.u32 s4, $0x9;
	v9 =	vadd.f32 v9, v15;
	v10 =	vld [tilespmem:s8+$0x20]  }
0x512: {  	s4 =	sshra.s32 s2, $0x2;
	v15 =	vld [tilespmem:s8+$0xFFFFFFA0];
	v6 =	vadd.f32 v6, v13;
	[tilespmem:s6+$0xFFFFFFF0] =	vst v8  }
0x513: {  	v8 =	vld [tilespmem:s4+$0x0];
	[tilespmem:s8+$0xFFFFFF90] =	vst v9;
	v5 =	vadd.f32 v7, v5  }
0x514: {  	v0 =	vadd.f32 v4, v0;
	v7 =	vld [tilespmem:s7+$0x20];
	[tilespmem:s8+$0x10] =	vst v6  }
0x515: {  	v4 =	vld [tilespmem:s3+$0x20];
	[tilespmem:s8+$0x90] =	vst v5  }
0x516: {  	v5 =	vld [tilespmem:s1+$0x20];
	[tilespmem:s6+$0xFFFFFF40] =	vst v0  }
0x517: {  	v0 =	vld [tilespmem:s0+$0x50]  }
0x518: {  	v6 =	vadd.f32 v8, v11;
	v8 =	vld [tilespmem:s8+$0xFFFFFF30]  }
0x519: {  	v7 =	vadd.f32 v7, v15;
	v9 =	vld [tilespmem:s8+$0xB0]  }
0x51a: {  	[tilespmem:s8+$0xFFFFFF00] =	vst v6;
	v4 =	vadd.f32 v4, v10;
	v6 =	vld [tilespmem:s8+$0x30]  }
0x51b: {  	[tilespmem:s8+$0xFFFFFFA0] =	vst v7;
	v7 =	vld [tilespmem:s8+$0xFFFFFFB0];
	v5 =	vadd.f32 v5, v12  }
0x51c: {  	v10 =	vld [tilespmem:s7+$0x30];
	[tilespmem:s8+$0x20] =	vst v4;
	v0 =	vadd.f32 v0, v1  }
0x51d: {  	v1 =	vld [tilespmem:s3+$0x30];
	[tilespmem:s8+$0xA0] =	vst v5  }
0x51e: {  	v4 =	vld [tilespmem:s4+$0x10];
	[tilespmem:s6+$0xFFFFFF50] =	vst v0  }
0x51f: {  	v5 =	vld [tilespmem:s1+$0x30]  }
0x520: {  	v11 =	vld [tilespmem:s0+$0x60]  }
0x521: {  	v7 =	vadd.f32 v10, v7;
	v10 =	vld [tilespmem:s8+$0xC0]  }
0x522: {  	v0 =	vld [tilespmem:s8+$0xFFFFFF40];
	v1 =	vadd.f32 v1, v6  }
0x523: {  	v4 =	vadd.f32 v4, v14;
	[tilespmem:s8+$0xFFFFFFB0] =	vst v7;
	v6 =	vld [tilespmem:s8+$0x40]  }
0x524: {  	v7 =	vld [tilespmem:s7+$0x40];
	[tilespmem:s8+$0x30] =	vst v1;
	v1 =	vadd.f32 v5, v9  }
0x525: {  	[tilespmem:s8+$0xFFFFFF10] =	vst v4;
	v4 =	vld [tilespmem:s3+$0x40];
	v3 =	vadd.f32 v11, v3  }
0x526: {  	v5 =	vld [tilespmem:s4+$0x20];
	[tilespmem:s8+$0xB0] =	vst v1  }
0x527: {  	v9 =	vld [tilespmem:s1+$0x40];
	[tilespmem:s6+$0xFFFFFF60] =	vst v3  }
0x528: {  	v3 =	vld [tilespmem:s8+$0xFFFFFFC0]  }
0x529: {  	v11 =	vld [tilespmem:s0+$0x70];
	s0 =	smov.u32 s4  }
0x52a: {  	v4 =	vadd.f32 v4, v6;
	v6 =	vld [tilespmem:s8+$0xD0]  }
0x52b: {  	v5 =	vadd.f32 v5, v16;
	v1 =	vld [tilespmem:s8+$0xFFFFFF50]  }
0x52c: {  	[tilespmem:s8+$0x40] =	vst v4;
	v4 =	vld [tilespmem:s8+$0x50];
	v9 =	vadd.f32 v9, v10  }
0x52d: {  	v3 =	vadd.f32 v7, v3;
	v7 =	vld [tilespmem:s3+$0x50]  }
0x52e: {  	v10 =	vld [tilespmem:s8+$0xFFFFFFD0];
	[tilespmem:s8+$0xC0] =	vst v9  }
0x52f: {  	v2 =	vadd.f32 v11, v2;
	[tilespmem:s8+$0xFFFFFFC0] =	vst v3;
	v3 =	vld [tilespmem:s1+$0x50]  }
0x530: {  	[tilespmem:s8+$0xFFFFFF20] =	vst v5;
	v9 =	vld [tilespmem:s7+$0x50]  }
0x531: {  	v11 =	vld [tilespmem:s0+$0x30];
	[tilespmem:s6+$0xFFFFFF70] =	vst v2;
	s6 =	smov.u32 s8  }
0x532: {  	v2 =	vadd.f32 v7, v4;
	v5 =	vld [tilespmem:s8+$0x70]  }
0x533: {  	v7 =	vld [tilespmem:s8+$0xE0]  }
0x534: {  	[tilespmem:s8+$0x50] =	vst v2;
	v2 =	vld [tilespmem:s8+$0x60];
	v3 =	vadd.f32 v3, v6  }
0x535: {  	v4 =	vadd.f32 v9, v10;
	v6 =	vld [tilespmem:s3+$0x60]  }
0x536: {  	v8 =	vadd.f32 v11, v8;
	v10 =	vld [tilespmem:s8+$0xFFFFFFE0];
	[tilespmem:s8+$0xD0] =	vst v3  }
0x537: {  	[tilespmem:s8+$0xFFFFFFD0] =	vst v4;
	v9 =	vld [tilespmem:s1+$0x60]  }
0x538: {  	[tilespmem:s8+$0xFFFFFF30] =	vst v8;
	v8 =	vld [tilespmem:s7+$0x60]  }
.Ltmp9:
0x539: {  	v4 =	vld [tilespmem:s0+$0x40];
	(pc) =	sbr.rel @p0 .LBB2_20-.Ltmp9, $4  }
0x53a: {  	v11 =	vadd.f32 v6, v2;
	v6 =	vld [tilespmem:s8+$0xF0]  }
0x53b: {  	v2 =	vld [tilespmem:s8+$0xFFFFFF70]  }
0x53c: {  	v3 =	vld [tilespmem:s8+$0xFFFFFF60];
	[tilespmem:s8+$0x60] =	vst v11;
	v9 =	vadd.f32 v9, v7  }
0x53d: {  	s4 =	smov.u32 s9;
	s8 =	sadd.s32 $0x200, s8;
	v8 =	vadd.f32 v8, v10;
	v7 =	vld [tilespmem:s3+$0x70]  }
0x53e: {  	v0 =	vadd.f32 v4, v0;
	_ =	sdelay $0x1  }
0x53f: {  	[tilespmem:s6+$0xFFFFFF40] =	vst v0  }
0x540: {  	v0 =	vld [tilespmem:s0+$0x50];
	_ =	sdelay $0x4  }
0x541: {  	v0 =	vadd.f32 v0, v1;
	_ =	sdelay $0x1  }
0x542: {  	[tilespmem:s6+$0xFFFFFF50] =	vst v0  }
0x543: {  	v0 =	vld [tilespmem:s0+$0x60];
	_ =	sdelay $0x3  }
0x544: {  	[tilespmem:s6+$0xFFFFFFE0] =	vst v8  }
0x545: {  	v4 =	vld [tilespmem:s7+$0x70];
	v0 =	vadd.f32 v0, v3  }
0x546: {  	[tilespmem:s6+$0xE0] =	vst v9;
	v1 =	vld [tilespmem:s6+$0xFFFFFFF0]  }
0x547: {  	v3 =	vld [tilespmem:s1+$0x70];
	[tilespmem:s6+$0xFFFFFF60] =	vst v0  }
0x548: {  	v0 =	vld [tilespmem:s0+$0x70];
	_ =	sdelay $0x1  }
0x549: {  	v5 =	vadd.f32 v7, v5  }
0x54a: {  	v1 =	vadd.f32 v4, v1  }
0x54b: {  	[tilespmem:s6+$0x70] =	vst v5;
	v3 =	vadd.f32 v3, v6  }
0x54c: {  	[tilespmem:s6+$0xFFFFFFF0] =	vst v1;
	v0 =	vadd.f32 v0, v2  }
0x54d: {  	[tilespmem:s6+$0xF0] =	vst v3  }
0x54e: {  	s19 =	simm.s32 $0x0;
	s2 =	simm.s32 $0x7D00;
	s21 =	simm.s32 $0x8;
	[tilespmem:s6+$0xFFFFFF70] =	vst v0  }
0x54f: {  	s22 =	simm.s32 $0xA0;
	s23 =	simm.s32 $0x16D00;
	s20 =	rddreg [dreg:$0xb]  }
0x550: {  	[hbm4b:s20+s19] =	stream.linear.scatter [tilespmem:s2], [sflag:$0x5], $0x5000, $0x38;
	[tilespmem:$0x1BD00] =	vst v63  }
0x551: {  	s24 =	simm.s32 $0x7C60;
	s28 =	simm.s32 $0x2;
	_ =	swait.ge [sflag:s21], $0x5000  }
0x552: {  	p0 =	por $0x0, $0x0;
	s1 =	simm.s32 $0x7FFFB1;
	[sflag:s21] =	ssyncset.done $0x0  }
0x553: {  	p1 =	por $0x0, $0x0;
	s0 =	simm.s32 $0x7FFFB2;
	[sflag:s21] =	ssyncadd.s32 $0xFFFFB000  }
0x554: {  	[tilespmem:s23], [sflag:$0x4] =	stream.indirect.gather [hbm4b:s29+s22], $0x80, s24, s22, $0xb8;
	[tilespmem:$0x1BD00] =	vst v63  }
0x555: {  	s1 =	simm.s32 @!p1 $0x79;
	s0 =	simm.s32 @!p0 $0x7A;
	_ =	swait.ge [sflag:s28], $0x5000  }
0x556: {  	s1 =	sadd.s32 $0x0, s1;
	s0 =	sadd.s32 $0x0, s0;
	[sflag:s28] =	ssyncset.done $0x0  }
0x557: {  	s0 =	sshll.u32 s0, $0x9;
	s6 =	simm.s32 $0xCE00;
	[sflag:s28] =	ssyncadd.s32 $0xFFFFB000  }
0x558: {  	p0 =	por $0x0, $0x0;
	s3 =	sshra.s32 s0, $0x2;
	s2 =	simm.s32 $0x7FFFB3;
	v0 =	vld [tilespmem:s6+$0x0]  }
0x559: {  	s30 =	sshll.u32 s1, $0x9;
	s2 =	simm.s32 @!p0 $0x7B;
	v1 =	vld [tilespmem:s3+$0x0]  }
0x55a: {  	s7 =	sshra.s32 s30, $0x2;
	s31 =	sadd.s32 $0x0, s2;
	v2 =	vld [tilespmem:s6+$0xFFFFFF80]  }
0x55b: {  	s0 =	sshll.u32 s31, $0x9;
	v3 =	vld [tilespmem:s7+$0x0]  }
0x55c: {  	s1 =	sshra.s32 s0, $0x2;
	v4 =	vld [tilespmem:s6+$0x80]  }
0x55d: {  	v5 =	vld [tilespmem:s1+$0x0];
	_ =	sdelay $0x1  }
0x55e: {  	v0 =	vadd.f32 v1, v0  }
0x55f: {  	v1 =	vld [tilespmem:s6+$0x10];
	v2 =	vadd.f32 v3, v2  }
0x560: {  	v3 =	vld [tilespmem:s6+$0xFFFFFF90];
	[tilespmem:s6+$0x0] =	vst v0  }
0x561: {  	p0 =	por $0x0, $0x0;
	s0 =	simm.s32 $0x7FFFB0;
	[tilespmem:s6+$0xFFFFFF80] =	vst v2;
	v2 =	vadd.f32 v5, v4;
	v0 =	vld [tilespmem:s3+$0x10]  }
0x562: {  	s0 =	simm.s32 @!p0 $0x78;
	v4 =	vld [tilespmem:s7+$0x10]  }
0x563: {  	s0 =	sadd.s32 $0x0, s0;
	v6 =	vld [tilespmem:s6+$0x90];
	[tilespmem:s6+$0x80] =	vst v2  }
0x564: {  	s0 =	sshll.u32 s0, $0x9;
	v2 =	vld [tilespmem:s1+$0x10]  }
0x565: {  	v8 =	vld [tilespmem:s6+$0xA0];
	s0 =	sshra.s32 s0, $0x2  }
0x566: {  	v9 =	vld [tilespmem:s0+$0x0];
	v0 =	vadd.f32 v0, v1  }
0x567: {  	v1 =	vld [tilespmem:s6+$0x20];
	v3 =	vadd.f32 v4, v3  }
0x568: {  	v4 =	vld [tilespmem:s6+$0xFFFFFFA0];
	[tilespmem:s6+$0x10] =	vst v0  }
0x569: {  	[tilespmem:s6+$0xFFFFFF90] =	vst v3;
	v2 =	vadd.f32 v2, v6;
	v0 =	vld [tilespmem:s3+$0x20]  }
0x56a: {  	v3 =	vld [tilespmem:s7+$0x20]  }
0x56b: {  	v5 =	vld [tilespmem:s6+$0xFFFFFF00];
	[tilespmem:s6+$0x90] =	vst v2  }
0x56c: {  	v2 =	vld [tilespmem:s1+$0x20]  }
0x56d: {  	v7 =	vld [tilespmem:s6+$0xFFFFFF10]  }
0x56e: {  	v10 =	vld [tilespmem:s6+$0xFFFFFF30];
	v0 =	vadd.f32 v0, v1  }
0x56f: {  	v1 =	vld [tilespmem:s6+$0x30];
	v3 =	vadd.f32 v3, v4  }
0x570: {  	v4 =	vld [tilespmem:s6+$0xB0];
	[tilespmem:s6+$0x20] =	vst v0  }
0x571: {  	[tilespmem:s6+$0xFFFFFFA0] =	vst v3;
	v2 =	vadd.f32 v2, v8;
	v3 =	vadd.f32 v9, v5;
	v5 =	vld [tilespmem:s6+$0xFFFFFFB0]  }
0x572: {  	v0 =	vld [tilespmem:s3+$0x30]  }
0x573: {  	v8 =	vld [tilespmem:s7+$0x30];
	[tilespmem:s6+$0xA0] =	vst v2  }
0x574: {  	[tilespmem:s6+$0xFFFFFF00] =	vst v3;
	v2 =	vld [tilespmem:s1+$0x30]  }
0x575: {  	v3 =	vld [tilespmem:s0+$0x10]  }
0x576: {  	v6 =	vld [tilespmem:s6+$0xFFFFFF20]  }
0x577: {  	v9 =	vld [tilespmem:s6+$0xC0];
	v0 =	vadd.f32 v0, v1  }
0x578: {  	v1 =	vld [tilespmem:s6+$0x40];
	v5 =	vadd.f32 v8, v5  }
0x579: {  	[tilespmem:s6+$0x30] =	vst v0;
	v2 =	vadd.f32 v2, v4;
	v0 =	vld [tilespmem:s6+$0xFFFFFF40]  }
0x57a: {  	[tilespmem:s6+$0xFFFFFFB0] =	vst v5;
	v3 =	vadd.f32 v3, v7;
	v8 =	vld [tilespmem:s3+$0x40]  }
0x57b: {  	v4 =	vld [tilespmem:s7+$0x40];
	[tilespmem:s6+$0xB0] =	vst v2  }
0x57c: {  	[tilespmem:s6+$0xFFFFFF10] =	vst v3;
	v3 =	vld [tilespmem:s6+$0xFFFFFFC0]  }
0x57d: {  	v2 =	vld [tilespmem:s1+$0x40]  }
0x57e: {  	v5 =	vld [tilespmem:s0+$0x20]  }
0x57f: {  	v7 =	vld [tilespmem:s6+$0xD0];
	v1 =	vadd.f32 v8, v1  }
0x580: {  	v8 =	vld [tilespmem:s6+$0x50]  }
0x581: {  	v3 =	vadd.f32 v4, v3;
	[tilespmem:s6+$0x40] =	vst v1;
	v1 =	vld [tilespmem:s6+$0xFFFFFF50]  }
0x582: {  	v2 =	vadd.f32 v2, v9;
	v9 =	vld [tilespmem:s3+$0x50]  }
0x583: {  	v4 =	vadd.f32 v5, v6;
	v6 =	vld [tilespmem:s6+$0xFFFFFFD0];
	[tilespmem:s6+$0xFFFFFFC0] =	vst v3  }
0x584: {  	[tilespmem:s6+$0xC0] =	vst v2;
	v3 =	vld [tilespmem:s7+$0x50]  }
0x585: {  	v2 =	vld [tilespmem:s1+$0x50]  }
0x586: {  	v5 =	vld [tilespmem:s6+$0x70];
	[tilespmem:s6+$0xFFFFFF20] =	vst v4  }
0x587: {  	v4 =	vld [tilespmem:s0+$0x30];
	v8 =	vadd.f32 v9, v8  }
0x588: {  	v9 =	vld [tilespmem:s6+$0xE0]  }
0x589: {  	v3 =	vadd.f32 v3, v6;
	[tilespmem:s6+$0x50] =	vst v8;
	v8 =	vld [tilespmem:s6+$0x60]  }
0x58a: {  	v2 =	vadd.f32 v2, v7;
	v6 =	vld [tilespmem:s3+$0x60]  }
0x58b: {  	v7 =	vld [tilespmem:s6+$0xFFFFFFE0];
	[tilespmem:s6+$0xFFFFFFD0] =	vst v3  }
0x58c: {  	[tilespmem:s6+$0xD0] =	vst v2;
	v11 =	vld [tilespmem:s7+$0x60]  }
0x58d: {  	v4 =	vadd.f32 v4, v10;
	v10 =	vld [tilespmem:s1+$0x60]  }
0x58e: {  	v3 =	vld [tilespmem:s6+$0xFFFFFF60]  }
0x58f: {  	[tilespmem:s6+$0xFFFFFF30] =	vst v4;
	v2 =	vld [tilespmem:s6+$0xFFFFFF70];
	v8 =	vadd.f32 v6, v8  }
0x590: {  	v4 =	vld [tilespmem:s0+$0x40]  }
0x591: {  	v6 =	vld [tilespmem:s6+$0xF0];
	[tilespmem:s6+$0x60] =	vst v8  }
0x592: {  	s4 =	simm.s32 $0x4;
	s8 =	simm.s32 $0xD000;
	v9 =	vadd.f32 v10, v9;
	v8 =	vadd.f32 v11, v7;
	v7 =	vld [tilespmem:s3+$0x70]  }
.LBB2_22:
0x593: {  	p0 =	sgt.u32 s4, $0x4F;
	p1 =	sgt.u32 s4, $0x4E;
	p2 =	sgt.u32 s4, $0x4D  }
0x594: {  	v10 =	vld [tilespmem:s6+$0xFFFFFFF0];
	[tilespmem:s6+$0xE0] =	vst v9;
	s2 =	smov.u32 s4;
	s3 =	simm.s32 $0x7FFFB1;
	s10 =	simm.s32 $0x7FFFB2  }
0x595: {  	s9 =	sadd.s32 $0x4, s4;
	s3 =	simm.s32 @!p1 $0x79;
	[tilespmem:s6+$0xFFFFFFE0] =	vst v8;
	v8 =	vld [tilespmem:s1+$0x70];
	s1 =	simm.s32 $0x7FFFB0  }
0x596: {  	s10 =	simm.s32 @!p2 $0x7A;
	p1 =	sgt.u32 s2, $0x4C;
	s1 =	simm.s32 @!p0 $0x78  }
0x597: {  	s3 =	sadd.s32 s2, s3;
	v9 =	vld [tilespmem:s8+$0x80];
	p0 =	slt.u32 s4, $0x9C;
	s4 =	sadd.s32 s2, s1  }
0x598: {  	v11 =	vld [tilespmem:s8+$0xFFFFFF00];
	s1 =	sshll.u32 s3, $0x9;
	s3 =	sadd.s32 s2, s10;
	s10 =	simm.s32 $0x7FFFB3  }
0x599: {  	v12 =	vld [tilespmem:s8+$0xFFFFFF80];
	s10 =	simm.s32 @!p1 $0x7B;
	v5 =	vadd.f32 v7, v5  }
0x59a: {  	s11 =	sshra.s32 s1, $0x2;
	s1 =	sshll.u32 s3, $0x9;
	v7 =	vld [tilespmem:s8+$0x0];
	s2 =	sadd.s32 s2, s10  }
0x59b: {  	s3 =	sshra.s32 s1, $0x2;
	v13 =	vld [tilespmem:s11+$0x0];
	s1 =	sshll.u32 s2, $0x9;
	[tilespmem:s6+$0x70] =	vst v5;
	v5 =	vadd.f32 v8, v6  }
0x59c: {  	v6 =	vld [tilespmem:s3+$0x0];
	s1 =	sshra.s32 s1, $0x2  }
0x59d: {  	v8 =	vld [tilespmem:s1+$0x0];
	[tilespmem:s6+$0xF0] =	vst v5  }
0x59e: {  	v5 =	vld [tilespmem:s8+$0x90]  }
0x59f: {  	v14 =	vld [tilespmem:s8+$0xFFFFFF10]  }
0x5a0: {  	v12 =	vadd.f32 v13, v12;
	v13 =	vld [tilespmem:s8+$0x10]  }
0x5a1: {  	v15 =	vld [tilespmem:s8+$0xFFFFFF90];
	v6 =	vadd.f32 v6, v7  }
0x5a2: {  	[tilespmem:s8+$0xFFFFFF80] =	vst v12;
	v7 =	vadd.f32 v8, v9;
	v8 =	vld [tilespmem:s7+$0x70];
	s7 =	smov.u32 s11  }
0x5a3: {  	v9 =	vld [tilespmem:s7+$0x10];
	[tilespmem:s8+$0x0] =	vst v6  }
0x5a4: {  	v6 =	vld [tilespmem:s3+$0x10];
	[tilespmem:s8+$0x80] =	vst v7  }
0x5a5: {  	v7 =	vld [tilespmem:s1+$0x10]  }
0x5a6: {  	v12 =	vld [tilespmem:s8+$0xA0]  }
0x5a7: {  	v16 =	vld [tilespmem:s8+$0xFFFFFF20];
	v8 =	vadd.f32 v8, v10  }
0x5a8: {  	s2 =	sshll.u32 s4, $0x9;
	v9 =	vadd.f32 v9, v15;
	v10 =	vld [tilespmem:s8+$0x20]  }
0x5a9: {  	s4 =	sshra.s32 s2, $0x2;
	v15 =	vld [tilespmem:s8+$0xFFFFFFA0];
	v6 =	vadd.f32 v6, v13;
	[tilespmem:s6+$0xFFFFFFF0] =	vst v8  }
0x5aa: {  	v8 =	vld [tilespmem:s4+$0x0];
	[tilespmem:s8+$0xFFFFFF90] =	vst v9;
	v5 =	vadd.f32 v7, v5  }
0x5ab: {  	v0 =	vadd.f32 v4, v0;
	v7 =	vld [tilespmem:s7+$0x20];
	[tilespmem:s8+$0x10] =	vst v6  }
0x5ac: {  	v4 =	vld [tilespmem:s3+$0x20];
	[tilespmem:s8+$0x90] =	vst v5  }
0x5ad: {  	v5 =	vld [tilespmem:s1+$0x20];
	[tilespmem:s6+$0xFFFFFF40] =	vst v0  }
0x5ae: {  	v0 =	vld [tilespmem:s0+$0x50]  }
0x5af: {  	v6 =	vadd.f32 v8, v11;
	v8 =	vld [tilespmem:s8+$0xFFFFFF30]  }
0x5b0: {  	v7 =	vadd.f32 v7, v15;
	v9 =	vld [tilespmem:s8+$0xB0]  }
0x5b1: {  	[tilespmem:s8+$0xFFFFFF00] =	vst v6;
	v4 =	vadd.f32 v4, v10;
	v6 =	vld [tilespmem:s8+$0x30]  }
0x5b2: {  	[tilespmem:s8+$0xFFFFFFA0] =	vst v7;
	v7 =	vld [tilespmem:s8+$0xFFFFFFB0];
	v5 =	vadd.f32 v5, v12  }
0x5b3: {  	v10 =	vld [tilespmem:s7+$0x30];
	[tilespmem:s8+$0x20] =	vst v4;
	v0 =	vadd.f32 v0, v1  }
0x5b4: {  	v1 =	vld [tilespmem:s3+$0x30];
	[tilespmem:s8+$0xA0] =	vst v5  }
0x5b5: {  	v4 =	vld [tilespmem:s4+$0x10];
	[tilespmem:s6+$0xFFFFFF50] =	vst v0  }
0x5b6: {  	v5 =	vld [tilespmem:s1+$0x30]  }
0x5b7: {  	v11 =	vld [tilespmem:s0+$0x60]  }
0x5b8: {  	v7 =	vadd.f32 v10, v7;
	v10 =	vld [tilespmem:s8+$0xC0]  }
0x5b9: {  	v0 =	vld [tilespmem:s8+$0xFFFFFF40];
	v1 =	vadd.f32 v1, v6  }
0x5ba: {  	v4 =	vadd.f32 v4, v14;
	[tilespmem:s8+$0xFFFFFFB0] =	vst v7;
	v6 =	vld [tilespmem:s8+$0x40]  }
0x5bb: {  	v7 =	vld [tilespmem:s7+$0x40];
	[tilespmem:s8+$0x30] =	vst v1;
	v1 =	vadd.f32 v5, v9  }
0x5bc: {  	[tilespmem:s8+$0xFFFFFF10] =	vst v4;
	v4 =	vld [tilespmem:s3+$0x40];
	v3 =	vadd.f32 v11, v3  }
0x5bd: {  	v5 =	vld [tilespmem:s4+$0x20];
	[tilespmem:s8+$0xB0] =	vst v1  }
0x5be: {  	v9 =	vld [tilespmem:s1+$0x40];
	[tilespmem:s6+$0xFFFFFF60] =	vst v3  }
0x5bf: {  	v3 =	vld [tilespmem:s8+$0xFFFFFFC0]  }
0x5c0: {  	v11 =	vld [tilespmem:s0+$0x70];
	s0 =	smov.u32 s4  }
0x5c1: {  	v4 =	vadd.f32 v4, v6;
	v6 =	vld [tilespmem:s8+$0xD0]  }
0x5c2: {  	v5 =	vadd.f32 v5, v16;
	v1 =	vld [tilespmem:s8+$0xFFFFFF50]  }
0x5c3: {  	[tilespmem:s8+$0x40] =	vst v4;
	v4 =	vld [tilespmem:s8+$0x50];
	v9 =	vadd.f32 v9, v10  }
0x5c4: {  	v3 =	vadd.f32 v7, v3;
	v7 =	vld [tilespmem:s3+$0x50]  }
0x5c5: {  	v10 =	vld [tilespmem:s8+$0xFFFFFFD0];
	[tilespmem:s8+$0xC0] =	vst v9  }
0x5c6: {  	v2 =	vadd.f32 v11, v2;
	[tilespmem:s8+$0xFFFFFFC0] =	vst v3;
	v3 =	vld [tilespmem:s1+$0x50]  }
0x5c7: {  	[tilespmem:s8+$0xFFFFFF20] =	vst v5;
	v9 =	vld [tilespmem:s7+$0x50]  }
0x5c8: {  	v11 =	vld [tilespmem:s0+$0x30];
	[tilespmem:s6+$0xFFFFFF70] =	vst v2;
	s6 =	smov.u32 s8  }
0x5c9: {  	v2 =	vadd.f32 v7, v4;
	v5 =	vld [tilespmem:s8+$0x70]  }
0x5ca: {  	v7 =	vld [tilespmem:s8+$0xE0]  }
0x5cb: {  	[tilespmem:s8+$0x50] =	vst v2;
	v2 =	vld [tilespmem:s8+$0x60];
	v3 =	vadd.f32 v3, v6  }
0x5cc: {  	v4 =	vadd.f32 v9, v10;
	v6 =	vld [tilespmem:s3+$0x60]  }
0x5cd: {  	v8 =	vadd.f32 v11, v8;
	v10 =	vld [tilespmem:s8+$0xFFFFFFE0];
	[tilespmem:s8+$0xD0] =	vst v3  }
0x5ce: {  	[tilespmem:s8+$0xFFFFFFD0] =	vst v4;
	v9 =	vld [tilespmem:s1+$0x60]  }
0x5cf: {  	[tilespmem:s8+$0xFFFFFF30] =	vst v8;
	v8 =	vld [tilespmem:s7+$0x60]  }
.Ltmp10:
0x5d0: {  	v4 =	vld [tilespmem:s0+$0x40];
	(pc) =	sbr.rel @p0 .LBB2_22-.Ltmp10, $4  }
0x5d1: {  	v11 =	vadd.f32 v6, v2;
	v6 =	vld [tilespmem:s8+$0xF0]  }
0x5d2: {  	v2 =	vld [tilespmem:s8+$0xFFFFFF70]  }
0x5d3: {  	v3 =	vld [tilespmem:s8+$0xFFFFFF60];
	[tilespmem:s8+$0x60] =	vst v11;
	v9 =	vadd.f32 v9, v7  }
0x5d4: {  	s4 =	smov.u32 s9;
	s8 =	sadd.s32 $0x200, s8;
	v8 =	vadd.f32 v8, v10;
	v7 =	vld [tilespmem:s3+$0x70]  }
0x5d5: {  	v0 =	vadd.f32 v4, v0;
	_ =	sdelay $0x1  }
0x5d6: {  	[tilespmem:s6+$0xFFFFFF40] =	vst v0  }
0x5d7: {  	v0 =	vld [tilespmem:s0+$0x50];
	_ =	sdelay $0x4  }
0x5d8: {  	v0 =	vadd.f32 v0, v1;
	_ =	sdelay $0x1  }
0x5d9: {  	[tilespmem:s6+$0xFFFFFF50] =	vst v0  }
0x5da: {  	v0 =	vld [tilespmem:s0+$0x60];
	_ =	sdelay $0x3  }
0x5db: {  	[tilespmem:s6+$0xFFFFFFE0] =	vst v8  }
0x5dc: {  	v4 =	vld [tilespmem:s7+$0x70];
	v0 =	vadd.f32 v0, v3  }
0x5dd: {  	[tilespmem:s6+$0xE0] =	vst v9;
	v1 =	vld [tilespmem:s6+$0xFFFFFFF0]  }
0x5de: {  	v3 =	vld [tilespmem:s1+$0x70];
	[tilespmem:s6+$0xFFFFFF60] =	vst v0  }
0x5df: {  	v0 =	vld [tilespmem:s0+$0x70];
	_ =	sdelay $0x1  }
0x5e0: {  	v5 =	vadd.f32 v7, v5  }
0x5e1: {  	v1 =	vadd.f32 v4, v1  }
0x5e2: {  	[tilespmem:s6+$0x70] =	vst v5;
	v3 =	vadd.f32 v3, v6  }
0x5e3: {  	[tilespmem:s6+$0xFFFFFFF0] =	vst v1;
	v0 =	vadd.f32 v0, v2  }
0x5e4: {  	s23 =	simm.s32 $0x0;
	s2 =	simm.s32 $0xCD00;
	[tilespmem:s6+$0xF0] =	vst v3  }
0x5e5: {  	s28 =	simm.s32 $0x3;
	p0 =	por $0x0, $0x0;
	p1 =	por $0x0, $0x0;
	[tilespmem:s6+$0xFFFFFF70] =	vst v0  }
0x5e6: {  	s1 =	simm.s32 $0x7FFF89;
	s0 =	simm.s32 $0x7FFF8A;
	s24 =	rddreg [dreg:$0xc]  }
0x5e7: {  	[hbm4b:s24+s23] =	stream.linear.scatter [tilespmem:s2], [sflag:$0x6], $0x5000, $0x38;
	[tilespmem:$0x1BD00] =	vst v63  }
0x5e8: {  	s1 =	simm.s32 @!p1 $0x51;
	s0 =	simm.s32 @!p0 $0x52;
	_ =	swait.ge [sflag:s28], $0x5000  }
0x5e9: {  	s1 =	sadd.s32 $0x0, s1;
	s0 =	sadd.s32 $0x0, s0;
	[sflag:s28] =	ssyncset.done $0x0  }
0x5ea: {  	s0 =	sshll.u32 s0, $0x9;
	s6 =	simm.s32 $0x11E00;
	[sflag:s28] =	ssyncadd.s32 $0xFFFFB000  }
0x5eb: {  	p0 =	por $0x0, $0x0;
	s3 =	sshra.s32 s0, $0x2;
	s2 =	simm.s32 $0x7FFF8B;
	v0 =	vld [tilespmem:s6+$0x0]  }
0x5ec: {  	s30 =	sshll.u32 s1, $0x9;
	s2 =	simm.s32 @!p0 $0x53;
	v1 =	vld [tilespmem:s3+$0x0]  }
0x5ed: {  	s7 =	sshra.s32 s30, $0x2;
	s31 =	sadd.s32 $0x0, s2;
	v2 =	vld [tilespmem:s6+$0xFFFFFF80]  }
0x5ee: {  	s0 =	sshll.u32 s31, $0x9;
	v3 =	vld [tilespmem:s7+$0x0]  }
0x5ef: {  	v4 =	vld [tilespmem:s6+$0x80];
	s1 =	sshra.s32 s0, $0x2  }
0x5f0: {  	v5 =	vld [tilespmem:s1+$0x0];
	_ =	sdelay $0x1  }
0x5f1: {  	v0 =	vadd.f32 v1, v0  }
0x5f2: {  	v1 =	vld [tilespmem:s6+$0x10];
	v2 =	vadd.f32 v3, v2  }
0x5f3: {  	v3 =	vld [tilespmem:s6+$0xFFFFFF90];
	[tilespmem:s6+$0x0] =	vst v0  }
0x5f4: {  	p0 =	por $0x0, $0x0;
	s0 =	simm.s32 $0x7FFF88;
	[tilespmem:s6+$0xFFFFFF80] =	vst v2;
	v2 =	vadd.f32 v5, v4;
	v0 =	vld [tilespmem:s3+$0x10]  }
0x5f5: {  	s0 =	simm.s32 @!p0 $0x50;
	v4 =	vld [tilespmem:s7+$0x10]  }
0x5f6: {  	v6 =	vld [tilespmem:s6+$0x90];
	s0 =	sadd.s32 $0x0, s0;
	[tilespmem:s6+$0x80] =	vst v2  }
0x5f7: {  	s0 =	sshll.u32 s0, $0x9;
	v2 =	vld [tilespmem:s1+$0x10]  }
0x5f8: {  	v8 =	vld [tilespmem:s6+$0xA0];
	s0 =	sshra.s32 s0, $0x2  }
0x5f9: {  	v9 =	vld [tilespmem:s0+$0x0];
	v0 =	vadd.f32 v0, v1  }
0x5fa: {  	v1 =	vld [tilespmem:s6+$0x20];
	v3 =	vadd.f32 v4, v3  }
0x5fb: {  	v4 =	vld [tilespmem:s6+$0xFFFFFFA0];
	[tilespmem:s6+$0x10] =	vst v0  }
0x5fc: {  	[tilespmem:s6+$0xFFFFFF90] =	vst v3;
	v2 =	vadd.f32 v2, v6;
	v0 =	vld [tilespmem:s3+$0x20]  }
0x5fd: {  	v3 =	vld [tilespmem:s7+$0x20]  }
0x5fe: {  	v5 =	vld [tilespmem:s6+$0xFFFFFF00];
	[tilespmem:s6+$0x90] =	vst v2  }
0x5ff: {  	v2 =	vld [tilespmem:s1+$0x20]  }
0x600: {  	v7 =	vld [tilespmem:s6+$0xFFFFFF10]  }
0x601: {  	v10 =	vld [tilespmem:s6+$0xFFFFFF30];
	v0 =	vadd.f32 v0, v1  }
0x602: {  	v1 =	vld [tilespmem:s6+$0x30];
	v3 =	vadd.f32 v3, v4  }
0x603: {  	v4 =	vld [tilespmem:s6+$0xB0];
	[tilespmem:s6+$0x20] =	vst v0  }
0x604: {  	[tilespmem:s6+$0xFFFFFFA0] =	vst v3;
	v2 =	vadd.f32 v2, v8;
	v3 =	vadd.f32 v9, v5;
	v5 =	vld [tilespmem:s6+$0xFFFFFFB0]  }
0x605: {  	v0 =	vld [tilespmem:s3+$0x30]  }
0x606: {  	v8 =	vld [tilespmem:s7+$0x30];
	[tilespmem:s6+$0xA0] =	vst v2  }
0x607: {  	[tilespmem:s6+$0xFFFFFF00] =	vst v3;
	v2 =	vld [tilespmem:s1+$0x30]  }
0x608: {  	v3 =	vld [tilespmem:s0+$0x10]  }
0x609: {  	v6 =	vld [tilespmem:s6+$0xFFFFFF20]  }
0x60a: {  	v9 =	vld [tilespmem:s6+$0xC0];
	v0 =	vadd.f32 v0, v1  }
0x60b: {  	v1 =	vld [tilespmem:s6+$0x40];
	v5 =	vadd.f32 v8, v5  }
0x60c: {  	[tilespmem:s6+$0x30] =	vst v0;
	v2 =	vadd.f32 v2, v4;
	v0 =	vld [tilespmem:s6+$0xFFFFFF40]  }
0x60d: {  	[tilespmem:s6+$0xFFFFFFB0] =	vst v5;
	v3 =	vadd.f32 v3, v7;
	v8 =	vld [tilespmem:s3+$0x40]  }
0x60e: {  	v4 =	vld [tilespmem:s7+$0x40];
	[tilespmem:s6+$0xB0] =	vst v2  }
0x60f: {  	[tilespmem:s6+$0xFFFFFF10] =	vst v3;
	v3 =	vld [tilespmem:s6+$0xFFFFFFC0]  }
0x610: {  	v2 =	vld [tilespmem:s1+$0x40]  }
0x611: {  	v5 =	vld [tilespmem:s0+$0x20]  }
0x612: {  	v7 =	vld [tilespmem:s6+$0xD0];
	v1 =	vadd.f32 v8, v1  }
0x613: {  	v8 =	vld [tilespmem:s6+$0x50]  }
0x614: {  	v3 =	vadd.f32 v4, v3;
	[tilespmem:s6+$0x40] =	vst v1;
	v1 =	vld [tilespmem:s6+$0xFFFFFF50]  }
0x615: {  	v2 =	vadd.f32 v2, v9;
	v9 =	vld [tilespmem:s3+$0x50]  }
0x616: {  	v4 =	vadd.f32 v5, v6;
	v6 =	vld [tilespmem:s6+$0xFFFFFFD0];
	[tilespmem:s6+$0xFFFFFFC0] =	vst v3  }
0x617: {  	[tilespmem:s6+$0xC0] =	vst v2;
	v3 =	vld [tilespmem:s7+$0x50]  }
0x618: {  	v2 =	vld [tilespmem:s1+$0x50]  }
0x619: {  	v5 =	vld [tilespmem:s6+$0x70];
	[tilespmem:s6+$0xFFFFFF20] =	vst v4  }
0x61a: {  	v4 =	vld [tilespmem:s0+$0x30];
	v8 =	vadd.f32 v9, v8  }
0x61b: {  	v9 =	vld [tilespmem:s6+$0xE0]  }
0x61c: {  	v3 =	vadd.f32 v3, v6;
	[tilespmem:s6+$0x50] =	vst v8;
	v8 =	vld [tilespmem:s6+$0x60]  }
0x61d: {  	v2 =	vadd.f32 v2, v7;
	v6 =	vld [tilespmem:s3+$0x60]  }
0x61e: {  	v7 =	vld [tilespmem:s6+$0xFFFFFFE0];
	[tilespmem:s6+$0xFFFFFFD0] =	vst v3  }
0x61f: {  	[tilespmem:s6+$0xD0] =	vst v2;
	v11 =	vld [tilespmem:s7+$0x60]  }
0x620: {  	v4 =	vadd.f32 v4, v10;
	v10 =	vld [tilespmem:s1+$0x60]  }
0x621: {  	v3 =	vld [tilespmem:s6+$0xFFFFFF60]  }
0x622: {  	[tilespmem:s6+$0xFFFFFF30] =	vst v4;
	v2 =	vld [tilespmem:s6+$0xFFFFFF70];
	v8 =	vadd.f32 v6, v8  }
0x623: {  	v4 =	vld [tilespmem:s0+$0x40]  }
0x624: {  	v6 =	vld [tilespmem:s6+$0xF0];
	[tilespmem:s6+$0x60] =	vst v8  }
0x625: {  	s4 =	simm.s32 $0x4;
	s8 =	simm.s32 $0x12000;
	v9 =	vadd.f32 v10, v9;
	v8 =	vadd.f32 v11, v7;
	v7 =	vld [tilespmem:s3+$0x70]  }
.LBB2_24:
0x626: {  	p0 =	sgt.u32 s4, $0x77;
	p1 =	sgt.u32 s4, $0x76;
	p2 =	sgt.u32 s4, $0x75  }
0x627: {  	v10 =	vld [tilespmem:s6+$0xFFFFFFF0];
	[tilespmem:s6+$0xE0] =	vst v9;
	s2 =	smov.u32 s4;
	s3 =	simm.s32 $0x7FFF89;
	s10 =	simm.s32 $0x7FFF8A  }
0x628: {  	s9 =	sadd.s32 $0x4, s4;
	s3 =	simm.s32 @!p1 $0x51;
	[tilespmem:s6+$0xFFFFFFE0] =	vst v8;
	v8 =	vld [tilespmem:s1+$0x70];
	s1 =	simm.s32 $0x7FFF88  }
0x629: {  	s10 =	simm.s32 @!p2 $0x52;
	p1 =	sgt.u32 s2, $0x74;
	s1 =	simm.s32 @!p0 $0x50  }
0x62a: {  	s3 =	sadd.s32 s2, s3;
	v9 =	vld [tilespmem:s8+$0x80];
	p0 =	slt.u32 s4, $0x9C;
	s4 =	sadd.s32 s2, s1  }
0x62b: {  	v11 =	vld [tilespmem:s8+$0xFFFFFF00];
	s1 =	sshll.u32 s3, $0x9;
	s3 =	sadd.s32 s2, s10;
	s10 =	simm.s32 $0x7FFF8B  }
0x62c: {  	v12 =	vld [tilespmem:s8+$0xFFFFFF80];
	s10 =	simm.s32 @!p1 $0x53;
	v5 =	vadd.f32 v7, v5  }
0x62d: {  	s11 =	sshra.s32 s1, $0x2;
	s1 =	sshll.u32 s3, $0x9;
	v7 =	vld [tilespmem:s8+$0x0];
	s2 =	sadd.s32 s2, s10  }
0x62e: {  	s3 =	sshra.s32 s1, $0x2;
	v13 =	vld [tilespmem:s11+$0x0];
	s1 =	sshll.u32 s2, $0x9;
	[tilespmem:s6+$0x70] =	vst v5;
	v5 =	vadd.f32 v8, v6  }
0x62f: {  	v6 =	vld [tilespmem:s3+$0x0];
	s1 =	sshra.s32 s1, $0x2  }
0x630: {  	v8 =	vld [tilespmem:s1+$0x0];
	[tilespmem:s6+$0xF0] =	vst v5  }
0x631: {  	v5 =	vld [tilespmem:s8+$0x90]  }
0x632: {  	v14 =	vld [tilespmem:s8+$0xFFFFFF10]  }
0x633: {  	v12 =	vadd.f32 v13, v12;
	v13 =	vld [tilespmem:s8+$0x10]  }
0x634: {  	v15 =	vld [tilespmem:s8+$0xFFFFFF90];
	v6 =	vadd.f32 v6, v7  }
0x635: {  	[tilespmem:s8+$0xFFFFFF80] =	vst v12;
	v7 =	vadd.f32 v8, v9;
	v8 =	vld [tilespmem:s7+$0x70];
	s7 =	smov.u32 s11  }
0x636: {  	v9 =	vld [tilespmem:s7+$0x10];
	[tilespmem:s8+$0x0] =	vst v6  }
0x637: {  	v6 =	vld [tilespmem:s3+$0x10];
	[tilespmem:s8+$0x80] =	vst v7  }
0x638: {  	v7 =	vld [tilespmem:s1+$0x10]  }
0x639: {  	v12 =	vld [tilespmem:s8+$0xA0]  }
0x63a: {  	v16 =	vld [tilespmem:s8+$0xFFFFFF20];
	v8 =	vadd.f32 v8, v10  }
0x63b: {  	s2 =	sshll.u32 s4, $0x9;
	v9 =	vadd.f32 v9, v15;
	v10 =	vld [tilespmem:s8+$0x20]  }
0x63c: {  	s4 =	sshra.s32 s2, $0x2;
	v15 =	vld [tilespmem:s8+$0xFFFFFFA0];
	v6 =	vadd.f32 v6, v13;
	[tilespmem:s6+$0xFFFFFFF0] =	vst v8  }
0x63d: {  	v8 =	vld [tilespmem:s4+$0x0];
	[tilespmem:s8+$0xFFFFFF90] =	vst v9;
	v5 =	vadd.f32 v7, v5  }
0x63e: {  	v0 =	vadd.f32 v4, v0;
	v7 =	vld [tilespmem:s7+$0x20];
	[tilespmem:s8+$0x10] =	vst v6  }
0x63f: {  	v4 =	vld [tilespmem:s3+$0x20];
	[tilespmem:s8+$0x90] =	vst v5  }
0x640: {  	v5 =	vld [tilespmem:s1+$0x20];
	[tilespmem:s6+$0xFFFFFF40] =	vst v0  }
0x641: {  	v0 =	vld [tilespmem:s0+$0x50]  }
0x642: {  	v6 =	vadd.f32 v8, v11;
	v8 =	vld [tilespmem:s8+$0xFFFFFF30]  }
0x643: {  	v7 =	vadd.f32 v7, v15;
	v9 =	vld [tilespmem:s8+$0xB0]  }
0x644: {  	[tilespmem:s8+$0xFFFFFF00] =	vst v6;
	v4 =	vadd.f32 v4, v10;
	v6 =	vld [tilespmem:s8+$0x30]  }
0x645: {  	[tilespmem:s8+$0xFFFFFFA0] =	vst v7;
	v7 =	vld [tilespmem:s8+$0xFFFFFFB0];
	v5 =	vadd.f32 v5, v12  }
0x646: {  	v10 =	vld [tilespmem:s7+$0x30];
	[tilespmem:s8+$0x20] =	vst v4;
	v0 =	vadd.f32 v0, v1  }
0x647: {  	v1 =	vld [tilespmem:s3+$0x30];
	[tilespmem:s8+$0xA0] =	vst v5  }
0x648: {  	v4 =	vld [tilespmem:s4+$0x10];
	[tilespmem:s6+$0xFFFFFF50] =	vst v0  }
0x649: {  	v5 =	vld [tilespmem:s1+$0x30]  }
0x64a: {  	v11 =	vld [tilespmem:s0+$0x60]  }
0x64b: {  	v7 =	vadd.f32 v10, v7;
	v10 =	vld [tilespmem:s8+$0xC0]  }
0x64c: {  	v0 =	vld [tilespmem:s8+$0xFFFFFF40];
	v1 =	vadd.f32 v1, v6  }
0x64d: {  	v4 =	vadd.f32 v4, v14;
	[tilespmem:s8+$0xFFFFFFB0] =	vst v7;
	v6 =	vld [tilespmem:s8+$0x40]  }
0x64e: {  	v7 =	vld [tilespmem:s7+$0x40];
	[tilespmem:s8+$0x30] =	vst v1;
	v1 =	vadd.f32 v5, v9  }
0x64f: {  	[tilespmem:s8+$0xFFFFFF10] =	vst v4;
	v4 =	vld [tilespmem:s3+$0x40];
	v3 =	vadd.f32 v11, v3  }
0x650: {  	v5 =	vld [tilespmem:s4+$0x20];
	[tilespmem:s8+$0xB0] =	vst v1  }
0x651: {  	v9 =	vld [tilespmem:s1+$0x40];
	[tilespmem:s6+$0xFFFFFF60] =	vst v3  }
0x652: {  	v3 =	vld [tilespmem:s8+$0xFFFFFFC0]  }
0x653: {  	v11 =	vld [tilespmem:s0+$0x70];
	s0 =	smov.u32 s4  }
0x654: {  	v4 =	vadd.f32 v4, v6;
	v6 =	vld [tilespmem:s8+$0xD0]  }
0x655: {  	v5 =	vadd.f32 v5, v16;
	v1 =	vld [tilespmem:s8+$0xFFFFFF50]  }
0x656: {  	[tilespmem:s8+$0x40] =	vst v4;
	v4 =	vld [tilespmem:s8+$0x50];
	v9 =	vadd.f32 v9, v10  }
0x657: {  	v3 =	vadd.f32 v7, v3;
	v7 =	vld [tilespmem:s3+$0x50]  }
0x658: {  	v10 =	vld [tilespmem:s8+$0xFFFFFFD0];
	[tilespmem:s8+$0xC0] =	vst v9  }
0x659: {  	v2 =	vadd.f32 v11, v2;
	[tilespmem:s8+$0xFFFFFFC0] =	vst v3;
	v3 =	vld [tilespmem:s1+$0x50]  }
0x65a: {  	[tilespmem:s8+$0xFFFFFF20] =	vst v5;
	v9 =	vld [tilespmem:s7+$0x50]  }
0x65b: {  	v11 =	vld [tilespmem:s0+$0x30];
	[tilespmem:s6+$0xFFFFFF70] =	vst v2;
	s6 =	smov.u32 s8  }
0x65c: {  	v2 =	vadd.f32 v7, v4;
	v5 =	vld [tilespmem:s8+$0x70]  }
0x65d: {  	v7 =	vld [tilespmem:s8+$0xE0]  }
0x65e: {  	[tilespmem:s8+$0x50] =	vst v2;
	v2 =	vld [tilespmem:s8+$0x60];
	v3 =	vadd.f32 v3, v6  }
0x65f: {  	v4 =	vadd.f32 v9, v10;
	v6 =	vld [tilespmem:s3+$0x60]  }
0x660: {  	v8 =	vadd.f32 v11, v8;
	v10 =	vld [tilespmem:s8+$0xFFFFFFE0];
	[tilespmem:s8+$0xD0] =	vst v3  }
0x661: {  	[tilespmem:s8+$0xFFFFFFD0] =	vst v4;
	v9 =	vld [tilespmem:s1+$0x60]  }
0x662: {  	[tilespmem:s8+$0xFFFFFF30] =	vst v8;
	v8 =	vld [tilespmem:s7+$0x60]  }
.Ltmp11:
0x663: {  	v4 =	vld [tilespmem:s0+$0x40];
	(pc) =	sbr.rel @p0 .LBB2_24-.Ltmp11, $4  }
0x664: {  	v11 =	vadd.f32 v6, v2;
	v6 =	vld [tilespmem:s8+$0xF0]  }
0x665: {  	v2 =	vld [tilespmem:s8+$0xFFFFFF70]  }
0x666: {  	v3 =	vld [tilespmem:s8+$0xFFFFFF60];
	[tilespmem:s8+$0x60] =	vst v11;
	v9 =	vadd.f32 v9, v7  }
0x667: {  	s4 =	smov.u32 s9;
	s8 =	sadd.s32 $0x200, s8;
	v8 =	vadd.f32 v8, v10;
	v7 =	vld [tilespmem:s3+$0x70]  }
0x668: {  	v0 =	vadd.f32 v4, v0;
	_ =	sdelay $0x1  }
0x669: {  	[tilespmem:s6+$0xFFFFFF40] =	vst v0  }
0x66a: {  	v0 =	vld [tilespmem:s0+$0x50];
	_ =	sdelay $0x4  }
0x66b: {  	v0 =	vadd.f32 v0, v1;
	_ =	sdelay $0x1  }
0x66c: {  	[tilespmem:s6+$0xFFFFFF50] =	vst v0  }
0x66d: {  	v0 =	vld [tilespmem:s0+$0x60];
	_ =	sdelay $0x3  }
0x66e: {  	[tilespmem:s6+$0xFFFFFFE0] =	vst v8  }
0x66f: {  	v4 =	vld [tilespmem:s7+$0x70];
	v0 =	vadd.f32 v0, v3  }
0x670: {  	[tilespmem:s6+$0xE0] =	vst v9;
	v1 =	vld [tilespmem:s6+$0xFFFFFFF0]  }
0x671: {  	v3 =	vld [tilespmem:s1+$0x70];
	[tilespmem:s6+$0xFFFFFF60] =	vst v0  }
0x672: {  	v0 =	vld [tilespmem:s0+$0x70];
	_ =	sdelay $0x1  }
0x673: {  	v5 =	vadd.f32 v7, v5  }
0x674: {  	v1 =	vadd.f32 v4, v1  }
0x675: {  	[tilespmem:s6+$0x70] =	vst v5;
	v3 =	vadd.f32 v3, v6  }
0x676: {  	[tilespmem:s6+$0xFFFFFFF0] =	vst v1;
	v0 =	vadd.f32 v0, v2  }
0x677: {  	[tilespmem:s6+$0xF0] =	vst v3  }
0x678: {  	[tilespmem:s6+$0xFFFFFF70] =	vst v0  }
0x679: {  	s31 =	simm.s32 $0x4;
	s30 =	rddreg [dreg:$0xd]  }
0x67a: {  	[hbm4b:s30+s25] =	stream.linear.scatter [tilespmem:s26], [sflag:$0x7], $0x5000, $0x38;
	[tilespmem:$0x1BD00] =	vst v63  }
0x67b: {  	_ =	swait.ge [sflag:s31], $0x5000  }
0x67c: {  	[sflag:s31] =	ssyncset.done $0x0  }
0x67d: {  	s1 =	simm.s32 $0x16E00;
	[sflag:s31] =	ssyncadd.s32 $0xFFFFB000  }
0x67e: {  	s0 =	simm.s32 $0x15F0;
	v0 =	vld [tilespmem:s1+$0x80]  }
0x67f: {  	v1 =	vld [tilespmem:s0+$0xFFFFFF90]  }
0x680: {  	v2 =	vld [tilespmem:s1+$0xFFFFFF80]  }
0x681: {  	v3 =	vld [tilespmem:s0+$0xFFFFFE90]  }
0x682: {  	v4 =	vld [tilespmem:s1+$0x0]  }
0x683: {  	v5 =	vld [tilespmem:s0+$0xFFFFFF10]  }
0x684: {  	v6 =	vld [tilespmem:s1+$0xFFFFFF00];
	v0 =	vadd.f32 v1, v0  }
0x685: {  	v1 =	vld [tilespmem:s0+$0xFFFFFE10]  }
0x686: {  	[tilespmem:s1+$0x80] =	vst v0;
	v0 =	vld [tilespmem:s1+$0x90]  }
0x687: {  	v2 =	vadd.f32 v3, v2;
	v3 =	vld [tilespmem:s0+$0xFFFFFFA0]  }
0x688: {  	v7 =	vld [tilespmem:s1+$0xFFFFFF10]  }
0x689: {  	[tilespmem:s1+$0xFFFFFF80] =	vst v2;
	v2 =	vadd.f32 v5, v4;
	v4 =	vld [tilespmem:s1+$0xFFFFFF90]  }
0x68a: {  	v5 =	vld [tilespmem:s0+$0xFFFFFEA0];
	v1 =	vadd.f32 v1, v6  }
0x68b: {  	[tilespmem:s1+$0x0] =	vst v2;
	v2 =	vld [tilespmem:s1+$0x10]  }
0x68c: {  	v6 =	vld [tilespmem:s0+$0xFFFFFF20];
	[tilespmem:s1+$0xFFFFFF00] =	vst v1;
	v0 =	vadd.f32 v3, v0  }
0x68d: {  	v1 =	vld [tilespmem:s0+$0xFFFFFE20]  }
0x68e: {  	[tilespmem:s1+$0x90] =	vst v0;
	v0 =	vld [tilespmem:s1+$0xA0]  }
0x68f: {  	v3 =	vadd.f32 v5, v4;
	v4 =	vld [tilespmem:s0+$0xFFFFFFB0]  }
0x690: {  	v5 =	vld [tilespmem:s1+$0xFFFFFF20]  }
0x691: {  	[tilespmem:s1+$0xFFFFFF90] =	vst v3;
	v2 =	vadd.f32 v6, v2;
	v3 =	vld [tilespmem:s1+$0xFFFFFFA0]  }
0x692: {  	v6 =	vld [tilespmem:s0+$0xFFFFFEB0];
	v1 =	vadd.f32 v1, v7  }
0x693: {  	[tilespmem:s1+$0x10] =	vst v2;
	v2 =	vld [tilespmem:s1+$0x20]  }
0x694: {  	v7 =	vld [tilespmem:s0+$0xFFFFFF30];
	[tilespmem:s1+$0xFFFFFF10] =	vst v1;
	v0 =	vadd.f32 v4, v0  }
0x695: {  	v1 =	vld [tilespmem:s0+$0xFFFFFE30]  }
0x696: {  	[tilespmem:s1+$0xA0] =	vst v0;
	v0 =	vld [tilespmem:s1+$0xB0]  }
0x697: {  	v3 =	vadd.f32 v6, v3;
	v4 =	vld [tilespmem:s0+$0xFFFFFFC0]  }
0x698: {  	v6 =	vld [tilespmem:s1+$0xFFFFFF30]  }
0x699: {  	[tilespmem:s1+$0xFFFFFFA0] =	vst v3;
	v2 =	vadd.f32 v7, v2;
	v3 =	vld [tilespmem:s1+$0xFFFFFFB0]  }
0x69a: {  	v7 =	vld [tilespmem:s0+$0xFFFFFEC0];
	v1 =	vadd.f32 v1, v5  }
0x69b: {  	[tilespmem:s1+$0x20] =	vst v2;
	v2 =	vld [tilespmem:s1+$0x30]  }
0x69c: {  	v5 =	vld [tilespmem:s0+$0xFFFFFF40];
	[tilespmem:s1+$0xFFFFFF20] =	vst v1;
	v0 =	vadd.f32 v4, v0  }
0x69d: {  	v1 =	vld [tilespmem:s0+$0xFFFFFE40]  }
0x69e: {  	[tilespmem:s1+$0xB0] =	vst v0;
	v0 =	vld [tilespmem:s1+$0xC0]  }
0x69f: {  	v3 =	vadd.f32 v7, v3;
	v4 =	vld [tilespmem:s0+$0xFFFFFFD0]  }
0x6a0: {  	v7 =	vld [tilespmem:s1+$0xFFFFFF40]  }
0x6a1: {  	[tilespmem:s1+$0xFFFFFFB0] =	vst v3;
	v2 =	vadd.f32 v5, v2;
	v3 =	vld [tilespmem:s1+$0xFFFFFFC0]  }
0x6a2: {  	v5 =	vld [tilespmem:s0+$0xFFFFFED0];
	v1 =	vadd.f32 v1, v6  }
0x6a3: {  	[tilespmem:s1+$0x30] =	vst v2;
	v2 =	vld [tilespmem:s1+$0x40]  }
0x6a4: {  	v6 =	vld [tilespmem:s0+$0xFFFFFF50];
	[tilespmem:s1+$0xFFFFFF30] =	vst v1;
	v0 =	vadd.f32 v4, v0  }
0x6a5: {  	v1 =	vld [tilespmem:s0+$0xFFFFFE50]  }
0x6a6: {  	[tilespmem:s1+$0xC0] =	vst v0;
	v0 =	vld [tilespmem:s1+$0xD0]  }
0x6a7: {  	v3 =	vadd.f32 v5, v3;
	v4 =	vld [tilespmem:s0+$0xFFFFFFE0]  }
0x6a8: {  	v5 =	vld [tilespmem:s1+$0xFFFFFF50]  }
0x6a9: {  	[tilespmem:s1+$0xFFFFFFC0] =	vst v3;
	v2 =	vadd.f32 v6, v2;
	v3 =	vld [tilespmem:s1+$0xFFFFFFD0]  }
0x6aa: {  	v6 =	vld [tilespmem:s0+$0xFFFFFEE0];
	v1 =	vadd.f32 v1, v7  }
0x6ab: {  	[tilespmem:s1+$0x40] =	vst v2;
	v2 =	vld [tilespmem:s1+$0x50]  }
0x6ac: {  	v7 =	vld [tilespmem:s0+$0xFFFFFF60];
	[tilespmem:s1+$0xFFFFFF40] =	vst v1;
	v0 =	vadd.f32 v4, v0  }
0x6ad: {  	v1 =	vld [tilespmem:s0+$0xFFFFFE60]  }
0x6ae: {  	[tilespmem:s1+$0xD0] =	vst v0;
	v0 =	vld [tilespmem:s1+$0xE0]  }
0x6af: {  	v3 =	vadd.f32 v6, v3;
	v4 =	vld [tilespmem:s0+$0xFFFFFFF0]  }
0x6b0: {  	v6 =	vld [tilespmem:s1+$0xFFFFFF60]  }
0x6b1: {  	[tilespmem:s1+$0xFFFFFFD0] =	vst v3;
	v2 =	vadd.f32 v7, v2;
	v3 =	vld [tilespmem:s1+$0xFFFFFFE0]  }
0x6b2: {  	v7 =	vld [tilespmem:s0+$0xFFFFFEF0];
	v1 =	vadd.f32 v1, v5  }
0x6b3: {  	[tilespmem:s1+$0x50] =	vst v2;
	v2 =	vld [tilespmem:s1+$0x60]  }
0x6b4: {  	v5 =	vld [tilespmem:s0+$0xFFFFFF70];
	[tilespmem:s1+$0xFFFFFF50] =	vst v1;
	v0 =	vadd.f32 v4, v0  }
0x6b5: {  	v4 =	vld [tilespmem:s0+$0xFFFFFE70]  }
0x6b6: {  	v8 =	vld [tilespmem:s1+$0xF0];
	[tilespmem:s1+$0xE0] =	vst v0  }
0x6b7: {  	v1 =	vadd.f32 v7, v3;
	v7 =	vld [tilespmem:s0+$0x0]  }
0x6b8: {  	v0 =	vld [tilespmem:s1+$0xFFFFFF70]  }
0x6b9: {  	[tilespmem:s1+$0xFFFFFFE0] =	vst v1;
	v2 =	vadd.f32 v5, v2;
	v1 =	vld [tilespmem:s1+$0xFFFFFFF0]  }
0x6ba: {  	v3 =	vld [tilespmem:s0+$0xFFFFFF00];
	v4 =	vadd.f32 v4, v6  }
0x6bb: {  	[tilespmem:s1+$0x60] =	vst v2;
	v2 =	vld [tilespmem:s1+$0x70]  }
0x6bc: {  	[tilespmem:s1+$0xFFFFFF60] =	vst v4;
	v4 =	vld [tilespmem:s0+$0xFFFFFF80];
	v6 =	vadd.f32 v7, v8  }
0x6bd: {  	s7 =	simm.s32 $0x17000;
	s6 =	simm.s32 $0x0;
	v5 =	vld [tilespmem:s0+$0xFFFFFE80]  }
.LBB2_26:
0x6be: {  	v7 =	vld [tilespmem:s7+$0x80];
	[tilespmem:s1+$0xF0] =	vst v6;
	s0 =	sadd.s32 $0x200, s0  }
0x6bf: {  	s6 =	sadd.s32 $0x4, s6;
	v6 =	vld [tilespmem:s0+$0xFFFFFF90];
	v1 =	vadd.f32 v3, v1  }
0x6c0: {  	p0 =	slt.u32 s6, $0x9C;
	v3 =	vld [tilespmem:s0+$0xFFFFFE10]  }
0x6c1: {  	v8 =	vld [tilespmem:s7+$0xFFFFFF80];
	[tilespmem:s1+$0xFFFFFFF0] =	vst v1;
	v1 =	vadd.f32 v4, v2  }
0x6c2: {  	v2 =	vld [tilespmem:s0+$0xFFFFFE90];
	v0 =	vadd.f32 v5, v0  }
0x6c3: {  	v4 =	vld [tilespmem:s7+$0x0];
	[tilespmem:s1+$0x70] =	vst v1  }
0x6c4: {  	v1 =	vld [tilespmem:s0+$0xFFFFFF10];
	v5 =	vadd.f32 v6, v7;
	[tilespmem:s1+$0xFFFFFF70] =	vst v0;
	s1 =	smov.u32 s7  }
0x6c5: {  	v0 =	vld [tilespmem:s7+$0xFFFFFF00]  }
0x6c6: {  	[tilespmem:s7+$0x80] =	vst v5;
	v5 =	vld [tilespmem:s7+$0x90]  }
0x6c7: {  	v2 =	vadd.f32 v2, v8;
	v6 =	vld [tilespmem:s0+$0xFFFFFFA0]  }
0x6c8: {  	v7 =	vld [tilespmem:s7+$0xFFFFFF10]  }
0x6c9: {  	[tilespmem:s7+$0xFFFFFF80] =	vst v2;
	v2 =	vld [tilespmem:s7+$0xFFFFFF90];
	v1 =	vadd.f32 v1, v4  }
0x6ca: {  	v0 =	vadd.f32 v3, v0;
	v3 =	vld [tilespmem:s0+$0xFFFFFEA0]  }
0x6cb: {  	[tilespmem:s7+$0x0] =	vst v1;
	v1 =	vld [tilespmem:s7+$0x10]  }
0x6cc: {  	[tilespmem:s7+$0xFFFFFF00] =	vst v0;
	v0 =	vld [tilespmem:s0+$0xFFFFFF20];
	v4 =	vadd.f32 v6, v5  }
0x6cd: {  	v5 =	vld [tilespmem:s0+$0xFFFFFE20]  }
0x6ce: {  	[tilespmem:s7+$0x90] =	vst v4;
	v4 =	vld [tilespmem:s7+$0xA0]  }
0x6cf: {  	v2 =	vadd.f32 v3, v2;
	v3 =	vld [tilespmem:s0+$0xFFFFFFB0]  }
0x6d0: {  	v6 =	vld [tilespmem:s7+$0xFFFFFF20]  }
0x6d1: {  	[tilespmem:s7+$0xFFFFFF90] =	vst v2;
	v2 =	vld [tilespmem:s7+$0xFFFFFFA0];
	v0 =	vadd.f32 v0, v1  }
0x6d2: {  	v1 =	vadd.f32 v5, v7;
	v5 =	vld [tilespmem:s0+$0xFFFFFEB0]  }
0x6d3: {  	[tilespmem:s7+$0x10] =	vst v0;
	v0 =	vld [tilespmem:s7+$0x20]  }
0x6d4: {  	[tilespmem:s7+$0xFFFFFF10] =	vst v1;
	v1 =	vld [tilespmem:s0+$0xFFFFFF30];
	v3 =	vadd.f32 v3, v4  }
0x6d5: {  	v4 =	vld [tilespmem:s0+$0xFFFFFE30]  }
0x6d6: {  	[tilespmem:s7+$0xA0] =	vst v3;
	v3 =	vld [tilespmem:s7+$0xB0]  }
0x6d7: {  	v2 =	vadd.f32 v5, v2;
	v5 =	vld [tilespmem:s0+$0xFFFFFFC0]  }
0x6d8: {  	v7 =	vld [tilespmem:s7+$0xFFFFFF30]  }
0x6d9: {  	[tilespmem:s7+$0xFFFFFFA0] =	vst v2;
	v2 =	vld [tilespmem:s7+$0xFFFFFFB0];
	v0 =	vadd.f32 v1, v0  }
0x6da: {  	v1 =	vadd.f32 v4, v6;
	v4 =	vld [tilespmem:s0+$0xFFFFFEC0]  }
0x6db: {  	[tilespmem:s7+$0x20] =	vst v0;
	v0 =	vld [tilespmem:s7+$0x30]  }
0x6dc: {  	[tilespmem:s7+$0xFFFFFF20] =	vst v1;
	v1 =	vld [tilespmem:s0+$0xFFFFFF40];
	v3 =	vadd.f32 v5, v3  }
0x6dd: {  	v5 =	vld [tilespmem:s0+$0xFFFFFE40]  }
0x6de: {  	[tilespmem:s7+$0xB0] =	vst v3;
	v3 =	vld [tilespmem:s7+$0xC0]  }
0x6df: {  	v2 =	vadd.f32 v4, v2;
	v4 =	vld [tilespmem:s0+$0xFFFFFFD0]  }
0x6e0: {  	v6 =	vld [tilespmem:s7+$0xFFFFFF40]  }
0x6e1: {  	[tilespmem:s7+$0xFFFFFFB0] =	vst v2;
	v2 =	vld [tilespmem:s7+$0xFFFFFFC0];
	v0 =	vadd.f32 v1, v0  }
0x6e2: {  	v1 =	vadd.f32 v5, v7;
	v5 =	vld [tilespmem:s0+$0xFFFFFED0]  }
0x6e3: {  	[tilespmem:s7+$0x30] =	vst v0;
	v0 =	vld [tilespmem:s7+$0x40]  }
0x6e4: {  	[tilespmem:s7+$0xFFFFFF30] =	vst v1;
	v1 =	vld [tilespmem:s0+$0xFFFFFF50];
	v3 =	vadd.f32 v4, v3  }
0x6e5: {  	v4 =	vld [tilespmem:s0+$0xFFFFFE50]  }
0x6e6: {  	[tilespmem:s7+$0xC0] =	vst v3;
	v3 =	vld [tilespmem:s7+$0xD0]  }
0x6e7: {  	v2 =	vadd.f32 v5, v2;
	v5 =	vld [tilespmem:s0+$0xFFFFFFE0]  }
0x6e8: {  	v7 =	vld [tilespmem:s7+$0xFFFFFF50]  }
0x6e9: {  	[tilespmem:s7+$0xFFFFFFC0] =	vst v2;
	v2 =	vld [tilespmem:s7+$0xFFFFFFD0];
	v0 =	vadd.f32 v1, v0  }
0x6ea: {  	v1 =	vadd.f32 v4, v6;
	v4 =	vld [tilespmem:s0+$0xFFFFFEE0]  }
0x6eb: {  	[tilespmem:s7+$0x40] =	vst v0;
	v0 =	vld [tilespmem:s7+$0x50]  }
0x6ec: {  	[tilespmem:s7+$0xFFFFFF40] =	vst v1;
	v1 =	vld [tilespmem:s0+$0xFFFFFF60];
	v3 =	vadd.f32 v5, v3  }
0x6ed: {  	v5 =	vld [tilespmem:s0+$0xFFFFFE60]  }
0x6ee: {  	[tilespmem:s7+$0xD0] =	vst v3;
	v3 =	vld [tilespmem:s7+$0xE0]  }
0x6ef: {  	v2 =	vadd.f32 v4, v2;
	v4 =	vld [tilespmem:s0+$0xFFFFFFF0]  }
0x6f0: {  	v6 =	vld [tilespmem:s7+$0xFFFFFF60]  }
0x6f1: {  	[tilespmem:s7+$0xFFFFFFD0] =	vst v2;
	v2 =	vld [tilespmem:s7+$0xFFFFFFE0];
	v0 =	vadd.f32 v1, v0  }
0x6f2: {  	v1 =	vadd.f32 v5, v7;
	v5 =	vld [tilespmem:s0+$0xFFFFFEF0]  }
0x6f3: {  	[tilespmem:s7+$0x50] =	vst v0;
	v7 =	vld [tilespmem:s7+$0x60]  }
0x6f4: {  	[tilespmem:s7+$0xFFFFFF50] =	vst v1;
	v8 =	vld [tilespmem:s0+$0xFFFFFF70];
	v0 =	vadd.f32 v4, v3  }
0x6f5: {  	v3 =	vld [tilespmem:s0+$0xFFFFFE70]  }
0x6f6: {  	[tilespmem:s7+$0xE0] =	vst v0;
	v9 =	vld [tilespmem:s7+$0xF0]  }
0x6f7: {  	v1 =	vadd.f32 v5, v2;
	v5 =	vld [tilespmem:s0+$0x0]  }
0x6f8: {  	v0 =	vld [tilespmem:s7+$0xFFFFFF70]  }
.Ltmp12:
0x6f9: {  	[tilespmem:s7+$0xFFFFFFE0] =	vst v1;
	v1 =	vld [tilespmem:s7+$0xFFFFFFF0];
	v2 =	vadd.f32 v8, v7;
	(pc) =	sbr.rel @p0 .LBB2_26-.Ltmp12, $4  }
0x6fa: {  	v4 =	vadd.f32 v3, v6;
	v3 =	vld [tilespmem:s0+$0xFFFFFF00]  }
0x6fb: {  	[tilespmem:s7+$0x60] =	vst v2;
	v2 =	vld [tilespmem:s7+$0x70]  }
0x6fc: {  	[tilespmem:s7+$0xFFFFFF60] =	vst v4;
	v4 =	vld [tilespmem:s0+$0xFFFFFF80];
	v6 =	vadd.f32 v5, v9  }
0x6fd: {  	s7 =	sadd.s32 $0x200, s7;
	v5 =	vld [tilespmem:s0+$0xFFFFFE80]  }
0x6fe: {  	_ =	sdelay $0x1  }
0x6ff: {  	v1 =	vadd.f32 v3, v1  }
0x700: {  	[tilespmem:s1+$0xF0] =	vst v6;
	v2 =	vadd.f32 v4, v2  }
0x701: {  	[tilespmem:s1+$0xFFFFFFF0] =	vst v1;
	v0 =	vadd.f32 v5, v0  }
0x702: {  	[tilespmem:s1+$0x70] =	vst v2  }
0x703: {  	[tilespmem:s1+$0xFFFFFF70] =	vst v0  }
0x704: {  	s22 =	simm.s32 $0x16D00;
	s23 =	simm.s32 $0x5;
	s0 =	rddreg [dreg:$0xe]  }
0x705: {  	[hbm4b:s0+s25] =	stream.linear.scatter [tilespmem:s22], [sflag:$0x8], $0x5000, $0x38;
	[tilespmem:$0x1BD00] =	vst v63  }
0x706: {  	_ =	swait.ge [sflag:s23], $0x5000  }
0x707: {  	[sflag:s23] =	ssyncset.done $0x0  }
0x708: {  	s24 =	simm.s32 $0x6;
	[sflag:s23] =	ssyncadd.s32 $0xFFFFB000  }
0x709: {  	_ =	swait.ge [sflag:s24], $0x5000  }
0x70a: {  	[sflag:s24] =	ssyncset.done $0x0  }
0x70b: {  	s28 =	simm.s32 $0x7;
	[sflag:s24] =	ssyncadd.s32 $0xFFFFB000  }
0x70c: {  	_ =	swait.ge [sflag:s28], $0x5000  }
0x70d: {  	[sflag:s28] =	ssyncset.done $0x0  }
0x70e: {  	s30 =	simm.s32 $0x8;
	[sflag:s28] =	ssyncadd.s32 $0xFFFFB000  }
0x70f: {  	_ =	swait.ge [sflag:s30], $0x5000  }
0x710: {  	s2 =	rddreg [dreg:$0x10]  }
0x711: {  	s31 =	rddreg [dreg:$0xf];
	s2 =	sadd.s32 $0x1, s2  }
0x712: {  	p0 =	sne.s32 s2, s31  }
.Ltmp13:
0x713: {  	_ = 	snop;
	(pc) =	sbr.rel @p0 .LBB2_1-.Ltmp13, $3  }
0x714: {  	_ =	sdelay $0x1  }
0x715: {  	[sflag:s30] =	ssyncset.done $0x0  }
0x716: {  	[sflag:s30] =	ssyncadd.s32 $0xFFFFB000  }
0x717: {  	_ =	sfence.sel $0x180000  }
0x718: {  	[bflag:$0x0] =	sbarrier.arrive $0xFFFF  }
0x719: {  	_ =	strace $0x90000047  }
0x71a: {  	s0 =	stileid.u32;
	[bflag:$0x2] =	sbarrier.arrive $0xFFFF  }
0x71b: {  	p0 =	sne.s32 s0, $0x0;
	s0 =	rddreg [dreg:$0x3]  }
0x71c: {  	s0 =	sadd.s32 @!p0 $0x100000, s0  }
0x71d: {  	[sflag:s0] =	ssyncadd.tile.s32 @!p0 $0x1;
	_ =	shalt  }
.Lfunc_end2:
_tile_overlayer_lowered:
.L_overlay_start_2:
0x71e: {  	(tag) =	ssettag $0x2  }
0x71f: {  	s0 =	rddreg [dreg:$0x0];
	s2 =	stileid.u32  }
0x720: {  	s1 =	rddreg [dreg:$0x1];
	p0 =	sne.s32 s2, $0x0  }
0x721: {  	s3 =	rddreg [dreg:$0x2];
	[bflag:$0x3] =	sbarrier.arrive $0xFFFF;
	s2 =	simm.s32 @!p0 $0x1C09  }
0x722: {  	[timem:s3], [sflag:s2] =	dma.local @!p0 [hbm:s0], s1  }
0x723: {  	s0 =	simm.s32 @!p0 $0x9  }
0x724: {  	_ =	swait.ge @!p0 [sflag:s0], s1  }
0x725: {  	s1 =	ssub.s32 @!p0 $0x0, s1;
	[sflag:s0] =	ssyncset.done @!p0 $0x0  }
0x726: {  	[sflag:s0] =	ssyncadd.s32 @!p0 s1  }
0x727: {  	[bflag:$0x3] =	sbarrier.arrive $0xFFFF  }
0x728: {  	_ =	shalt  }

</sc_bundles>
